<compile_context>
chip_gen: v7x
topology: tpu7x:2x2x1
jax: 0.10.2.dev20260603
libtpu: 0.0.44.dev20260713+nightly
codegen_flags: <defaults>
</compile_context>

<pallas_src>
import functools

import jax
import jax.numpy as jnp
from jax import lax
from jax.experimental import pallas as pl
from jax.experimental.pallas import tpu as pltpu
from jax.experimental.pallas import tpu_sc as plsc

_NC = 2
_NS = 16
_NW = _NC * _NS

_K = 128
_CPK = 80
_GSZ = 4
_RING = 2 * _GSZ
_NPR = 48
_BR = 2000


def _sc_mesh():
    return plsc.VectorSubcoreMesh(
        core_axis_name="c", subcore_axis_name="s",
        num_cores=_NC, num_subcores=_NS)


def _i32(v):
    return jnp.int32(v)


def _stripe(si, N):
    base = si * _i32(640)
    nst = jnp.where(base + _i32(640) <= _i32(N),
                    _i32(640 // _CPK), (_i32(N) - base) // _i32(_CPK))
    return base, nst


def _make_deg_kernel(N, Npad):

    @functools.partial(
        pl.kernel,
        out_type=jax.ShapeDtypeStruct((_NC * N,), jnp.float32),
        mesh=_sc_mesh(),
        compiler_params=pltpu.CompilerParams(use_tc_tiling_on_sc=False),
        scratch_types=[
            pltpu.VMEM((_GSZ, _K), jnp.int32),
            pltpu.VMEM((_K,), jnp.float32),
            pltpu.VMEM((_CPK,), jnp.float32),
            pltpu.VMEM_SHARED((Npad,), jnp.float32),
        ],
    )
    def deg_kernel(dst_hbm, out_hbm, didx, ones_v, zbuf, acc):
        ci = lax.axis_index("c")
        si = lax.axis_index("s")
        wid = ci * _i32(_NS) + si
        ng = dst_hbm.shape[1] // _GSZ
        for j in range(_K // 16):
            ones_v[pl.ds(j * 16, 16)] = jnp.ones((16,), jnp.float32)
        for j in range(_CPK // 16):
            zbuf[pl.ds(j * 16, 16)] = jnp.zeros((16,), jnp.float32)
        base, nst = _stripe(si, N)

        def zcopy(t, carry):
            pltpu.sync_copy(zbuf, acc.at[pl.ds(base + t * _i32(_CPK), _CPK)])
            return carry

        lax.fori_loop(_i32(0), nst, zcopy, _i32(0))
        plsc.subcore_barrier()

        def gbody(g, carry):
            off = pl.multiple_of(g * _i32(_GSZ), _GSZ)
            pltpu.sync_copy(dst_hbm.at[wid, pl.ds(off, _GSZ)], didx)

            def body(j, c2):
                pltpu.sync_copy(ones_v, acc.at[didx.at[j]], add=True)
                return c2

            return lax.fori_loop(_i32(0), _i32(_GSZ), body, carry)

        lax.fori_loop(_i32(0), _i32(ng), gbody, _i32(0))
        plsc.subcore_barrier()

        def obody(t, carry):
            rb = base + t * _i32(_CPK)
            pltpu.sync_copy(acc.at[pl.ds(rb, _CPK)], zbuf)
            pltpu.sync_copy(zbuf, out_hbm.at[pl.ds(ci * _i32(N) + rb, _CPK)])
            return carry

        lax.fori_loop(_i32(0), nst, obody, _i32(0))

    return deg_kernel


def _make_row_scatter_kernel(N, Npad, D, col_split, gd):
    nbuf = gd + 1

    @functools.partial(
        pl.kernel,
        out_type=jax.ShapeDtypeStruct((_NC, N, D), jnp.float32),
        mesh=_sc_mesh(),
        compiler_params=pltpu.CompilerParams(use_tc_tiling_on_sc=False),
        scratch_types=[
            pltpu.VMEM((_RING, _K), jnp.int32),
            pltpu.VMEM((_RING, _K), jnp.int32),
            pltpu.VMEM((nbuf, _K, D), jnp.float32),
            pltpu.VMEM_SHARED((Npad, D), jnp.float32),
            [pltpu.SemaphoreType.DMA] * gd,
            pltpu.SemaphoreType.DMA,
            pltpu.SemaphoreType.DMA,
        ],
    )
    def scat_kernel(src_hbm, dst_hbm, g_hbm, out_hbm,
                    sidx, didx, rows, acc, gsems, isem, ssem):
        ci = lax.axis_index("c")
        si = lax.axis_index("s")
        eix = si if col_split else ci * _i32(_NS) + si
        gtab = g_hbm.at[ci] if col_split else g_hbm
        ch = src_hbm.shape[1]
        ng = ch // _GSZ
        zv = jnp.zeros((16,), jnp.float32)

        def zbody(r, carry):
            for j in range(D // 16):
                rows[_i32(0), r, pl.ds(j * 16, 16)] = zv
            return carry

        lax.fori_loop(_i32(0), _i32(_CPK), zbody, _i32(0))
        base, nst = _stripe(si, N)
        stage = rows.at[_i32(0), pl.ds(0, _CPK)]

        def zcopy(t, carry):
            pltpu.sync_copy(stage,
                            acc.at[pl.ds(base + t * _i32(_CPK), _CPK)])
            return carry

        lax.fori_loop(_i32(0), nst, zcopy, _i32(0))
        plsc.subcore_barrier()

        def gissue(r, b, sem):
            pltpu.async_copy(gtab.at[sidx.at[r]], rows.at[b], sem)

        def gwait(sem):
            pltpu.make_async_copy(gtab.at[sidx.at[_i32(0)]],
                                  rows.at[_i32(0)], sem).wait()

        pltpu.sync_copy(src_hbm.at[eix, pl.ds(0, _GSZ)],
                        sidx.at[pl.ds(0, _GSZ)])
        pltpu.sync_copy(dst_hbm.at[eix, pl.ds(0, _GSZ)],
                        didx.at[pl.ds(0, _GSZ)])
        pltpu.sync_copy(gtab.at[sidx.at[_i32(0)]], rows.at[_i32(0)])
        for k in range(1, gd):
            gissue(_i32(k), _i32(k), gsems[k % gd])

        def step(c, carry):
            rc = lax.rem(c, _i32(_RING))
            rg = lax.rem(c + _i32(gd), _i32(_RING))
            b0 = lax.rem(c, _i32(nbuf))
            bg = lax.rem(c + _i32(gd), _i32(nbuf))
            pg = lax.rem(c + _i32(gd), _i32(gd))

            @pl.when(c > _i32(0))
            def _():
                pltpu.make_async_copy(
                    rows.at[b0], acc.at[didx.at[rc]], ssem).wait()

            for k in range(gd):
                @pl.when(pg == _i32(k))
                def _(k=k):
                    gissue(rg, bg, gsems[k])

            pltpu.async_copy(rows.at[b0], acc.at[didx.at[rc]], ssem,
                             add=True)
            p1 = lax.rem(c + _i32(1), _i32(gd))
            for k in range(gd):
                @pl.when(p1 == _i32(k))
                def _(k=k):
                    gwait(gsems[k])

            return carry

        def gbody(g, carry):
            gb = lax.rem(g, _i32(2))
            nxt = jnp.where(g + _i32(1) < _i32(ng), g + _i32(1), _i32(0))
            noff = pl.multiple_of(nxt * _i32(_GSZ), _GSZ)
            rdst = (_i32(1) - gb) * _i32(_GSZ)
            d1 = pltpu.async_copy(src_hbm.at[eix, pl.ds(noff, _GSZ)],
                                  sidx.at[pl.ds(rdst, _GSZ)], isem)
            d2 = pltpu.async_copy(dst_hbm.at[eix, pl.ds(noff, _GSZ)],
                                  didx.at[pl.ds(rdst, _GSZ)], isem)
            g8 = g * _i32(_GSZ)

            def ibody(j, c2):
                return step(g8 + j, c2)

            carry = lax.fori_loop(_i32(0), _i32(_GSZ - gd), ibody, carry)
            d1.wait()
            d2.wait()
            for j in range(_GSZ - gd, _GSZ):
                carry = step(g8 + _i32(j), carry)
            return carry

        lax.fori_loop(_i32(0), _i32(ng), gbody, _i32(0))
        pltpu.make_async_copy(
            rows.at[_i32(0)], acc.at[didx.at[_i32(0)]], ssem).wait()
        last = ng * _GSZ
        for t in range(1, gd):
            gwait(gsems[(last + t) % gd])
        plsc.subcore_barrier()

        def obody(t, carry):
            rb = base + t * _i32(_CPK)
            pltpu.sync_copy(acc.at[pl.ds(rb, _CPK)], stage)
            pltpu.sync_copy(stage, out_hbm.at[ci, pl.ds(rb, _CPK)])
            return carry

        lax.fori_loop(_i32(0), nst, obody, _i32(0))

    return scat_kernel


def _tc_stage1(x, W1, degT):
    N, F = x.shape
    H = W1.shape[1]
    Hh = H // _NC
    nb = N // _BR

    def body(x_ref, w_ref, d_ref, h_ref, g_ref):
        h = jnp.dot(x_ref[...], w_ref[...], preferred_element_type=jnp.float32)
        d = d_ref[...]
        dinv = lax.rsqrt(d[:, 0:1] + d[:, 1:2] + 1.0)
        h_ref[...] = h
        g = h * dinv
        g_ref[0] = g[:, :Hh]
        g_ref[1] = g[:, Hh:]

    return pl.pallas_call(
        body,
        grid=(nb,),
        in_specs=[
            pl.BlockSpec((_BR, F), lambda i: (_i32(i), _i32(0))),
            pl.BlockSpec((F, H), lambda i: (_i32(0), _i32(0))),
            pl.BlockSpec((_BR, _NC), lambda i: (_i32(i), _i32(0))),
        ],
        out_specs=[
            pl.BlockSpec((_BR, H), lambda i: (_i32(i), _i32(0))),
            pl.BlockSpec((_NC, _BR, Hh),
                         lambda i: (_i32(0), _i32(i), _i32(0))),
        ],
        out_shape=[jax.ShapeDtypeStruct((N, H), jnp.float32),
                   jax.ShapeDtypeStruct((_NC, N, Hh), jnp.float32)],
    )(x, W1, degT)


def _tc_stage2(acc1, h1, degT, b1, W2, Dp):
    N, H = h1.shape
    Hh = H // _NC
    C2 = W2.shape[1]
    nb = N // _BR

    def body(a_ref, h_ref, d_ref, b_ref, w_ref, h2_ref, g2_ref):
        s = jnp.concatenate([a_ref[0], a_ref[1]], axis=1)
        d = d_ref[...]
        dinv = lax.rsqrt(d[:, 0:1] + d[:, 1:2] + 1.0)
        z = dinv * s + (dinv * dinv) * h_ref[...] + b_ref[...]
        hh = jnp.maximum(z, 0.0)
        h2 = jnp.dot(hh, w_ref[...], preferred_element_type=jnp.float32)
        h2_ref[...] = h2
        g2 = h2 * dinv
        if Dp > C2:
            g2 = jnp.concatenate(
                [g2, jnp.zeros((_BR, Dp - C2), jnp.float32)], axis=1)
        g2_ref[...] = g2

    return pl.pallas_call(
        body,
        grid=(nb,),
        in_specs=[
            pl.BlockSpec((_NC, _BR, Hh),
                         lambda i: (_i32(0), _i32(i), _i32(0))),
            pl.BlockSpec((_BR, H), lambda i: (_i32(i), _i32(0))),
            pl.BlockSpec((_BR, _NC), lambda i: (_i32(i), _i32(0))),
            pl.BlockSpec((1, H), lambda i: (_i32(0), _i32(0))),
            pl.BlockSpec((H, C2), lambda i: (_i32(0), _i32(0))),
        ],
        out_specs=[
            pl.BlockSpec((_BR, C2), lambda i: (_i32(i), _i32(0))),
            pl.BlockSpec((_BR, Dp), lambda i: (_i32(i), _i32(0))),
        ],
        out_shape=[jax.ShapeDtypeStruct((N, C2), jnp.float32),
                   jax.ShapeDtypeStruct((N, Dp), jnp.float32)],
    )(acc1, h1, degT, b1, W2)


def _tc_stage3(acc2, h2, degT, b2, Dp):
    N, C2 = h2.shape
    nb = N // _BR

    def body(a_ref, h_ref, d_ref, b_ref, o_ref):
        s = (a_ref[0] + a_ref[1])[:, :C2]
        d = d_ref[...]
        dinv = lax.rsqrt(d[:, 0:1] + d[:, 1:2] + 1.0)
        z = dinv * s + (dinv * dinv) * h_ref[...] + b_ref[...]
        m = jnp.max(z, axis=1, keepdims=True)
        e = jnp.exp(z - m)
        lse = jnp.log(jnp.sum(e, axis=1, keepdims=True)) + m
        o_ref[...] = z - lse

    return pl.pallas_call(
        body,
        grid=(nb,),
        in_specs=[
            pl.BlockSpec((_NC, _BR, Dp),
                         lambda i: (_i32(0), _i32(i), _i32(0))),
            pl.BlockSpec((_BR, C2), lambda i: (_i32(i), _i32(0))),
            pl.BlockSpec((_BR, _NC), lambda i: (_i32(i), _i32(0))),
            pl.BlockSpec((1, C2), lambda i: (_i32(0), _i32(0))),
        ],
        out_specs=pl.BlockSpec((_BR, C2), lambda i: (_i32(i), _i32(0))),
        out_shape=jax.ShapeDtypeStruct((N, C2), jnp.float32),
    )(acc2, h2, degT, b2)


def kernel(x, edge_index, W1, b1, W2, b2):
    N, F = x.shape
    E = edge_index.shape[1]
    H = W1.shape[1]
    C2 = W2.shape[1]
    Dp = 48
    assert N % _BR == 0 and N % 8 == 0
    ept = ((E + _NW * _K * _GSZ - 1) // (_NW * _K * _GSZ)) * _K * _GSZ
    Epad = _NW * ept
    Npad = N + _NPR

    ei = edge_index.astype(jnp.int32)

    def _tiled(nt):
        rpt = E // nt
        dpt = ept * (_NW // nt) - rpt
        dsrc = jnp.zeros((nt, dpt), jnp.int32)
        ddst = jnp.broadcast_to(
            _i32(N) + (jnp.arange(dpt, dtype=jnp.int32) % _i32(_NPR)),
            (nt, dpt))
        s = jnp.concatenate([ei[0].reshape(nt, rpt), dsrc], axis=1)
        d = jnp.concatenate([ei[1].reshape(nt, rpt), ddst], axis=1)
        return s.reshape(nt, -1, _K), d.reshape(nt, -1, _K)

    src1, dst1 = _tiled(_NS)
    src2, dst2 = _tiled(_NW)

    degp = _make_deg_kernel(N, Npad)(dst2).reshape(_NC, N)
    degT = jnp.transpose(degp)

    h1, g1 = _tc_stage1(x, W1, degT)
    acc1 = _make_row_scatter_kernel(N, Npad, H // _NC, True, 3)(src1, dst1, g1)
    h2, g2p = _tc_stage2(acc1, h1, degT, b1.reshape(1, H), W2, Dp)
    acc2 = _make_row_scatter_kernel(N, Npad, Dp, False, 2)(src2, dst2, g2p)
    return _tc_stage3(acc2, h2, degT, b2.reshape(1, C2), Dp)

# --- scband reference (transcript-rebuilt; emitter-appended) ---
"""Pipeline reference for scband-gcn-35862976922073 (READ-ONLY COPY).

The authoritative reference and input builder live on the scoring server;
editing this copy changes nothing except your own understanding.
"""

import jax
jax.config.update('jax_enable_x64', True)
import jax.numpy as jnp
import numpy as np

N = 10000
E = 320000
F_IN = 128
HID = 128
C = 40


def setup_inputs(seed: int = 0) -> dict:
    key = jax.random.key(seed)
    k1, k2, k3, k4 = jax.random.split(key, 4)
    x = jax.random.normal(k1, (N, F_IN), dtype=jnp.float32)
    edge_index = jax.random.randint(k2, (2, E), 0, N, dtype=jnp.int64)
    W1 = (jax.random.normal(k3, (F_IN, HID), dtype=jnp.float32) * 0.05)
    b1 = jnp.zeros((HID,), dtype=jnp.float32)
    W2 = (jax.random.normal(k4, (HID, C), dtype=jnp.float32) * 0.05)
    b2 = jnp.zeros((C,), dtype=jnp.float32)
    return {"x": x, "edge_index": edge_index, "W1": W1, "b1": b1, "W2": W2, "b2": b2}


def _gcn_conv(x, edge_index, W, b):
    # x' = D^{-1/2} (A + I) D^{-1/2} X W + b  (PyG GCNConv, add_self_loops=True)
    n = x.shape[0]
    h = x @ W
    loop = jnp.arange(n, dtype=edge_index.dtype)
    src = jnp.concatenate([edge_index[0], loop])
    dst = jnp.concatenate([edge_index[1], loop])
    ew = jnp.ones(src.shape[0], dtype=h.dtype)
    deg = jnp.zeros((n,), dtype=h.dtype).at[dst].add(ew)
    dinv = jnp.where(deg > 0, 1.0 / jnp.sqrt(deg), 0.0)
    norm = dinv[src] * ew * dinv[dst]
    msg = h[src] * norm[:, None]
    out = jnp.zeros((n, h.shape[1]), dtype=h.dtype).at[dst].add(msg)
    return out + b


def reference(x, edge_index, W1, b1, W2, b2):
    # eval mode: dropout is identity
    h = _gcn_conv(x, edge_index, W1, b1)
    h = jax.nn.relu(h)
    o = _gcn_conv(h, edge_index, W2, b2)
    return jax.nn.log_softmax(o, axis=1)

if __name__ == "__main__":
    import jax
    _d = setup_inputs()
    print(jax.jit(kernel)(*tuple(_d.values())))

</pallas_src>

<mosaic_0001>
#map = affine_map<(d0, d1) -> (0, 0, 0)>
#map1 = affine_map<(d0, d1) -> (0, 0)>
module attributes {stable_mosaic.version = 14 : i64} {
  func.func @scat_kernel(%arg0: i32, %arg1: i32, %arg2: memref<32x80x128xi32, #tpu.memory_space<hbm>>, %arg3: memref<32x80x128xi32, #tpu.memory_space<hbm>>, %arg4: memref<10000x48xf32, #tpu.memory_space<hbm>>, %arg5: memref<2x10000x48xf32, #tpu.memory_space<hbm>>, %arg6: memref<8x128xi32, #tpu.memory_space<vmem>>, %arg7: memref<8x128xi32, #tpu.memory_space<vmem>>, %arg8: memref<3x128x48xf32, #tpu.memory_space<vmem>>, %arg9: memref<10048x48xf32, #tpu.memory_space<vmem_shared>>, %arg10: memref<!tpu.dma_semaphore, #tpu.memory_space<semaphore_mem>>, %arg11: memref<!tpu.dma_semaphore, #tpu.memory_space<semaphore_mem>>, %arg12: memref<!tpu.dma_semaphore, #tpu.memory_space<semaphore_mem>>, %arg13: memref<!tpu.dma_semaphore, #tpu.memory_space<semaphore_mem>>) attributes {dimension_semantics = [#tpu.dimension_semantics<core_parallel>, #tpu.dimension_semantics<subcore_parallel>], iteration_bounds = array<i64: 2, 16>, scalar_prefetch = 0 : i64, scratch_operands = 8 : i64, tpu.core_type = #tpu.core_type<sc_vector_subcore>, window_params = [{transform_indices = #map}, {transform_indices = #map}, {transform_indices = #map1}, {transform_indices = #map}]} {
    %mul3A = arith.constant 16 : i32
    %mul3A_0 = arith.muli %arg0, %mul3A : i32
    %add3A = arith.addi %mul3A_0, %arg1 : i32
    %broadcast_in_dim3A = arith.constant 0.000000e+00 : f32
    %broadcast_in_dim3A_1 = vector.broadcast %broadcast_in_dim3A : f32 to vector<16xf32>
    %while3A = arith.constant 0 : i32
    %while3A_2 = arith.constant 0 : i32
    %while3A_3 = arith.constant 80 : i32
    %while3A_4 = arith.subi %while3A_3, %while3A_2 : i32
    %while3A_5 = arith.addi %while3A_2, %while3A_4 : i32
    %while3A_6 = arith.constant 1 : i32
    %while3A_7 = arith.divsi %while3A_4, %while3A_6 : i32
    %while3A_8 = arith.muli %while3A_7, %while3A_6 : i32
    %while3A_9 = arith.addi %while3A_2, %while3A_8 : i32
    %while3A_10 = arith.constant 1 : i32
    scf.for %while3A_106 = %while3A_2 to %while3A_9 step %while3A_10  : i32 {
      %swap3A = arith.constant 0 : i32
      %swap3A_107 = arith.index_cast %swap3A : i32 to index
      %swap3A_108 = arith.index_cast %while3A_106 : i32 to index
      %swap3A_109 = arith.constant 0 : index
      %swap3A_110 = tpu.vector_load %arg8[%swap3A_107, %swap3A_108, %swap3A_109] {strides = array<i32>} : memref<3x128x48xf32, #tpu.memory_space<vmem>>, vector<1x1x16xf32>,
      %swap3A_111 = vector.shape_cast %swap3A_110 : vector<1x1x16xf32> to vector<16xf32>
      %swap3A_112 = vector.shape_cast %broadcast_in_dim3A_1 : vector<16xf32> to vector<1x1x16xf32>
      tpu.vector_store %arg8[%swap3A_107, %swap3A_108, %swap3A_109], %swap3A_112 {strides = array<i32>} : memref<3x128x48xf32, #tpu.memory_space<vmem>>, vector<1x1x16xf32>,
      %swap3A_113 = arith.constant 0 : i32
      %swap3A_114 = arith.index_cast %swap3A_113 : i32 to index
      %swap3A_115 = arith.index_cast %while3A_106 : i32 to index
      %swap3A_116 = arith.constant 16 : index
      %swap3A_117 = tpu.vector_load %arg8[%swap3A_114, %swap3A_115, %swap3A_116] {strides = array<i32>} : memref<3x128x48xf32, #tpu.memory_space<vmem>>, vector<1x1x16xf32>,
      %swap3A_118 = vector.shape_cast %swap3A_117 : vector<1x1x16xf32> to vector<16xf32>
      %swap3A_119 = vector.shape_cast %broadcast_in_dim3A_1 : vector<16xf32> to vector<1x1x16xf32>
      tpu.vector_store %arg8[%swap3A_114, %swap3A_115, %swap3A_116], %swap3A_119 {strides = array<i32>} : memref<3x128x48xf32, #tpu.memory_space<vmem>>, vector<1x1x16xf32>,
      %swap3A_120 = arith.constant 0 : i32
      %swap3A_121 = arith.index_cast %swap3A_120 : i32 to index
      %swap3A_122 = arith.index_cast %while3A_106 : i32 to index
      %swap3A_123 = arith.constant 32 : index
      %swap3A_124 = tpu.vector_load %arg8[%swap3A_121, %swap3A_122, %swap3A_123] {strides = array<i32>} : memref<3x128x48xf32, #tpu.memory_space<vmem>>, vector<1x1x16xf32>,
      %swap3A_125 = vector.shape_cast %swap3A_124 : vector<1x1x16xf32> to vector<16xf32>
      %swap3A_126 = vector.shape_cast %broadcast_in_dim3A_1 : vector<16xf32> to vector<1x1x16xf32>
      tpu.vector_store %arg8[%swap3A_121, %swap3A_122, %swap3A_123], %swap3A_126 {strides = array<i32>} : memref<3x128x48xf32, #tpu.memory_space<vmem>>, vector<1x1x16xf32>,
    }
    %while3A_11 = arith.constant 1 : i32
    scf.for %while3A_106 = %while3A_9 to %while3A_5 step %while3A_11  : i32 {
      %swap3A = arith.constant 0 : i32
      %swap3A_107 = arith.index_cast %swap3A : i32 to index
      %swap3A_108 = arith.index_cast %while3A_106 : i32 to index
      %swap3A_109 = arith.constant 0 : index
      %swap3A_110 = tpu.vector_load %arg8[%swap3A_107, %swap3A_108, %swap3A_109] {strides = array<i32>} : memref<3x128x48xf32, #tpu.memory_space<vmem>>, vector<1x1x16xf32>,
      %swap3A_111 = vector.shape_cast %swap3A_110 : vector<1x1x16xf32> to vector<16xf32>
      %swap3A_112 = vector.shape_cast %broadcast_in_dim3A_1 : vector<16xf32> to vector<1x1x16xf32>
      tpu.vector_store %arg8[%swap3A_107, %swap3A_108, %swap3A_109], %swap3A_112 {strides = array<i32>} : memref<3x128x48xf32, #tpu.memory_space<vmem>>, vector<1x1x16xf32>,
      %swap3A_113 = arith.constant 0 : i32
      %swap3A_114 = arith.index_cast %swap3A_113 : i32 to index
      %swap3A_115 = arith.index_cast %while3A_106 : i32 to index
      %swap3A_116 = arith.constant 16 : index
      %swap3A_117 = tpu.vector_load %arg8[%swap3A_114, %swap3A_115, %swap3A_116] {strides = array<i32>} : memref<3x128x48xf32, #tpu.memory_space<vmem>>, vector<1x1x16xf32>,
      %swap3A_118 = vector.shape_cast %swap3A_117 : vector<1x1x16xf32> to vector<16xf32>
      %swap3A_119 = vector.shape_cast %broadcast_in_dim3A_1 : vector<16xf32> to vector<1x1x16xf32>
      tpu.vector_store %arg8[%swap3A_114, %swap3A_115, %swap3A_116], %swap3A_119 {strides = array<i32>} : memref<3x128x48xf32, #tpu.memory_space<vmem>>, vector<1x1x16xf32>,
      %swap3A_120 = arith.constant 0 : i32
      %swap3A_121 = arith.index_cast %swap3A_120 : i32 to index
      %swap3A_122 = arith.index_cast %while3A_106 : i32 to index
      %swap3A_123 = arith.constant 32 : index
      %swap3A_124 = tpu.vector_load %arg8[%swap3A_121, %swap3A_122, %swap3A_123] {strides = array<i32>} : memref<3x128x48xf32, #tpu.memory_space<vmem>>, vector<1x1x16xf32>,
      %swap3A_125 = vector.shape_cast %swap3A_124 : vector<1x1x16xf32> to vector<16xf32>
      %swap3A_126 = vector.shape_cast %broadcast_in_dim3A_1 : vector<16xf32> to vector<1x1x16xf32>
      tpu.vector_store %arg8[%swap3A_121, %swap3A_122, %swap3A_123], %swap3A_126 {strides = array<i32>} : memref<3x128x48xf32, #tpu.memory_space<vmem>>, vector<1x1x16xf32>,
    }
    %mul3A_12 = arith.constant 640 : i32
    %mul3A_13 = arith.muli %arg1, %mul3A_12 : i32
    %add3A_14 = arith.constant 640 : i32
    %add3A_15 = arith.addi %mul3A_13, %add3A_14 : i32
    %le3A = arith.constant 10000 : i32
    %le3A_16 = arith.cmpi sle, %add3A_15, %le3A : i32
    %sub3A = arith.constant 10000 : i32
    %sub3A_17 = arith.subi %sub3A, %mul3A_13 : i32
    %jit3A = arith.constant 80 : i32
    %div3A = arith.divsi %sub3A_17, %jit3A : i32
    %sign3A = arith.constant 0 : i32
    %sign3A_18 = arith.cmpi sgt, %sub3A_17, %sign3A : i32
    %sign3A_19 = arith.extui %sign3A_18 : i1 to i32
    %sign3A_20 = arith.constant 0 : i32
    %sign3A_21 = arith.cmpi slt, %sub3A_17, %sign3A_20 : i32
    %sign3A_22 = arith.extui %sign3A_21 : i1 to i32
    %sign3A_23 = arith.subi %sign3A_19, %sign3A_22 : i32
    %sign3A_24 = arith.constant 0 : i32
    %sign3A_25 = arith.cmpi sgt, %jit3A, %sign3A_24 : i32
    %sign3A_26 = arith.extui %sign3A_25 : i1 to i32
    %sign3A_27 = arith.constant 0 : i32
    %sign3A_28 = arith.cmpi slt, %jit3A, %sign3A_27 : i32
    %sign3A_29 = arith.extui %sign3A_28 : i1 to i32
    %sign3A_30 = arith.subi %sign3A_26, %sign3A_29 : i32
    %ne3A = arith.cmpi ne, %sign3A_23, %sign3A_30 : i32
    %rem3A = arith.remsi %sub3A_17, %jit3A : i32
    %ne3A_31 = arith.constant 0 : i32
    %ne3A_32 = arith.cmpi ne, %rem3A, %ne3A_31 : i32
    %and3A = arith.andi %ne3A, %ne3A_32 : i1
    %sub3A_33 = arith.constant 1 : i32
    %sub3A_34 = arith.subi %div3A, %sub3A_33 : i32
    %select_n3A = arith.select %and3A, %sub3A_34, %div3A : i32
    %jit3A_35 = arith.constant 8 : i32
    %select_n3A_36 = arith.select %le3A_16, %jit3A_35, %select_n3A : i32
    %while3A_37 = arith.constant 0 : i32
    %while3A_38 = arith.constant 0 : i32
    %while3A_39 = arith.constant 0 : i32
    %while3A_40 = arith.subi %select_n3A_36, %while3A_39 : i32
    %while3A_41 = arith.addi %while3A_39, %while3A_40 : i32
    %while3A_42 = arith.constant 1 : i32
    %while3A_43 = arith.divsi %while3A_40, %while3A_42 : i32
    %while3A_44 = arith.muli %while3A_43, %while3A_42 : i32
    %while3A_45 = arith.addi %while3A_39, %while3A_44 : i32
    %while3A_46 = arith.constant 1 : i32
    scf.for %while3A_106 = %while3A_39 to %while3A_45 step %while3A_46  : i32 {
      %mul3A_107 = arith.constant 80 : i32
      %mul3A_108 = arith.muli %while3A_106, %mul3A_107 : i32
      %add3A_109 = arith.addi %mul3A_13, %mul3A_108 : i32
      "tpu.region"() ({
        %run_scoped3A_110 = tpu.sem_alloc : memref<!tpu.dma_semaphore, #tpu.memory_space<semaphore_mem>>
        %dma_start3A_111 = arith.constant 0 : i32
        %dma_start3A_112 = arith.constant 0 : i32
        %dma_start3A_113 = tpu.memref_slice %arg8[%while3A_38, %dma_start3A_111, %dma_start3A_112] : memref<3x128x48xf32, #tpu.memory_space<vmem>> -> memref<1x80x48xf32, #tpu.memory_space<vmem>>
        %dma_start3A_114 = tpu.memref_squeeze %dma_start3A_113 : memref<1x80x48xf32, #tpu.memory_space<vmem>> -> memref<80x48xf32, #tpu.memory_space<vmem>>
        %dma_start3A_115 = arith.constant 0 : i32
        %dma_start3A_116 = tpu.memref_slice %arg9[%add3A_109, %dma_start3A_115] : memref<10048x48xf32, #tpu.memory_space<vmem_shared>> -> memref<80x48xf32, #tpu.memory_space<vmem_shared>>
        %dma_start3A_117 = arith.constant 0 : i32
        %dma_start3A_118 = tpu.memref_slice %arg9[%add3A_109, %dma_start3A_117] : memref<10048x48xf32, #tpu.memory_space<vmem_shared>> -> memref<80x48xf32, #tpu.memory_space<vmem_shared>>
        %dma_start3A_119 = arith.constant 0 : i32
        %dma_start3A_120 = arith.constant 0 : i32
        %dma_start3A_121 = tpu.memref_slice %arg8[%while3A_38, %dma_start3A_119, %dma_start3A_120] : memref<3x128x48xf32, #tpu.memory_space<vmem>> -> memref<1x80x48xf32, #tpu.memory_space<vmem>>
        %dma_start3A_122 = tpu.memref_squeeze %dma_start3A_121 : memref<1x80x48xf32, #tpu.memory_space<vmem>> -> memref<80x48xf32, #tpu.memory_space<vmem>>
        tpu.enqueue_dma source(%dma_start3A_122 : memref<80x48xf32, #tpu.memory_space<vmem>>) target(%dma_start3A_118 : memref<80x48xf32, #tpu.memory_space<vmem_shared>>) target_semaphore(%run_scoped3A_110 : memref<!tpu.dma_semaphore, #tpu.memory_space<semaphore_mem>>)
        %dma_wait3A_123 = arith.constant 0 : i32
        %dma_wait3A_124 = arith.constant 0 : i32
        %dma_wait3A_125 = tpu.memref_slice %arg8[%while3A_38, %dma_wait3A_123, %dma_wait3A_124] : memref<3x128x48xf32, #tpu.memory_space<vmem>> -> memref<1x80x48xf32, #tpu.memory_space<vmem>>
        %dma_wait3A_126 = tpu.memref_squeeze %dma_wait3A_125 : memref<1x80x48xf32, #tpu.memory_space<vmem>> -> memref<80x48xf32, #tpu.memory_space<vmem>>
        %dma_wait3A_127 = arith.constant 0 : i32
        %dma_wait3A_128 = tpu.memref_slice %arg9[%add3A_109, %dma_wait3A_127] : memref<10048x48xf32, #tpu.memory_space<vmem_shared>> -> memref<80x48xf32, #tpu.memory_space<vmem_shared>>
        %dma_wait3A_129 = arith.constant 0 : i32
        %dma_wait3A_130 = tpu.memref_slice %arg9[%add3A_109, %dma_wait3A_129] : memref<10048x48xf32, #tpu.memory_space<vmem_shared>> -> memref<80x48xf32, #tpu.memory_space<vmem_shared>>
        %dma_wait3A_131 = arith.constant 0 : i32
        %dma_wait3A_132 = arith.constant 0 : i32
        %dma_wait3A_133 = tpu.memref_slice %arg8[%while3A_38, %dma_wait3A_131, %dma_wait3A_132] : memref<3x128x48xf32, #tpu.memory_space<vmem>> -> memref<1x80x48xf32, #tpu.memory_space<vmem>>
        %dma_wait3A_134 = tpu.memref_squeeze %dma_wait3A_133 : memref<1x80x48xf32, #tpu.memory_space<vmem>> -> memref<80x48xf32, #tpu.memory_space<vmem>>
        tpu.wait_dma2 semaphore(%run_scoped3A_110 : memref<!tpu.dma_semaphore, #tpu.memory_space<semaphore_mem>>) src(%dma_wait3A_134 : memref<80x48xf32, #tpu.memory_space<vmem>>) dst(%dma_wait3A_130 : memref<80x48xf32, #tpu.memory_space<vmem_shared>>)
        tpu.yield
      }) : () -> ()
    }
    %while3A_47 = arith.constant 1 : i32
    scf.for %while3A_106 = %while3A_45 to %while3A_41 step %while3A_47  : i32 {
      %mul3A_107 = arith.constant 80 : i32
      %mul3A_108 = arith.muli %while3A_106, %mul3A_107 : i32
      %add3A_109 = arith.addi %mul3A_13, %mul3A_108 : i32
      "tpu.region"() ({
        %run_scoped3A_110 = tpu.sem_alloc : memref<!tpu.dma_semaphore, #tpu.memory_space<semaphore_mem>>
        %dma_start3A_111 = arith.constant 0 : i32
        %dma_start3A_112 = arith.constant 0 : i32
        %dma_start3A_113 = tpu.memref_slice %arg8[%while3A_38, %dma_start3A_111, %dma_start3A_112] : memref<3x128x48xf32, #tpu.memory_space<vmem>> -> memref<1x80x48xf32, #tpu.memory_space<vmem>>
        %dma_start3A_114 = tpu.memref_squeeze %dma_start3A_113 : memref<1x80x48xf32, #tpu.memory_space<vmem>> -> memref<80x48xf32, #tpu.memory_space<vmem>>
        %dma_start3A_115 = arith.constant 0 : i32
        %dma_start3A_116 = tpu.memref_slice %arg9[%add3A_109, %dma_start3A_115] : memref<10048x48xf32, #tpu.memory_space<vmem_shared>> -> memref<80x48xf32, #tpu.memory_space<vmem_shared>>
        %dma_start3A_117 = arith.constant 0 : i32
        %dma_start3A_118 = tpu.memref_slice %arg9[%add3A_109, %dma_start3A_117] : memref<10048x48xf32, #tpu.memory_space<vmem_shared>> -> memref<80x48xf32, #tpu.memory_space<vmem_shared>>
        %dma_start3A_119 = arith.constant 0 : i32
        %dma_start3A_120 = arith.constant 0 : i32
        %dma_start3A_121 = tpu.memref_slice %arg8[%while3A_38, %dma_start3A_119, %dma_start3A_120] : memref<3x128x48xf32, #tpu.memory_space<vmem>> -> memref<1x80x48xf32, #tpu.memory_space<vmem>>
        %dma_start3A_122 = tpu.memref_squeeze %dma_start3A_121 : memref<1x80x48xf32, #tpu.memory_space<vmem>> -> memref<80x48xf32, #tpu.memory_space<vmem>>
        tpu.enqueue_dma source(%dma_start3A_122 : memref<80x48xf32, #tpu.memory_space<vmem>>) target(%dma_start3A_118 : memref<80x48xf32, #tpu.memory_space<vmem_shared>>) target_semaphore(%run_scoped3A_110 : memref<!tpu.dma_semaphore, #tpu.memory_space<semaphore_mem>>)
        %dma_wait3A_123 = arith.constant 0 : i32
        %dma_wait3A_124 = arith.constant 0 : i32
        %dma_wait3A_125 = tpu.memref_slice %arg8[%while3A_38, %dma_wait3A_123, %dma_wait3A_124] : memref<3x128x48xf32, #tpu.memory_space<vmem>> -> memref<1x80x48xf32, #tpu.memory_space<vmem>>
        %dma_wait3A_126 = tpu.memref_squeeze %dma_wait3A_125 : memref<1x80x48xf32, #tpu.memory_space<vmem>> -> memref<80x48xf32, #tpu.memory_space<vmem>>
        %dma_wait3A_127 = arith.constant 0 : i32
        %dma_wait3A_128 = tpu.memref_slice %arg9[%add3A_109, %dma_wait3A_127] : memref<10048x48xf32, #tpu.memory_space<vmem_shared>> -> memref<80x48xf32, #tpu.memory_space<vmem_shared>>
        %dma_wait3A_129 = arith.constant 0 : i32
        %dma_wait3A_130 = tpu.memref_slice %arg9[%add3A_109, %dma_wait3A_129] : memref<10048x48xf32, #tpu.memory_space<vmem_shared>> -> memref<80x48xf32, #tpu.memory_space<vmem_shared>>
        %dma_wait3A_131 = arith.constant 0 : i32
        %dma_wait3A_132 = arith.constant 0 : i32
        %dma_wait3A_133 = tpu.memref_slice %arg8[%while3A_38, %dma_wait3A_131, %dma_wait3A_132] : memref<3x128x48xf32, #tpu.memory_space<vmem>> -> memref<1x80x48xf32, #tpu.memory_space<vmem>>
        %dma_wait3A_134 = tpu.memref_squeeze %dma_wait3A_133 : memref<1x80x48xf32, #tpu.memory_space<vmem>> -> memref<80x48xf32, #tpu.memory_space<vmem>>
        tpu.wait_dma2 semaphore(%run_scoped3A_110 : memref<!tpu.dma_semaphore, #tpu.memory_space<semaphore_mem>>) src(%dma_wait3A_134 : memref<80x48xf32, #tpu.memory_space<vmem>>) dst(%dma_wait3A_130 : memref<80x48xf32, #tpu.memory_space<vmem_shared>>)
        tpu.yield
      }) : () -> ()
    }
    %barrier3A = arith.constant 0 : index
    tpu.barrier barrier_id(%barrier3A)
    "tpu.region"() ({
      %run_scoped3A_106 = tpu.sem_alloc : memref<!tpu.dma_semaphore, #tpu.memory_space<semaphore_mem>>
      %dma_start3A_107 = arith.constant 0 : i32
      %dma_start3A_108 = arith.constant 0 : i32
      %dma_start3A_109 = tpu.memref_slice %arg6[%dma_start3A_107, %dma_start3A_108] : memref<8x128xi32, #tpu.memory_space<vmem>> -> memref<4x128xi32, #tpu.memory_space<vmem>>
      %dma_start3A_110 = arith.constant 0 : i32
      %dma_start3A_111 = arith.constant 0 : i32
      %dma_start3A_112 = tpu.memref_slice %arg2[%add3A, %dma_start3A_110, %dma_start3A_111] : memref<32x80x128xi32, #tpu.memory_space<hbm>> -> memref<1x4x128xi32, #tpu.memory_space<hbm>>
      %dma_start3A_113 = tpu.memref_squeeze %dma_start3A_112 : memref<1x4x128xi32, #tpu.memory_space<hbm>> -> memref<4x128xi32, #tpu.memory_space<hbm>>
      %dma_start3A_114 = arith.constant 0 : i32
      %dma_start3A_115 = arith.constant 0 : i32
      %dma_start3A_116 = tpu.memref_slice %arg6[%dma_start3A_114, %dma_start3A_115] : memref<8x128xi32, #tpu.memory_space<vmem>> -> memref<4x128xi32, #tpu.memory_space<vmem>>
      %dma_start3A_117 = arith.constant 0 : i32
      %dma_start3A_118 = arith.constant 0 : i32
      %dma_start3A_119 = tpu.memref_slice %arg2[%add3A, %dma_start3A_117, %dma_start3A_118] : memref<32x80x128xi32, #tpu.memory_space<hbm>> -> memref<1x4x128xi32, #tpu.memory_space<hbm>>
      %dma_start3A_120 = tpu.memref_squeeze %dma_start3A_119 : memref<1x4x128xi32, #tpu.memory_space<hbm>> -> memref<4x128xi32, #tpu.memory_space<hbm>>
      tpu.enqueue_dma source(%dma_start3A_120 : memref<4x128xi32, #tpu.memory_space<hbm>>) target(%dma_start3A_116 : memref<4x128xi32, #tpu.memory_space<vmem>>) target_semaphore(%run_scoped3A_106 : memref<!tpu.dma_semaphore, #tpu.memory_space<semaphore_mem>>)
      %dma_wait3A_121 = arith.constant 0 : i32
      %dma_wait3A_122 = arith.constant 0 : i32
      %dma_wait3A_123 = tpu.memref_slice %arg6[%dma_wait3A_121, %dma_wait3A_122] : memref<8x128xi32, #tpu.memory_space<vmem>> -> memref<4x128xi32, #tpu.memory_space<vmem>>
      %dma_wait3A_124 = arith.constant 0 : i32
      %dma_wait3A_125 = arith.constant 0 : i32
      %dma_wait3A_126 = tpu.memref_slice %arg2[%add3A, %dma_wait3A_124, %dma_wait3A_125] : memref<32x80x128xi32, #tpu.memory_space<hbm>> -> memref<1x4x128xi32, #tpu.memory_space<hbm>>
      %dma_wait3A_127 = tpu.memref_squeeze %dma_wait3A_126 : memref<1x4x128xi32, #tpu.memory_space<hbm>> -> memref<4x128xi32, #tpu.memory_space<hbm>>
      %dma_wait3A_128 = arith.constant 0 : i32
      %dma_wait3A_129 = arith.constant 0 : i32
      %dma_wait3A_130 = tpu.memref_slice %arg6[%dma_wait3A_128, %dma_wait3A_129] : memref<8x128xi32, #tpu.memory_space<vmem>> -> memref<4x128xi32, #tpu.memory_space<vmem>>
      %dma_wait3A_131 = arith.constant 0 : i32
      %dma_wait3A_132 = arith.constant 0 : i32
      %dma_wait3A_133 = tpu.memref_slice %arg2[%add3A, %dma_wait3A_131, %dma_wait3A_132] : memref<32x80x128xi32, #tpu.memory_space<hbm>> -> memref<1x4x128xi32, #tpu.memory_space<hbm>>
      %dma_wait3A_134 = tpu.memref_squeeze %dma_wait3A_133 : memref<1x4x128xi32, #tpu.memory_space<hbm>> -> memref<4x128xi32, #tpu.memory_space<hbm>>
      tpu.wait_dma2 semaphore(%run_scoped3A_106 : memref<!tpu.dma_semaphore, #tpu.memory_space<semaphore_mem>>) src(%dma_wait3A_134 : memref<4x128xi32, #tpu.memory_space<hbm>>) dst(%dma_wait3A_130 : memref<4x128xi32, #tpu.memory_space<vmem>>)
      tpu.yield
    }) : () -> ()
    "tpu.region"() ({
      %run_scoped3A_106 = tpu.sem_alloc : memref<!tpu.dma_semaphore, #tpu.memory_space<semaphore_mem>>
      %dma_start3A_107 = arith.constant 0 : i32
      %dma_start3A_108 = arith.constant 0 : i32
      %dma_start3A_109 = tpu.memref_slice %arg7[%dma_start3A_107, %dma_start3A_108] : memref<8x128xi32, #tpu.memory_space<vmem>> -> memref<4x128xi32, #tpu.memory_space<vmem>>
      %dma_start3A_110 = arith.constant 0 : i32
      %dma_start3A_111 = arith.constant 0 : i32
      %dma_start3A_112 = tpu.memref_slice %arg3[%add3A, %dma_start3A_110, %dma_start3A_111] : memref<32x80x128xi32, #tpu.memory_space<hbm>> -> memref<1x4x128xi32, #tpu.memory_space<hbm>>
      %dma_start3A_113 = tpu.memref_squeeze %dma_start3A_112 : memref<1x4x128xi32, #tpu.memory_space<hbm>> -> memref<4x128xi32, #tpu.memory_space<hbm>>
      %dma_start3A_114 = arith.constant 0 : i32
      %dma_start3A_115 = arith.constant 0 : i32
      %dma_start3A_116 = tpu.memref_slice %arg7[%dma_start3A_114, %dma_start3A_115] : memref<8x128xi32, #tpu.memory_space<vmem>> -> memref<4x128xi32, #tpu.memory_space<vmem>>
      %dma_start3A_117 = arith.constant 0 : i32
      %dma_start3A_118 = arith.constant 0 : i32
      %dma_start3A_119 = tpu.memref_slice %arg3[%add3A, %dma_start3A_117, %dma_start3A_118] : memref<32x80x128xi32, #tpu.memory_space<hbm>> -> memref<1x4x128xi32, #tpu.memory_space<hbm>>
      %dma_start3A_120 = tpu.memref_squeeze %dma_start3A_119 : memref<1x4x128xi32, #tpu.memory_space<hbm>> -> memref<4x128xi32, #tpu.memory_space<hbm>>
      tpu.enqueue_dma source(%dma_start3A_120 : memref<4x128xi32, #tpu.memory_space<hbm>>) target(%dma_start3A_116 : memref<4x128xi32, #tpu.memory_space<vmem>>) target_semaphore(%run_scoped3A_106 : memref<!tpu.dma_semaphore, #tpu.memory_space<semaphore_mem>>)
      %dma_wait3A_121 = arith.constant 0 : i32
      %dma_wait3A_122 = arith.constant 0 : i32
      %dma_wait3A_123 = tpu.memref_slice %arg7[%dma_wait3A_121, %dma_wait3A_122] : memref<8x128xi32, #tpu.memory_space<vmem>> -> memref<4x128xi32, #tpu.memory_space<vmem>>
      %dma_wait3A_124 = arith.constant 0 : i32
      %dma_wait3A_125 = arith.constant 0 : i32
      %dma_wait3A_126 = tpu.memref_slice %arg3[%add3A, %dma_wait3A_124, %dma_wait3A_125] : memref<32x80x128xi32, #tpu.memory_space<hbm>> -> memref<1x4x128xi32, #tpu.memory_space<hbm>>
      %dma_wait3A_127 = tpu.memref_squeeze %dma_wait3A_126 : memref<1x4x128xi32, #tpu.memory_space<hbm>> -> memref<4x128xi32, #tpu.memory_space<hbm>>
      %dma_wait3A_128 = arith.constant 0 : i32
      %dma_wait3A_129 = arith.constant 0 : i32
      %dma_wait3A_130 = tpu.memref_slice %arg7[%dma_wait3A_128, %dma_wait3A_129] : memref<8x128xi32, #tpu.memory_space<vmem>> -> memref<4x128xi32, #tpu.memory_space<vmem>>
      %dma_wait3A_131 = arith.constant 0 : i32
      %dma_wait3A_132 = arith.constant 0 : i32
      %dma_wait3A_133 = tpu.memref_slice %arg3[%add3A, %dma_wait3A_131, %dma_wait3A_132] : memref<32x80x128xi32, #tpu.memory_space<hbm>> -> memref<1x4x128xi32, #tpu.memory_space<hbm>>
      %dma_wait3A_134 = tpu.memref_squeeze %dma_wait3A_133 : memref<1x4x128xi32, #tpu.memory_space<hbm>> -> memref<4x128xi32, #tpu.memory_space<hbm>>
      tpu.wait_dma2 semaphore(%run_scoped3A_106 : memref<!tpu.dma_semaphore, #tpu.memory_space<semaphore_mem>>) src(%dma_wait3A_134 : memref<4x128xi32, #tpu.memory_space<hbm>>) dst(%dma_wait3A_130 : memref<4x128xi32, #tpu.memory_space<vmem>>)
      tpu.yield
    }) : () -> ()
    %run_scoped3A = arith.constant 0 : i32
    %run_scoped3A_48 = arith.constant 0 : i32
    "tpu.region"() ({
      %run_scoped3A_106 = tpu.sem_alloc : memref<!tpu.dma_semaphore, #tpu.memory_space<semaphore_mem>>
      %dma_start3A_107 = arith.constant 0 : i32
      %dma_start3A_108 = arith.constant 0 : i32
      %dma_start3A_109 = tpu.memref_slice %arg8[%run_scoped3A_48, %dma_start3A_107, %dma_start3A_108] : memref<3x128x48xf32, #tpu.memory_space<vmem>> -> memref<1x128x48xf32, #tpu.memory_space<vmem>>
      %dma_start3A_110 = tpu.memref_squeeze %dma_start3A_109 : memref<1x128x48xf32, #tpu.memory_space<vmem>> -> memref<128x48xf32, #tpu.memory_space<vmem>>
      %dma_start3A_111 = arith.constant 0 : i32
      %dma_start3A_112 = tpu.memref_slice %arg6[%run_scoped3A, %dma_start3A_111] : memref<8x128xi32, #tpu.memory_space<vmem>> -> memref<1x128xi32, #tpu.memory_space<vmem>>
      %dma_start3A_113 = tpu.memref_squeeze %dma_start3A_112 : memref<1x128xi32, #tpu.memory_space<vmem>> -> memref<128xi32, #tpu.memory_space<vmem>>
      %dma_start3A_114 = arith.constant 0 : i32
      %dma_start3A_115 = arith.constant 0 : i32
      %dma_start3A_116 = tpu.memref_slice %arg4[%dma_start3A_114, %dma_start3A_115] : memref<10000x48xf32, #tpu.memory_space<hbm>> -> memref<10000x48xf32, #tpu.memory_space<hbm>>
      tpu.enqueue_indirect_dma source(%dma_start3A_116 : memref<10000x48xf32, #tpu.memory_space<hbm>>) target(%dma_start3A_110 : memref<128x48xf32, #tpu.memory_space<vmem>>) offsets(%dma_start3A_113 : memref<128xi32, #tpu.memory_space<vmem>>) semaphore(%run_scoped3A_106 : memref<!tpu.dma_semaphore, #tpu.memory_space<semaphore_mem>>)
      %dma_wait3A_117 = arith.constant 0 : i32
      %dma_wait3A_118 = arith.constant 0 : i32
      %dma_wait3A_119 = tpu.memref_slice %arg8[%run_scoped3A_48, %dma_wait3A_117, %dma_wait3A_118] : memref<3x128x48xf32, #tpu.memory_space<vmem>> -> memref<1x128x48xf32, #tpu.memory_space<vmem>>
      %dma_wait3A_120 = tpu.memref_squeeze %dma_wait3A_119 : memref<1x128x48xf32, #tpu.memory_space<vmem>> -> memref<128x48xf32, #tpu.memory_space<vmem>>
      %dma_wait3A_121 = arith.constant 0 : i32
      %dma_wait3A_122 = tpu.memref_slice %arg6[%run_scoped3A, %dma_wait3A_121] : memref<8x128xi32, #tpu.memory_space<vmem>> -> memref<1x128xi32, #tpu.memory_space<vmem>>
      %dma_wait3A_123 = tpu.memref_squeeze %dma_wait3A_122 : memref<1x128xi32, #tpu.memory_space<vmem>> -> memref<128xi32, #tpu.memory_space<vmem>>
      %dma_wait3A_124 = arith.constant 0 : i32
      %dma_wait3A_125 = arith.constant 0 : i32
      %dma_wait3A_126 = tpu.memref_slice %arg4[%dma_wait3A_124, %dma_wait3A_125] : memref<10000x48xf32, #tpu.memory_space<hbm>> -> memref<10000x48xf32, #tpu.memory_space<hbm>>
      tpu.wait_indirect_dma semaphore(%run_scoped3A_106 : memref<!tpu.dma_semaphore, #tpu.memory_space<semaphore_mem>>) src(%dma_wait3A_126 : memref<10000x48xf32, #tpu.memory_space<hbm>>) dst(%dma_wait3A_120 : memref<128x48xf32, #tpu.memory_space<vmem>>)
      tpu.yield
    }) : () -> ()
    %dma_start3A = arith.constant 1 : i32
    %dma_start3A_49 = arith.constant 1 : i32
    %dma_start3A_50 = arith.constant 0 : i32
    %dma_start3A_51 = arith.constant 0 : i32
    %dma_start3A_52 = tpu.memref_slice %arg8[%dma_start3A_49, %dma_start3A_50, %dma_start3A_51] : memref<3x128x48xf32, #tpu.memory_space<vmem>> -> memref<1x128x48xf32, #tpu.memory_space<vmem>>
    %dma_start3A_53 = tpu.memref_squeeze %dma_start3A_52 : memref<1x128x48xf32, #tpu.memory_space<vmem>> -> memref<128x48xf32, #tpu.memory_space<vmem>>
    %dma_start3A_54 = arith.constant 0 : i32
    %dma_start3A_55 = tpu.memref_slice %arg6[%dma_start3A, %dma_start3A_54] : memref<8x128xi32, #tpu.memory_space<vmem>> -> memref<1x128xi32, #tpu.memory_space<vmem>>
    %dma_start3A_56 = tpu.memref_squeeze %dma_start3A_55 : memref<1x128xi32, #tpu.memory_space<vmem>> -> memref<128xi32, #tpu.memory_space<vmem>>
    %dma_start3A_57 = arith.constant 0 : i32
    %dma_start3A_58 = arith.constant 0 : i32
    %dma_start3A_59 = tpu.memref_slice %arg4[%dma_start3A_57, %dma_start3A_58] : memref<10000x48xf32, #tpu.memory_space<hbm>> -> memref<10000x48xf32, #tpu.memory_space<hbm>>
    tpu.enqueue_indirect_dma source(%dma_start3A_59 : memref<10000x48xf32, #tpu.memory_space<hbm>>) target(%dma_start3A_53 : memref<128x48xf32, #tpu.memory_space<vmem>>) offsets(%dma_start3A_56 : memref<128xi32, #tpu.memory_space<vmem>>) semaphore(%arg11 : memref<!tpu.dma_semaphore, #tpu.memory_space<semaphore_mem>>)
    %while3A_60 = arith.constant 0 : i32
    %while3A_61 = arith.constant 0 : i32
    %while3A_62 = arith.constant 20 : i32
    %while3A_63 = arith.subi %while3A_62, %while3A_61 : i32
    %while3A_64 = arith.addi %while3A_61, %while3A_63 : i32
    %while3A_65 = arith.constant 1 : i32
    %while3A_66 = arith.divsi %while3A_63, %while3A_65 : i32
    %while3A_67 = arith.muli %while3A_66, %while3A_65 : i32
    %while3A_68 = arith.addi %while3A_61, %while3A_67 : i32
    %while3A_69 = arith.constant 1 : i32
    scf.for %while3A_106 = %while3A_61 to %while3A_68 step %while3A_69  : i32 {
      %rem3A_107 = arith.constant 2 : i32
      %rem3A_108 = arith.remsi %while3A_106, %rem3A_107 : i32
      %add3A_109 = arith.constant 1 : i32
      %add3A_110 = arith.addi %while3A_106, %add3A_109 : i32
      %lt3A = arith.constant 20 : i32
      %lt3A_111 = arith.cmpi slt, %add3A_110, %lt3A : i32
      %add3A_112 = arith.constant 1 : i32
      %add3A_113 = arith.addi %while3A_106, %add3A_112 : i32
      %jit3A_114 = arith.constant 0 : i32
      %select_n3A_115 = arith.select %lt3A_111, %add3A_113, %jit3A_114 : i32
      %mul3A_116 = arith.constant 4 : i32
      %mul3A_117 = arith.muli %select_n3A_115, %mul3A_116 : i32
      %multiple_of3A = tpu.assume_multiple %mul3A_117, 4 : i32
      %sub3A_118 = arith.constant 1 : i32
      %sub3A_119 = arith.subi %sub3A_118, %rem3A_108 : i32
      %mul3A_120 = arith.constant 4 : i32
      %mul3A_121 = arith.muli %sub3A_119, %mul3A_120 : i32
      %dma_start3A_122 = arith.constant 0 : i32
      %dma_start3A_123 = tpu.memref_slice %arg6[%mul3A_121, %dma_start3A_122] : memref<8x128xi32, #tpu.memory_space<vmem>> -> memref<4x128xi32, #tpu.memory_space<vmem>>
      %dma_start3A_124 = arith.constant 0 : i32
      %dma_start3A_125 = tpu.memref_slice %arg2[%add3A, %multiple_of3A, %dma_start3A_124] : memref<32x80x128xi32, #tpu.memory_space<hbm>> -> memref<1x4x128xi32, #tpu.memory_space<hbm>>
      %dma_start3A_126 = tpu.memref_squeeze %dma_start3A_125 : memref<1x4x128xi32, #tpu.memory_space<hbm>> -> memref<4x128xi32, #tpu.memory_space<hbm>>
      %dma_start3A_127 = arith.constant 0 : i32
      %dma_start3A_128 = tpu.memref_slice %arg6[%mul3A_121, %dma_start3A_127] : memref<8x128xi32, #tpu.memory_space<vmem>> -> memref<4x128xi32, #tpu.memory_space<vmem>>
      %dma_start3A_129 = arith.constant 0 : i32
      %dma_start3A_130 = tpu.memref_slice %arg2[%add3A, %multiple_of3A, %dma_start3A_129] : memref<32x80x128xi32, #tpu.memory_space<hbm>> -> memref<1x4x128xi32, #tpu.memory_space<hbm>>
      %dma_start3A_131 = tpu.memref_squeeze %dma_start3A_130 : memref<1x4x128xi32, #tpu.memory_space<hbm>> -> memref<4x128xi32, #tpu.memory_space<hbm>>
      tpu.enqueue_dma source(%dma_start3A_131 : memref<4x128xi32, #tpu.memory_space<hbm>>) target(%dma_start3A_128 : memref<4x128xi32, #tpu.memory_space<vmem>>) target_semaphore(%arg12 : memref<!tpu.dma_semaphore, #tpu.memory_space<semaphore_mem>>)
      %dma_start3A_132 = arith.constant 0 : i32
      %dma_start3A_133 = tpu.memref_slice %arg7[%mul3A_121, %dma_start3A_132] : memref<8x128xi32, #tpu.memory_space<vmem>> -> memref<4x128xi32, #tpu.memory_space<vmem>>
      %dma_start3A_134 = arith.constant 0 : i32
      %dma_start3A_135 = tpu.memref_slice %arg3[%add3A, %multiple_of3A, %dma_start3A_134] : memref<32x80x128xi32, #tpu.memory_space<hbm>> -> memref<1x4x128xi32, #tpu.memory_space<hbm>>
      %dma_start3A_136 = tpu.memref_squeeze %dma_start3A_135 : memref<1x4x128xi32, #tpu.memory_space<hbm>> -> memref<4x128xi32, #tpu.memory_space<hbm>>
      %dma_start3A_137 = arith.constant 0 : i32
      %dma_start3A_138 = tpu.memref_slice %arg7[%mul3A_121, %dma_start3A_137] : memref<8x128xi32, #tpu.memory_space<vmem>> -> memref<4x128xi32, #tpu.memory_space<vmem>>
      %dma_start3A_139 = arith.constant 0 : i32
      %dma_start3A_140 = tpu.memref_slice %arg3[%add3A, %multiple_of3A, %dma_start3A_139] : memref<32x80x128xi32, #tpu.memory_space<hbm>> -> memref<1x4x128xi32, #tpu.memory_space<hbm>>
      %dma_start3A_141 = tpu.memref_squeeze %dma_start3A_140 : memref<1x4x128xi32, #tpu.memory_space<hbm>> -> memref<4x128xi32, #tpu.memory_space<hbm>>
      tpu.enqueue_dma source(%dma_start3A_141 : memref<4x128xi32, #tpu.memory_space<hbm>>) target(%dma_start3A_138 : memref<4x128xi32, #tpu.memory_space<vmem>>) target_semaphore(%arg12 : memref<!tpu.dma_semaphore, #tpu.memory_space<semaphore_mem>>)
      %mul3A_142 = arith.constant 4 : i32
      %mul3A_143 = arith.muli %while3A_106, %mul3A_142 : i32
      %while3A_144 = arith.constant 0 : i32
      %while3A_145 = arith.constant 2 : i32
      %while3A_146 = arith.subi %while3A_145, %while3A_144 : i32
      %while3A_147 = arith.addi %while3A_144, %while3A_146 : i32
      %while3A_148 = arith.constant 1 : i32
      %while3A_149 = arith.divsi %while3A_146, %while3A_148 : i32
      %while3A_150 = arith.muli %while3A_149, %while3A_148 : i32
      %while3A_151 = arith.addi %while3A_144, %while3A_150 : i32
      %while3A_152 = arith.constant 1 : i32
      scf.for %while3A_284 = %while3A_144 to %while3A_151 step %while3A_152  : i32 {
        %add3A_285 = arith.addi %mul3A_143, %while3A_284 : i32
        %rem3A_286 = arith.constant 8 : i32
        %rem3A_287 = arith.remsi %add3A_285, %rem3A_286 : i32
        %add3A_288 = arith.constant 2 : i32
        %add3A_289 = arith.addi %add3A_285, %add3A_288 : i32
        %rem3A_290 = arith.constant 8 : i32
        %rem3A_291 = arith.remsi %add3A_289, %rem3A_290 : i32
        %rem3A_292 = arith.constant 3 : i32
        %rem3A_293 = arith.remsi %add3A_285, %rem3A_292 : i32
        %add3A_294 = arith.constant 2 : i32
        %add3A_295 = arith.addi %add3A_285, %add3A_294 : i32
        %rem3A_296 = arith.constant 3 : i32
        %rem3A_297 = arith.remsi %add3A_295, %rem3A_296 : i32
        %add3A_298 = arith.constant 2 : i32
        %add3A_299 = arith.addi %add3A_285, %add3A_298 : i32
        %rem3A_300 = arith.constant 2 : i32
        %rem3A_301 = arith.remsi %add3A_299, %rem3A_300 : i32
        %gt3A_302 = arith.constant 0 : i32
        %gt3A_303 = arith.cmpi sgt, %add3A_285, %gt3A_302 : i32
        %convert_element_type3A_304 = arith.extui %gt3A_303 : i1 to i32
        %cond3A_305 = arith.constant 0 : i32
        %cond3A_306 = arith.cmpi ne, %convert_element_type3A_304, %cond3A_305 : i32
        scf.if %cond3A_306 {
          %dma_wait3A_341 = arith.constant 0 : i32
          %dma_wait3A_342 = arith.constant 0 : i32
          %dma_wait3A_343 = tpu.memref_slice %arg8[%rem3A_293, %dma_wait3A_341, %dma_wait3A_342] : memref<3x128x48xf32, #tpu.memory_space<vmem>> -> memref<1x128x48xf32, #tpu.memory_space<vmem>>
          %dma_wait3A_344 = tpu.memref_squeeze %dma_wait3A_343 : memref<1x128x48xf32, #tpu.memory_space<vmem>> -> memref<128x48xf32, #tpu.memory_space<vmem>>
          %dma_wait3A_345 = arith.constant 0 : i32
          %dma_wait3A_346 = tpu.memref_slice %arg7[%rem3A_287, %dma_wait3A_345] : memref<8x128xi32, #tpu.memory_space<vmem>> -> memref<1x128xi32, #tpu.memory_space<vmem>>
          %dma_wait3A_347 = tpu.memref_squeeze %dma_wait3A_346 : memref<1x128xi32, #tpu.memory_space<vmem>> -> memref<128xi32, #tpu.memory_space<vmem>>
          %dma_wait3A_348 = arith.constant 0 : i32
          %dma_wait3A_349 = arith.constant 0 : i32
          %dma_wait3A_350 = tpu.memref_slice %arg9[%dma_wait3A_348, %dma_wait3A_349] : memref<10048x48xf32, #tpu.memory_space<vmem_shared>> -> memref<10048x48xf32, #tpu.memory_space<vmem_shared>>
          tpu.wait_indirect_dma semaphore(%arg13 : memref<!tpu.dma_semaphore, #tpu.memory_space<semaphore_mem>>) src(%dma_wait3A_344 : memref<128x48xf32, #tpu.memory_space<vmem>>) dst(%dma_wait3A_350 : memref<10048x48xf32, #tpu.memory_space<vmem_shared>>)
        } else {
        }
        %eq3A_307 = arith.constant 0 : i32
        %eq3A_308 = arith.cmpi eq, %rem3A_301, %eq3A_307 : i32
        %convert_element_type3A_309 = arith.extui %eq3A_308 : i1 to i32
        %cond3A_310 = arith.constant 0 : i32
        %cond3A_311 = arith.cmpi ne, %convert_element_type3A_309, %cond3A_310 : i32
        scf.if %cond3A_311 {
          %dma_start3A_341 = arith.constant 0 : i32
          %dma_start3A_342 = arith.constant 0 : i32
          %dma_start3A_343 = tpu.memref_slice %arg8[%rem3A_297, %dma_start3A_341, %dma_start3A_342] : memref<3x128x48xf32, #tpu.memory_space<vmem>> -> memref<1x128x48xf32, #tpu.memory_space<vmem>>
          %dma_start3A_344 = tpu.memref_squeeze %dma_start3A_343 : memref<1x128x48xf32, #tpu.memory_space<vmem>> -> memref<128x48xf32, #tpu.memory_space<vmem>>
          %dma_start3A_345 = arith.constant 0 : i32
          %dma_start3A_346 = tpu.memref_slice %arg6[%rem3A_291, %dma_start3A_345] : memref<8x128xi32, #tpu.memory_space<vmem>> -> memref<1x128xi32, #tpu.memory_space<vmem>>
          %dma_start3A_347 = tpu.memref_squeeze %dma_start3A_346 : memref<1x128xi32, #tpu.memory_space<vmem>> -> memref<128xi32, #tpu.memory_space<vmem>>
          %dma_start3A_348 = arith.constant 0 : i32
          %dma_start3A_349 = arith.constant 0 : i32
          %dma_start3A_350 = tpu.memref_slice %arg4[%dma_start3A_348, %dma_start3A_349] : memref<10000x48xf32, #tpu.memory_space<hbm>> -> memref<10000x48xf32, #tpu.memory_space<hbm>>
          tpu.enqueue_indirect_dma source(%dma_start3A_350 : memref<10000x48xf32, #tpu.memory_space<hbm>>) target(%dma_start3A_344 : memref<128x48xf32, #tpu.memory_space<vmem>>) offsets(%dma_start3A_347 : memref<128xi32, #tpu.memory_space<vmem>>) semaphore(%arg10 : memref<!tpu.dma_semaphore, #tpu.memory_space<semaphore_mem>>)
        } else {
        }
        %eq3A_312 = arith.constant 1 : i32
        %eq3A_313 = arith.cmpi eq, %rem3A_301, %eq3A_312 : i32
        %convert_element_type3A_314 = arith.extui %eq3A_313 : i1 to i32
        %cond3A_315 = arith.constant 0 : i32
        %cond3A_316 = arith.cmpi ne, %convert_element_type3A_314, %cond3A_315 : i32
        scf.if %cond3A_316 {
          %dma_start3A_341 = arith.constant 0 : i32
          %dma_start3A_342 = arith.constant 0 : i32
          %dma_start3A_343 = tpu.memref_slice %arg8[%rem3A_297, %dma_start3A_341, %dma_start3A_342] : memref<3x128x48xf32, #tpu.memory_space<vmem>> -> memref<1x128x48xf32, #tpu.memory_space<vmem>>
          %dma_start3A_344 = tpu.memref_squeeze %dma_start3A_343 : memref<1x128x48xf32, #tpu.memory_space<vmem>> -> memref<128x48xf32, #tpu.memory_space<vmem>>
          %dma_start3A_345 = arith.constant 0 : i32
          %dma_start3A_346 = tpu.memref_slice %arg6[%rem3A_291, %dma_start3A_345] : memref<8x128xi32, #tpu.memory_space<vmem>> -> memref<1x128xi32, #tpu.memory_space<vmem>>
          %dma_start3A_347 = tpu.memref_squeeze %dma_start3A_346 : memref<1x128xi32, #tpu.memory_space<vmem>> -> memref<128xi32, #tpu.memory_space<vmem>>
          %dma_start3A_348 = arith.constant 0 : i32
          %dma_start3A_349 = arith.constant 0 : i32
          %dma_start3A_350 = tpu.memref_slice %arg4[%dma_start3A_348, %dma_start3A_349] : memref<10000x48xf32, #tpu.memory_space<hbm>> -> memref<10000x48xf32, #tpu.memory_space<hbm>>
          tpu.enqueue_indirect_dma source(%dma_start3A_350 : memref<10000x48xf32, #tpu.memory_space<hbm>>) target(%dma_start3A_344 : memref<128x48xf32, #tpu.memory_space<vmem>>) offsets(%dma_start3A_347 : memref<128xi32, #tpu.memory_space<vmem>>) semaphore(%arg11 : memref<!tpu.dma_semaphore, #tpu.memory_space<semaphore_mem>>)
        } else {
        }
        %dma_start3A_317 = arith.constant 0 : i32
        %dma_start3A_318 = arith.constant 0 : i32
        %dma_start3A_319 = tpu.memref_slice %arg8[%rem3A_293, %dma_start3A_317, %dma_start3A_318] : memref<3x128x48xf32, #tpu.memory_space<vmem>> -> memref<1x128x48xf32, #tpu.memory_space<vmem>>
        %dma_start3A_320 = tpu.memref_squeeze %dma_start3A_319 : memref<1x128x48xf32, #tpu.memory_space<vmem>> -> memref<128x48xf32, #tpu.memory_space<vmem>>
        %dma_start3A_321 = arith.constant 0 : i32
        %dma_start3A_322 = tpu.memref_slice %arg7[%rem3A_287, %dma_start3A_321] : memref<8x128xi32, #tpu.memory_space<vmem>> -> memref<1x128xi32, #tpu.memory_space<vmem>>
        %dma_start3A_323 = tpu.memref_squeeze %dma_start3A_322 : memref<1x128xi32, #tpu.memory_space<vmem>> -> memref<128xi32, #tpu.memory_space<vmem>>
        %dma_start3A_324 = arith.constant 0 : i32
        %dma_start3A_325 = arith.constant 0 : i32
        %dma_start3A_326 = tpu.memref_slice %arg9[%dma_start3A_324, %dma_start3A_325] : memref<10048x48xf32, #tpu.memory_space<vmem_shared>> -> memref<10048x48xf32, #tpu.memory_space<vmem_shared>>
        tpu.enqueue_indirect_dma source(%dma_start3A_320 : memref<128x48xf32, #tpu.memory_space<vmem>>) target(%dma_start3A_326 : memref<10048x48xf32, #tpu.memory_space<vmem_shared>>) offsets(%dma_start3A_323 : memref<128xi32, #tpu.memory_space<vmem>>) semaphore(%arg13 : memref<!tpu.dma_semaphore, #tpu.memory_space<semaphore_mem>>) {add = true}
        %add3A_327 = arith.constant 1 : i32
        %add3A_328 = arith.addi %add3A_285, %add3A_327 : i32
        %rem3A_329 = arith.constant 2 : i32
        %rem3A_330 = arith.remsi %add3A_328, %rem3A_329 : i32
        %eq3A_331 = arith.constant 0 : i32
        %eq3A_332 = arith.cmpi eq, %rem3A_330, %eq3A_331 : i32
        %convert_element_type3A_333 = arith.extui %eq3A_332 : i1 to i32
        %cond3A_334 = arith.constant 0 : i32
        %cond3A_335 = arith.cmpi ne, %convert_element_type3A_333, %cond3A_334 : i32
        scf.if %cond3A_335 {
          %dma_wait3A_341 = arith.constant 0 : i32
          %dma_wait3A_342 = arith.constant 0 : i32
          %dma_wait3A_343 = arith.constant 0 : i32
          %dma_wait3A_344 = arith.constant 0 : i32
          %dma_wait3A_345 = tpu.memref_slice %arg8[%dma_wait3A_342, %dma_wait3A_343, %dma_wait3A_344] : memref<3x128x48xf32, #tpu.memory_space<vmem>> -> memref<1x128x48xf32, #tpu.memory_space<vmem>>
          %dma_wait3A_346 = tpu.memref_squeeze %dma_wait3A_345 : memref<1x128x48xf32, #tpu.memory_space<vmem>> -> memref<128x48xf32, #tpu.memory_space<vmem>>
          %dma_wait3A_347 = arith.constant 0 : i32
          %dma_wait3A_348 = tpu.memref_slice %arg6[%dma_wait3A_341, %dma_wait3A_347] : memref<8x128xi32, #tpu.memory_space<vmem>> -> memref<1x128xi32, #tpu.memory_space<vmem>>
          %dma_wait3A_349 = tpu.memref_squeeze %dma_wait3A_348 : memref<1x128xi32, #tpu.memory_space<vmem>> -> memref<128xi32, #tpu.memory_space<vmem>>
          %dma_wait3A_350 = arith.constant 0 : i32
          %dma_wait3A_351 = arith.constant 0 : i32
          %dma_wait3A_352 = tpu.memref_slice %arg4[%dma_wait3A_350, %dma_wait3A_351] : memref<10000x48xf32, #tpu.memory_space<hbm>> -> memref<10000x48xf32, #tpu.memory_space<hbm>>
          tpu.wait_indirect_dma semaphore(%arg10 : memref<!tpu.dma_semaphore, #tpu.memory_space<semaphore_mem>>) src(%dma_wait3A_352 : memref<10000x48xf32, #tpu.memory_space<hbm>>) dst(%dma_wait3A_346 : memref<128x48xf32, #tpu.memory_space<vmem>>)
        } else {
        }
        %eq3A_336 = arith.constant 1 : i32
        %eq3A_337 = arith.cmpi eq, %rem3A_330, %eq3A_336 : i32
        %convert_element_type3A_338 = arith.extui %eq3A_337 : i1 to i32
        %cond3A_339 = arith.constant 0 : i32
        %cond3A_340 = arith.cmpi ne, %convert_element_type3A_338, %cond3A_339 : i32
        scf.if %cond3A_340 {
          %dma_wait3A_341 = arith.constant 0 : i32
          %dma_wait3A_342 = arith.constant 0 : i32
          %dma_wait3A_343 = arith.constant 0 : i32
          %dma_wait3A_344 = arith.constant 0 : i32
          %dma_wait3A_345 = tpu.memref_slice %arg8[%dma_wait3A_342, %dma_wait3A_343, %dma_wait3A_344] : memref<3x128x48xf32, #tpu.memory_space<vmem>> -> memref<1x128x48xf32, #tpu.memory_space<vmem>>
          %dma_wait3A_346 = tpu.memref_squeeze %dma_wait3A_345 : memref<1x128x48xf32, #tpu.memory_space<vmem>> -> memref<128x48xf32, #tpu.memory_space<vmem>>
          %dma_wait3A_347 = arith.constant 0 : i32
          %dma_wait3A_348 = tpu.memref_slice %arg6[%dma_wait3A_341, %dma_wait3A_347] : memref<8x128xi32, #tpu.memory_space<vmem>> -> memref<1x128xi32, #tpu.memory_space<vmem>>
          %dma_wait3A_349 = tpu.memref_squeeze %dma_wait3A_348 : memref<1x128xi32, #tpu.memory_space<vmem>> -> memref<128xi32, #tpu.memory_space<vmem>>
          %dma_wait3A_350 = arith.constant 0 : i32
          %dma_wait3A_351 = arith.constant 0 : i32
          %dma_wait3A_352 = tpu.memref_slice %arg4[%dma_wait3A_350, %dma_wait3A_351] : memref<10000x48xf32, #tpu.memory_space<hbm>> -> memref<10000x48xf32, #tpu.memory_space<hbm>>
          tpu.wait_indirect_dma semaphore(%arg11 : memref<!tpu.dma_semaphore, #tpu.memory_space<semaphore_mem>>) src(%dma_wait3A_352 : memref<10000x48xf32, #tpu.memory_space<hbm>>) dst(%dma_wait3A_346 : memref<128x48xf32, #tpu.memory_space<vmem>>)
        } else {
        }
      }
      %while3A_153 = arith.constant 1 : i32
      scf.for %while3A_284 = %while3A_151 to %while3A_147 step %while3A_153  : i32 {
        %add3A_285 = arith.addi %mul3A_143, %while3A_284 : i32
        %rem3A_286 = arith.constant 8 : i32
        %rem3A_287 = arith.remsi %add3A_285, %rem3A_286 : i32
        %add3A_288 = arith.constant 2 : i32
        %add3A_289 = arith.addi %add3A_285, %add3A_288 : i32
        %rem3A_290 = arith.constant 8 : i32
        %rem3A_291 = arith.remsi %add3A_289, %rem3A_290 : i32
        %rem3A_292 = arith.constant 3 : i32
        %rem3A_293 = arith.remsi %add3A_285, %rem3A_292 : i32
        %add3A_294 = arith.constant 2 : i32
        %add3A_295 = arith.addi %add3A_285, %add3A_294 : i32
        %rem3A_296 = arith.constant 3 : i32
        %rem3A_297 = arith.remsi %add3A_295, %rem3A_296 : i32
        %add3A_298 = arith.constant 2 : i32
        %add3A_299 = arith.addi %add3A_285, %add3A_298 : i32
        %rem3A_300 = arith.constant 2 : i32
        %rem3A_301 = arith.remsi %add3A_299, %rem3A_300 : i32
        %gt3A_302 = arith.constant 0 : i32
        %gt3A_303 = arith.cmpi sgt, %add3A_285, %gt3A_302 : i32
        %convert_element_type3A_304 = arith.extui %gt3A_303 : i1 to i32
        %cond3A_305 = arith.constant 0 : i32
        %cond3A_306 = arith.cmpi ne, %convert_element_type3A_304, %cond3A_305 : i32
        scf.if %cond3A_306 {
          %dma_wait3A_341 = arith.constant 0 : i32
          %dma_wait3A_342 = arith.constant 0 : i32
          %dma_wait3A_343 = tpu.memref_slice %arg8[%rem3A_293, %dma_wait3A_341, %dma_wait3A_342] : memref<3x128x48xf32, #tpu.memory_space<vmem>> -> memref<1x128x48xf32, #tpu.memory_space<vmem>>
          %dma_wait3A_344 = tpu.memref_squeeze %dma_wait3A_343 : memref<1x128x48xf32, #tpu.memory_space<vmem>> -> memref<128x48xf32, #tpu.memory_space<vmem>>
          %dma_wait3A_345 = arith.constant 0 : i32
          %dma_wait3A_346 = tpu.memref_slice %arg7[%rem3A_287, %dma_wait3A_345] : memref<8x128xi32, #tpu.memory_space<vmem>> -> memref<1x128xi32, #tpu.memory_space<vmem>>
          %dma_wait3A_347 = tpu.memref_squeeze %dma_wait3A_346 : memref<1x128xi32, #tpu.memory_space<vmem>> -> memref<128xi32, #tpu.memory_space<vmem>>
          %dma_wait3A_348 = arith.constant 0 : i32
          %dma_wait3A_349 = arith.constant 0 : i32
          %dma_wait3A_350 = tpu.memref_slice %arg9[%dma_wait3A_348, %dma_wait3A_349] : memref<10048x48xf32, #tpu.memory_space<vmem_shared>> -> memref<10048x48xf32, #tpu.memory_space<vmem_shared>>
          tpu.wait_indirect_dma semaphore(%arg13 : memref<!tpu.dma_semaphore, #tpu.memory_space<semaphore_mem>>) src(%dma_wait3A_344 : memref<128x48xf32, #tpu.memory_space<vmem>>) dst(%dma_wait3A_350 : memref<10048x48xf32, #tpu.memory_space<vmem_shared>>)
        } else {
        }
        %eq3A_307 = arith.constant 0 : i32
        %eq3A_308 = arith.cmpi eq, %rem3A_301, %eq3A_307 : i32
        %convert_element_type3A_309 = arith.extui %eq3A_308 : i1 to i32
        %cond3A_310 = arith.constant 0 : i32
        %cond3A_311 = arith.cmpi ne, %convert_element_type3A_309, %cond3A_310 : i32
        scf.if %cond3A_311 {
          %dma_start3A_341 = arith.constant 0 : i32
          %dma_start3A_342 = arith.constant 0 : i32
          %dma_start3A_343 = tpu.memref_slice %arg8[%rem3A_297, %dma_start3A_341, %dma_start3A_342] : memref<3x128x48xf32, #tpu.memory_space<vmem>> -> memref<1x128x48xf32, #tpu.memory_space<vmem>>
          %dma_start3A_344 = tpu.memref_squeeze %dma_start3A_343 : memref<1x128x48xf32, #tpu.memory_space<vmem>> -> memref<128x48xf32, #tpu.memory_space<vmem>>
          %dma_start3A_345 = arith.constant 0 : i32
          %dma_start3A_346 = tpu.memref_slice %arg6[%rem3A_291, %dma_start3A_345] : memref<8x128xi32, #tpu.memory_space<vmem>> -> memref<1x128xi32, #tpu.memory_space<vmem>>
          %dma_start3A_347 = tpu.memref_squeeze %dma_start3A_346 : memref<1x128xi32, #tpu.memory_space<vmem>> -> memref<128xi32, #tpu.memory_space<vmem>>
          %dma_start3A_348 = arith.constant 0 : i32
          %dma_start3A_349 = arith.constant 0 : i32
          %dma_start3A_350 = tpu.memref_slice %arg4[%dma_start3A_348, %dma_start3A_349] : memref<10000x48xf32, #tpu.memory_space<hbm>> -> memref<10000x48xf32, #tpu.memory_space<hbm>>
          tpu.enqueue_indirect_dma source(%dma_start3A_350 : memref<10000x48xf32, #tpu.memory_space<hbm>>) target(%dma_start3A_344 : memref<128x48xf32, #tpu.memory_space<vmem>>) offsets(%dma_start3A_347 : memref<128xi32, #tpu.memory_space<vmem>>) semaphore(%arg10 : memref<!tpu.dma_semaphore, #tpu.memory_space<semaphore_mem>>)
        } else {
        }
        %eq3A_312 = arith.constant 1 : i32
        %eq3A_313 = arith.cmpi eq, %rem3A_301, %eq3A_312 : i32
        %convert_element_type3A_314 = arith.extui %eq3A_313 : i1 to i32
        %cond3A_315 = arith.constant 0 : i32
        %cond3A_316 = arith.cmpi ne, %convert_element_type3A_314, %cond3A_315 : i32
        scf.if %cond3A_316 {
          %dma_start3A_341 = arith.constant 0 : i32
          %dma_start3A_342 = arith.constant 0 : i32
          %dma_start3A_343 = tpu.memref_slice %arg8[%rem3A_297, %dma_start3A_341, %dma_start3A_342] : memref<3x128x48xf32, #tpu.memory_space<vmem>> -> memref<1x128x48xf32, #tpu.memory_space<vmem>>
          %dma_start3A_344 = tpu.memref_squeeze %dma_start3A_343 : memref<1x128x48xf32, #tpu.memory_space<vmem>> -> memref<128x48xf32, #tpu.memory_space<vmem>>
          %dma_start3A_345 = arith.constant 0 : i32
          %dma_start3A_346 = tpu.memref_slice %arg6[%rem3A_291, %dma_start3A_345] : memref<8x128xi32, #tpu.memory_space<vmem>> -> memref<1x128xi32, #tpu.memory_space<vmem>>
          %dma_start3A_347 = tpu.memref_squeeze %dma_start3A_346 : memref<1x128xi32, #tpu.memory_space<vmem>> -> memref<128xi32, #tpu.memory_space<vmem>>
          %dma_start3A_348 = arith.constant 0 : i32
          %dma_start3A_349 = arith.constant 0 : i32
          %dma_start3A_350 = tpu.memref_slice %arg4[%dma_start3A_348, %dma_start3A_349] : memref<10000x48xf32, #tpu.memory_space<hbm>> -> memref<10000x48xf32, #tpu.memory_space<hbm>>
          tpu.enqueue_indirect_dma source(%dma_start3A_350 : memref<10000x48xf32, #tpu.memory_space<hbm>>) target(%dma_start3A_344 : memref<128x48xf32, #tpu.memory_space<vmem>>) offsets(%dma_start3A_347 : memref<128xi32, #tpu.memory_space<vmem>>) semaphore(%arg11 : memref<!tpu.dma_semaphore, #tpu.memory_space<semaphore_mem>>)
        } else {
        }
        %dma_start3A_317 = arith.constant 0 : i32
        %dma_start3A_318 = arith.constant 0 : i32
        %dma_start3A_319 = tpu.memref_slice %arg8[%rem3A_293, %dma_start3A_317, %dma_start3A_318] : memref<3x128x48xf32, #tpu.memory_space<vmem>> -> memref<1x128x48xf32, #tpu.memory_space<vmem>>
        %dma_start3A_320 = tpu.memref_squeeze %dma_start3A_319 : memref<1x128x48xf32, #tpu.memory_space<vmem>> -> memref<128x48xf32, #tpu.memory_space<vmem>>
        %dma_start3A_321 = arith.constant 0 : i32
        %dma_start3A_322 = tpu.memref_slice %arg7[%rem3A_287, %dma_start3A_321] : memref<8x128xi32, #tpu.memory_space<vmem>> -> memref<1x128xi32, #tpu.memory_space<vmem>>
        %dma_start3A_323 = tpu.memref_squeeze %dma_start3A_322 : memref<1x128xi32, #tpu.memory_space<vmem>> -> memref<128xi32, #tpu.memory_space<vmem>>
        %dma_start3A_324 = arith.constant 0 : i32
        %dma_start3A_325 = arith.constant 0 : i32
        %dma_start3A_326 = tpu.memref_slice %arg9[%dma_start3A_324, %dma_start3A_325] : memref<10048x48xf32, #tpu.memory_space<vmem_shared>> -> memref<10048x48xf32, #tpu.memory_space<vmem_shared>>
        tpu.enqueue_indirect_dma source(%dma_start3A_320 : memref<128x48xf32, #tpu.memory_space<vmem>>) target(%dma_start3A_326 : memref<10048x48xf32, #tpu.memory_space<vmem_shared>>) offsets(%dma_start3A_323 : memref<128xi32, #tpu.memory_space<vmem>>) semaphore(%arg13 : memref<!tpu.dma_semaphore, #tpu.memory_space<semaphore_mem>>) {add = true}
        %add3A_327 = arith.constant 1 : i32
        %add3A_328 = arith.addi %add3A_285, %add3A_327 : i32
        %rem3A_329 = arith.constant 2 : i32
        %rem3A_330 = arith.remsi %add3A_328, %rem3A_329 : i32
        %eq3A_331 = arith.constant 0 : i32
        %eq3A_332 = arith.cmpi eq, %rem3A_330, %eq3A_331 : i32
        %convert_element_type3A_333 = arith.extui %eq3A_332 : i1 to i32
        %cond3A_334 = arith.constant 0 : i32
        %cond3A_335 = arith.cmpi ne, %convert_element_type3A_333, %cond3A_334 : i32
        scf.if %cond3A_335 {
          %dma_wait3A_341 = arith.constant 0 : i32
          %dma_wait3A_342 = arith.constant 0 : i32
          %dma_wait3A_343 = arith.constant 0 : i32
          %dma_wait3A_344 = arith.constant 0 : i32
          %dma_wait3A_345 = tpu.memref_slice %arg8[%dma_wait3A_342, %dma_wait3A_343, %dma_wait3A_344] : memref<3x128x48xf32, #tpu.memory_space<vmem>> -> memref<1x128x48xf32, #tpu.memory_space<vmem>>
          %dma_wait3A_346 = tpu.memref_squeeze %dma_wait3A_345 : memref<1x128x48xf32, #tpu.memory_space<vmem>> -> memref<128x48xf32, #tpu.memory_space<vmem>>
          %dma_wait3A_347 = arith.constant 0 : i32
          %dma_wait3A_348 = tpu.memref_slice %arg6[%dma_wait3A_341, %dma_wait3A_347] : memref<8x128xi32, #tpu.memory_space<vmem>> -> memref<1x128xi32, #tpu.memory_space<vmem>>
          %dma_wait3A_349 = tpu.memref_squeeze %dma_wait3A_348 : memref<1x128xi32, #tpu.memory_space<vmem>> -> memref<128xi32, #tpu.memory_space<vmem>>
          %dma_wait3A_350 = arith.constant 0 : i32
          %dma_wait3A_351 = arith.constant 0 : i32
          %dma_wait3A_352 = tpu.memref_slice %arg4[%dma_wait3A_350, %dma_wait3A_351] : memref<10000x48xf32, #tpu.memory_space<hbm>> -> memref<10000x48xf32, #tpu.memory_space<hbm>>
          tpu.wait_indirect_dma semaphore(%arg10 : memref<!tpu.dma_semaphore, #tpu.memory_space<semaphore_mem>>) src(%dma_wait3A_352 : memref<10000x48xf32, #tpu.memory_space<hbm>>) dst(%dma_wait3A_346 : memref<128x48xf32, #tpu.memory_space<vmem>>)
        } else {
        }
        %eq3A_336 = arith.constant 1 : i32
        %eq3A_337 = arith.cmpi eq, %rem3A_330, %eq3A_336 : i32
        %convert_element_type3A_338 = arith.extui %eq3A_337 : i1 to i32
        %cond3A_339 = arith.constant 0 : i32
        %cond3A_340 = arith.cmpi ne, %convert_element_type3A_338, %cond3A_339 : i32
        scf.if %cond3A_340 {
          %dma_wait3A_341 = arith.constant 0 : i32
          %dma_wait3A_342 = arith.constant 0 : i32
          %dma_wait3A_343 = arith.constant 0 : i32
          %dma_wait3A_344 = arith.constant 0 : i32
          %dma_wait3A_345 = tpu.memref_slice %arg8[%dma_wait3A_342, %dma_wait3A_343, %dma_wait3A_344] : memref<3x128x48xf32, #tpu.memory_space<vmem>> -> memref<1x128x48xf32, #tpu.memory_space<vmem>>
          %dma_wait3A_346 = tpu.memref_squeeze %dma_wait3A_345 : memref<1x128x48xf32, #tpu.memory_space<vmem>> -> memref<128x48xf32, #tpu.memory_space<vmem>>
          %dma_wait3A_347 = arith.constant 0 : i32
          %dma_wait3A_348 = tpu.memref_slice %arg6[%dma_wait3A_341, %dma_wait3A_347] : memref<8x128xi32, #tpu.memory_space<vmem>> -> memref<1x128xi32, #tpu.memory_space<vmem>>
          %dma_wait3A_349 = tpu.memref_squeeze %dma_wait3A_348 : memref<1x128xi32, #tpu.memory_space<vmem>> -> memref<128xi32, #tpu.memory_space<vmem>>
          %dma_wait3A_350 = arith.constant 0 : i32
          %dma_wait3A_351 = arith.constant 0 : i32
          %dma_wait3A_352 = tpu.memref_slice %arg4[%dma_wait3A_350, %dma_wait3A_351] : memref<10000x48xf32, #tpu.memory_space<hbm>> -> memref<10000x48xf32, #tpu.memory_space<hbm>>
          tpu.wait_indirect_dma semaphore(%arg11 : memref<!tpu.dma_semaphore, #tpu.memory_space<semaphore_mem>>) src(%dma_wait3A_352 : memref<10000x48xf32, #tpu.memory_space<hbm>>) dst(%dma_wait3A_346 : memref<128x48xf32, #tpu.memory_space<vmem>>)
        } else {
        }
      }
      %dma_wait3A_154 = arith.constant 0 : i32
      %dma_wait3A_155 = tpu.memref_slice %arg6[%mul3A_121, %dma_wait3A_154] : memref<8x128xi32, #tpu.memory_space<vmem>> -> memref<4x128xi32, #tpu.memory_space<vmem>>
      %dma_wait3A_156 = arith.constant 0 : i32
      %dma_wait3A_157 = tpu.memref_slice %arg2[%add3A, %multiple_of3A, %dma_wait3A_156] : memref<32x80x128xi32, #tpu.memory_space<hbm>> -> memref<1x4x128xi32, #tpu.memory_space<hbm>>
      %dma_wait3A_158 = tpu.memref_squeeze %dma_wait3A_157 : memref<1x4x128xi32, #tpu.memory_space<hbm>> -> memref<4x128xi32, #tpu.memory_space<hbm>>
      %dma_wait3A_159 = arith.constant 0 : i32
      %dma_wait3A_160 = tpu.memref_slice %arg6[%mul3A_121, %dma_wait3A_159] : memref<8x128xi32, #tpu.memory_space<vmem>> -> memref<4x128xi32, #tpu.memory_space<vmem>>
      %dma_wait3A_161 = arith.constant 0 : i32
      %dma_wait3A_162 = tpu.memref_slice %arg2[%add3A, %multiple_of3A, %dma_wait3A_161] : memref<32x80x128xi32, #tpu.memory_space<hbm>> -> memref<1x4x128xi32, #tpu.memory_space<hbm>>
      %dma_wait3A_163 = tpu.memref_squeeze %dma_wait3A_162 : memref<1x4x128xi32, #tpu.memory_space<hbm>> -> memref<4x128xi32, #tpu.memory_space<hbm>>
      tpu.wait_dma2 semaphore(%arg12 : memref<!tpu.dma_semaphore, #tpu.memory_space<semaphore_mem>>) src(%dma_wait3A_163 : memref<4x128xi32, #tpu.memory_space<hbm>>) dst(%dma_wait3A_160 : memref<4x128xi32, #tpu.memory_space<vmem>>)
      %dma_wait3A_164 = arith.constant 0 : i32
      %dma_wait3A_165 = tpu.memref_slice %arg7[%mul3A_121, %dma_wait3A_164] : memref<8x128xi32, #tpu.memory_space<vmem>> -> memref<4x128xi32, #tpu.memory_space<vmem>>
      %dma_wait3A_166 = arith.constant 0 : i32
      %dma_wait3A_167 = tpu.memref_slice %arg3[%add3A, %multiple_of3A, %dma_wait3A_166] : memref<32x80x128xi32, #tpu.memory_space<hbm>> -> memref<1x4x128xi32, #tpu.memory_space<hbm>>
      %dma_wait3A_168 = tpu.memref_squeeze %dma_wait3A_167 : memref<1x4x128xi32, #tpu.memory_space<hbm>> -> memref<4x128xi32, #tpu.memory_space<hbm>>
      %dma_wait3A_169 = arith.constant 0 : i32
      %dma_wait3A_170 = tpu.memref_slice %arg7[%mul3A_121, %dma_wait3A_169] : memref<8x128xi32, #tpu.memory_space<vmem>> -> memref<4x128xi32, #tpu.memory_space<vmem>>
      %dma_wait3A_171 = arith.constant 0 : i32
      %dma_wait3A_172 = tpu.memref_slice %arg3[%add3A, %multiple_of3A, %dma_wait3A_171] : memref<32x80x128xi32, #tpu.memory_space<hbm>> -> memref<1x4x128xi32, #tpu.memory_space<hbm>>
      %dma_wait3A_173 = tpu.memref_squeeze %dma_wait3A_172 : memref<1x4x128xi32, #tpu.memory_space<hbm>> -> memref<4x128xi32, #tpu.memory_space<hbm>>
      tpu.wait_dma2 semaphore(%arg12 : memref<!tpu.dma_semaphore, #tpu.memory_space<semaphore_mem>>) src(%dma_wait3A_173 : memref<4x128xi32, #tpu.memory_space<hbm>>) dst(%dma_wait3A_170 : memref<4x128xi32, #tpu.memory_space<vmem>>)
      %add3A_174 = arith.constant 2 : i32
      %add3A_175 = arith.addi %mul3A_143, %add3A_174 : i32
      %rem3A_176 = arith.constant 8 : i32
      %rem3A_177 = arith.remsi %add3A_175, %rem3A_176 : i32
      %add3A_178 = arith.constant 2 : i32
      %add3A_179 = arith.addi %add3A_175, %add3A_178 : i32
      %rem3A_180 = arith.constant 8 : i32
      %rem3A_181 = arith.remsi %add3A_179, %rem3A_180 : i32
      %rem3A_182 = arith.constant 3 : i32
      %rem3A_183 = arith.remsi %add3A_175, %rem3A_182 : i32
      %add3A_184 = arith.constant 2 : i32
      %add3A_185 = arith.addi %add3A_175, %add3A_184 : i32
      %rem3A_186 = arith.constant 3 : i32
      %rem3A_187 = arith.remsi %add3A_185, %rem3A_186 : i32
      %add3A_188 = arith.constant 2 : i32
      %add3A_189 = arith.addi %add3A_175, %add3A_188 : i32
      %rem3A_190 = arith.constant 2 : i32
      %rem3A_191 = arith.remsi %add3A_189, %rem3A_190 : i32
      %gt3A = arith.constant 0 : i32
      %gt3A_192 = arith.cmpi sgt, %add3A_175, %gt3A : i32
      %convert_element_type3A = arith.extui %gt3A_192 : i1 to i32
      %cond3A = arith.constant 0 : i32
      %cond3A_193 = arith.cmpi ne, %convert_element_type3A, %cond3A : i32
      scf.if %cond3A_193 {
        %dma_wait3A_284 = arith.constant 0 : i32
        %dma_wait3A_285 = arith.constant 0 : i32
        %dma_wait3A_286 = tpu.memref_slice %arg8[%rem3A_183, %dma_wait3A_284, %dma_wait3A_285] : memref<3x128x48xf32, #tpu.memory_space<vmem>> -> memref<1x128x48xf32, #tpu.memory_space<vmem>>
        %dma_wait3A_287 = tpu.memref_squeeze %dma_wait3A_286 : memref<1x128x48xf32, #tpu.memory_space<vmem>> -> memref<128x48xf32, #tpu.memory_space<vmem>>
        %dma_wait3A_288 = arith.constant 0 : i32
        %dma_wait3A_289 = tpu.memref_slice %arg7[%rem3A_177, %dma_wait3A_288] : memref<8x128xi32, #tpu.memory_space<vmem>> -> memref<1x128xi32, #tpu.memory_space<vmem>>
        %dma_wait3A_290 = tpu.memref_squeeze %dma_wait3A_289 : memref<1x128xi32, #tpu.memory_space<vmem>> -> memref<128xi32, #tpu.memory_space<vmem>>
        %dma_wait3A_291 = arith.constant 0 : i32
        %dma_wait3A_292 = arith.constant 0 : i32
        %dma_wait3A_293 = tpu.memref_slice %arg9[%dma_wait3A_291, %dma_wait3A_292] : memref<10048x48xf32, #tpu.memory_space<vmem_shared>> -> memref<10048x48xf32, #tpu.memory_space<vmem_shared>>
        tpu.wait_indirect_dma semaphore(%arg13 : memref<!tpu.dma_semaphore, #tpu.memory_space<semaphore_mem>>) src(%dma_wait3A_287 : memref<128x48xf32, #tpu.memory_space<vmem>>) dst(%dma_wait3A_293 : memref<10048x48xf32, #tpu.memory_space<vmem_shared>>)
      } else {
      }
      %eq3A = arith.constant 0 : i32
      %eq3A_194 = arith.cmpi eq, %rem3A_191, %eq3A : i32
      %convert_element_type3A_195 = arith.extui %eq3A_194 : i1 to i32
      %cond3A_196 = arith.constant 0 : i32
      %cond3A_197 = arith.cmpi ne, %convert_element_type3A_195, %cond3A_196 : i32
      scf.if %cond3A_197 {
        %dma_start3A_284 = arith.constant 0 : i32
        %dma_start3A_285 = arith.constant 0 : i32
        %dma_start3A_286 = tpu.memref_slice %arg8[%rem3A_187, %dma_start3A_284, %dma_start3A_285] : memref<3x128x48xf32, #tpu.memory_space<vmem>> -> memref<1x128x48xf32, #tpu.memory_space<vmem>>
        %dma_start3A_287 = tpu.memref_squeeze %dma_start3A_286 : memref<1x128x48xf32, #tpu.memory_space<vmem>> -> memref<128x48xf32, #tpu.memory_space<vmem>>
        %dma_start3A_288 = arith.constant 0 : i32
        %dma_start3A_289 = tpu.memref_slice %arg6[%rem3A_181, %dma_start3A_288] : memref<8x128xi32, #tpu.memory_space<vmem>> -> memref<1x128xi32, #tpu.memory_space<vmem>>
        %dma_start3A_290 = tpu.memref_squeeze %dma_start3A_289 : memref<1x128xi32, #tpu.memory_space<vmem>> -> memref<128xi32, #tpu.memory_space<vmem>>
        %dma_start3A_291 = arith.constant 0 : i32
        %dma_start3A_292 = arith.constant 0 : i32
        %dma_start3A_293 = tpu.memref_slice %arg4[%dma_start3A_291, %dma_start3A_292] : memref<10000x48xf32, #tpu.memory_space<hbm>> -> memref<10000x48xf32, #tpu.memory_space<hbm>>
        tpu.enqueue_indirect_dma source(%dma_start3A_293 : memref<10000x48xf32, #tpu.memory_space<hbm>>) target(%dma_start3A_287 : memref<128x48xf32, #tpu.memory_space<vmem>>) offsets(%dma_start3A_290 : memref<128xi32, #tpu.memory_space<vmem>>) semaphore(%arg10 : memref<!tpu.dma_semaphore, #tpu.memory_space<semaphore_mem>>)
      } else {
      }
      %eq3A_198 = arith.constant 1 : i32
      %eq3A_199 = arith.cmpi eq, %rem3A_191, %eq3A_198 : i32
      %convert_element_type3A_200 = arith.extui %eq3A_199 : i1 to i32
      %cond3A_201 = arith.constant 0 : i32
      %cond3A_202 = arith.cmpi ne, %convert_element_type3A_200, %cond3A_201 : i32
      scf.if %cond3A_202 {
        %dma_start3A_284 = arith.constant 0 : i32
        %dma_start3A_285 = arith.constant 0 : i32
        %dma_start3A_286 = tpu.memref_slice %arg8[%rem3A_187, %dma_start3A_284, %dma_start3A_285] : memref<3x128x48xf32, #tpu.memory_space<vmem>> -> memref<1x128x48xf32, #tpu.memory_space<vmem>>
        %dma_start3A_287 = tpu.memref_squeeze %dma_start3A_286 : memref<1x128x48xf32, #tpu.memory_space<vmem>> -> memref<128x48xf32, #tpu.memory_space<vmem>>
        %dma_start3A_288 = arith.constant 0 : i32
        %dma_start3A_289 = tpu.memref_slice %arg6[%rem3A_181, %dma_start3A_288] : memref<8x128xi32, #tpu.memory_space<vmem>> -> memref<1x128xi32, #tpu.memory_space<vmem>>
        %dma_start3A_290 = tpu.memref_squeeze %dma_start3A_289 : memref<1x128xi32, #tpu.memory_space<vmem>> -> memref<128xi32, #tpu.memory_space<vmem>>
        %dma_start3A_291 = arith.constant 0 : i32
        %dma_start3A_292 = arith.constant 0 : i32
        %dma_start3A_293 = tpu.memref_slice %arg4[%dma_start3A_291, %dma_start3A_292] : memref<10000x48xf32, #tpu.memory_space<hbm>> -> memref<10000x48xf32, #tpu.memory_space<hbm>>
        tpu.enqueue_indirect_dma source(%dma_start3A_293 : memref<10000x48xf32, #tpu.memory_space<hbm>>) target(%dma_start3A_287 : memref<128x48xf32, #tpu.memory_space<vmem>>) offsets(%dma_start3A_290 : memref<128xi32, #tpu.memory_space<vmem>>) semaphore(%arg11 : memref<!tpu.dma_semaphore, #tpu.memory_space<semaphore_mem>>)
      } else {
      }
      %dma_start3A_203 = arith.constant 0 : i32
      %dma_start3A_204 = arith.constant 0 : i32
      %dma_start3A_205 = tpu.memref_slice %arg8[%rem3A_183, %dma_start3A_203, %dma_start3A_204] : memref<3x128x48xf32, #tpu.memory_space<vmem>> -> memref<1x128x48xf32, #tpu.memory_space<vmem>>
      %dma_start3A_206 = tpu.memref_squeeze %dma_start3A_205 : memref<1x128x48xf32, #tpu.memory_space<vmem>> -> memref<128x48xf32, #tpu.memory_space<vmem>>
      %dma_start3A_207 = arith.constant 0 : i32
      %dma_start3A_208 = tpu.memref_slice %arg7[%rem3A_177, %dma_start3A_207] : memref<8x128xi32, #tpu.memory_space<vmem>> -> memref<1x128xi32, #tpu.memory_space<vmem>>
      %dma_start3A_209 = tpu.memref_squeeze %dma_start3A_208 : memref<1x128xi32, #tpu.memory_space<vmem>> -> memref<128xi32, #tpu.memory_space<vmem>>
      %dma_start3A_210 = arith.constant 0 : i32
      %dma_start3A_211 = arith.constant 0 : i32
      %dma_start3A_212 = tpu.memref_slice %arg9[%dma_start3A_210, %dma_start3A_211] : memref<10048x48xf32, #tpu.memory_space<vmem_shared>> -> memref<10048x48xf32, #tpu.memory_space<vmem_shared>>
      tpu.enqueue_indirect_dma source(%dma_start3A_206 : memref<128x48xf32, #tpu.memory_space<vmem>>) target(%dma_start3A_212 : memref<10048x48xf32, #tpu.memory_space<vmem_shared>>) offsets(%dma_start3A_209 : memref<128xi32, #tpu.memory_space<vmem>>) semaphore(%arg13 : memref<!tpu.dma_semaphore, #tpu.memory_space<semaphore_mem>>) {add = true}
      %add3A_213 = arith.constant 1 : i32
      %add3A_214 = arith.addi %add3A_175, %add3A_213 : i32
      %rem3A_215 = arith.constant 2 : i32
      %rem3A_216 = arith.remsi %add3A_214, %rem3A_215 : i32
      %eq3A_217 = arith.constant 0 : i32
      %eq3A_218 = arith.cmpi eq, %rem3A_216, %eq3A_217 : i32
      %convert_element_type3A_219 = arith.extui %eq3A_218 : i1 to i32
      %cond3A_220 = arith.constant 0 : i32
      %cond3A_221 = arith.cmpi ne, %convert_element_type3A_219, %cond3A_220 : i32
      scf.if %cond3A_221 {
        %dma_wait3A_284 = arith.constant 0 : i32
        %dma_wait3A_285 = arith.constant 0 : i32
        %dma_wait3A_286 = arith.constant 0 : i32
        %dma_wait3A_287 = arith.constant 0 : i32
        %dma_wait3A_288 = tpu.memref_slice %arg8[%dma_wait3A_285, %dma_wait3A_286, %dma_wait3A_287] : memref<3x128x48xf32, #tpu.memory_space<vmem>> -> memref<1x128x48xf32, #tpu.memory_space<vmem>>
        %dma_wait3A_289 = tpu.memref_squeeze %dma_wait3A_288 : memref<1x128x48xf32, #tpu.memory_space<vmem>> -> memref<128x48xf32, #tpu.memory_space<vmem>>
        %dma_wait3A_290 = arith.constant 0 : i32
        %dma_wait3A_291 = tpu.memref_slice %arg6[%dma_wait3A_284, %dma_wait3A_290] : memref<8x128xi32, #tpu.memory_space<vmem>> -> memref<1x128xi32, #tpu.memory_space<vmem>>
        %dma_wait3A_292 = tpu.memref_squeeze %dma_wait3A_291 : memref<1x128xi32, #tpu.memory_space<vmem>> -> memref<128xi32, #tpu.memory_space<vmem>>
        %dma_wait3A_293 = arith.constant 0 : i32
        %dma_wait3A_294 = arith.constant 0 : i32
        %dma_wait3A_295 = tpu.memref_slice %arg4[%dma_wait3A_293, %dma_wait3A_294] : memref<10000x48xf32, #tpu.memory_space<hbm>> -> memref<10000x48xf32, #tpu.memory_space<hbm>>
        tpu.wait_indirect_dma semaphore(%arg10 : memref<!tpu.dma_semaphore, #tpu.memory_space<semaphore_mem>>) src(%dma_wait3A_295 : memref<10000x48xf32, #tpu.memory_space<hbm>>) dst(%dma_wait3A_289 : memref<128x48xf32, #tpu.memory_space<vmem>>)
      } else {
      }
      %eq3A_222 = arith.constant 1 : i32
      %eq3A_223 = arith.cmpi eq, %rem3A_216, %eq3A_222 : i32
      %convert_element_type3A_224 = arith.extui %eq3A_223 : i1 to i32
      %cond3A_225 = arith.constant 0 : i32
      %cond3A_226 = arith.cmpi ne, %convert_element_type3A_224, %cond3A_225 : i32
      scf.if %cond3A_226 {
        %dma_wait3A_284 = arith.constant 0 : i32
        %dma_wait3A_285 = arith.constant 0 : i32
        %dma_wait3A_286 = arith.constant 0 : i32
        %dma_wait3A_287 = arith.constant 0 : i32
        %dma_wait3A_288 = tpu.memref_slice %arg8[%dma_wait3A_285, %dma_wait3A_286, %dma_wait3A_287] : memref<3x128x48xf32, #tpu.memory_space<vmem>> -> memref<1x128x48xf32, #tpu.memory_space<vmem>>
        %dma_wait3A_289 = tpu.memref_squeeze %dma_wait3A_288 : memref<1x128x48xf32, #tpu.memory_space<vmem>> -> memref<128x48xf32, #tpu.memory_space<vmem>>
        %dma_wait3A_290 = arith.constant 0 : i32
        %dma_wait3A_291 = tpu.memref_slice %arg6[%dma_wait3A_284, %dma_wait3A_290] : memref<8x128xi32, #tpu.memory_space<vmem>> -> memref<1x128xi32, #tpu.memory_space<vmem>>
        %dma_wait3A_292 = tpu.memref_squeeze %dma_wait3A_291 : memref<1x128xi32, #tpu.memory_space<vmem>> -> memref<128xi32, #tpu.memory_space<vmem>>
        %dma_wait3A_293 = arith.constant 0 : i32
        %dma_wait3A_294 = arith.constant 0 : i32
        %dma_wait3A_295 = tpu.memref_slice %arg4[%dma_wait3A_293, %dma_wait3A_294] : memref<10000x48xf32, #tpu.memory_space<hbm>> -> memref<10000x48xf32, #tpu.memory_space<hbm>>
        tpu.wait_indirect_dma semaphore(%arg11 : memref<!tpu.dma_semaphore, #tpu.memory_space<semaphore_mem>>) src(%dma_wait3A_295 : memref<10000x48xf32, #tpu.memory_space<hbm>>) dst(%dma_wait3A_289 : memref<128x48xf32, #tpu.memory_space<vmem>>)
      } else {
      }
      %add3A_227 = arith.constant 3 : i32
      %add3A_228 = arith.addi %mul3A_143, %add3A_227 : i32
      %rem3A_229 = arith.constant 8 : i32
      %rem3A_230 = arith.remsi %add3A_228, %rem3A_229 : i32
      %add3A_231 = arith.constant 2 : i32
      %add3A_232 = arith.addi %add3A_228, %add3A_231 : i32
      %rem3A_233 = arith.constant 8 : i32
      %rem3A_234 = arith.remsi %add3A_232, %rem3A_233 : i32
      %rem3A_235 = arith.constant 3 : i32
      %rem3A_236 = arith.remsi %add3A_228, %rem3A_235 : i32
      %add3A_237 = arith.constant 2 : i32
      %add3A_238 = arith.addi %add3A_228, %add3A_237 : i32
      %rem3A_239 = arith.constant 3 : i32
      %rem3A_240 = arith.remsi %add3A_238, %rem3A_239 : i32
      %add3A_241 = arith.constant 2 : i32
      %add3A_242 = arith.addi %add3A_228, %add3A_241 : i32
      %rem3A_243 = arith.constant 2 : i32
      %rem3A_244 = arith.remsi %add3A_242, %rem3A_243 : i32
      %gt3A_245 = arith.constant 0 : i32
      %gt3A_246 = arith.cmpi sgt, %add3A_228, %gt3A_245 : i32
      %convert_element_type3A_247 = arith.extui %gt3A_246 : i1 to i32
      %cond3A_248 = arith.constant 0 : i32
      %cond3A_249 = arith.cmpi ne, %convert_element_type3A_247, %cond3A_248 : i32
      scf.if %cond3A_249 {
        %dma_wait3A_284 = arith.constant 0 : i32
        %dma_wait3A_285 = arith.constant 0 : i32
        %dma_wait3A_286 = tpu.memref_slice %arg8[%rem3A_236, %dma_wait3A_284, %dma_wait3A_285] : memref<3x128x48xf32, #tpu.memory_space<vmem>> -> memref<1x128x48xf32, #tpu.memory_space<vmem>>
        %dma_wait3A_287 = tpu.memref_squeeze %dma_wait3A_286 : memref<1x128x48xf32, #tpu.memory_space<vmem>> -> memref<128x48xf32, #tpu.memory_space<vmem>>
        %dma_wait3A_288 = arith.constant 0 : i32
        %dma_wait3A_289 = tpu.memref_slice %arg7[%rem3A_230, %dma_wait3A_288] : memref<8x128xi32, #tpu.memory_space<vmem>> -> memref<1x128xi32, #tpu.memory_space<vmem>>
        %dma_wait3A_290 = tpu.memref_squeeze %dma_wait3A_289 : memref<1x128xi32, #tpu.memory_space<vmem>> -> memref<128xi32, #tpu.memory_space<vmem>>
        %dma_wait3A_291 = arith.constant 0 : i32
        %dma_wait3A_292 = arith.constant 0 : i32
        %dma_wait3A_293 = tpu.memref_slice %arg9[%dma_wait3A_291, %dma_wait3A_292] : memref<10048x48xf32, #tpu.memory_space<vmem_shared>> -> memref<10048x48xf32, #tpu.memory_space<vmem_shared>>
        tpu.wait_indirect_dma semaphore(%arg13 : memref<!tpu.dma_semaphore, #tpu.memory_space<semaphore_mem>>) src(%dma_wait3A_287 : memref<128x48xf32, #tpu.memory_space<vmem>>) dst(%dma_wait3A_293 : memref<10048x48xf32, #tpu.memory_space<vmem_shared>>)
      } else {
      }
      %eq3A_250 = arith.constant 0 : i32
      %eq3A_251 = arith.cmpi eq, %rem3A_244, %eq3A_250 : i32
      %convert_element_type3A_252 = arith.extui %eq3A_251 : i1 to i32
      %cond3A_253 = arith.constant 0 : i32
      %cond3A_254 = arith.cmpi ne, %convert_element_type3A_252, %cond3A_253 : i32
      scf.if %cond3A_254 {
        %dma_start3A_284 = arith.constant 0 : i32
        %dma_start3A_285 = arith.constant 0 : i32
        %dma_start3A_286 = tpu.memref_slice %arg8[%rem3A_240, %dma_start3A_284, %dma_start3A_285] : memref<3x128x48xf32, #tpu.memory_space<vmem>> -> memref<1x128x48xf32, #tpu.memory_space<vmem>>
        %dma_start3A_287 = tpu.memref_squeeze %dma_start3A_286 : memref<1x128x48xf32, #tpu.memory_space<vmem>> -> memref<128x48xf32, #tpu.memory_space<vmem>>
        %dma_start3A_288 = arith.constant 0 : i32
        %dma_start3A_289 = tpu.memref_slice %arg6[%rem3A_234, %dma_start3A_288] : memref<8x128xi32, #tpu.memory_space<vmem>> -> memref<1x128xi32, #tpu.memory_space<vmem>>
        %dma_start3A_290 = tpu.memref_squeeze %dma_start3A_289 : memref<1x128xi32, #tpu.memory_space<vmem>> -> memref<128xi32, #tpu.memory_space<vmem>>
        %dma_start3A_291 = arith.constant 0 : i32
        %dma_start3A_292 = arith.constant 0 : i32
        %dma_start3A_293 = tpu.memref_slice %arg4[%dma_start3A_291, %dma_start3A_292] : memref<10000x48xf32, #tpu.memory_space<hbm>> -> memref<10000x48xf32, #tpu.memory_space<hbm>>
        tpu.enqueue_indirect_dma source(%dma_start3A_293 : memref<10000x48xf32, #tpu.memory_space<hbm>>) target(%dma_start3A_287 : memref<128x48xf32, #tpu.memory_space<vmem>>) offsets(%dma_start3A_290 : memref<128xi32, #tpu.memory_space<vmem>>) semaphore(%arg10 : memref<!tpu.dma_semaphore, #tpu.memory_space<semaphore_mem>>)
      } else {
      }
      %eq3A_255 = arith.constant 1 : i32
      %eq3A_256 = arith.cmpi eq, %rem3A_244, %eq3A_255 : i32
      %convert_element_type3A_257 = arith.extui %eq3A_256 : i1 to i32
      %cond3A_258 = arith.constant 0 : i32
      %cond3A_259 = arith.cmpi ne, %convert_element_type3A_257, %cond3A_258 : i32
      scf.if %cond3A_259 {
        %dma_start3A_284 = arith.constant 0 : i32
        %dma_start3A_285 = arith.constant 0 : i32
        %dma_start3A_286 = tpu.memref_slice %arg8[%rem3A_240, %dma_start3A_284, %dma_start3A_285] : memref<3x128x48xf32, #tpu.memory_space<vmem>> -> memref<1x128x48xf32, #tpu.memory_space<vmem>>
        %dma_start3A_287 = tpu.memref_squeeze %dma_start3A_286 : memref<1x128x48xf32, #tpu.memory_space<vmem>> -> memref<128x48xf32, #tpu.memory_space<vmem>>
        %dma_start3A_288 = arith.constant 0 : i32
        %dma_start3A_289 = tpu.memref_slice %arg6[%rem3A_234, %dma_start3A_288] : memref<8x128xi32, #tpu.memory_space<vmem>> -> memref<1x128xi32, #tpu.memory_space<vmem>>
        %dma_start3A_290 = tpu.memref_squeeze %dma_start3A_289 : memref<1x128xi32, #tpu.memory_space<vmem>> -> memref<128xi32, #tpu.memory_space<vmem>>
        %dma_start3A_291 = arith.constant 0 : i32
        %dma_start3A_292 = arith.constant 0 : i32
        %dma_start3A_293 = tpu.memref_slice %arg4[%dma_start3A_291, %dma_start3A_292] : memref<10000x48xf32, #tpu.memory_space<hbm>> -> memref<10000x48xf32, #tpu.memory_space<hbm>>
        tpu.enqueue_indirect_dma source(%dma_start3A_293 : memref<10000x48xf32, #tpu.memory_space<hbm>>) target(%dma_start3A_287 : memref<128x48xf32, #tpu.memory_space<vmem>>) offsets(%dma_start3A_290 : memref<128xi32, #tpu.memory_space<vmem>>) semaphore(%arg11 : memref<!tpu.dma_semaphore, #tpu.memory_space<semaphore_mem>>)
      } else {
      }
      %dma_start3A_260 = arith.constant 0 : i32
      %dma_start3A_261 = arith.constant 0 : i32
      %dma_start3A_262 = tpu.memref_slice %arg8[%rem3A_236, %dma_start3A_260, %dma_start3A_261] : memref<3x128x48xf32, #tpu.memory_space<vmem>> -> memref<1x128x48xf32, #tpu.memory_space<vmem>>
      %dma_start3A_263 = tpu.memref_squeeze %dma_start3A_262 : memref<1x128x48xf32, #tpu.memory_space<vmem>> -> memref<128x48xf32, #tpu.memory_space<vmem>>
      %dma_start3A_264 = arith.constant 0 : i32
      %dma_start3A_265 = tpu.memref_slice %arg7[%rem3A_230, %dma_start3A_264] : memref<8x128xi32, #tpu.memory_space<vmem>> -> memref<1x128xi32, #tpu.memory_space<vmem>>
      %dma_start3A_266 = tpu.memref_squeeze %dma_start3A_265 : memref<1x128xi32, #tpu.memory_space<vmem>> -> memref<128xi32, #tpu.memory_space<vmem>>
      %dma_start3A_267 = arith.constant 0 : i32
      %dma_start3A_268 = arith.constant 0 : i32
      %dma_start3A_269 = tpu.memref_slice %arg9[%dma_start3A_267, %dma_start3A_268] : memref<10048x48xf32, #tpu.memory_space<vmem_shared>> -> memref<10048x48xf32, #tpu.memory_space<vmem_shared>>
      tpu.enqueue_indirect_dma source(%dma_start3A_263 : memref<128x48xf32, #tpu.memory_space<vmem>>) target(%dma_start3A_269 : memref<10048x48xf32, #tpu.memory_space<vmem_shared>>) offsets(%dma_start3A_266 : memref<128xi32, #tpu.memory_space<vmem>>) semaphore(%arg13 : memref<!tpu.dma_semaphore, #tpu.memory_space<semaphore_mem>>) {add = true}
      %add3A_270 = arith.constant 1 : i32
      %add3A_271 = arith.addi %add3A_228, %add3A_270 : i32
      %rem3A_272 = arith.constant 2 : i32
      %rem3A_273 = arith.remsi %add3A_271, %rem3A_272 : i32
      %eq3A_274 = arith.constant 0 : i32
      %eq3A_275 = arith.cmpi eq, %rem3A_273, %eq3A_274 : i32
      %convert_element_type3A_276 = arith.extui %eq3A_275 : i1 to i32
      %cond3A_277 = arith.constant 0 : i32
      %cond3A_278 = arith.cmpi ne, %convert_element_type3A_276, %cond3A_277 : i32
      scf.if %cond3A_278 {
        %dma_wait3A_284 = arith.constant 0 : i32
        %dma_wait3A_285 = arith.constant 0 : i32
        %dma_wait3A_286 = arith.constant 0 : i32
        %dma_wait3A_287 = arith.constant 0 : i32
        %dma_wait3A_288 = tpu.memref_slice %arg8[%dma_wait3A_285, %dma_wait3A_286, %dma_wait3A_287] : memref<3x128x48xf32, #tpu.memory_space<vmem>> -> memref<1x128x48xf32, #tpu.memory_space<vmem>>
        %dma_wait3A_289 = tpu.memref_squeeze %dma_wait3A_288 : memref<1x128x48xf32, #tpu.memory_space<vmem>> -> memref<128x48xf32, #tpu.memory_space<vmem>>
        %dma_wait3A_290 = arith.constant 0 : i32
        %dma_wait3A_291 = tpu.memref_slice %arg6[%dma_wait3A_284, %dma_wait3A_290] : memref<8x128xi32, #tpu.memory_space<vmem>> -> memref<1x128xi32, #tpu.memory_space<vmem>>
        %dma_wait3A_292 = tpu.memref_squeeze %dma_wait3A_291 : memref<1x128xi32, #tpu.memory_space<vmem>> -> memref<128xi32, #tpu.memory_space<vmem>>
        %dma_wait3A_293 = arith.constant 0 : i32
        %dma_wait3A_294 = arith.constant 0 : i32
        %dma_wait3A_295 = tpu.memref_slice %arg4[%dma_wait3A_293, %dma_wait3A_294] : memref<10000x48xf32, #tpu.memory_space<hbm>> -> memref<10000x48xf32, #tpu.memory_space<hbm>>
        tpu.wait_indirect_dma semaphore(%arg10 : memref<!tpu.dma_semaphore, #tpu.memory_space<semaphore_mem>>) src(%dma_wait3A_295 : memref<10000x48xf32, #tpu.memory_space<hbm>>) dst(%dma_wait3A_289 : memref<128x48xf32, #tpu.memory_space<vmem>>)
      } else {
      }
      %eq3A_279 = arith.constant 1 : i32
      %eq3A_280 = arith.cmpi eq, %rem3A_273, %eq3A_279 : i32
      %convert_element_type3A_281 = arith.extui %eq3A_280 : i1 to i32
      %cond3A_282 = arith.constant 0 : i32
      %cond3A_283 = arith.cmpi ne, %convert_element_type3A_281, %cond3A_282 : i32
      scf.if %cond3A_283 {
        %dma_wait3A_284 = arith.constant 0 : i32
        %dma_wait3A_285 = arith.constant 0 : i32
        %dma_wait3A_286 = arith.constant 0 : i32
        %dma_wait3A_287 = arith.constant 0 : i32
        %dma_wait3A_288 = tpu.memref_slice %arg8[%dma_wait3A_285, %dma_wait3A_286, %dma_wait3A_287] : memref<3x128x48xf32, #tpu.memory_space<vmem>> -> memref<1x128x48xf32, #tpu.memory_space<vmem>>
        %dma_wait3A_289 = tpu.memref_squeeze %dma_wait3A_288 : memref<1x128x48xf32, #tpu.memory_space<vmem>> -> memref<128x48xf32, #tpu.memory_space<vmem>>
        %dma_wait3A_290 = arith.constant 0 : i32
        %dma_wait3A_291 = tpu.memref_slice %arg6[%dma_wait3A_284, %dma_wait3A_290] : memref<8x128xi32, #tpu.memory_space<vmem>> -> memref<1x128xi32, #tpu.memory_space<vmem>>
        %dma_wait3A_292 = tpu.memref_squeeze %dma_wait3A_291 : memref<1x128xi32, #tpu.memory_space<vmem>> -> memref<128xi32, #tpu.memory_space<vmem>>
        %dma_wait3A_293 = arith.constant 0 : i32
        %dma_wait3A_294 = arith.constant 0 : i32
        %dma_wait3A_295 = tpu.memref_slice %arg4[%dma_wait3A_293, %dma_wait3A_294] : memref<10000x48xf32, #tpu.memory_space<hbm>> -> memref<10000x48xf32, #tpu.memory_space<hbm>>
        tpu.wait_indirect_dma semaphore(%arg11 : memref<!tpu.dma_semaphore, #tpu.memory_space<semaphore_mem>>) src(%dma_wait3A_295 : memref<10000x48xf32, #tpu.memory_space<hbm>>) dst(%dma_wait3A_289 : memref<128x48xf32, #tpu.memory_space<vmem>>)
      } else {
      }
    }
    %while3A_70 = arith.constant 1 : i32
    scf.for %while3A_106 = %while3A_68 to %while3A_64 step %while3A_70  : i32 {
      %rem3A_107 = arith.constant 2 : i32
      %rem3A_108 = arith.remsi %while3A_106, %rem3A_107 : i32
      %add3A_109 = arith.constant 1 : i32
      %add3A_110 = arith.addi %while3A_106, %add3A_109 : i32
      %lt3A = arith.constant 20 : i32
      %lt3A_111 = arith.cmpi slt, %add3A_110, %lt3A : i32
      %add3A_112 = arith.constant 1 : i32
      %add3A_113 = arith.addi %while3A_106, %add3A_112 : i32
      %jit3A_114 = arith.constant 0 : i32
      %select_n3A_115 = arith.select %lt3A_111, %add3A_113, %jit3A_114 : i32
      %mul3A_116 = arith.constant 4 : i32
      %mul3A_117 = arith.muli %select_n3A_115, %mul3A_116 : i32
      %multiple_of3A = tpu.assume_multiple %mul3A_117, 4 : i32
      %sub3A_118 = arith.constant 1 : i32
      %sub3A_119 = arith.subi %sub3A_118, %rem3A_108 : i32
      %mul3A_120 = arith.constant 4 : i32
      %mul3A_121 = arith.muli %sub3A_119, %mul3A_120 : i32
      %dma_start3A_122 = arith.constant 0 : i32
      %dma_start3A_123 = tpu.memref_slice %arg6[%mul3A_121, %dma_start3A_122] : memref<8x128xi32, #tpu.memory_space<vmem>> -> memref<4x128xi32, #tpu.memory_space<vmem>>
      %dma_start3A_124 = arith.constant 0 : i32
      %dma_start3A_125 = tpu.memref_slice %arg2[%add3A, %multiple_of3A, %dma_start3A_124] : memref<32x80x128xi32, #tpu.memory_space<hbm>> -> memref<1x4x128xi32, #tpu.memory_space<hbm>>
      %dma_start3A_126 = tpu.memref_squeeze %dma_start3A_125 : memref<1x4x128xi32, #tpu.memory_space<hbm>> -> memref<4x128xi32, #tpu.memory_space<hbm>>
      %dma_start3A_127 = arith.constant 0 : i32
      %dma_start3A_128 = tpu.memref_slice %arg6[%mul3A_121, %dma_start3A_127] : memref<8x128xi32, #tpu.memory_space<vmem>> -> memref<4x128xi32, #tpu.memory_space<vmem>>
      %dma_start3A_129 = arith.constant 0 : i32
      %dma_start3A_130 = tpu.memref_slice %arg2[%add3A, %multiple_of3A, %dma_start3A_129] : memref<32x80x128xi32, #tpu.memory_space<hbm>> -> memref<1x4x128xi32, #tpu.memory_space<hbm>>
      %dma_start3A_131 = tpu.memref_squeeze %dma_start3A_130 : memref<1x4x128xi32, #tpu.memory_space<hbm>> -> memref<4x128xi32, #tpu.memory_space<hbm>>
      tpu.enqueue_dma source(%dma_start3A_131 : memref<4x128xi32, #tpu.memory_space<hbm>>) target(%dma_start3A_128 : memref<4x128xi32, #tpu.memory_space<vmem>>) target_semaphore(%arg12 : memref<!tpu.dma_semaphore, #tpu.memory_space<semaphore_mem>>)
      %dma_start3A_132 = arith.constant 0 : i32
      %dma_start3A_133 = tpu.memref_slice %arg7[%mul3A_121, %dma_start3A_132] : memref<8x128xi32, #tpu.memory_space<vmem>> -> memref<4x128xi32, #tpu.memory_space<vmem>>
      %dma_start3A_134 = arith.constant 0 : i32
      %dma_start3A_135 = tpu.memref_slice %arg3[%add3A, %multiple_of3A, %dma_start3A_134] : memref<32x80x128xi32, #tpu.memory_space<hbm>> -> memref<1x4x128xi32, #tpu.memory_space<hbm>>
      %dma_start3A_136 = tpu.memref_squeeze %dma_start3A_135 : memref<1x4x128xi32, #tpu.memory_space<hbm>> -> memref<4x128xi32, #tpu.memory_space<hbm>>
      %dma_start3A_137 = arith.constant 0 : i32
      %dma_start3A_138 = tpu.memref_slice %arg7[%mul3A_121, %dma_start3A_137] : memref<8x128xi32, #tpu.memory_space<vmem>> -> memref<4x128xi32, #tpu.memory_space<vmem>>
      %dma_start3A_139 = arith.constant 0 : i32
      %dma_start3A_140 = tpu.memref_slice %arg3[%add3A, %multiple_of3A, %dma_start3A_139] : memref<32x80x128xi32, #tpu.memory_space<hbm>> -> memref<1x4x128xi32, #tpu.memory_space<hbm>>
      %dma_start3A_141 = tpu.memref_squeeze %dma_start3A_140 : memref<1x4x128xi32, #tpu.memory_space<hbm>> -> memref<4x128xi32, #tpu.memory_space<hbm>>
      tpu.enqueue_dma source(%dma_start3A_141 : memref<4x128xi32, #tpu.memory_space<hbm>>) target(%dma_start3A_138 : memref<4x128xi32, #tpu.memory_space<vmem>>) target_semaphore(%arg12 : memref<!tpu.dma_semaphore, #tpu.memory_space<semaphore_mem>>)
      %mul3A_142 = arith.constant 4 : i32
      %mul3A_143 = arith.muli %while3A_106, %mul3A_142 : i32
      %while3A_144 = arith.constant 0 : i32
      %while3A_145 = arith.constant 2 : i32
      %while3A_146 = arith.subi %while3A_145, %while3A_144 : i32
      %while3A_147 = arith.addi %while3A_144, %while3A_146 : i32
      %while3A_148 = arith.constant 1 : i32
      %while3A_149 = arith.divsi %while3A_146, %while3A_148 : i32
      %while3A_150 = arith.muli %while3A_149, %while3A_148 : i32
      %while3A_151 = arith.addi %while3A_144, %while3A_150 : i32
      %while3A_152 = arith.constant 1 : i32
      scf.for %while3A_284 = %while3A_144 to %while3A_151 step %while3A_152  : i32 {
        %add3A_285 = arith.addi %mul3A_143, %while3A_284 : i32
        %rem3A_286 = arith.constant 8 : i32
        %rem3A_287 = arith.remsi %add3A_285, %rem3A_286 : i32
        %add3A_288 = arith.constant 2 : i32
        %add3A_289 = arith.addi %add3A_285, %add3A_288 : i32
        %rem3A_290 = arith.constant 8 : i32
        %rem3A_291 = arith.remsi %add3A_289, %rem3A_290 : i32
        %rem3A_292 = arith.constant 3 : i32
        %rem3A_293 = arith.remsi %add3A_285, %rem3A_292 : i32
        %add3A_294 = arith.constant 2 : i32
        %add3A_295 = arith.addi %add3A_285, %add3A_294 : i32
        %rem3A_296 = arith.constant 3 : i32
        %rem3A_297 = arith.remsi %add3A_295, %rem3A_296 : i32
        %add3A_298 = arith.constant 2 : i32
        %add3A_299 = arith.addi %add3A_285, %add3A_298 : i32
        %rem3A_300 = arith.constant 2 : i32
        %rem3A_301 = arith.remsi %add3A_299, %rem3A_300 : i32
        %gt3A_302 = arith.constant 0 : i32
        %gt3A_303 = arith.cmpi sgt, %add3A_285, %gt3A_302 : i32
        %convert_element_type3A_304 = arith.extui %gt3A_303 : i1 to i32
        %cond3A_305 = arith.constant 0 : i32
        %cond3A_306 = arith.cmpi ne, %convert_element_type3A_304, %cond3A_305 : i32
        scf.if %cond3A_306 {
          %dma_wait3A_341 = arith.constant 0 : i32
          %dma_wait3A_342 = arith.constant 0 : i32
          %dma_wait3A_343 = tpu.memref_slice %arg8[%rem3A_293, %dma_wait3A_341, %dma_wait3A_342] : memref<3x128x48xf32, #tpu.memory_space<vmem>> -> memref<1x128x48xf32, #tpu.memory_space<vmem>>
          %dma_wait3A_344 = tpu.memref_squeeze %dma_wait3A_343 : memref<1x128x48xf32, #tpu.memory_space<vmem>> -> memref<128x48xf32, #tpu.memory_space<vmem>>
          %dma_wait3A_345 = arith.constant 0 : i32
          %dma_wait3A_346 = tpu.memref_slice %arg7[%rem3A_287, %dma_wait3A_345] : memref<8x128xi32, #tpu.memory_space<vmem>> -> memref<1x128xi32, #tpu.memory_space<vmem>>
          %dma_wait3A_347 = tpu.memref_squeeze %dma_wait3A_346 : memref<1x128xi32, #tpu.memory_space<vmem>> -> memref<128xi32, #tpu.memory_space<vmem>>
          %dma_wait3A_348 = arith.constant 0 : i32
          %dma_wait3A_349 = arith.constant 0 : i32
          %dma_wait3A_350 = tpu.memref_slice %arg9[%dma_wait3A_348, %dma_wait3A_349] : memref<10048x48xf32, #tpu.memory_space<vmem_shared>> -> memref<10048x48xf32, #tpu.memory_space<vmem_shared>>
          tpu.wait_indirect_dma semaphore(%arg13 : memref<!tpu.dma_semaphore, #tpu.memory_space<semaphore_mem>>) src(%dma_wait3A_344 : memref<128x48xf32, #tpu.memory_space<vmem>>) dst(%dma_wait3A_350 : memref<10048x48xf32, #tpu.memory_space<vmem_shared>>)
        } else {
        }
        %eq3A_307 = arith.constant 0 : i32
        %eq3A_308 = arith.cmpi eq, %rem3A_301, %eq3A_307 : i32
        %convert_element_type3A_309 = arith.extui %eq3A_308 : i1 to i32
        %cond3A_310 = arith.constant 0 : i32
        %cond3A_311 = arith.cmpi ne, %convert_element_type3A_309, %cond3A_310 : i32
        scf.if %cond3A_311 {
          %dma_start3A_341 = arith.constant 0 : i32
          %dma_start3A_342 = arith.constant 0 : i32
          %dma_start3A_343 = tpu.memref_slice %arg8[%rem3A_297, %dma_start3A_341, %dma_start3A_342] : memref<3x128x48xf32, #tpu.memory_space<vmem>> -> memref<1x128x48xf32, #tpu.memory_space<vmem>>
          %dma_start3A_344 = tpu.memref_squeeze %dma_start3A_343 : memref<1x128x48xf32, #tpu.memory_space<vmem>> -> memref<128x48xf32, #tpu.memory_space<vmem>>
          %dma_start3A_345 = arith.constant 0 : i32
          %dma_start3A_346 = tpu.memref_slice %arg6[%rem3A_291, %dma_start3A_345] : memref<8x128xi32, #tpu.memory_space<vmem>> -> memref<1x128xi32, #tpu.memory_space<vmem>>
          %dma_start3A_347 = tpu.memref_squeeze %dma_start3A_346 : memref<1x128xi32, #tpu.memory_space<vmem>> -> memref<128xi32, #tpu.memory_space<vmem>>
          %dma_start3A_348 = arith.constant 0 : i32
          %dma_start3A_349 = arith.constant 0 : i32
          %dma_start3A_350 = tpu.memref_slice %arg4[%dma_start3A_348, %dma_start3A_349] : memref<10000x48xf32, #tpu.memory_space<hbm>> -> memref<10000x48xf32, #tpu.memory_space<hbm>>
          tpu.enqueue_indirect_dma source(%dma_start3A_350 : memref<10000x48xf32, #tpu.memory_space<hbm>>) target(%dma_start3A_344 : memref<128x48xf32, #tpu.memory_space<vmem>>) offsets(%dma_start3A_347 : memref<128xi32, #tpu.memory_space<vmem>>) semaphore(%arg10 : memref<!tpu.dma_semaphore, #tpu.memory_space<semaphore_mem>>)
        } else {
        }
        %eq3A_312 = arith.constant 1 : i32
        %eq3A_313 = arith.cmpi eq, %rem3A_301, %eq3A_312 : i32
        %convert_element_type3A_314 = arith.extui %eq3A_313 : i1 to i32
        %cond3A_315 = arith.constant 0 : i32
        %cond3A_316 = arith.cmpi ne, %convert_element_type3A_314, %cond3A_315 : i32
        scf.if %cond3A_316 {
          %dma_start3A_341 = arith.constant 0 : i32
          %dma_start3A_342 = arith.constant 0 : i32
          %dma_start3A_343 = tpu.memref_slice %arg8[%rem3A_297, %dma_start3A_341, %dma_start3A_342] : memref<3x128x48xf32, #tpu.memory_space<vmem>> -> memref<1x128x48xf32, #tpu.memory_space<vmem>>
          %dma_start3A_344 = tpu.memref_squeeze %dma_start3A_343 : memref<1x128x48xf32, #tpu.memory_space<vmem>> -> memref<128x48xf32, #tpu.memory_space<vmem>>
          %dma_start3A_345 = arith.constant 0 : i32
          %dma_start3A_346 = tpu.memref_slice %arg6[%rem3A_291, %dma_start3A_345] : memref<8x128xi32, #tpu.memory_space<vmem>> -> memref<1x128xi32, #tpu.memory_space<vmem>>
          %dma_start3A_347 = tpu.memref_squeeze %dma_start3A_346 : memref<1x128xi32, #tpu.memory_space<vmem>> -> memref<128xi32, #tpu.memory_space<vmem>>
          %dma_start3A_348 = arith.constant 0 : i32
          %dma_start3A_349 = arith.constant 0 : i32
          %dma_start3A_350 = tpu.memref_slice %arg4[%dma_start3A_348, %dma_start3A_349] : memref<10000x48xf32, #tpu.memory_space<hbm>> -> memref<10000x48xf32, #tpu.memory_space<hbm>>
          tpu.enqueue_indirect_dma source(%dma_start3A_350 : memref<10000x48xf32, #tpu.memory_space<hbm>>) target(%dma_start3A_344 : memref<128x48xf32, #tpu.memory_space<vmem>>) offsets(%dma_start3A_347 : memref<128xi32, #tpu.memory_space<vmem>>) semaphore(%arg11 : memref<!tpu.dma_semaphore, #tpu.memory_space<semaphore_mem>>)
        } else {
        }
        %dma_start3A_317 = arith.constant 0 : i32
        %dma_start3A_318 = arith.constant 0 : i32
        %dma_start3A_319 = tpu.memref_slice %arg8[%rem3A_293, %dma_start3A_317, %dma_start3A_318] : memref<3x128x48xf32, #tpu.memory_space<vmem>> -> memref<1x128x48xf32, #tpu.memory_space<vmem>>
        %dma_start3A_320 = tpu.memref_squeeze %dma_start3A_319 : memref<1x128x48xf32, #tpu.memory_space<vmem>> -> memref<128x48xf32, #tpu.memory_space<vmem>>
        %dma_start3A_321 = arith.constant 0 : i32
        %dma_start3A_322 = tpu.memref_slice %arg7[%rem3A_287, %dma_start3A_321] : memref<8x128xi32, #tpu.memory_space<vmem>> -> memref<1x128xi32, #tpu.memory_space<vmem>>
        %dma_start3A_323 = tpu.memref_squeeze %dma_start3A_322 : memref<1x128xi32, #tpu.memory_space<vmem>> -> memref<128xi32, #tpu.memory_space<vmem>>
        %dma_start3A_324 = arith.constant 0 : i32
        %dma_start3A_325 = arith.constant 0 : i32
        %dma_start3A_326 = tpu.memref_slice %arg9[%dma_start3A_324, %dma_start3A_325] : memref<10048x48xf32, #tpu.memory_space<vmem_shared>> -> memref<10048x48xf32, #tpu.memory_space<vmem_shared>>
        tpu.enqueue_indirect_dma source(%dma_start3A_320 : memref<128x48xf32, #tpu.memory_space<vmem>>) target(%dma_start3A_326 : memref<10048x48xf32, #tpu.memory_space<vmem_shared>>) offsets(%dma_start3A_323 : memref<128xi32, #tpu.memory_space<vmem>>) semaphore(%arg13 : memref<!tpu.dma_semaphore, #tpu.memory_space<semaphore_mem>>) {add = true}
        %add3A_327 = arith.constant 1 : i32
        %add3A_328 = arith.addi %add3A_285, %add3A_327 : i32
        %rem3A_329 = arith.constant 2 : i32
        %rem3A_330 = arith.remsi %add3A_328, %rem3A_329 : i32
        %eq3A_331 = arith.constant 0 : i32
        %eq3A_332 = arith.cmpi eq, %rem3A_330, %eq3A_331 : i32
        %convert_element_type3A_333 = arith.extui %eq3A_332 : i1 to i32
        %cond3A_334 = arith.constant 0 : i32
        %cond3A_335 = arith.cmpi ne, %convert_element_type3A_333, %cond3A_334 : i32
        scf.if %cond3A_335 {
          %dma_wait3A_341 = arith.constant 0 : i32
          %dma_wait3A_342 = arith.constant 0 : i32
          %dma_wait3A_343 = arith.constant 0 : i32
          %dma_wait3A_344 = arith.constant 0 : i32
          %dma_wait3A_345 = tpu.memref_slice %arg8[%dma_wait3A_342, %dma_wait3A_343, %dma_wait3A_344] : memref<3x128x48xf32, #tpu.memory_space<vmem>> -> memref<1x128x48xf32, #tpu.memory_space<vmem>>
          %dma_wait3A_346 = tpu.memref_squeeze %dma_wait3A_345 : memref<1x128x48xf32, #tpu.memory_space<vmem>> -> memref<128x48xf32, #tpu.memory_space<vmem>>
          %dma_wait3A_347 = arith.constant 0 : i32
          %dma_wait3A_348 = tpu.memref_slice %arg6[%dma_wait3A_341, %dma_wait3A_347] : memref<8x128xi32, #tpu.memory_space<vmem>> -> memref<1x128xi32, #tpu.memory_space<vmem>>
          %dma_wait3A_349 = tpu.memref_squeeze %dma_wait3A_348 : memref<1x128xi32, #tpu.memory_space<vmem>> -> memref<128xi32, #tpu.memory_space<vmem>>
          %dma_wait3A_350 = arith.constant 0 : i32
          %dma_wait3A_351 = arith.constant 0 : i32
          %dma_wait3A_352 = tpu.memref_slice %arg4[%dma_wait3A_350, %dma_wait3A_351] : memref<10000x48xf32, #tpu.memory_space<hbm>> -> memref<10000x48xf32, #tpu.memory_space<hbm>>
          tpu.wait_indirect_dma semaphore(%arg10 : memref<!tpu.dma_semaphore, #tpu.memory_space<semaphore_mem>>) src(%dma_wait3A_352 : memref<10000x48xf32, #tpu.memory_space<hbm>>) dst(%dma_wait3A_346 : memref<128x48xf32, #tpu.memory_space<vmem>>)
        } else {
        }
        %eq3A_336 = arith.constant 1 : i32
        %eq3A_337 = arith.cmpi eq, %rem3A_330, %eq3A_336 : i32
        %convert_element_type3A_338 = arith.extui %eq3A_337 : i1 to i32
        %cond3A_339 = arith.constant 0 : i32
        %cond3A_340 = arith.cmpi ne, %convert_element_type3A_338, %cond3A_339 : i32
        scf.if %cond3A_340 {
          %dma_wait3A_341 = arith.constant 0 : i32
          %dma_wait3A_342 = arith.constant 0 : i32
          %dma_wait3A_343 = arith.constant 0 : i32
          %dma_wait3A_344 = arith.constant 0 : i32
          %dma_wait3A_345 = tpu.memref_slice %arg8[%dma_wait3A_342, %dma_wait3A_343, %dma_wait3A_344] : memref<3x128x48xf32, #tpu.memory_space<vmem>> -> memref<1x128x48xf32, #tpu.memory_space<vmem>>
          %dma_wait3A_346 = tpu.memref_squeeze %dma_wait3A_345 : memref<1x128x48xf32, #tpu.memory_space<vmem>> -> memref<128x48xf32, #tpu.memory_space<vmem>>
          %dma_wait3A_347 = arith.constant 0 : i32
          %dma_wait3A_348 = tpu.memref_slice %arg6[%dma_wait3A_341, %dma_wait3A_347] : memref<8x128xi32, #tpu.memory_space<vmem>> -> memref<1x128xi32, #tpu.memory_space<vmem>>
          %dma_wait3A_349 = tpu.memref_squeeze %dma_wait3A_348 : memref<1x128xi32, #tpu.memory_space<vmem>> -> memref<128xi32, #tpu.memory_space<vmem>>
          %dma_wait3A_350 = arith.constant 0 : i32
          %dma_wait3A_351 = arith.constant 0 : i32
          %dma_wait3A_352 = tpu.memref_slice %arg4[%dma_wait3A_350, %dma_wait3A_351] : memref<10000x48xf32, #tpu.memory_space<hbm>> -> memref<10000x48xf32, #tpu.memory_space<hbm>>
          tpu.wait_indirect_dma semaphore(%arg11 : memref<!tpu.dma_semaphore, #tpu.memory_space<semaphore_mem>>) src(%dma_wait3A_352 : memref<10000x48xf32, #tpu.memory_space<hbm>>) dst(%dma_wait3A_346 : memref<128x48xf32, #tpu.memory_space<vmem>>)
        } else {
        }
      }
      %while3A_153 = arith.constant 1 : i32
      scf.for %while3A_284 = %while3A_151 to %while3A_147 step %while3A_153  : i32 {
        %add3A_285 = arith.addi %mul3A_143, %while3A_284 : i32
        %rem3A_286 = arith.constant 8 : i32
        %rem3A_287 = arith.remsi %add3A_285, %rem3A_286 : i32
        %add3A_288 = arith.constant 2 : i32
        %add3A_289 = arith.addi %add3A_285, %add3A_288 : i32
        %rem3A_290 = arith.constant 8 : i32
        %rem3A_291 = arith.remsi %add3A_289, %rem3A_290 : i32
        %rem3A_292 = arith.constant 3 : i32
        %rem3A_293 = arith.remsi %add3A_285, %rem3A_292 : i32
        %add3A_294 = arith.constant 2 : i32
        %add3A_295 = arith.addi %add3A_285, %add3A_294 : i32
        %rem3A_296 = arith.constant 3 : i32
        %rem3A_297 = arith.remsi %add3A_295, %rem3A_296 : i32
        %add3A_298 = arith.constant 2 : i32
        %add3A_299 = arith.addi %add3A_285, %add3A_298 : i32
        %rem3A_300 = arith.constant 2 : i32
        %rem3A_301 = arith.remsi %add3A_299, %rem3A_300 : i32
        %gt3A_302 = arith.constant 0 : i32
        %gt3A_303 = arith.cmpi sgt, %add3A_285, %gt3A_302 : i32
        %convert_element_type3A_304 = arith.extui %gt3A_303 : i1 to i32
        %cond3A_305 = arith.constant 0 : i32
        %cond3A_306 = arith.cmpi ne, %convert_element_type3A_304, %cond3A_305 : i32
        scf.if %cond3A_306 {
          %dma_wait3A_341 = arith.constant 0 : i32
          %dma_wait3A_342 = arith.constant 0 : i32
          %dma_wait3A_343 = tpu.memref_slice %arg8[%rem3A_293, %dma_wait3A_341, %dma_wait3A_342] : memref<3x128x48xf32, #tpu.memory_space<vmem>> -> memref<1x128x48xf32, #tpu.memory_space<vmem>>
          %dma_wait3A_344 = tpu.memref_squeeze %dma_wait3A_343 : memref<1x128x48xf32, #tpu.memory_space<vmem>> -> memref<128x48xf32, #tpu.memory_space<vmem>>
          %dma_wait3A_345 = arith.constant 0 : i32
          %dma_wait3A_346 = tpu.memref_slice %arg7[%rem3A_287, %dma_wait3A_345] : memref<8x128xi32, #tpu.memory_space<vmem>> -> memref<1x128xi32, #tpu.memory_space<vmem>>
          %dma_wait3A_347 = tpu.memref_squeeze %dma_wait3A_346 : memref<1x128xi32, #tpu.memory_space<vmem>> -> memref<128xi32, #tpu.memory_space<vmem>>
          %dma_wait3A_348 = arith.constant 0 : i32
          %dma_wait3A_349 = arith.constant 0 : i32
          %dma_wait3A_350 = tpu.memref_slice %arg9[%dma_wait3A_348, %dma_wait3A_349] : memref<10048x48xf32, #tpu.memory_space<vmem_shared>> -> memref<10048x48xf32, #tpu.memory_space<vmem_shared>>
          tpu.wait_indirect_dma semaphore(%arg13 : memref<!tpu.dma_semaphore, #tpu.memory_space<semaphore_mem>>) src(%dma_wait3A_344 : memref<128x48xf32, #tpu.memory_space<vmem>>) dst(%dma_wait3A_350 : memref<10048x48xf32, #tpu.memory_space<vmem_shared>>)
        } else {
        }
        %eq3A_307 = arith.constant 0 : i32
        %eq3A_308 = arith.cmpi eq, %rem3A_301, %eq3A_307 : i32
        %convert_element_type3A_309 = arith.extui %eq3A_308 : i1 to i32
        %cond3A_310 = arith.constant 0 : i32
        %cond3A_311 = arith.cmpi ne, %convert_element_type3A_309, %cond3A_310 : i32
        scf.if %cond3A_311 {
          %dma_start3A_341 = arith.constant 0 : i32
          %dma_start3A_342 = arith.constant 0 : i32
          %dma_start3A_343 = tpu.memref_slice %arg8[%rem3A_297, %dma_start3A_341, %dma_start3A_342] : memref<3x128x48xf32, #tpu.memory_space<vmem>> -> memref<1x128x48xf32, #tpu.memory_space<vmem>>
          %dma_start3A_344 = tpu.memref_squeeze %dma_start3A_343 : memref<1x128x48xf32, #tpu.memory_space<vmem>> -> memref<128x48xf32, #tpu.memory_space<vmem>>
          %dma_start3A_345 = arith.constant 0 : i32
          %dma_start3A_346 = tpu.memref_slice %arg6[%rem3A_291, %dma_start3A_345] : memref<8x128xi32, #tpu.memory_space<vmem>> -> memref<1x128xi32, #tpu.memory_space<vmem>>
          %dma_start3A_347 = tpu.memref_squeeze %dma_start3A_346 : memref<1x128xi32, #tpu.memory_space<vmem>> -> memref<128xi32, #tpu.memory_space<vmem>>
          %dma_start3A_348 = arith.constant 0 : i32
          %dma_start3A_349 = arith.constant 0 : i32
          %dma_start3A_350 = tpu.memref_slice %arg4[%dma_start3A_348, %dma_start3A_349] : memref<10000x48xf32, #tpu.memory_space<hbm>> -> memref<10000x48xf32, #tpu.memory_space<hbm>>
          tpu.enqueue_indirect_dma source(%dma_start3A_350 : memref<10000x48xf32, #tpu.memory_space<hbm>>) target(%dma_start3A_344 : memref<128x48xf32, #tpu.memory_space<vmem>>) offsets(%dma_start3A_347 : memref<128xi32, #tpu.memory_space<vmem>>) semaphore(%arg10 : memref<!tpu.dma_semaphore, #tpu.memory_space<semaphore_mem>>)
        } else {
        }
        %eq3A_312 = arith.constant 1 : i32
        %eq3A_313 = arith.cmpi eq, %rem3A_301, %eq3A_312 : i32
        %convert_element_type3A_314 = arith.extui %eq3A_313 : i1 to i32
        %cond3A_315 = arith.constant 0 : i32
        %cond3A_316 = arith.cmpi ne, %convert_element_type3A_314, %cond3A_315 : i32
        scf.if %cond3A_316 {
          %dma_start3A_341 = arith.constant 0 : i32
          %dma_start3A_342 = arith.constant 0 : i32
          %dma_start3A_343 = tpu.memref_slice %arg8[%rem3A_297, %dma_start3A_341, %dma_start3A_342] : memref<3x128x48xf32, #tpu.memory_space<vmem>> -> memref<1x128x48xf32, #tpu.memory_space<vmem>>
          %dma_start3A_344 = tpu.memref_squeeze %dma_start3A_343 : memref<1x128x48xf32, #tpu.memory_space<vmem>> -> memref<128x48xf32, #tpu.memory_space<vmem>>
          %dma_start3A_345 = arith.constant 0 : i32
          %dma_start3A_346 = tpu.memref_slice %arg6[%rem3A_291, %dma_start3A_345] : memref<8x128xi32, #tpu.memory_space<vmem>> -> memref<1x128xi32, #tpu.memory_space<vmem>>
          %dma_start3A_347 = tpu.memref_squeeze %dma_start3A_346 : memref<1x128xi32, #tpu.memory_space<vmem>> -> memref<128xi32, #tpu.memory_space<vmem>>
          %dma_start3A_348 = arith.constant 0 : i32
          %dma_start3A_349 = arith.constant 0 : i32
          %dma_start3A_350 = tpu.memref_slice %arg4[%dma_start3A_348, %dma_start3A_349] : memref<10000x48xf32, #tpu.memory_space<hbm>> -> memref<10000x48xf32, #tpu.memory_space<hbm>>
          tpu.enqueue_indirect_dma source(%dma_start3A_350 : memref<10000x48xf32, #tpu.memory_space<hbm>>) target(%dma_start3A_344 : memref<128x48xf32, #tpu.memory_space<vmem>>) offsets(%dma_start3A_347 : memref<128xi32, #tpu.memory_space<vmem>>) semaphore(%arg11 : memref<!tpu.dma_semaphore, #tpu.memory_space<semaphore_mem>>)
        } else {
        }
        %dma_start3A_317 = arith.constant 0 : i32
        %dma_start3A_318 = arith.constant 0 : i32
        %dma_start3A_319 = tpu.memref_slice %arg8[%rem3A_293, %dma_start3A_317, %dma_start3A_318] : memref<3x128x48xf32, #tpu.memory_space<vmem>> -> memref<1x128x48xf32, #tpu.memory_space<vmem>>
        %dma_start3A_320 = tpu.memref_squeeze %dma_start3A_319 : memref<1x128x48xf32, #tpu.memory_space<vmem>> -> memref<128x48xf32, #tpu.memory_space<vmem>>
        %dma_start3A_321 = arith.constant 0 : i32
        %dma_start3A_322 = tpu.memref_slice %arg7[%rem3A_287, %dma_start3A_321] : memref<8x128xi32, #tpu.memory_space<vmem>> -> memref<1x128xi32, #tpu.memory_space<vmem>>
        %dma_start3A_323 = tpu.memref_squeeze %dma_start3A_322 : memref<1x128xi32, #tpu.memory_space<vmem>> -> memref<128xi32, #tpu.memory_space<vmem>>
        %dma_start3A_324 = arith.constant 0 : i32
        %dma_start3A_325 = arith.constant 0 : i32
        %dma_start3A_326 = tpu.memref_slice %arg9[%dma_start3A_324, %dma_start3A_325] : memref<10048x48xf32, #tpu.memory_space<vmem_shared>> -> memref<10048x48xf32, #tpu.memory_space<vmem_shared>>
        tpu.enqueue_indirect_dma source(%dma_start3A_320 : memref<128x48xf32, #tpu.memory_space<vmem>>) target(%dma_start3A_326 : memref<10048x48xf32, #tpu.memory_space<vmem_shared>>) offsets(%dma_start3A_323 : memref<128xi32, #tpu.memory_space<vmem>>) semaphore(%arg13 : memref<!tpu.dma_semaphore, #tpu.memory_space<semaphore_mem>>) {add = true}
        %add3A_327 = arith.constant 1 : i32
        %add3A_328 = arith.addi %add3A_285, %add3A_327 : i32
        %rem3A_329 = arith.constant 2 : i32
        %rem3A_330 = arith.remsi %add3A_328, %rem3A_329 : i32
        %eq3A_331 = arith.constant 0 : i32
        %eq3A_332 = arith.cmpi eq, %rem3A_330, %eq3A_331 : i32
        %convert_element_type3A_333 = arith.extui %eq3A_332 : i1 to i32
        %cond3A_334 = arith.constant 0 : i32
        %cond3A_335 = arith.cmpi ne, %convert_element_type3A_333, %cond3A_334 : i32
        scf.if %cond3A_335 {
          %dma_wait3A_341 = arith.constant 0 : i32
          %dma_wait3A_342 = arith.constant 0 : i32
          %dma_wait3A_343 = arith.constant 0 : i32
          %dma_wait3A_344 = arith.constant 0 : i32
          %dma_wait3A_345 = tpu.memref_slice %arg8[%dma_wait3A_342, %dma_wait3A_343, %dma_wait3A_344] : memref<3x128x48xf32, #tpu.memory_space<vmem>> -> memref<1x128x48xf32, #tpu.memory_space<vmem>>
          %dma_wait3A_346 = tpu.memref_squeeze %dma_wait3A_345 : memref<1x128x48xf32, #tpu.memory_space<vmem>> -> memref<128x48xf32, #tpu.memory_space<vmem>>
          %dma_wait3A_347 = arith.constant 0 : i32
          %dma_wait3A_348 = tpu.memref_slice %arg6[%dma_wait3A_341, %dma_wait3A_347] : memref<8x128xi32, #tpu.memory_space<vmem>> -> memref<1x128xi32, #tpu.memory_space<vmem>>
          %dma_wait3A_349 = tpu.memref_squeeze %dma_wait3A_348 : memref<1x128xi32, #tpu.memory_space<vmem>> -> memref<128xi32, #tpu.memory_space<vmem>>
          %dma_wait3A_350 = arith.constant 0 : i32
          %dma_wait3A_351 = arith.constant 0 : i32
          %dma_wait3A_352 = tpu.memref_slice %arg4[%dma_wait3A_350, %dma_wait3A_351] : memref<10000x48xf32, #tpu.memory_space<hbm>> -> memref<10000x48xf32, #tpu.memory_space<hbm>>
          tpu.wait_indirect_dma semaphore(%arg10 : memref<!tpu.dma_semaphore, #tpu.memory_space<semaphore_mem>>) src(%dma_wait3A_352 : memref<10000x48xf32, #tpu.memory_space<hbm>>) dst(%dma_wait3A_346 : memref<128x48xf32, #tpu.memory_space<vmem>>)
        } else {
        }
        %eq3A_336 = arith.constant 1 : i32
        %eq3A_337 = arith.cmpi eq, %rem3A_330, %eq3A_336 : i32
        %convert_element_type3A_338 = arith.extui %eq3A_337 : i1 to i32
        %cond3A_339 = arith.constant 0 : i32
        %cond3A_340 = arith.cmpi ne, %convert_element_type3A_338, %cond3A_339 : i32
        scf.if %cond3A_340 {
          %dma_wait3A_341 = arith.constant 0 : i32
          %dma_wait3A_342 = arith.constant 0 : i32
          %dma_wait3A_343 = arith.constant 0 : i32
          %dma_wait3A_344 = arith.constant 0 : i32
          %dma_wait3A_345 = tpu.memref_slice %arg8[%dma_wait3A_342, %dma_wait3A_343, %dma_wait3A_344] : memref<3x128x48xf32, #tpu.memory_space<vmem>> -> memref<1x128x48xf32, #tpu.memory_space<vmem>>
          %dma_wait3A_346 = tpu.memref_squeeze %dma_wait3A_345 : memref<1x128x48xf32, #tpu.memory_space<vmem>> -> memref<128x48xf32, #tpu.memory_space<vmem>>
          %dma_wait3A_347 = arith.constant 0 : i32
          %dma_wait3A_348 = tpu.memref_slice %arg6[%dma_wait3A_341, %dma_wait3A_347] : memref<8x128xi32, #tpu.memory_space<vmem>> -> memref<1x128xi32, #tpu.memory_space<vmem>>
          %dma_wait3A_349 = tpu.memref_squeeze %dma_wait3A_348 : memref<1x128xi32, #tpu.memory_space<vmem>> -> memref<128xi32, #tpu.memory_space<vmem>>
          %dma_wait3A_350 = arith.constant 0 : i32
          %dma_wait3A_351 = arith.constant 0 : i32
          %dma_wait3A_352 = tpu.memref_slice %arg4[%dma_wait3A_350, %dma_wait3A_351] : memref<10000x48xf32, #tpu.memory_space<hbm>> -> memref<10000x48xf32, #tpu.memory_space<hbm>>
          tpu.wait_indirect_dma semaphore(%arg11 : memref<!tpu.dma_semaphore, #tpu.memory_space<semaphore_mem>>) src(%dma_wait3A_352 : memref<10000x48xf32, #tpu.memory_space<hbm>>) dst(%dma_wait3A_346 : memref<128x48xf32, #tpu.memory_space<vmem>>)
        } else {
        }
      }
      %dma_wait3A_154 = arith.constant 0 : i32
      %dma_wait3A_155 = tpu.memref_slice %arg6[%mul3A_121, %dma_wait3A_154] : memref<8x128xi32, #tpu.memory_space<vmem>> -> memref<4x128xi32, #tpu.memory_space<vmem>>
      %dma_wait3A_156 = arith.constant 0 : i32
      %dma_wait3A_157 = tpu.memref_slice %arg2[%add3A, %multiple_of3A, %dma_wait3A_156] : memref<32x80x128xi32, #tpu.memory_space<hbm>> -> memref<1x4x128xi32, #tpu.memory_space<hbm>>
      %dma_wait3A_158 = tpu.memref_squeeze %dma_wait3A_157 : memref<1x4x128xi32, #tpu.memory_space<hbm>> -> memref<4x128xi32, #tpu.memory_space<hbm>>
      %dma_wait3A_159 = arith.constant 0 : i32
      %dma_wait3A_160 = tpu.memref_slice %arg6[%mul3A_121, %dma_wait3A_159] : memref<8x128xi32, #tpu.memory_space<vmem>> -> memref<4x128xi32, #tpu.memory_space<vmem>>
      %dma_wait3A_161 = arith.constant 0 : i32
      %dma_wait3A_162 = tpu.memref_slice %arg2[%add3A, %multiple_of3A, %dma_wait3A_161] : memref<32x80x128xi32, #tpu.memory_space<hbm>> -> memref<1x4x128xi32, #tpu.memory_space<hbm>>
      %dma_wait3A_163 = tpu.memref_squeeze %dma_wait3A_162 : memref<1x4x128xi32, #tpu.memory_space<hbm>> -> memref<4x128xi32, #tpu.memory_space<hbm>>
      tpu.wait_dma2 semaphore(%arg12 : memref<!tpu.dma_semaphore, #tpu.memory_space<semaphore_mem>>) src(%dma_wait3A_163 : memref<4x128xi32, #tpu.memory_space<hbm>>) dst(%dma_wait3A_160 : memref<4x128xi32, #tpu.memory_space<vmem>>)
      %dma_wait3A_164 = arith.constant 0 : i32
      %dma_wait3A_165 = tpu.memref_slice %arg7[%mul3A_121, %dma_wait3A_164] : memref<8x128xi32, #tpu.memory_space<vmem>> -> memref<4x128xi32, #tpu.memory_space<vmem>>
      %dma_wait3A_166 = arith.constant 0 : i32
      %dma_wait3A_167 = tpu.memref_slice %arg3[%add3A, %multiple_of3A, %dma_wait3A_166] : memref<32x80x128xi32, #tpu.memory_space<hbm>> -> memref<1x4x128xi32, #tpu.memory_space<hbm>>
      %dma_wait3A_168 = tpu.memref_squeeze %dma_wait3A_167 : memref<1x4x128xi32, #tpu.memory_space<hbm>> -> memref<4x128xi32, #tpu.memory_space<hbm>>
      %dma_wait3A_169 = arith.constant 0 : i32
      %dma_wait3A_170 = tpu.memref_slice %arg7[%mul3A_121, %dma_wait3A_169] : memref<8x128xi32, #tpu.memory_space<vmem>> -> memref<4x128xi32, #tpu.memory_space<vmem>>
      %dma_wait3A_171 = arith.constant 0 : i32
      %dma_wait3A_172 = tpu.memref_slice %arg3[%add3A, %multiple_of3A, %dma_wait3A_171] : memref<32x80x128xi32, #tpu.memory_space<hbm>> -> memref<1x4x128xi32, #tpu.memory_space<hbm>>
      %dma_wait3A_173 = tpu.memref_squeeze %dma_wait3A_172 : memref<1x4x128xi32, #tpu.memory_space<hbm>> -> memref<4x128xi32, #tpu.memory_space<hbm>>
      tpu.wait_dma2 semaphore(%arg12 : memref<!tpu.dma_semaphore, #tpu.memory_space<semaphore_mem>>) src(%dma_wait3A_173 : memref<4x128xi32, #tpu.memory_space<hbm>>) dst(%dma_wait3A_170 : memref<4x128xi32, #tpu.memory_space<vmem>>)
      %add3A_174 = arith.constant 2 : i32
      %add3A_175 = arith.addi %mul3A_143, %add3A_174 : i32
      %rem3A_176 = arith.constant 8 : i32
      %rem3A_177 = arith.remsi %add3A_175, %rem3A_176 : i32
      %add3A_178 = arith.constant 2 : i32
      %add3A_179 = arith.addi %add3A_175, %add3A_178 : i32
      %rem3A_180 = arith.constant 8 : i32
      %rem3A_181 = arith.remsi %add3A_179, %rem3A_180 : i32
      %rem3A_182 = arith.constant 3 : i32
      %rem3A_183 = arith.remsi %add3A_175, %rem3A_182 : i32
      %add3A_184 = arith.constant 2 : i32
      %add3A_185 = arith.addi %add3A_175, %add3A_184 : i32
      %rem3A_186 = arith.constant 3 : i32
      %rem3A_187 = arith.remsi %add3A_185, %rem3A_186 : i32
      %add3A_188 = arith.constant 2 : i32
      %add3A_189 = arith.addi %add3A_175, %add3A_188 : i32
      %rem3A_190 = arith.constant 2 : i32
      %rem3A_191 = arith.remsi %add3A_189, %rem3A_190 : i32
      %gt3A = arith.constant 0 : i32
      %gt3A_192 = arith.cmpi sgt, %add3A_175, %gt3A : i32
      %convert_element_type3A = arith.extui %gt3A_192 : i1 to i32
      %cond3A = arith.constant 0 : i32
      %cond3A_193 = arith.cmpi ne, %convert_element_type3A, %cond3A : i32
      scf.if %cond3A_193 {
        %dma_wait3A_284 = arith.constant 0 : i32
        %dma_wait3A_285 = arith.constant 0 : i32
        %dma_wait3A_286 = tpu.memref_slice %arg8[%rem3A_183, %dma_wait3A_284, %dma_wait3A_285] : memref<3x128x48xf32, #tpu.memory_space<vmem>> -> memref<1x128x48xf32, #tpu.memory_space<vmem>>
        %dma_wait3A_287 = tpu.memref_squeeze %dma_wait3A_286 : memref<1x128x48xf32, #tpu.memory_space<vmem>> -> memref<128x48xf32, #tpu.memory_space<vmem>>
        %dma_wait3A_288 = arith.constant 0 : i32
        %dma_wait3A_289 = tpu.memref_slice %arg7[%rem3A_177, %dma_wait3A_288] : memref<8x128xi32, #tpu.memory_space<vmem>> -> memref<1x128xi32, #tpu.memory_space<vmem>>
        %dma_wait3A_290 = tpu.memref_squeeze %dma_wait3A_289 : memref<1x128xi32, #tpu.memory_space<vmem>> -> memref<128xi32, #tpu.memory_space<vmem>>
        %dma_wait3A_291 = arith.constant 0 : i32
        %dma_wait3A_292 = arith.constant 0 : i32
        %dma_wait3A_293 = tpu.memref_slice %arg9[%dma_wait3A_291, %dma_wait3A_292] : memref<10048x48xf32, #tpu.memory_space<vmem_shared>> -> memref<10048x48xf32, #tpu.memory_space<vmem_shared>>
        tpu.wait_indirect_dma semaphore(%arg13 : memref<!tpu.dma_semaphore, #tpu.memory_space<semaphore_mem>>) src(%dma_wait3A_287 : memref<128x48xf32, #tpu.memory_space<vmem>>) dst(%dma_wait3A_293 : memref<10048x48xf32, #tpu.memory_space<vmem_shared>>)
      } else {
      }
      %eq3A = arith.constant 0 : i32
      %eq3A_194 = arith.cmpi eq, %rem3A_191, %eq3A : i32
      %convert_element_type3A_195 = arith.extui %eq3A_194 : i1 to i32
      %cond3A_196 = arith.constant 0 : i32
      %cond3A_197 = arith.cmpi ne, %convert_element_type3A_195, %cond3A_196 : i32
      scf.if %cond3A_197 {
        %dma_start3A_284 = arith.constant 0 : i32
        %dma_start3A_285 = arith.constant 0 : i32
        %dma_start3A_286 = tpu.memref_slice %arg8[%rem3A_187, %dma_start3A_284, %dma_start3A_285] : memref<3x128x48xf32, #tpu.memory_space<vmem>> -> memref<1x128x48xf32, #tpu.memory_space<vmem>>
        %dma_start3A_287 = tpu.memref_squeeze %dma_start3A_286 : memref<1x128x48xf32, #tpu.memory_space<vmem>> -> memref<128x48xf32, #tpu.memory_space<vmem>>
        %dma_start3A_288 = arith.constant 0 : i32
        %dma_start3A_289 = tpu.memref_slice %arg6[%rem3A_181, %dma_start3A_288] : memref<8x128xi32, #tpu.memory_space<vmem>> -> memref<1x128xi32, #tpu.memory_space<vmem>>
        %dma_start3A_290 = tpu.memref_squeeze %dma_start3A_289 : memref<1x128xi32, #tpu.memory_space<vmem>> -> memref<128xi32, #tpu.memory_space<vmem>>
        %dma_start3A_291 = arith.constant 0 : i32
        %dma_start3A_292 = arith.constant 0 : i32
        %dma_start3A_293 = tpu.memref_slice %arg4[%dma_start3A_291, %dma_start3A_292] : memref<10000x48xf32, #tpu.memory_space<hbm>> -> memref<10000x48xf32, #tpu.memory_space<hbm>>
        tpu.enqueue_indirect_dma source(%dma_start3A_293 : memref<10000x48xf32, #tpu.memory_space<hbm>>) target(%dma_start3A_287 : memref<128x48xf32, #tpu.memory_space<vmem>>) offsets(%dma_start3A_290 : memref<128xi32, #tpu.memory_space<vmem>>) semaphore(%arg10 : memref<!tpu.dma_semaphore, #tpu.memory_space<semaphore_mem>>)
      } else {
      }
      %eq3A_198 = arith.constant 1 : i32
      %eq3A_199 = arith.cmpi eq, %rem3A_191, %eq3A_198 : i32
      %convert_element_type3A_200 = arith.extui %eq3A_199 : i1 to i32
      %cond3A_201 = arith.constant 0 : i32
      %cond3A_202 = arith.cmpi ne, %convert_element_type3A_200, %cond3A_201 : i32
      scf.if %cond3A_202 {
        %dma_start3A_284 = arith.constant 0 : i32
        %dma_start3A_285 = arith.constant 0 : i32
        %dma_start3A_286 = tpu.memref_slice %arg8[%rem3A_187, %dma_start3A_284, %dma_start3A_285] : memref<3x128x48xf32, #tpu.memory_space<vmem>> -> memref<1x128x48xf32, #tpu.memory_space<vmem>>
        %dma_start3A_287 = tpu.memref_squeeze %dma_start3A_286 : memref<1x128x48xf32, #tpu.memory_space<vmem>> -> memref<128x48xf32, #tpu.memory_space<vmem>>
        %dma_start3A_288 = arith.constant 0 : i32
        %dma_start3A_289 = tpu.memref_slice %arg6[%rem3A_181, %dma_start3A_288] : memref<8x128xi32, #tpu.memory_space<vmem>> -> memref<1x128xi32, #tpu.memory_space<vmem>>
        %dma_start3A_290 = tpu.memref_squeeze %dma_start3A_289 : memref<1x128xi32, #tpu.memory_space<vmem>> -> memref<128xi32, #tpu.memory_space<vmem>>
        %dma_start3A_291 = arith.constant 0 : i32
        %dma_start3A_292 = arith.constant 0 : i32
        %dma_start3A_293 = tpu.memref_slice %arg4[%dma_start3A_291, %dma_start3A_292] : memref<10000x48xf32, #tpu.memory_space<hbm>> -> memref<10000x48xf32, #tpu.memory_space<hbm>>
        tpu.enqueue_indirect_dma source(%dma_start3A_293 : memref<10000x48xf32, #tpu.memory_space<hbm>>) target(%dma_start3A_287 : memref<128x48xf32, #tpu.memory_space<vmem>>) offsets(%dma_start3A_290 : memref<128xi32, #tpu.memory_space<vmem>>) semaphore(%arg11 : memref<!tpu.dma_semaphore, #tpu.memory_space<semaphore_mem>>)
      } else {
      }
      %dma_start3A_203 = arith.constant 0 : i32
      %dma_start3A_204 = arith.constant 0 : i32
      %dma_start3A_205 = tpu.memref_slice %arg8[%rem3A_183, %dma_start3A_203, %dma_start3A_204] : memref<3x128x48xf32, #tpu.memory_space<vmem>> -> memref<1x128x48xf32, #tpu.memory_space<vmem>>
      %dma_start3A_206 = tpu.memref_squeeze %dma_start3A_205 : memref<1x128x48xf32, #tpu.memory_space<vmem>> -> memref<128x48xf32, #tpu.memory_space<vmem>>
      %dma_start3A_207 = arith.constant 0 : i32
      %dma_start3A_208 = tpu.memref_slice %arg7[%rem3A_177, %dma_start3A_207] : memref<8x128xi32, #tpu.memory_space<vmem>> -> memref<1x128xi32, #tpu.memory_space<vmem>>
      %dma_start3A_209 = tpu.memref_squeeze %dma_start3A_208 : memref<1x128xi32, #tpu.memory_space<vmem>> -> memref<128xi32, #tpu.memory_space<vmem>>
      %dma_start3A_210 = arith.constant 0 : i32
      %dma_start3A_211 = arith.constant 0 : i32
      %dma_start3A_212 = tpu.memref_slice %arg9[%dma_start3A_210, %dma_start3A_211] : memref<10048x48xf32, #tpu.memory_space<vmem_shared>> -> memref<10048x48xf32, #tpu.memory_space<vmem_shared>>
      tpu.enqueue_indirect_dma source(%dma_start3A_206 : memref<128x48xf32, #tpu.memory_space<vmem>>) target(%dma_start3A_212 : memref<10048x48xf32, #tpu.memory_space<vmem_shared>>) offsets(%dma_start3A_209 : memref<128xi32, #tpu.memory_space<vmem>>) semaphore(%arg13 : memref<!tpu.dma_semaphore, #tpu.memory_space<semaphore_mem>>) {add = true}
      %add3A_213 = arith.constant 1 : i32
      %add3A_214 = arith.addi %add3A_175, %add3A_213 : i32
      %rem3A_215 = arith.constant 2 : i32
      %rem3A_216 = arith.remsi %add3A_214, %rem3A_215 : i32
      %eq3A_217 = arith.constant 0 : i32
      %eq3A_218 = arith.cmpi eq, %rem3A_216, %eq3A_217 : i32
      %convert_element_type3A_219 = arith.extui %eq3A_218 : i1 to i32
      %cond3A_220 = arith.constant 0 : i32
      %cond3A_221 = arith.cmpi ne, %convert_element_type3A_219, %cond3A_220 : i32
      scf.if %cond3A_221 {
        %dma_wait3A_284 = arith.constant 0 : i32
        %dma_wait3A_285 = arith.constant 0 : i32
        %dma_wait3A_286 = arith.constant 0 : i32
        %dma_wait3A_287 = arith.constant 0 : i32
        %dma_wait3A_288 = tpu.memref_slice %arg8[%dma_wait3A_285, %dma_wait3A_286, %dma_wait3A_287] : memref<3x128x48xf32, #tpu.memory_space<vmem>> -> memref<1x128x48xf32, #tpu.memory_space<vmem>>
        %dma_wait3A_289 = tpu.memref_squeeze %dma_wait3A_288 : memref<1x128x48xf32, #tpu.memory_space<vmem>> -> memref<128x48xf32, #tpu.memory_space<vmem>>
        %dma_wait3A_290 = arith.constant 0 : i32
        %dma_wait3A_291 = tpu.memref_slice %arg6[%dma_wait3A_284, %dma_wait3A_290] : memref<8x128xi32, #tpu.memory_space<vmem>> -> memref<1x128xi32, #tpu.memory_space<vmem>>
        %dma_wait3A_292 = tpu.memref_squeeze %dma_wait3A_291 : memref<1x128xi32, #tpu.memory_space<vmem>> -> memref<128xi32, #tpu.memory_space<vmem>>
        %dma_wait3A_293 = arith.constant 0 : i32
        %dma_wait3A_294 = arith.constant 0 : i32
        %dma_wait3A_295 = tpu.memref_slice %arg4[%dma_wait3A_293, %dma_wait3A_294] : memref<10000x48xf32, #tpu.memory_space<hbm>> -> memref<10000x48xf32, #tpu.memory_space<hbm>>
        tpu.wait_indirect_dma semaphore(%arg10 : memref<!tpu.dma_semaphore, #tpu.memory_space<semaphore_mem>>) src(%dma_wait3A_295 : memref<10000x48xf32, #tpu.memory_space<hbm>>) dst(%dma_wait3A_289 : memref<128x48xf32, #tpu.memory_space<vmem>>)
      } else {
      }
      %eq3A_222 = arith.constant 1 : i32
      %eq3A_223 = arith.cmpi eq, %rem3A_216, %eq3A_222 : i32
      %convert_element_type3A_224 = arith.extui %eq3A_223 : i1 to i32
      %cond3A_225 = arith.constant 0 : i32
      %cond3A_226 = arith.cmpi ne, %convert_element_type3A_224, %cond3A_225 : i32
      scf.if %cond3A_226 {
        %dma_wait3A_284 = arith.constant 0 : i32
        %dma_wait3A_285 = arith.constant 0 : i32
        %dma_wait3A_286 = arith.constant 0 : i32
        %dma_wait3A_287 = arith.constant 0 : i32
        %dma_wait3A_288 = tpu.memref_slice %arg8[%dma_wait3A_285, %dma_wait3A_286, %dma_wait3A_287] : memref<3x128x48xf32, #tpu.memory_space<vmem>> -> memref<1x128x48xf32, #tpu.memory_space<vmem>>
        %dma_wait3A_289 = tpu.memref_squeeze %dma_wait3A_288 : memref<1x128x48xf32, #tpu.memory_space<vmem>> -> memref<128x48xf32, #tpu.memory_space<vmem>>
        %dma_wait3A_290 = arith.constant 0 : i32
        %dma_wait3A_291 = tpu.memref_slice %arg6[%dma_wait3A_284, %dma_wait3A_290] : memref<8x128xi32, #tpu.memory_space<vmem>> -> memref<1x128xi32, #tpu.memory_space<vmem>>
        %dma_wait3A_292 = tpu.memref_squeeze %dma_wait3A_291 : memref<1x128xi32, #tpu.memory_space<vmem>> -> memref<128xi32, #tpu.memory_space<vmem>>
        %dma_wait3A_293 = arith.constant 0 : i32
        %dma_wait3A_294 = arith.constant 0 : i32
        %dma_wait3A_295 = tpu.memref_slice %arg4[%dma_wait3A_293, %dma_wait3A_294] : memref<10000x48xf32, #tpu.memory_space<hbm>> -> memref<10000x48xf32, #tpu.memory_space<hbm>>
        tpu.wait_indirect_dma semaphore(%arg11 : memref<!tpu.dma_semaphore, #tpu.memory_space<semaphore_mem>>) src(%dma_wait3A_295 : memref<10000x48xf32, #tpu.memory_space<hbm>>) dst(%dma_wait3A_289 : memref<128x48xf32, #tpu.memory_space<vmem>>)
      } else {
      }
      %add3A_227 = arith.constant 3 : i32
      %add3A_228 = arith.addi %mul3A_143, %add3A_227 : i32
      %rem3A_229 = arith.constant 8 : i32
      %rem3A_230 = arith.remsi %add3A_228, %rem3A_229 : i32
      %add3A_231 = arith.constant 2 : i32
      %add3A_232 = arith.addi %add3A_228, %add3A_231 : i32
      %rem3A_233 = arith.constant 8 : i32
      %rem3A_234 = arith.remsi %add3A_232, %rem3A_233 : i32
      %rem3A_235 = arith.constant 3 : i32
      %rem3A_236 = arith.remsi %add3A_228, %rem3A_235 : i32
      %add3A_237 = arith.constant 2 : i32
      %add3A_238 = arith.addi %add3A_228, %add3A_237 : i32
      %rem3A_239 = arith.constant 3 : i32
      %rem3A_240 = arith.remsi %add3A_238, %rem3A_239 : i32
      %add3A_241 = arith.constant 2 : i32
      %add3A_242 = arith.addi %add3A_228, %add3A_241 : i32
      %rem3A_243 = arith.constant 2 : i32
      %rem3A_244 = arith.remsi %add3A_242, %rem3A_243 : i32
      %gt3A_245 = arith.constant 0 : i32
      %gt3A_246 = arith.cmpi sgt, %add3A_228, %gt3A_245 : i32
      %convert_element_type3A_247 = arith.extui %gt3A_246 : i1 to i32
      %cond3A_248 = arith.constant 0 : i32
      %cond3A_249 = arith.cmpi ne, %convert_element_type3A_247, %cond3A_248 : i32
      scf.if %cond3A_249 {
        %dma_wait3A_284 = arith.constant 0 : i32
        %dma_wait3A_285 = arith.constant 0 : i32
        %dma_wait3A_286 = tpu.memref_slice %arg8[%rem3A_236, %dma_wait3A_284, %dma_wait3A_285] : memref<3x128x48xf32, #tpu.memory_space<vmem>> -> memref<1x128x48xf32, #tpu.memory_space<vmem>>
        %dma_wait3A_287 = tpu.memref_squeeze %dma_wait3A_286 : memref<1x128x48xf32, #tpu.memory_space<vmem>> -> memref<128x48xf32, #tpu.memory_space<vmem>>
        %dma_wait3A_288 = arith.constant 0 : i32
        %dma_wait3A_289 = tpu.memref_slice %arg7[%rem3A_230, %dma_wait3A_288] : memref<8x128xi32, #tpu.memory_space<vmem>> -> memref<1x128xi32, #tpu.memory_space<vmem>>
        %dma_wait3A_290 = tpu.memref_squeeze %dma_wait3A_289 : memref<1x128xi32, #tpu.memory_space<vmem>> -> memref<128xi32, #tpu.memory_space<vmem>>
        %dma_wait3A_291 = arith.constant 0 : i32
        %dma_wait3A_292 = arith.constant 0 : i32
        %dma_wait3A_293 = tpu.memref_slice %arg9[%dma_wait3A_291, %dma_wait3A_292] : memref<10048x48xf32, #tpu.memory_space<vmem_shared>> -> memref<10048x48xf32, #tpu.memory_space<vmem_shared>>
        tpu.wait_indirect_dma semaphore(%arg13 : memref<!tpu.dma_semaphore, #tpu.memory_space<semaphore_mem>>) src(%dma_wait3A_287 : memref<128x48xf32, #tpu.memory_space<vmem>>) dst(%dma_wait3A_293 : memref<10048x48xf32, #tpu.memory_space<vmem_shared>>)
      } else {
      }
      %eq3A_250 = arith.constant 0 : i32
      %eq3A_251 = arith.cmpi eq, %rem3A_244, %eq3A_250 : i32
      %convert_element_type3A_252 = arith.extui %eq3A_251 : i1 to i32
      %cond3A_253 = arith.constant 0 : i32
      %cond3A_254 = arith.cmpi ne, %convert_element_type3A_252, %cond3A_253 : i32
      scf.if %cond3A_254 {
        %dma_start3A_284 = arith.constant 0 : i32
        %dma_start3A_285 = arith.constant 0 : i32
        %dma_start3A_286 = tpu.memref_slice %arg8[%rem3A_240, %dma_start3A_284, %dma_start3A_285] : memref<3x128x48xf32, #tpu.memory_space<vmem>> -> memref<1x128x48xf32, #tpu.memory_space<vmem>>
        %dma_start3A_287 = tpu.memref_squeeze %dma_start3A_286 : memref<1x128x48xf32, #tpu.memory_space<vmem>> -> memref<128x48xf32, #tpu.memory_space<vmem>>
        %dma_start3A_288 = arith.constant 0 : i32
        %dma_start3A_289 = tpu.memref_slice %arg6[%rem3A_234, %dma_start3A_288] : memref<8x128xi32, #tpu.memory_space<vmem>> -> memref<1x128xi32, #tpu.memory_space<vmem>>
        %dma_start3A_290 = tpu.memref_squeeze %dma_start3A_289 : memref<1x128xi32, #tpu.memory_space<vmem>> -> memref<128xi32, #tpu.memory_space<vmem>>
        %dma_start3A_291 = arith.constant 0 : i32
        %dma_start3A_292 = arith.constant 0 : i32
        %dma_start3A_293 = tpu.memref_slice %arg4[%dma_start3A_291, %dma_start3A_292] : memref<10000x48xf32, #tpu.memory_space<hbm>> -> memref<10000x48xf32, #tpu.memory_space<hbm>>
        tpu.enqueue_indirect_dma source(%dma_start3A_293 : memref<10000x48xf32, #tpu.memory_space<hbm>>) target(%dma_start3A_287 : memref<128x48xf32, #tpu.memory_space<vmem>>) offsets(%dma_start3A_290 : memref<128xi32, #tpu.memory_space<vmem>>) semaphore(%arg10 : memref<!tpu.dma_semaphore, #tpu.memory_space<semaphore_mem>>)
      } else {
      }
      %eq3A_255 = arith.constant 1 : i32
      %eq3A_256 = arith.cmpi eq, %rem3A_244, %eq3A_255 : i32
      %convert_element_type3A_257 = arith.extui %eq3A_256 : i1 to i32
      %cond3A_258 = arith.constant 0 : i32
      %cond3A_259 = arith.cmpi ne, %convert_element_type3A_257, %cond3A_258 : i32
      scf.if %cond3A_259 {
        %dma_start3A_284 = arith.constant 0 : i32
        %dma_start3A_285 = arith.constant 0 : i32
        %dma_start3A_286 = tpu.memref_slice %arg8[%rem3A_240, %dma_start3A_284, %dma_start3A_285] : memref<3x128x48xf32, #tpu.memory_space<vmem>> -> memref<1x128x48xf32, #tpu.memory_space<vmem>>
        %dma_start3A_287 = tpu.memref_squeeze %dma_start3A_286 : memref<1x128x48xf32, #tpu.memory_space<vmem>> -> memref<128x48xf32, #tpu.memory_space<vmem>>
        %dma_start3A_288 = arith.constant 0 : i32
        %dma_start3A_289 = tpu.memref_slice %arg6[%rem3A_234, %dma_start3A_288] : memref<8x128xi32, #tpu.memory_space<vmem>> -> memref<1x128xi32, #tpu.memory_space<vmem>>
        %dma_start3A_290 = tpu.memref_squeeze %dma_start3A_289 : memref<1x128xi32, #tpu.memory_space<vmem>> -> memref<128xi32, #tpu.memory_space<vmem>>
        %dma_start3A_291 = arith.constant 0 : i32
        %dma_start3A_292 = arith.constant 0 : i32
        %dma_start3A_293 = tpu.memref_slice %arg4[%dma_start3A_291, %dma_start3A_292] : memref<10000x48xf32, #tpu.memory_space<hbm>> -> memref<10000x48xf32, #tpu.memory_space<hbm>>
        tpu.enqueue_indirect_dma source(%dma_start3A_293 : memref<10000x48xf32, #tpu.memory_space<hbm>>) target(%dma_start3A_287 : memref<128x48xf32, #tpu.memory_space<vmem>>) offsets(%dma_start3A_290 : memref<128xi32, #tpu.memory_space<vmem>>) semaphore(%arg11 : memref<!tpu.dma_semaphore, #tpu.memory_space<semaphore_mem>>)
      } else {
      }
      %dma_start3A_260 = arith.constant 0 : i32
      %dma_start3A_261 = arith.constant 0 : i32
      %dma_start3A_262 = tpu.memref_slice %arg8[%rem3A_236, %dma_start3A_260, %dma_start3A_261] : memref<3x128x48xf32, #tpu.memory_space<vmem>> -> memref<1x128x48xf32, #tpu.memory_space<vmem>>
      %dma_start3A_263 = tpu.memref_squeeze %dma_start3A_262 : memref<1x128x48xf32, #tpu.memory_space<vmem>> -> memref<128x48xf32, #tpu.memory_space<vmem>>
      %dma_start3A_264 = arith.constant 0 : i32
      %dma_start3A_265 = tpu.memref_slice %arg7[%rem3A_230, %dma_start3A_264] : memref<8x128xi32, #tpu.memory_space<vmem>> -> memref<1x128xi32, #tpu.memory_space<vmem>>
      %dma_start3A_266 = tpu.memref_squeeze %dma_start3A_265 : memref<1x128xi32, #tpu.memory_space<vmem>> -> memref<128xi32, #tpu.memory_space<vmem>>
      %dma_start3A_267 = arith.constant 0 : i32
      %dma_start3A_268 = arith.constant 0 : i32
      %dma_start3A_269 = tpu.memref_slice %arg9[%dma_start3A_267, %dma_start3A_268] : memref<10048x48xf32, #tpu.memory_space<vmem_shared>> -> memref<10048x48xf32, #tpu.memory_space<vmem_shared>>
      tpu.enqueue_indirect_dma source(%dma_start3A_263 : memref<128x48xf32, #tpu.memory_space<vmem>>) target(%dma_start3A_269 : memref<10048x48xf32, #tpu.memory_space<vmem_shared>>) offsets(%dma_start3A_266 : memref<128xi32, #tpu.memory_space<vmem>>) semaphore(%arg13 : memref<!tpu.dma_semaphore, #tpu.memory_space<semaphore_mem>>) {add = true}
      %add3A_270 = arith.constant 1 : i32
      %add3A_271 = arith.addi %add3A_228, %add3A_270 : i32
      %rem3A_272 = arith.constant 2 : i32
      %rem3A_273 = arith.remsi %add3A_271, %rem3A_272 : i32
      %eq3A_274 = arith.constant 0 : i32
      %eq3A_275 = arith.cmpi eq, %rem3A_273, %eq3A_274 : i32
      %convert_element_type3A_276 = arith.extui %eq3A_275 : i1 to i32
      %cond3A_277 = arith.constant 0 : i32
      %cond3A_278 = arith.cmpi ne, %convert_element_type3A_276, %cond3A_277 : i32
      scf.if %cond3A_278 {
        %dma_wait3A_284 = arith.constant 0 : i32
        %dma_wait3A_285 = arith.constant 0 : i32
        %dma_wait3A_286 = arith.constant 0 : i32
        %dma_wait3A_287 = arith.constant 0 : i32
        %dma_wait3A_288 = tpu.memref_slice %arg8[%dma_wait3A_285, %dma_wait3A_286, %dma_wait3A_287] : memref<3x128x48xf32, #tpu.memory_space<vmem>> -> memref<1x128x48xf32, #tpu.memory_space<vmem>>
        %dma_wait3A_289 = tpu.memref_squeeze %dma_wait3A_288 : memref<1x128x48xf32, #tpu.memory_space<vmem>> -> memref<128x48xf32, #tpu.memory_space<vmem>>
        %dma_wait3A_290 = arith.constant 0 : i32
        %dma_wait3A_291 = tpu.memref_slice %arg6[%dma_wait3A_284, %dma_wait3A_290] : memref<8x128xi32, #tpu.memory_space<vmem>> -> memref<1x128xi32, #tpu.memory_space<vmem>>
        %dma_wait3A_292 = tpu.memref_squeeze %dma_wait3A_291 : memref<1x128xi32, #tpu.memory_space<vmem>> -> memref<128xi32, #tpu.memory_space<vmem>>
        %dma_wait3A_293 = arith.constant 0 : i32
        %dma_wait3A_294 = arith.constant 0 : i32
        %dma_wait3A_295 = tpu.memref_slice %arg4[%dma_wait3A_293, %dma_wait3A_294] : memref<10000x48xf32, #tpu.memory_space<hbm>> -> memref<10000x48xf32, #tpu.memory_space<hbm>>
        tpu.wait_indirect_dma semaphore(%arg10 : memref<!tpu.dma_semaphore, #tpu.memory_space<semaphore_mem>>) src(%dma_wait3A_295 : memref<10000x48xf32, #tpu.memory_space<hbm>>) dst(%dma_wait3A_289 : memref<128x48xf32, #tpu.memory_space<vmem>>)
      } else {
      }
      %eq3A_279 = arith.constant 1 : i32
      %eq3A_280 = arith.cmpi eq, %rem3A_273, %eq3A_279 : i32
      %convert_element_type3A_281 = arith.extui %eq3A_280 : i1 to i32
      %cond3A_282 = arith.constant 0 : i32
      %cond3A_283 = arith.cmpi ne, %convert_element_type3A_281, %cond3A_282 : i32
      scf.if %cond3A_283 {
        %dma_wait3A_284 = arith.constant 0 : i32
        %dma_wait3A_285 = arith.constant 0 : i32
        %dma_wait3A_286 = arith.constant 0 : i32
        %dma_wait3A_287 = arith.constant 0 : i32
        %dma_wait3A_288 = tpu.memref_slice %arg8[%dma_wait3A_285, %dma_wait3A_286, %dma_wait3A_287] : memref<3x128x48xf32, #tpu.memory_space<vmem>> -> memref<1x128x48xf32, #tpu.memory_space<vmem>>
        %dma_wait3A_289 = tpu.memref_squeeze %dma_wait3A_288 : memref<1x128x48xf32, #tpu.memory_space<vmem>> -> memref<128x48xf32, #tpu.memory_space<vmem>>
        %dma_wait3A_290 = arith.constant 0 : i32
        %dma_wait3A_291 = tpu.memref_slice %arg6[%dma_wait3A_284, %dma_wait3A_290] : memref<8x128xi32, #tpu.memory_space<vmem>> -> memref<1x128xi32, #tpu.memory_space<vmem>>
        %dma_wait3A_292 = tpu.memref_squeeze %dma_wait3A_291 : memref<1x128xi32, #tpu.memory_space<vmem>> -> memref<128xi32, #tpu.memory_space<vmem>>
        %dma_wait3A_293 = arith.constant 0 : i32
        %dma_wait3A_294 = arith.constant 0 : i32
        %dma_wait3A_295 = tpu.memref_slice %arg4[%dma_wait3A_293, %dma_wait3A_294] : memref<10000x48xf32, #tpu.memory_space<hbm>> -> memref<10000x48xf32, #tpu.memory_space<hbm>>
        tpu.wait_indirect_dma semaphore(%arg11 : memref<!tpu.dma_semaphore, #tpu.memory_space<semaphore_mem>>) src(%dma_wait3A_295 : memref<10000x48xf32, #tpu.memory_space<hbm>>) dst(%dma_wait3A_289 : memref<128x48xf32, #tpu.memory_space<vmem>>)
      } else {
      }
    }
    %dma_wait3A = arith.constant 0 : i32
    %dma_wait3A_71 = arith.constant 0 : i32
    %dma_wait3A_72 = arith.constant 0 : i32
    %dma_wait3A_73 = arith.constant 0 : i32
    %dma_wait3A_74 = tpu.memref_slice %arg8[%dma_wait3A, %dma_wait3A_72, %dma_wait3A_73] : memref<3x128x48xf32, #tpu.memory_space<vmem>> -> memref<1x128x48xf32, #tpu.memory_space<vmem>>
    %dma_wait3A_75 = tpu.memref_squeeze %dma_wait3A_74 : memref<1x128x48xf32, #tpu.memory_space<vmem>> -> memref<128x48xf32, #tpu.memory_space<vmem>>
    %dma_wait3A_76 = arith.constant 0 : i32
    %dma_wait3A_77 = tpu.memref_slice %arg7[%dma_wait3A_71, %dma_wait3A_76] : memref<8x128xi32, #tpu.memory_space<vmem>> -> memref<1x128xi32, #tpu.memory_space<vmem>>
    %dma_wait3A_78 = tpu.memref_squeeze %dma_wait3A_77 : memref<1x128xi32, #tpu.memory_space<vmem>> -> memref<128xi32, #tpu.memory_space<vmem>>
    %dma_wait3A_79 = arith.constant 0 : i32
    %dma_wait3A_80 = arith.constant 0 : i32
    %dma_wait3A_81 = tpu.memref_slice %arg9[%dma_wait3A_79, %dma_wait3A_80] : memref<10048x48xf32, #tpu.memory_space<vmem_shared>> -> memref<10048x48xf32, #tpu.memory_space<vmem_shared>>
    tpu.wait_indirect_dma semaphore(%arg13 : memref<!tpu.dma_semaphore, #tpu.memory_space<semaphore_mem>>) src(%dma_wait3A_75 : memref<128x48xf32, #tpu.memory_space<vmem>>) dst(%dma_wait3A_81 : memref<10048x48xf32, #tpu.memory_space<vmem_shared>>)
    %dma_wait3A_82 = arith.constant 0 : i32
    %dma_wait3A_83 = arith.constant 0 : i32
    %dma_wait3A_84 = arith.constant 0 : i32
    %dma_wait3A_85 = arith.constant 0 : i32
    %dma_wait3A_86 = tpu.memref_slice %arg8[%dma_wait3A_83, %dma_wait3A_84, %dma_wait3A_85] : memref<3x128x48xf32, #tpu.memory_space<vmem>> -> memref<1x128x48xf32, #tpu.memory_space<vmem>>
    %dma_wait3A_87 = tpu.memref_squeeze %dma_wait3A_86 : memref<1x128x48xf32, #tpu.memory_space<vmem>> -> memref<128x48xf32, #tpu.memory_space<vmem>>
    %dma_wait3A_88 = arith.constant 0 : i32
    %dma_wait3A_89 = tpu.memref_slice %arg6[%dma_wait3A_82, %dma_wait3A_88] : memref<8x128xi32, #tpu.memory_space<vmem>> -> memref<1x128xi32, #tpu.memory_space<vmem>>
    %dma_wait3A_90 = tpu.memref_squeeze %dma_wait3A_89 : memref<1x128xi32, #tpu.memory_space<vmem>> -> memref<128xi32, #tpu.memory_space<vmem>>
    %dma_wait3A_91 = arith.constant 0 : i32
    %dma_wait3A_92 = arith.constant 0 : i32
    %dma_wait3A_93 = tpu.memref_slice %arg4[%dma_wait3A_91, %dma_wait3A_92] : memref<10000x48xf32, #tpu.memory_space<hbm>> -> memref<10000x48xf32, #tpu.memory_space<hbm>>
    tpu.wait_indirect_dma semaphore(%arg11 : memref<!tpu.dma_semaphore, #tpu.memory_space<semaphore_mem>>) src(%dma_wait3A_93 : memref<10000x48xf32, #tpu.memory_space<hbm>>) dst(%dma_wait3A_87 : memref<128x48xf32, #tpu.memory_space<vmem>>)
    %barrier3A_94 = arith.constant 0 : index
    tpu.barrier barrier_id(%barrier3A_94)
    %while3A_95 = arith.constant 0 : i32
    %while3A_96 = arith.constant 0 : i32
    %while3A_97 = arith.constant 0 : i32
    %while3A_98 = arith.subi %select_n3A_36, %while3A_97 : i32
    %while3A_99 = arith.addi %while3A_97, %while3A_98 : i32
    %while3A_100 = arith.constant 1 : i32
    %while3A_101 = arith.divsi %while3A_98, %while3A_100 : i32
    %while3A_102 = arith.muli %while3A_101, %while3A_100 : i32
    %while3A_103 = arith.addi %while3A_97, %while3A_102 : i32
    %while3A_104 = arith.constant 1 : i32
    scf.for %while3A_106 = %while3A_97 to %while3A_103 step %while3A_104  : i32 {
      %mul3A_107 = arith.constant 80 : i32
      %mul3A_108 = arith.muli %while3A_106, %mul3A_107 : i32
      %add3A_109 = arith.addi %mul3A_13, %mul3A_108 : i32
      "tpu.region"() ({
        %run_scoped3A_110 = tpu.sem_alloc : memref<!tpu.dma_semaphore, #tpu.memory_space<semaphore_mem>>
        %dma_start3A_111 = arith.constant 0 : i32
        %dma_start3A_112 = arith.constant 0 : i32
        %dma_start3A_113 = tpu.memref_slice %arg8[%while3A_96, %dma_start3A_111, %dma_start3A_112] : memref<3x128x48xf32, #tpu.memory_space<vmem>> -> memref<1x80x48xf32, #tpu.memory_space<vmem>>
        %dma_start3A_114 = tpu.memref_squeeze %dma_start3A_113 : memref<1x80x48xf32, #tpu.memory_space<vmem>> -> memref<80x48xf32, #tpu.memory_space<vmem>>
        %dma_start3A_115 = arith.constant 0 : i32
        %dma_start3A_116 = tpu.memref_slice %arg9[%add3A_109, %dma_start3A_115] : memref<10048x48xf32, #tpu.memory_space<vmem_shared>> -> memref<80x48xf32, #tpu.memory_space<vmem_shared>>
        %dma_start3A_117 = arith.constant 0 : i32
        %dma_start3A_118 = arith.constant 0 : i32
        %dma_start3A_119 = tpu.memref_slice %arg8[%while3A_96, %dma_start3A_117, %dma_start3A_118] : memref<3x128x48xf32, #tpu.memory_space<vmem>> -> memref<1x80x48xf32, #tpu.memory_space<vmem>>
        %dma_start3A_120 = tpu.memref_squeeze %dma_start3A_119 : memref<1x80x48xf32, #tpu.memory_space<vmem>> -> memref<80x48xf32, #tpu.memory_space<vmem>>
        %dma_start3A_121 = arith.constant 0 : i32
        %dma_start3A_122 = tpu.memref_slice %arg9[%add3A_109, %dma_start3A_121] : memref<10048x48xf32, #tpu.memory_space<vmem_shared>> -> memref<80x48xf32, #tpu.memory_space<vmem_shared>>
        tpu.enqueue_dma source(%dma_start3A_122 : memref<80x48xf32, #tpu.memory_space<vmem_shared>>) target(%dma_start3A_120 : memref<80x48xf32, #tpu.memory_space<vmem>>) target_semaphore(%run_scoped3A_110 : memref<!tpu.dma_semaphore, #tpu.memory_space<semaphore_mem>>)
        %dma_wait3A_123 = arith.constant 0 : i32
        %dma_wait3A_124 = arith.constant 0 : i32
        %dma_wait3A_125 = tpu.memref_slice %arg8[%while3A_96, %dma_wait3A_123, %dma_wait3A_124] : memref<3x128x48xf32, #tpu.memory_space<vmem>> -> memref<1x80x48xf32, #tpu.memory_space<vmem>>
        %dma_wait3A_126 = tpu.memref_squeeze %dma_wait3A_125 : memref<1x80x48xf32, #tpu.memory_space<vmem>> -> memref<80x48xf32, #tpu.memory_space<vmem>>
        %dma_wait3A_127 = arith.constant 0 : i32
        %dma_wait3A_128 = tpu.memref_slice %arg9[%add3A_109, %dma_wait3A_127] : memref<10048x48xf32, #tpu.memory_space<vmem_shared>> -> memref<80x48xf32, #tpu.memory_space<vmem_shared>>
        %dma_wait3A_129 = arith.constant 0 : i32
        %dma_wait3A_130 = arith.constant 0 : i32
        %dma_wait3A_131 = tpu.memref_slice %arg8[%while3A_96, %dma_wait3A_129, %dma_wait3A_130] : memref<3x128x48xf32, #tpu.memory_space<vmem>> -> memref<1x80x48xf32, #tpu.memory_space<vmem>>
        %dma_wait3A_132 = tpu.memref_squeeze %dma_wait3A_131 : memref<1x80x48xf32, #tpu.memory_space<vmem>> -> memref<80x48xf32, #tpu.memory_space<vmem>>
        %dma_wait3A_133 = arith.constant 0 : i32
        %dma_wait3A_134 = tpu.memref_slice %arg9[%add3A_109, %dma_wait3A_133] : memref<10048x48xf32, #tpu.memory_space<vmem_shared>> -> memref<80x48xf32, #tpu.memory_space<vmem_shared>>
        tpu.wait_dma2 semaphore(%run_scoped3A_110 : memref<!tpu.dma_semaphore, #tpu.memory_space<semaphore_mem>>) src(%dma_wait3A_134 : memref<80x48xf32, #tpu.memory_space<vmem_shared>>) dst(%dma_wait3A_132 : memref<80x48xf32, #tpu.memory_space<vmem>>)
        tpu.yield
      }) : () -> ()
      "tpu.region"() ({
        %run_scoped3A_110 = tpu.sem_alloc : memref<!tpu.dma_semaphore, #tpu.memory_space<semaphore_mem>>
        %dma_start3A_111 = arith.constant 0 : i32
        %dma_start3A_112 = arith.constant 0 : i32
        %dma_start3A_113 = tpu.memref_slice %arg8[%while3A_96, %dma_start3A_111, %dma_start3A_112] : memref<3x128x48xf32, #tpu.memory_space<vmem>> -> memref<1x80x48xf32, #tpu.memory_space<vmem>>
        %dma_start3A_114 = tpu.memref_squeeze %dma_start3A_113 : memref<1x80x48xf32, #tpu.memory_space<vmem>> -> memref<80x48xf32, #tpu.memory_space<vmem>>
        %dma_start3A_115 = arith.constant 0 : i32
        %dma_start3A_116 = tpu.memref_slice %arg5[%arg0, %add3A_109, %dma_start3A_115] : memref<2x10000x48xf32, #tpu.memory_space<hbm>> -> memref<1x80x48xf32, #tpu.memory_space<hbm>>
        %dma_start3A_117 = tpu.memref_squeeze %dma_start3A_116 : memref<1x80x48xf32, #tpu.memory_space<hbm>> -> memref<80x48xf32, #tpu.memory_space<hbm>>
        %dma_start3A_118 = arith.constant 0 : i32
        %dma_start3A_119 = tpu.memref_slice %arg5[%arg0, %add3A_109, %dma_start3A_118] : memref<2x10000x48xf32, #tpu.memory_space<hbm>> -> memref<1x80x48xf32, #tpu.memory_space<hbm>>
        %dma_start3A_120 = tpu.memref_squeeze %dma_start3A_119 : memref<1x80x48xf32, #tpu.memory_space<hbm>> -> memref<80x48xf32, #tpu.memory_space<hbm>>
        %dma_start3A_121 = arith.constant 0 : i32
        %dma_start3A_122 = arith.constant 0 : i32
        %dma_start3A_123 = tpu.memref_slice %arg8[%while3A_96, %dma_start3A_121, %dma_start3A_122] : memref<3x128x48xf32, #tpu.memory_space<vmem>> -> memref<1x80x48xf32, #tpu.memory_space<vmem>>
        %dma_start3A_124 = tpu.memref_squeeze %dma_start3A_123 : memref<1x80x48xf32, #tpu.memory_space<vmem>> -> memref<80x48xf32, #tpu.memory_space<vmem>>
        tpu.enqueue_dma source(%dma_start3A_124 : memref<80x48xf32, #tpu.memory_space<vmem>>) target(%dma_start3A_120 : memref<80x48xf32, #tpu.memory_space<hbm>>) target_semaphore(%run_scoped3A_110 : memref<!tpu.dma_semaphore, #tpu.memory_space<semaphore_mem>>)
        %dma_wait3A_125 = arith.constant 0 : i32
        %dma_wait3A_126 = arith.constant 0 : i32
        %dma_wait3A_127 = tpu.memref_slice %arg8[%while3A_96, %dma_wait3A_125, %dma_wait3A_126] : memref<3x128x48xf32, #tpu.memory_space<vmem>> -> memref<1x80x48xf32, #tpu.memory_space<vmem>>
        %dma_wait3A_128 = tpu.memref_squeeze %dma_wait3A_127 : memref<1x80x48xf32, #tpu.memory_space<vmem>> -> memref<80x48xf32, #tpu.memory_space<vmem>>
        %dma_wait3A_129 = arith.constant 0 : i32
        %dma_wait3A_130 = tpu.memref_slice %arg5[%arg0, %add3A_109, %dma_wait3A_129] : memref<2x10000x48xf32, #tpu.memory_space<hbm>> -> memref<1x80x48xf32, #tpu.memory_space<hbm>>
        %dma_wait3A_131 = tpu.memref_squeeze %dma_wait3A_130 : memref<1x80x48xf32, #tpu.memory_space<hbm>> -> memref<80x48xf32, #tpu.memory_space<hbm>>
        %dma_wait3A_132 = arith.constant 0 : i32
        %dma_wait3A_133 = tpu.memref_slice %arg5[%arg0, %add3A_109, %dma_wait3A_132] : memref<2x10000x48xf32, #tpu.memory_space<hbm>> -> memref<1x80x48xf32, #tpu.memory_space<hbm>>
        %dma_wait3A_134 = tpu.memref_squeeze %dma_wait3A_133 : memref<1x80x48xf32, #tpu.memory_space<hbm>> -> memref<80x48xf32, #tpu.memory_space<hbm>>
        %dma_wait3A_135 = arith.constant 0 : i32
        %dma_wait3A_136 = arith.constant 0 : i32
        %dma_wait3A_137 = tpu.memref_slice %arg8[%while3A_96, %dma_wait3A_135, %dma_wait3A_136] : memref<3x128x48xf32, #tpu.memory_space<vmem>> -> memref<1x80x48xf32, #tpu.memory_space<vmem>>
        %dma_wait3A_138 = tpu.memref_squeeze %dma_wait3A_137 : memref<1x80x48xf32, #tpu.memory_space<vmem>> -> memref<80x48xf32, #tpu.memory_space<vmem>>
        tpu.wait_dma2 semaphore(%run_scoped3A_110 : memref<!tpu.dma_semaphore, #tpu.memory_space<semaphore_mem>>) src(%dma_wait3A_138 : memref<80x48xf32, #tpu.memory_space<vmem>>) dst(%dma_wait3A_134 : memref<80x48xf32, #tpu.memory_space<hbm>>)
        tpu.yield
      }) : () -> ()
    }
    %while3A_105 = arith.constant 1 : i32
    scf.for %while3A_106 = %while3A_103 to %while3A_99 step %while3A_105  : i32 {
      %mul3A_107 = arith.constant 80 : i32
      %mul3A_108 = arith.muli %while3A_106, %mul3A_107 : i32
      %add3A_109 = arith.addi %mul3A_13, %mul3A_108 : i32
      "tpu.region"() ({
        %run_scoped3A_110 = tpu.sem_alloc : memref<!tpu.dma_semaphore, #tpu.memory_space<semaphore_mem>>
        %dma_start3A_111 = arith.constant 0 : i32
        %dma_start3A_112 = arith.constant 0 : i32
        %dma_start3A_113 = tpu.memref_slice %arg8[%while3A_96, %dma_start3A_111, %dma_start3A_112] : memref<3x128x48xf32, #tpu.memory_space<vmem>> -> memref<1x80x48xf32, #tpu.memory_space<vmem>>
        %dma_start3A_114 = tpu.memref_squeeze %dma_start3A_113 : memref<1x80x48xf32, #tpu.memory_space<vmem>> -> memref<80x48xf32, #tpu.memory_space<vmem>>
        %dma_start3A_115 = arith.constant 0 : i32
        %dma_start3A_116 = tpu.memref_slice %arg9[%add3A_109, %dma_start3A_115] : memref<10048x48xf32, #tpu.memory_space<vmem_shared>> -> memref<80x48xf32, #tpu.memory_space<vmem_shared>>
        %dma_start3A_117 = arith.constant 0 : i32
        %dma_start3A_118 = arith.constant 0 : i32
        %dma_start3A_119 = tpu.memref_slice %arg8[%while3A_96, %dma_start3A_117, %dma_start3A_118] : memref<3x128x48xf32, #tpu.memory_space<vmem>> -> memref<1x80x48xf32, #tpu.memory_space<vmem>>
        %dma_start3A_120 = tpu.memref_squeeze %dma_start3A_119 : memref<1x80x48xf32, #tpu.memory_space<vmem>> -> memref<80x48xf32, #tpu.memory_space<vmem>>
        %dma_start3A_121 = arith.constant 0 : i32
        %dma_start3A_122 = tpu.memref_slice %arg9[%add3A_109, %dma_start3A_121] : memref<10048x48xf32, #tpu.memory_space<vmem_shared>> -> memref<80x48xf32, #tpu.memory_space<vmem_shared>>
        tpu.enqueue_dma source(%dma_start3A_122 : memref<80x48xf32, #tpu.memory_space<vmem_shared>>) target(%dma_start3A_120 : memref<80x48xf32, #tpu.memory_space<vmem>>) target_semaphore(%run_scoped3A_110 : memref<!tpu.dma_semaphore, #tpu.memory_space<semaphore_mem>>)
        %dma_wait3A_123 = arith.constant 0 : i32
        %dma_wait3A_124 = arith.constant 0 : i32
        %dma_wait3A_125 = tpu.memref_slice %arg8[%while3A_96, %dma_wait3A_123, %dma_wait3A_124] : memref<3x128x48xf32, #tpu.memory_space<vmem>> -> memref<1x80x48xf32, #tpu.memory_space<vmem>>
        %dma_wait3A_126 = tpu.memref_squeeze %dma_wait3A_125 : memref<1x80x48xf32, #tpu.memory_space<vmem>> -> memref<80x48xf32, #tpu.memory_space<vmem>>
        %dma_wait3A_127 = arith.constant 0 : i32
        %dma_wait3A_128 = tpu.memref_slice %arg9[%add3A_109, %dma_wait3A_127] : memref<10048x48xf32, #tpu.memory_space<vmem_shared>> -> memref<80x48xf32, #tpu.memory_space<vmem_shared>>
        %dma_wait3A_129 = arith.constant 0 : i32
        %dma_wait3A_130 = arith.constant 0 : i32
        %dma_wait3A_131 = tpu.memref_slice %arg8[%while3A_96, %dma_wait3A_129, %dma_wait3A_130] : memref<3x128x48xf32, #tpu.memory_space<vmem>> -> memref<1x80x48xf32, #tpu.memory_space<vmem>>
        %dma_wait3A_132 = tpu.memref_squeeze %dma_wait3A_131 : memref<1x80x48xf32, #tpu.memory_space<vmem>> -> memref<80x48xf32, #tpu.memory_space<vmem>>
        %dma_wait3A_133 = arith.constant 0 : i32
        %dma_wait3A_134 = tpu.memref_slice %arg9[%add3A_109, %dma_wait3A_133] : memref<10048x48xf32, #tpu.memory_space<vmem_shared>> -> memref<80x48xf32, #tpu.memory_space<vmem_shared>>
        tpu.wait_dma2 semaphore(%run_scoped3A_110 : memref<!tpu.dma_semaphore, #tpu.memory_space<semaphore_mem>>) src(%dma_wait3A_134 : memref<80x48xf32, #tpu.memory_space<vmem_shared>>) dst(%dma_wait3A_132 : memref<80x48xf32, #tpu.memory_space<vmem>>)
        tpu.yield
      }) : () -> ()
      "tpu.region"() ({
        %run_scoped3A_110 = tpu.sem_alloc : memref<!tpu.dma_semaphore, #tpu.memory_space<semaphore_mem>>
        %dma_start3A_111 = arith.constant 0 : i32
        %dma_start3A_112 = arith.constant 0 : i32
        %dma_start3A_113 = tpu.memref_slice %arg8[%while3A_96, %dma_start3A_111, %dma_start3A_112] : memref<3x128x48xf32, #tpu.memory_space<vmem>> -> memref<1x80x48xf32, #tpu.memory_space<vmem>>
        %dma_start3A_114 = tpu.memref_squeeze %dma_start3A_113 : memref<1x80x48xf32, #tpu.memory_space<vmem>> -> memref<80x48xf32, #tpu.memory_space<vmem>>
        %dma_start3A_115 = arith.constant 0 : i32
        %dma_start3A_116 = tpu.memref_slice %arg5[%arg0, %add3A_109, %dma_start3A_115] : memref<2x10000x48xf32, #tpu.memory_space<hbm>> -> memref<1x80x48xf32, #tpu.memory_space<hbm>>
        %dma_start3A_117 = tpu.memref_squeeze %dma_start3A_116 : memref<1x80x48xf32, #tpu.memory_space<hbm>> -> memref<80x48xf32, #tpu.memory_space<hbm>>
        %dma_start3A_118 = arith.constant 0 : i32
        %dma_start3A_119 = tpu.memref_slice %arg5[%arg0, %add3A_109, %dma_start3A_118] : memref<2x10000x48xf32, #tpu.memory_space<hbm>> -> memref<1x80x48xf32, #tpu.memory_space<hbm>>
        %dma_start3A_120 = tpu.memref_squeeze %dma_start3A_119 : memref<1x80x48xf32, #tpu.memory_space<hbm>> -> memref<80x48xf32, #tpu.memory_space<hbm>>
        %dma_start3A_121 = arith.constant 0 : i32
        %dma_start3A_122 = arith.constant 0 : i32
        %dma_start3A_123 = tpu.memref_slice %arg8[%while3A_96, %dma_start3A_121, %dma_start3A_122] : memref<3x128x48xf32, #tpu.memory_space<vmem>> -> memref<1x80x48xf32, #tpu.memory_space<vmem>>
        %dma_start3A_124 = tpu.memref_squeeze %dma_start3A_123 : memref<1x80x48xf32, #tpu.memory_space<vmem>> -> memref<80x48xf32, #tpu.memory_space<vmem>>
        tpu.enqueue_dma source(%dma_start3A_124 : memref<80x48xf32, #tpu.memory_space<vmem>>) target(%dma_start3A_120 : memref<80x48xf32, #tpu.memory_space<hbm>>) target_semaphore(%run_scoped3A_110 : memref<!tpu.dma_semaphore, #tpu.memory_space<semaphore_mem>>)
        %dma_wait3A_125 = arith.constant 0 : i32
        %dma_wait3A_126 = arith.constant 0 : i32
        %dma_wait3A_127 = tpu.memref_slice %arg8[%while3A_96, %dma_wait3A_125, %dma_wait3A_126] : memref<3x128x48xf32, #tpu.memory_space<vmem>> -> memref<1x80x48xf32, #tpu.memory_space<vmem>>
        %dma_wait3A_128 = tpu.memref_squeeze %dma_wait3A_127 : memref<1x80x48xf32, #tpu.memory_space<vmem>> -> memref<80x48xf32, #tpu.memory_space<vmem>>
        %dma_wait3A_129 = arith.constant 0 : i32
        %dma_wait3A_130 = tpu.memref_slice %arg5[%arg0, %add3A_109, %dma_wait3A_129] : memref<2x10000x48xf32, #tpu.memory_space<hbm>> -> memref<1x80x48xf32, #tpu.memory_space<hbm>>
        %dma_wait3A_131 = tpu.memref_squeeze %dma_wait3A_130 : memref<1x80x48xf32, #tpu.memory_space<hbm>> -> memref<80x48xf32, #tpu.memory_space<hbm>>
        %dma_wait3A_132 = arith.constant 0 : i32
        %dma_wait3A_133 = tpu.memref_slice %arg5[%arg0, %add3A_109, %dma_wait3A_132] : memref<2x10000x48xf32, #tpu.memory_space<hbm>> -> memref<1x80x48xf32, #tpu.memory_space<hbm>>
        %dma_wait3A_134 = tpu.memref_squeeze %dma_wait3A_133 : memref<1x80x48xf32, #tpu.memory_space<hbm>> -> memref<80x48xf32, #tpu.memory_space<hbm>>
        %dma_wait3A_135 = arith.constant 0 : i32
        %dma_wait3A_136 = arith.constant 0 : i32
        %dma_wait3A_137 = tpu.memref_slice %arg8[%while3A_96, %dma_wait3A_135, %dma_wait3A_136] : memref<3x128x48xf32, #tpu.memory_space<vmem>> -> memref<1x80x48xf32, #tpu.memory_space<vmem>>
        %dma_wait3A_138 = tpu.memref_squeeze %dma_wait3A_137 : memref<1x80x48xf32, #tpu.memory_space<vmem>> -> memref<80x48xf32, #tpu.memory_space<vmem>>
        tpu.wait_dma2 semaphore(%run_scoped3A_110 : memref<!tpu.dma_semaphore, #tpu.memory_space<semaphore_mem>>) src(%dma_wait3A_138 : memref<80x48xf32, #tpu.memory_space<vmem>>) dst(%dma_wait3A_134 : memref<80x48xf32, #tpu.memory_space<hbm>>)
        tpu.yield
      }) : () -> ()
    }
    return
  }
}

#map = affine_map<(d0, d1) -> (0, 0, 0)>
#map1 = affine_map<(d0, d1) -> (0)>
module attributes {stable_mosaic.version = 14 : i64} {
  func.func @deg_kernel(%arg0: i32, %arg1: i32, %arg2: memref<32x80x128xi32, #tpu.memory_space<hbm>>, %arg3: memref<20000xf32, #tpu.memory_space<hbm>>, %arg4: memref<4x128xi32, #tpu.memory_space<vmem>>, %arg5: memref<128xf32, #tpu.memory_space<vmem>>, %arg6: memref<80xf32, #tpu.memory_space<vmem>>, %arg7: memref<10048xf32, #tpu.memory_space<vmem_shared>>) attributes {dimension_semantics = [#tpu.dimension_semantics<core_parallel>, #tpu.dimension_semantics<subcore_parallel>], iteration_bounds = array<i64: 2, 16>, scalar_prefetch = 0 : i64, scratch_operands = 4 : i64, tpu.core_type = #tpu.core_type<sc_vector_subcore>, window_params = [{transform_indices = #map}, {transform_indices = #map1}]} {
    %mul3A = arith.constant 16 : i32
    %mul3A_0 = arith.muli %arg0, %mul3A : i32
    %add3A = arith.addi %mul3A_0, %arg1 : i32
    %broadcast_in_dim3A = arith.constant 1.000000e+00 : f32
    %broadcast_in_dim3A_1 = vector.broadcast %broadcast_in_dim3A : f32 to vector<16xf32>
    %swap3A = arith.constant 0 : index
    %swap3A_2 = tpu.vector_load %arg5[%swap3A] {strides = array<i32>} : memref<128xf32, #tpu.memory_space<vmem>>, vector<16xf32>,
    %swap3A_3 = vector.shape_cast %swap3A_2 : vector<16xf32> to vector<16xf32>
    %swap3A_4 = vector.shape_cast %broadcast_in_dim3A_1 : vector<16xf32> to vector<16xf32>
    tpu.vector_store %arg5[%swap3A], %swap3A_4 {strides = array<i32>} : memref<128xf32, #tpu.memory_space<vmem>>, vector<16xf32>,
    %broadcast_in_dim3A_5 = arith.constant 1.000000e+00 : f32
    %broadcast_in_dim3A_6 = vector.broadcast %broadcast_in_dim3A_5 : f32 to vector<16xf32>
    %swap3A_7 = arith.constant 16 : index
    %swap3A_8 = tpu.vector_load %arg5[%swap3A_7] {strides = array<i32>} : memref<128xf32, #tpu.memory_space<vmem>>, vector<16xf32>,
    %swap3A_9 = vector.shape_cast %swap3A_8 : vector<16xf32> to vector<16xf32>
    %swap3A_10 = vector.shape_cast %broadcast_in_dim3A_6 : vector<16xf32> to vector<16xf32>
    tpu.vector_store %arg5[%swap3A_7], %swap3A_10 {strides = array<i32>} : memref<128xf32, #tpu.memory_space<vmem>>, vector<16xf32>,
    %broadcast_in_dim3A_11 = arith.constant 1.000000e+00 : f32
    %broadcast_in_dim3A_12 = vector.broadcast %broadcast_in_dim3A_11 : f32 to vector<16xf32>
    %swap3A_13 = arith.constant 32 : index
    %swap3A_14 = tpu.vector_load %arg5[%swap3A_13] {strides = array<i32>} : memref<128xf32, #tpu.memory_space<vmem>>, vector<16xf32>,
    %swap3A_15 = vector.shape_cast %swap3A_14 : vector<16xf32> to vector<16xf32>
    %swap3A_16 = vector.shape_cast %broadcast_in_dim3A_12 : vector<16xf32> to vector<16xf32>
    tpu.vector_store %arg5[%swap3A_13], %swap3A_16 {strides = array<i32>} : memref<128xf32, #tpu.memory_space<vmem>>, vector<16xf32>,
    %broadcast_in_dim3A_17 = arith.constant 1.000000e+00 : f32
    %broadcast_in_dim3A_18 = vector.broadcast %broadcast_in_dim3A_17 : f32 to vector<16xf32>
    %swap3A_19 = arith.constant 48 : index
    %swap3A_20 = tpu.vector_load %arg5[%swap3A_19] {strides = array<i32>} : memref<128xf32, #tpu.memory_space<vmem>>, vector<16xf32>,
    %swap3A_21 = vector.shape_cast %swap3A_20 : vector<16xf32> to vector<16xf32>
    %swap3A_22 = vector.shape_cast %broadcast_in_dim3A_18 : vector<16xf32> to vector<16xf32>
    tpu.vector_store %arg5[%swap3A_19], %swap3A_22 {strides = array<i32>} : memref<128xf32, #tpu.memory_space<vmem>>, vector<16xf32>,
    %broadcast_in_dim3A_23 = arith.constant 1.000000e+00 : f32
    %broadcast_in_dim3A_24 = vector.broadcast %broadcast_in_dim3A_23 : f32 to vector<16xf32>
    %swap3A_25 = arith.constant 64 : index
    %swap3A_26 = tpu.vector_load %arg5[%swap3A_25] {strides = array<i32>} : memref<128xf32, #tpu.memory_space<vmem>>, vector<16xf32>,
    %swap3A_27 = vector.shape_cast %swap3A_26 : vector<16xf32> to vector<16xf32>
    %swap3A_28 = vector.shape_cast %broadcast_in_dim3A_24 : vector<16xf32> to vector<16xf32>
    tpu.vector_store %arg5[%swap3A_25], %swap3A_28 {strides = array<i32>} : memref<128xf32, #tpu.memory_space<vmem>>, vector<16xf32>,
    %broadcast_in_dim3A_29 = arith.constant 1.000000e+00 : f32
    %broadcast_in_dim3A_30 = vector.broadcast %broadcast_in_dim3A_29 : f32 to vector<16xf32>
    %swap3A_31 = arith.constant 80 : index
    %swap3A_32 = tpu.vector_load %arg5[%swap3A_31] {strides = array<i32>} : memref<128xf32, #tpu.memory_space<vmem>>, vector<16xf32>,
    %swap3A_33 = vector.shape_cast %swap3A_32 : vector<16xf32> to vector<16xf32>
    %swap3A_34 = vector.shape_cast %broadcast_in_dim3A_30 : vector<16xf32> to vector<16xf32>
    tpu.vector_store %arg5[%swap3A_31], %swap3A_34 {strides = array<i32>} : memref<128xf32, #tpu.memory_space<vmem>>, vector<16xf32>,
    %broadcast_in_dim3A_35 = arith.constant 1.000000e+00 : f32
    %broadcast_in_dim3A_36 = vector.broadcast %broadcast_in_dim3A_35 : f32 to vector<16xf32>
    %swap3A_37 = arith.constant 96 : index
    %swap3A_38 = tpu.vector_load %arg5[%swap3A_37] {strides = array<i32>} : memref<128xf32, #tpu.memory_space<vmem>>, vector<16xf32>,
    %swap3A_39 = vector.shape_cast %swap3A_38 : vector<16xf32> to vector<16xf32>
    %swap3A_40 = vector.shape_cast %broadcast_in_dim3A_36 : vector<16xf32> to vector<16xf32>
    tpu.vector_store %arg5[%swap3A_37], %swap3A_40 {strides = array<i32>} : memref<128xf32, #tpu.memory_space<vmem>>, vector<16xf32>,
    %broadcast_in_dim3A_41 = arith.constant 1.000000e+00 : f32
    %broadcast_in_dim3A_42 = vector.broadcast %broadcast_in_dim3A_41 : f32 to vector<16xf32>
    %swap3A_43 = arith.constant 112 : index
    %swap3A_44 = tpu.vector_load %arg5[%swap3A_43] {strides = array<i32>} : memref<128xf32, #tpu.memory_space<vmem>>, vector<16xf32>,
    %swap3A_45 = vector.shape_cast %swap3A_44 : vector<16xf32> to vector<16xf32>
    %swap3A_46 = vector.shape_cast %broadcast_in_dim3A_42 : vector<16xf32> to vector<16xf32>
    tpu.vector_store %arg5[%swap3A_43], %swap3A_46 {strides = array<i32>} : memref<128xf32, #tpu.memory_space<vmem>>, vector<16xf32>,
    %broadcast_in_dim3A_47 = arith.constant 0.000000e+00 : f32
    %broadcast_in_dim3A_48 = vector.broadcast %broadcast_in_dim3A_47 : f32 to vector<16xf32>
    %swap3A_49 = arith.constant 0 : index
    %swap3A_50 = tpu.vector_load %arg6[%swap3A_49] {strides = array<i32>} : memref<80xf32, #tpu.memory_space<vmem>>, vector<16xf32>,
    %swap3A_51 = vector.shape_cast %swap3A_50 : vector<16xf32> to vector<16xf32>
    %swap3A_52 = vector.shape_cast %broadcast_in_dim3A_48 : vector<16xf32> to vector<16xf32>
    tpu.vector_store %arg6[%swap3A_49], %swap3A_52 {strides = array<i32>} : memref<80xf32, #tpu.memory_space<vmem>>, vector<16xf32>,
    %broadcast_in_dim3A_53 = arith.constant 0.000000e+00 : f32
    %broadcast_in_dim3A_54 = vector.broadcast %broadcast_in_dim3A_53 : f32 to vector<16xf32>
    %swap3A_55 = arith.constant 16 : index
    %swap3A_56 = tpu.vector_load %arg6[%swap3A_55] {strides = array<i32>} : memref<80xf32, #tpu.memory_space<vmem>>, vector<16xf32>,
    %swap3A_57 = vector.shape_cast %swap3A_56 : vector<16xf32> to vector<16xf32>
    %swap3A_58 = vector.shape_cast %broadcast_in_dim3A_54 : vector<16xf32> to vector<16xf32>
    tpu.vector_store %arg6[%swap3A_55], %swap3A_58 {strides = array<i32>} : memref<80xf32, #tpu.memory_space<vmem>>, vector<16xf32>,
    %broadcast_in_dim3A_59 = arith.constant 0.000000e+00 : f32
    %broadcast_in_dim3A_60 = vector.broadcast %broadcast_in_dim3A_59 : f32 to vector<16xf32>
    %swap3A_61 = arith.constant 32 : index
    %swap3A_62 = tpu.vector_load %arg6[%swap3A_61] {strides = array<i32>} : memref<80xf32, #tpu.memory_space<vmem>>, vector<16xf32>,
    %swap3A_63 = vector.shape_cast %swap3A_62 : vector<16xf32> to vector<16xf32>
    %swap3A_64 = vector.shape_cast %broadcast_in_dim3A_60 : vector<16xf32> to vector<16xf32>
    tpu.vector_store %arg6[%swap3A_61], %swap3A_64 {strides = array<i32>} : memref<80xf32, #tpu.memory_space<vmem>>, vector<16xf32>,
    %broadcast_in_dim3A_65 = arith.constant 0.000000e+00 : f32
    %broadcast_in_dim3A_66 = vector.broadcast %broadcast_in_dim3A_65 : f32 to vector<16xf32>
    %swap3A_67 = arith.constant 48 : index
    %swap3A_68 = tpu.vector_load %arg6[%swap3A_67] {strides = array<i32>} : memref<80xf32, #tpu.memory_space<vmem>>, vector<16xf32>,
    %swap3A_69 = vector.shape_cast %swap3A_68 : vector<16xf32> to vector<16xf32>
    %swap3A_70 = vector.shape_cast %broadcast_in_dim3A_66 : vector<16xf32> to vector<16xf32>
    tpu.vector_store %arg6[%swap3A_67], %swap3A_70 {strides = array<i32>} : memref<80xf32, #tpu.memory_space<vmem>>, vector<16xf32>,
    %broadcast_in_dim3A_71 = arith.constant 0.000000e+00 : f32
    %broadcast_in_dim3A_72 = vector.broadcast %broadcast_in_dim3A_71 : f32 to vector<16xf32>
    %swap3A_73 = arith.constant 64 : index
    %swap3A_74 = tpu.vector_load %arg6[%swap3A_73] {strides = array<i32>} : memref<80xf32, #tpu.memory_space<vmem>>, vector<16xf32>,
    %swap3A_75 = vector.shape_cast %swap3A_74 : vector<16xf32> to vector<16xf32>
    %swap3A_76 = vector.shape_cast %broadcast_in_dim3A_72 : vector<16xf32> to vector<16xf32>
    tpu.vector_store %arg6[%swap3A_73], %swap3A_76 {strides = array<i32>} : memref<80xf32, #tpu.memory_space<vmem>>, vector<16xf32>,
    %mul3A_77 = arith.constant 640 : i32
    %mul3A_78 = arith.muli %arg1, %mul3A_77 : i32
    %add3A_79 = arith.constant 640 : i32
    %add3A_80 = arith.addi %mul3A_78, %add3A_79 : i32
    %le3A = arith.constant 10000 : i32
    %le3A_81 = arith.cmpi sle, %add3A_80, %le3A : i32
    %sub3A = arith.constant 10000 : i32
    %sub3A_82 = arith.subi %sub3A, %mul3A_78 : i32
    %jit3A = arith.constant 80 : i32
    %div3A = arith.divsi %sub3A_82, %jit3A : i32
    %sign3A = arith.constant 0 : i32
    %sign3A_83 = arith.cmpi sgt, %sub3A_82, %sign3A : i32
    %sign3A_84 = arith.extui %sign3A_83 : i1 to i32
    %sign3A_85 = arith.constant 0 : i32
    %sign3A_86 = arith.cmpi slt, %sub3A_82, %sign3A_85 : i32
    %sign3A_87 = arith.extui %sign3A_86 : i1 to i32
    %sign3A_88 = arith.subi %sign3A_84, %sign3A_87 : i32
    %sign3A_89 = arith.constant 0 : i32
    %sign3A_90 = arith.cmpi sgt, %jit3A, %sign3A_89 : i32
    %sign3A_91 = arith.extui %sign3A_90 : i1 to i32
    %sign3A_92 = arith.constant 0 : i32
    %sign3A_93 = arith.cmpi slt, %jit3A, %sign3A_92 : i32
    %sign3A_94 = arith.extui %sign3A_93 : i1 to i32
    %sign3A_95 = arith.subi %sign3A_91, %sign3A_94 : i32
    %ne3A = arith.cmpi ne, %sign3A_88, %sign3A_95 : i32
    %rem3A = arith.remsi %sub3A_82, %jit3A : i32
    %ne3A_96 = arith.constant 0 : i32
    %ne3A_97 = arith.cmpi ne, %rem3A, %ne3A_96 : i32
    %and3A = arith.andi %ne3A, %ne3A_97 : i1
    %sub3A_98 = arith.constant 1 : i32
    %sub3A_99 = arith.subi %div3A, %sub3A_98 : i32
    %select_n3A = arith.select %and3A, %sub3A_99, %div3A : i32
    %jit3A_100 = arith.constant 8 : i32
    %select_n3A_101 = arith.select %le3A_81, %jit3A_100, %select_n3A : i32
    %while3A = arith.constant 0 : i32
    %while3A_102 = arith.constant 0 : i32
    %while3A_103 = arith.subi %select_n3A_101, %while3A_102 : i32
    %while3A_104 = arith.addi %while3A_102, %while3A_103 : i32
    %while3A_105 = arith.constant 1 : i32
    %while3A_106 = arith.divsi %while3A_103, %while3A_105 : i32
    %while3A_107 = arith.muli %while3A_106, %while3A_105 : i32
    %while3A_108 = arith.addi %while3A_102, %while3A_107 : i32
    %while3A_109 = arith.constant 1 : i32
    scf.for %while3A_133 = %while3A_102 to %while3A_108 step %while3A_109  : i32 {
      %mul3A_134 = arith.constant 80 : i32
      %mul3A_135 = arith.muli %while3A_133, %mul3A_134 : i32
      %add3A_136 = arith.addi %mul3A_78, %mul3A_135 : i32
      "tpu.region"() ({
        %run_scoped3A = tpu.sem_alloc : memref<!tpu.dma_semaphore, #tpu.memory_space<semaphore_mem>>
        %dma_start3A = tpu.memref_slice %arg7[%add3A_136] : memref<10048xf32, #tpu.memory_space<vmem_shared>> -> memref<80xf32, #tpu.memory_space<vmem_shared>>
        %dma_start3A_137 = tpu.memref_slice %arg7[%add3A_136] : memref<10048xf32, #tpu.memory_space<vmem_shared>> -> memref<80xf32, #tpu.memory_space<vmem_shared>>
        tpu.enqueue_dma source(%arg6 : memref<80xf32, #tpu.memory_space<vmem>>) target(%dma_start3A_137 : memref<80xf32, #tpu.memory_space<vmem_shared>>) target_semaphore(%run_scoped3A : memref<!tpu.dma_semaphore, #tpu.memory_space<semaphore_mem>>)
        %dma_wait3A = tpu.memref_slice %arg7[%add3A_136] : memref<10048xf32, #tpu.memory_space<vmem_shared>> -> memref<80xf32, #tpu.memory_space<vmem_shared>>
        %dma_wait3A_138 = tpu.memref_slice %arg7[%add3A_136] : memref<10048xf32, #tpu.memory_space<vmem_shared>> -> memref<80xf32, #tpu.memory_space<vmem_shared>>
        tpu.wait_dma2 semaphore(%run_scoped3A : memref<!tpu.dma_semaphore, #tpu.memory_space<semaphore_mem>>) src(%arg6 : memref<80xf32, #tpu.memory_space<vmem>>) dst(%dma_wait3A_138 : memref<80xf32, #tpu.memory_space<vmem_shared>>)
        tpu.yield
      }) : () -> ()
    }
    %while3A_110 = arith.constant 1 : i32
    scf.for %while3A_133 = %while3A_108 to %while3A_104 step %while3A_110  : i32 {
      %mul3A_134 = arith.constant 80 : i32
      %mul3A_135 = arith.muli %while3A_133, %mul3A_134 : i32
      %add3A_136 = arith.addi %mul3A_78, %mul3A_135 : i32
      "tpu.region"() ({
        %run_scoped3A = tpu.sem_alloc : memref<!tpu.dma_semaphore, #tpu.memory_space<semaphore_mem>>
        %dma_start3A = tpu.memref_slice %arg7[%add3A_136] : memref<10048xf32, #tpu.memory_space<vmem_shared>> -> memref<80xf32, #tpu.memory_space<vmem_shared>>
        %dma_start3A_137 = tpu.memref_slice %arg7[%add3A_136] : memref<10048xf32, #tpu.memory_space<vmem_shared>> -> memref<80xf32, #tpu.memory_space<vmem_shared>>
        tpu.enqueue_dma source(%arg6 : memref<80xf32, #tpu.memory_space<vmem>>) target(%dma_start3A_137 : memref<80xf32, #tpu.memory_space<vmem_shared>>) target_semaphore(%run_scoped3A : memref<!tpu.dma_semaphore, #tpu.memory_space<semaphore_mem>>)
        %dma_wait3A = tpu.memref_slice %arg7[%add3A_136] : memref<10048xf32, #tpu.memory_space<vmem_shared>> -> memref<80xf32, #tpu.memory_space<vmem_shared>>
        %dma_wait3A_138 = tpu.memref_slice %arg7[%add3A_136] : memref<10048xf32, #tpu.memory_space<vmem_shared>> -> memref<80xf32, #tpu.memory_space<vmem_shared>>
        tpu.wait_dma2 semaphore(%run_scoped3A : memref<!tpu.dma_semaphore, #tpu.memory_space<semaphore_mem>>) src(%arg6 : memref<80xf32, #tpu.memory_space<vmem>>) dst(%dma_wait3A_138 : memref<80xf32, #tpu.memory_space<vmem_shared>>)
        tpu.yield
      }) : () -> ()
    }
    %barrier3A = arith.constant 0 : index
    tpu.barrier barrier_id(%barrier3A)
    %while3A_111 = arith.constant 0 : i32
    %while3A_112 = arith.constant 0 : i32
    %while3A_113 = arith.constant 20 : i32
    %while3A_114 = arith.subi %while3A_113, %while3A_112 : i32
    %while3A_115 = arith.addi %while3A_112, %while3A_114 : i32
    %while3A_116 = arith.constant 1 : i32
    %while3A_117 = arith.divsi %while3A_114, %while3A_116 : i32
    %while3A_118 = arith.muli %while3A_117, %while3A_116 : i32
    %while3A_119 = arith.addi %while3A_112, %while3A_118 : i32
    %while3A_120 = arith.constant 1 : i32
    scf.for %while3A_133 = %while3A_112 to %while3A_119 step %while3A_120  : i32 {
      %mul3A_134 = arith.constant 4 : i32
      %mul3A_135 = arith.muli %while3A_133, %mul3A_134 : i32
      %multiple_of3A = tpu.assume_multiple %mul3A_135, 4 : i32
      "tpu.region"() ({
        %run_scoped3A = tpu.sem_alloc : memref<!tpu.dma_semaphore, #tpu.memory_space<semaphore_mem>>
        %dma_start3A = arith.constant 0 : i32
        %dma_start3A_146 = tpu.memref_slice %arg2[%add3A, %multiple_of3A, %dma_start3A] : memref<32x80x128xi32, #tpu.memory_space<hbm>> -> memref<1x4x128xi32, #tpu.memory_space<hbm>>
        %dma_start3A_147 = tpu.memref_squeeze %dma_start3A_146 : memref<1x4x128xi32, #tpu.memory_space<hbm>> -> memref<4x128xi32, #tpu.memory_space<hbm>>
        %dma_start3A_148 = arith.constant 0 : i32
        %dma_start3A_149 = tpu.memref_slice %arg2[%add3A, %multiple_of3A, %dma_start3A_148] : memref<32x80x128xi32, #tpu.memory_space<hbm>> -> memref<1x4x128xi32, #tpu.memory_space<hbm>>
        %dma_start3A_150 = tpu.memref_squeeze %dma_start3A_149 : memref<1x4x128xi32, #tpu.memory_space<hbm>> -> memref<4x128xi32, #tpu.memory_space<hbm>>
        tpu.enqueue_dma source(%dma_start3A_150 : memref<4x128xi32, #tpu.memory_space<hbm>>) target(%arg4 : memref<4x128xi32, #tpu.memory_space<vmem>>) target_semaphore(%run_scoped3A : memref<!tpu.dma_semaphore, #tpu.memory_space<semaphore_mem>>)
        %dma_wait3A = arith.constant 0 : i32
        %dma_wait3A_151 = tpu.memref_slice %arg2[%add3A, %multiple_of3A, %dma_wait3A] : memref<32x80x128xi32, #tpu.memory_space<hbm>> -> memref<1x4x128xi32, #tpu.memory_space<hbm>>
        %dma_wait3A_152 = tpu.memref_squeeze %dma_wait3A_151 : memref<1x4x128xi32, #tpu.memory_space<hbm>> -> memref<4x128xi32, #tpu.memory_space<hbm>>
        %dma_wait3A_153 = arith.constant 0 : i32
        %dma_wait3A_154 = tpu.memref_slice %arg2[%add3A, %multiple_of3A, %dma_wait3A_153] : memref<32x80x128xi32, #tpu.memory_space<hbm>> -> memref<1x4x128xi32, #tpu.memory_space<hbm>>
        %dma_wait3A_155 = tpu.memref_squeeze %dma_wait3A_154 : memref<1x4x128xi32, #tpu.memory_space<hbm>> -> memref<4x128xi32, #tpu.memory_space<hbm>>
        tpu.wait_dma2 semaphore(%run_scoped3A : memref<!tpu.dma_semaphore, #tpu.memory_space<semaphore_mem>>) src(%dma_wait3A_155 : memref<4x128xi32, #tpu.memory_space<hbm>>) dst(%arg4 : memref<4x128xi32, #tpu.memory_space<vmem>>)
        tpu.yield
      }) : () -> ()
      %while3A_136 = arith.constant 0 : i32
      %while3A_137 = arith.constant 4 : i32
      %while3A_138 = arith.subi %while3A_137, %while3A_136 : i32
      %while3A_139 = arith.addi %while3A_136, %while3A_138 : i32
      %while3A_140 = arith.constant 1 : i32
      %while3A_141 = arith.divsi %while3A_138, %while3A_140 : i32
      %while3A_142 = arith.muli %while3A_141, %while3A_140 : i32
      %while3A_143 = arith.addi %while3A_136, %while3A_142 : i32
      %while3A_144 = arith.constant 1 : i32
      scf.for %while3A_146 = %while3A_136 to %while3A_143 step %while3A_144  : i32 {
        "tpu.region"() ({
          %run_scoped3A = tpu.sem_alloc : memref<!tpu.dma_semaphore, #tpu.memory_space<semaphore_mem>>
          %dma_start3A = arith.constant 0 : i32
          %dma_start3A_147 = tpu.memref_slice %arg4[%while3A_146, %dma_start3A] : memref<4x128xi32, #tpu.memory_space<vmem>> -> memref<1x128xi32, #tpu.memory_space<vmem>>
          %dma_start3A_148 = tpu.memref_squeeze %dma_start3A_147 : memref<1x128xi32, #tpu.memory_space<vmem>> -> memref<128xi32, #tpu.memory_space<vmem>>
          %dma_start3A_149 = arith.constant 0 : i32
          %dma_start3A_150 = tpu.memref_slice %arg7[%dma_start3A_149] : memref<10048xf32, #tpu.memory_space<vmem_shared>> -> memref<10048xf32, #tpu.memory_space<vmem_shared>>
          tpu.enqueue_indirect_dma source(%arg5 : memref<128xf32, #tpu.memory_space<vmem>>) target(%dma_start3A_150 : memref<10048xf32, #tpu.memory_space<vmem_shared>>) offsets(%dma_start3A_148 : memref<128xi32, #tpu.memory_space<vmem>>) semaphore(%run_scoped3A : memref<!tpu.dma_semaphore, #tpu.memory_space<semaphore_mem>>) {add = true}
          %dma_wait3A = arith.constant 0 : i32
          %dma_wait3A_151 = tpu.memref_slice %arg4[%while3A_146, %dma_wait3A] : memref<4x128xi32, #tpu.memory_space<vmem>> -> memref<1x128xi32, #tpu.memory_space<vmem>>
          %dma_wait3A_152 = tpu.memref_squeeze %dma_wait3A_151 : memref<1x128xi32, #tpu.memory_space<vmem>> -> memref<128xi32, #tpu.memory_space<vmem>>
          %dma_wait3A_153 = arith.constant 0 : i32
          %dma_wait3A_154 = tpu.memref_slice %arg7[%dma_wait3A_153] : memref<10048xf32, #tpu.memory_space<vmem_shared>> -> memref<10048xf32, #tpu.memory_space<vmem_shared>>
          tpu.wait_indirect_dma semaphore(%run_scoped3A : memref<!tpu.dma_semaphore, #tpu.memory_space<semaphore_mem>>) src(%arg5 : memref<128xf32, #tpu.memory_space<vmem>>) dst(%dma_wait3A_154 : memref<10048xf32, #tpu.memory_space<vmem_shared>>)
          tpu.yield
        }) : () -> ()
      }
      %while3A_145 = arith.constant 1 : i32
      scf.for %while3A_146 = %while3A_143 to %while3A_139 step %while3A_145  : i32 {
        "tpu.region"() ({
          %run_scoped3A = tpu.sem_alloc : memref<!tpu.dma_semaphore, #tpu.memory_space<semaphore_mem>>
          %dma_start3A = arith.constant 0 : i32
          %dma_start3A_147 = tpu.memref_slice %arg4[%while3A_146, %dma_start3A] : memref<4x128xi32, #tpu.memory_space<vmem>> -> memref<1x128xi32, #tpu.memory_space<vmem>>
          %dma_start3A_148 = tpu.memref_squeeze %dma_start3A_147 : memref<1x128xi32, #tpu.memory_space<vmem>> -> memref<128xi32, #tpu.memory_space<vmem>>
          %dma_start3A_149 = arith.constant 0 : i32
          %dma_start3A_150 = tpu.memref_slice %arg7[%dma_start3A_149] : memref<10048xf32, #tpu.memory_space<vmem_shared>> -> memref<10048xf32, #tpu.memory_space<vmem_shared>>
          tpu.enqueue_indirect_dma source(%arg5 : memref<128xf32, #tpu.memory_space<vmem>>) target(%dma_start3A_150 : memref<10048xf32, #tpu.memory_space<vmem_shared>>) offsets(%dma_start3A_148 : memref<128xi32, #tpu.memory_space<vmem>>) semaphore(%run_scoped3A : memref<!tpu.dma_semaphore, #tpu.memory_space<semaphore_mem>>) {add = true}
          %dma_wait3A = arith.constant 0 : i32
          %dma_wait3A_151 = tpu.memref_slice %arg4[%while3A_146, %dma_wait3A] : memref<4x128xi32, #tpu.memory_space<vmem>> -> memref<1x128xi32, #tpu.memory_space<vmem>>
          %dma_wait3A_152 = tpu.memref_squeeze %dma_wait3A_151 : memref<1x128xi32, #tpu.memory_space<vmem>> -> memref<128xi32, #tpu.memory_space<vmem>>
          %dma_wait3A_153 = arith.constant 0 : i32
          %dma_wait3A_154 = tpu.memref_slice %arg7[%dma_wait3A_153] : memref<10048xf32, #tpu.memory_space<vmem_shared>> -> memref<10048xf32, #tpu.memory_space<vmem_shared>>
          tpu.wait_indirect_dma semaphore(%run_scoped3A : memref<!tpu.dma_semaphore, #tpu.memory_space<semaphore_mem>>) src(%arg5 : memref<128xf32, #tpu.memory_space<vmem>>) dst(%dma_wait3A_154 : memref<10048xf32, #tpu.memory_space<vmem_shared>>)
          tpu.yield
        }) : () -> ()
      }
    }
    %while3A_121 = arith.constant 1 : i32
    scf.for %while3A_133 = %while3A_119 to %while3A_115 step %while3A_121  : i32 {
      %mul3A_134 = arith.constant 4 : i32
      %mul3A_135 = arith.muli %while3A_133, %mul3A_134 : i32
      %multiple_of3A = tpu.assume_multiple %mul3A_135, 4 : i32
      "tpu.region"() ({
        %run_scoped3A = tpu.sem_alloc : memref<!tpu.dma_semaphore, #tpu.memory_space<semaphore_mem>>
        %dma_start3A = arith.constant 0 : i32
        %dma_start3A_146 = tpu.memref_slice %arg2[%add3A, %multiple_of3A, %dma_start3A] : memref<32x80x128xi32, #tpu.memory_space<hbm>> -> memref<1x4x128xi32, #tpu.memory_space<hbm>>
        %dma_start3A_147 = tpu.memref_squeeze %dma_start3A_146 : memref<1x4x128xi32, #tpu.memory_space<hbm>> -> memref<4x128xi32, #tpu.memory_space<hbm>>
        %dma_start3A_148 = arith.constant 0 : i32
        %dma_start3A_149 = tpu.memref_slice %arg2[%add3A, %multiple_of3A, %dma_start3A_148] : memref<32x80x128xi32, #tpu.memory_space<hbm>> -> memref<1x4x128xi32, #tpu.memory_space<hbm>>
        %dma_start3A_150 = tpu.memref_squeeze %dma_start3A_149 : memref<1x4x128xi32, #tpu.memory_space<hbm>> -> memref<4x128xi32, #tpu.memory_space<hbm>>
        tpu.enqueue_dma source(%dma_start3A_150 : memref<4x128xi32, #tpu.memory_space<hbm>>) target(%arg4 : memref<4x128xi32, #tpu.memory_space<vmem>>) target_semaphore(%run_scoped3A : memref<!tpu.dma_semaphore, #tpu.memory_space<semaphore_mem>>)
        %dma_wait3A = arith.constant 0 : i32
        %dma_wait3A_151 = tpu.memref_slice %arg2[%add3A, %multiple_of3A, %dma_wait3A] : memref<32x80x128xi32, #tpu.memory_space<hbm>> -> memref<1x4x128xi32, #tpu.memory_space<hbm>>
        %dma_wait3A_152 = tpu.memref_squeeze %dma_wait3A_151 : memref<1x4x128xi32, #tpu.memory_space<hbm>> -> memref<4x128xi32, #tpu.memory_space<hbm>>
        %dma_wait3A_153 = arith.constant 0 : i32
        %dma_wait3A_154 = tpu.memref_slice %arg2[%add3A, %multiple_of3A, %dma_wait3A_153] : memref<32x80x128xi32, #tpu.memory_space<hbm>> -> memref<1x4x128xi32, #tpu.memory_space<hbm>>
        %dma_wait3A_155 = tpu.memref_squeeze %dma_wait3A_154 : memref<1x4x128xi32, #tpu.memory_space<hbm>> -> memref<4x128xi32, #tpu.memory_space<hbm>>
        tpu.wait_dma2 semaphore(%run_scoped3A : memref<!tpu.dma_semaphore, #tpu.memory_space<semaphore_mem>>) src(%dma_wait3A_155 : memref<4x128xi32, #tpu.memory_space<hbm>>) dst(%arg4 : memref<4x128xi32, #tpu.memory_space<vmem>>)
        tpu.yield
      }) : () -> ()
      %while3A_136 = arith.constant 0 : i32
      %while3A_137 = arith.constant 4 : i32
      %while3A_138 = arith.subi %while3A_137, %while3A_136 : i32
      %while3A_139 = arith.addi %while3A_136, %while3A_138 : i32
      %while3A_140 = arith.constant 1 : i32
      %while3A_141 = arith.divsi %while3A_138, %while3A_140 : i32
      %while3A_142 = arith.muli %while3A_141, %while3A_140 : i32
      %while3A_143 = arith.addi %while3A_136, %while3A_142 : i32
      %while3A_144 = arith.constant 1 : i32
      scf.for %while3A_146 = %while3A_136 to %while3A_143 step %while3A_144  : i32 {
        "tpu.region"() ({
          %run_scoped3A = tpu.sem_alloc : memref<!tpu.dma_semaphore, #tpu.memory_space<semaphore_mem>>
          %dma_start3A = arith.constant 0 : i32
          %dma_start3A_147 = tpu.memref_slice %arg4[%while3A_146, %dma_start3A] : memref<4x128xi32, #tpu.memory_space<vmem>> -> memref<1x128xi32, #tpu.memory_space<vmem>>
          %dma_start3A_148 = tpu.memref_squeeze %dma_start3A_147 : memref<1x128xi32, #tpu.memory_space<vmem>> -> memref<128xi32, #tpu.memory_space<vmem>>
          %dma_start3A_149 = arith.constant 0 : i32
          %dma_start3A_150 = tpu.memref_slice %arg7[%dma_start3A_149] : memref<10048xf32, #tpu.memory_space<vmem_shared>> -> memref<10048xf32, #tpu.memory_space<vmem_shared>>
          tpu.enqueue_indirect_dma source(%arg5 : memref<128xf32, #tpu.memory_space<vmem>>) target(%dma_start3A_150 : memref<10048xf32, #tpu.memory_space<vmem_shared>>) offsets(%dma_start3A_148 : memref<128xi32, #tpu.memory_space<vmem>>) semaphore(%run_scoped3A : memref<!tpu.dma_semaphore, #tpu.memory_space<semaphore_mem>>) {add = true}
          %dma_wait3A = arith.constant 0 : i32
          %dma_wait3A_151 = tpu.memref_slice %arg4[%while3A_146, %dma_wait3A] : memref<4x128xi32, #tpu.memory_space<vmem>> -> memref<1x128xi32, #tpu.memory_space<vmem>>
          %dma_wait3A_152 = tpu.memref_squeeze %dma_wait3A_151 : memref<1x128xi32, #tpu.memory_space<vmem>> -> memref<128xi32, #tpu.memory_space<vmem>>
          %dma_wait3A_153 = arith.constant 0 : i32
          %dma_wait3A_154 = tpu.memref_slice %arg7[%dma_wait3A_153] : memref<10048xf32, #tpu.memory_space<vmem_shared>> -> memref<10048xf32, #tpu.memory_space<vmem_shared>>
          tpu.wait_indirect_dma semaphore(%run_scoped3A : memref<!tpu.dma_semaphore, #tpu.memory_space<semaphore_mem>>) src(%arg5 : memref<128xf32, #tpu.memory_space<vmem>>) dst(%dma_wait3A_154 : memref<10048xf32, #tpu.memory_space<vmem_shared>>)
          tpu.yield
        }) : () -> ()
      }
      %while3A_145 = arith.constant 1 : i32
      scf.for %while3A_146 = %while3A_143 to %while3A_139 step %while3A_145  : i32 {
        "tpu.region"() ({
          %run_scoped3A = tpu.sem_alloc : memref<!tpu.dma_semaphore, #tpu.memory_space<semaphore_mem>>
          %dma_start3A = arith.constant 0 : i32
          %dma_start3A_147 = tpu.memref_slice %arg4[%while3A_146, %dma_start3A] : memref<4x128xi32, #tpu.memory_space<vmem>> -> memref<1x128xi32, #tpu.memory_space<vmem>>
          %dma_start3A_148 = tpu.memref_squeeze %dma_start3A_147 : memref<1x128xi32, #tpu.memory_space<vmem>> -> memref<128xi32, #tpu.memory_space<vmem>>
          %dma_start3A_149 = arith.constant 0 : i32
          %dma_start3A_150 = tpu.memref_slice %arg7[%dma_start3A_149] : memref<10048xf32, #tpu.memory_space<vmem_shared>> -> memref<10048xf32, #tpu.memory_space<vmem_shared>>
          tpu.enqueue_indirect_dma source(%arg5 : memref<128xf32, #tpu.memory_space<vmem>>) target(%dma_start3A_150 : memref<10048xf32, #tpu.memory_space<vmem_shared>>) offsets(%dma_start3A_148 : memref<128xi32, #tpu.memory_space<vmem>>) semaphore(%run_scoped3A : memref<!tpu.dma_semaphore, #tpu.memory_space<semaphore_mem>>) {add = true}
          %dma_wait3A = arith.constant 0 : i32
          %dma_wait3A_151 = tpu.memref_slice %arg4[%while3A_146, %dma_wait3A] : memref<4x128xi32, #tpu.memory_space<vmem>> -> memref<1x128xi32, #tpu.memory_space<vmem>>
          %dma_wait3A_152 = tpu.memref_squeeze %dma_wait3A_151 : memref<1x128xi32, #tpu.memory_space<vmem>> -> memref<128xi32, #tpu.memory_space<vmem>>
          %dma_wait3A_153 = arith.constant 0 : i32
          %dma_wait3A_154 = tpu.memref_slice %arg7[%dma_wait3A_153] : memref<10048xf32, #tpu.memory_space<vmem_shared>> -> memref<10048xf32, #tpu.memory_space<vmem_shared>>
          tpu.wait_indirect_dma semaphore(%run_scoped3A : memref<!tpu.dma_semaphore, #tpu.memory_space<semaphore_mem>>) src(%arg5 : memref<128xf32, #tpu.memory_space<vmem>>) dst(%dma_wait3A_154 : memref<10048xf32, #tpu.memory_space<vmem_shared>>)
          tpu.yield
        }) : () -> ()
      }
    }
    %barrier3A_122 = arith.constant 0 : index
    tpu.barrier barrier_id(%barrier3A_122)
    %while3A_123 = arith.constant 0 : i32
    %while3A_124 = arith.constant 0 : i32
    %while3A_125 = arith.subi %select_n3A_101, %while3A_124 : i32
    %while3A_126 = arith.addi %while3A_124, %while3A_125 : i32
    %while3A_127 = arith.constant 1 : i32
    %while3A_128 = arith.divsi %while3A_125, %while3A_127 : i32
    %while3A_129 = arith.muli %while3A_128, %while3A_127 : i32
    %while3A_130 = arith.addi %while3A_124, %while3A_129 : i32
    %while3A_131 = arith.constant 1 : i32
    scf.for %while3A_133 = %while3A_124 to %while3A_130 step %while3A_131  : i32 {
      %mul3A_134 = arith.constant 80 : i32
      %mul3A_135 = arith.muli %while3A_133, %mul3A_134 : i32
      %add3A_136 = arith.addi %mul3A_78, %mul3A_135 : i32
      "tpu.region"() ({
        %run_scoped3A = tpu.sem_alloc : memref<!tpu.dma_semaphore, #tpu.memory_space<semaphore_mem>>
        %dma_start3A = tpu.memref_slice %arg7[%add3A_136] : memref<10048xf32, #tpu.memory_space<vmem_shared>> -> memref<80xf32, #tpu.memory_space<vmem_shared>>
        %dma_start3A_140 = tpu.memref_slice %arg7[%add3A_136] : memref<10048xf32, #tpu.memory_space<vmem_shared>> -> memref<80xf32, #tpu.memory_space<vmem_shared>>
        tpu.enqueue_dma source(%dma_start3A_140 : memref<80xf32, #tpu.memory_space<vmem_shared>>) target(%arg6 : memref<80xf32, #tpu.memory_space<vmem>>) target_semaphore(%run_scoped3A : memref<!tpu.dma_semaphore, #tpu.memory_space<semaphore_mem>>)
        %dma_wait3A = tpu.memref_slice %arg7[%add3A_136] : memref<10048xf32, #tpu.memory_space<vmem_shared>> -> memref<80xf32, #tpu.memory_space<vmem_shared>>
        %dma_wait3A_141 = tpu.memref_slice %arg7[%add3A_136] : memref<10048xf32, #tpu.memory_space<vmem_shared>> -> memref<80xf32, #tpu.memory_space<vmem_shared>>
        tpu.wait_dma2 semaphore(%run_scoped3A : memref<!tpu.dma_semaphore, #tpu.memory_space<semaphore_mem>>) src(%dma_wait3A_141 : memref<80xf32, #tpu.memory_space<vmem_shared>>) dst(%arg6 : memref<80xf32, #tpu.memory_space<vmem>>)
        tpu.yield
      }) : () -> ()
      %mul3A_137 = arith.constant 10000 : i32
      %mul3A_138 = arith.muli %arg0, %mul3A_137 : i32
      %add3A_139 = arith.addi %mul3A_138, %add3A_136 : i32
      "tpu.region"() ({
        %run_scoped3A = tpu.sem_alloc : memref<!tpu.dma_semaphore, #tpu.memory_space<semaphore_mem>>
        %dma_start3A = tpu.memref_slice %arg3[%add3A_139] : memref<20000xf32, #tpu.memory_space<hbm>> -> memref<80xf32, #tpu.memory_space<hbm>>
        %dma_start3A_140 = tpu.memref_slice %arg3[%add3A_139] : memref<20000xf32, #tpu.memory_space<hbm>> -> memref<80xf32, #tpu.memory_space<hbm>>
        tpu.enqueue_dma source(%arg6 : memref<80xf32, #tpu.memory_space<vmem>>) target(%dma_start3A_140 : memref<80xf32, #tpu.memory_space<hbm>>) target_semaphore(%run_scoped3A : memref<!tpu.dma_semaphore, #tpu.memory_space<semaphore_mem>>)
        %dma_wait3A = tpu.memref_slice %arg3[%add3A_139] : memref<20000xf32, #tpu.memory_space<hbm>> -> memref<80xf32, #tpu.memory_space<hbm>>
        %dma_wait3A_141 = tpu.memref_slice %arg3[%add3A_139] : memref<20000xf32, #tpu.memory_space<hbm>> -> memref<80xf32, #tpu.memory_space<hbm>>
        tpu.wait_dma2 semaphore(%run_scoped3A : memref<!tpu.dma_semaphore, #tpu.memory_space<semaphore_mem>>) src(%arg6 : memref<80xf32, #tpu.memory_space<vmem>>) dst(%dma_wait3A_141 : memref<80xf32, #tpu.memory_space<hbm>>)
        tpu.yield
      }) : () -> ()
    }
    %while3A_132 = arith.constant 1 : i32
    scf.for %while3A_133 = %while3A_130 to %while3A_126 step %while3A_132  : i32 {
      %mul3A_134 = arith.constant 80 : i32
      %mul3A_135 = arith.muli %while3A_133, %mul3A_134 : i32
      %add3A_136 = arith.addi %mul3A_78, %mul3A_135 : i32
      "tpu.region"() ({
        %run_scoped3A = tpu.sem_alloc : memref<!tpu.dma_semaphore, #tpu.memory_space<semaphore_mem>>
        %dma_start3A = tpu.memref_slice %arg7[%add3A_136] : memref<10048xf32, #tpu.memory_space<vmem_shared>> -> memref<80xf32, #tpu.memory_space<vmem_shared>>
        %dma_start3A_140 = tpu.memref_slice %arg7[%add3A_136] : memref<10048xf32, #tpu.memory_space<vmem_shared>> -> memref<80xf32, #tpu.memory_space<vmem_shared>>
        tpu.enqueue_dma source(%dma_start3A_140 : memref<80xf32, #tpu.memory_space<vmem_shared>>) target(%arg6 : memref<80xf32, #tpu.memory_space<vmem>>) target_semaphore(%run_scoped3A : memref<!tpu.dma_semaphore, #tpu.memory_space<semaphore_mem>>)
        %dma_wait3A = tpu.memref_slice %arg7[%add3A_136] : memref<10048xf32, #tpu.memory_space<vmem_shared>> -> memref<80xf32, #tpu.memory_space<vmem_shared>>
        %dma_wait3A_141 = tpu.memref_slice %arg7[%add3A_136] : memref<10048xf32, #tpu.memory_space<vmem_shared>> -> memref<80xf32, #tpu.memory_space<vmem_shared>>
        tpu.wait_dma2 semaphore(%run_scoped3A : memref<!tpu.dma_semaphore, #tpu.memory_space<semaphore_mem>>) src(%dma_wait3A_141 : memref<80xf32, #tpu.memory_space<vmem_shared>>) dst(%arg6 : memref<80xf32, #tpu.memory_space<vmem>>)
        tpu.yield
      }) : () -> ()
      %mul3A_137 = arith.constant 10000 : i32
      %mul3A_138 = arith.muli %arg0, %mul3A_137 : i32
      %add3A_139 = arith.addi %mul3A_138, %add3A_136 : i32
      "tpu.region"() ({
        %run_scoped3A = tpu.sem_alloc : memref<!tpu.dma_semaphore, #tpu.memory_space<semaphore_mem>>
        %dma_start3A = tpu.memref_slice %arg3[%add3A_139] : memref<20000xf32, #tpu.memory_space<hbm>> -> memref<80xf32, #tpu.memory_space<hbm>>
        %dma_start3A_140 = tpu.memref_slice %arg3[%add3A_139] : memref<20000xf32, #tpu.memory_space<hbm>> -> memref<80xf32, #tpu.memory_space<hbm>>
        tpu.enqueue_dma source(%arg6 : memref<80xf32, #tpu.memory_space<vmem>>) target(%dma_start3A_140 : memref<80xf32, #tpu.memory_space<hbm>>) target_semaphore(%run_scoped3A : memref<!tpu.dma_semaphore, #tpu.memory_space<semaphore_mem>>)
        %dma_wait3A = tpu.memref_slice %arg3[%add3A_139] : memref<20000xf32, #tpu.memory_space<hbm>> -> memref<80xf32, #tpu.memory_space<hbm>>
        %dma_wait3A_141 = tpu.memref_slice %arg3[%add3A_139] : memref<20000xf32, #tpu.memory_space<hbm>> -> memref<80xf32, #tpu.memory_space<hbm>>
        tpu.wait_dma2 semaphore(%run_scoped3A : memref<!tpu.dma_semaphore, #tpu.memory_space<semaphore_mem>>) src(%arg6 : memref<80xf32, #tpu.memory_space<vmem>>) dst(%dma_wait3A_141 : memref<80xf32, #tpu.memory_space<hbm>>)
        tpu.yield
      }) : () -> ()
    }
    return
  }
}

#map = affine_map<(d0, d1) -> (0, 0, 0)>
module attributes {stable_mosaic.version = 14 : i64} {
  func.func @scat_kernel(%arg0: i32, %arg1: i32, %arg2: memref<16x160x128xi32, #tpu.memory_space<hbm>>, %arg3: memref<16x160x128xi32, #tpu.memory_space<hbm>>, %arg4: memref<2x10000x64xf32, #tpu.memory_space<hbm>>, %arg5: memref<2x10000x64xf32, #tpu.memory_space<hbm>>, %arg6: memref<8x128xi32, #tpu.memory_space<vmem>>, %arg7: memref<8x128xi32, #tpu.memory_space<vmem>>, %arg8: memref<4x128x64xf32, #tpu.memory_space<vmem>>, %arg9: memref<10048x64xf32, #tpu.memory_space<vmem_shared>>, %arg10: memref<!tpu.dma_semaphore, #tpu.memory_space<semaphore_mem>>, %arg11: memref<!tpu.dma_semaphore, #tpu.memory_space<semaphore_mem>>, %arg12: memref<!tpu.dma_semaphore, #tpu.memory_space<semaphore_mem>>, %arg13: memref<!tpu.dma_semaphore, #tpu.memory_space<semaphore_mem>>, %arg14: memref<!tpu.dma_semaphore, #tpu.memory_space<semaphore_mem>>) attributes {dimension_semantics = [#tpu.dimension_semantics<core_parallel>, #tpu.dimension_semantics<subcore_parallel>], iteration_bounds = array<i64: 2, 16>, scalar_prefetch = 0 : i64, scratch_operands = 9 : i64, tpu.core_type = #tpu.core_type<sc_vector_subcore>, window_params = [{transform_indices = #map}, {transform_indices = #map}, {transform_indices = #map}, {transform_indices = #map}]} {
    %broadcast_in_dim3A = arith.constant 0.000000e+00 : f32
    %broadcast_in_dim3A_0 = vector.broadcast %broadcast_in_dim3A : f32 to vector<16xf32>
    %while3A = arith.constant 0 : i32
    %while3A_1 = arith.constant 0 : i32
    %while3A_2 = arith.constant 80 : i32
    %while3A_3 = arith.subi %while3A_2, %while3A_1 : i32
    %while3A_4 = arith.addi %while3A_1, %while3A_3 : i32
    %while3A_5 = arith.constant 1 : i32
    %while3A_6 = arith.divsi %while3A_3, %while3A_5 : i32
    %while3A_7 = arith.muli %while3A_6, %while3A_5 : i32
    %while3A_8 = arith.addi %while3A_1, %while3A_7 : i32
    %while3A_9 = arith.constant 1 : i32
    scf.for %while3A_143 = %while3A_1 to %while3A_8 step %while3A_9  : i32 {
      %swap3A = arith.constant 0 : i32
      %swap3A_144 = arith.index_cast %swap3A : i32 to index
      %swap3A_145 = arith.index_cast %while3A_143 : i32 to index
      %swap3A_146 = arith.constant 0 : index
      %swap3A_147 = tpu.vector_load %arg8[%swap3A_144, %swap3A_145, %swap3A_146] {strides = array<i32>} : memref<4x128x64xf32, #tpu.memory_space<vmem>>, vector<1x1x16xf32>,
      %swap3A_148 = vector.shape_cast %swap3A_147 : vector<1x1x16xf32> to vector<16xf32>
      %swap3A_149 = vector.shape_cast %broadcast_in_dim3A_0 : vector<16xf32> to vector<1x1x16xf32>
      tpu.vector_store %arg8[%swap3A_144, %swap3A_145, %swap3A_146], %swap3A_149 {strides = array<i32>} : memref<4x128x64xf32, #tpu.memory_space<vmem>>, vector<1x1x16xf32>,
      %swap3A_150 = arith.constant 0 : i32
      %swap3A_151 = arith.index_cast %swap3A_150 : i32 to index
      %swap3A_152 = arith.index_cast %while3A_143 : i32 to index
      %swap3A_153 = arith.constant 16 : index
      %swap3A_154 = tpu.vector_load %arg8[%swap3A_151, %swap3A_152, %swap3A_153] {strides = array<i32>} : memref<4x128x64xf32, #tpu.memory_space<vmem>>, vector<1x1x16xf32>,
      %swap3A_155 = vector.shape_cast %swap3A_154 : vector<1x1x16xf32> to vector<16xf32>
      %swap3A_156 = vector.shape_cast %broadcast_in_dim3A_0 : vector<16xf32> to vector<1x1x16xf32>
      tpu.vector_store %arg8[%swap3A_151, %swap3A_152, %swap3A_153], %swap3A_156 {strides = array<i32>} : memref<4x128x64xf32, #tpu.memory_space<vmem>>, vector<1x1x16xf32>,
      %swap3A_157 = arith.constant 0 : i32
      %swap3A_158 = arith.index_cast %swap3A_157 : i32 to index
      %swap3A_159 = arith.index_cast %while3A_143 : i32 to index
      %swap3A_160 = arith.constant 32 : index
      %swap3A_161 = tpu.vector_load %arg8[%swap3A_158, %swap3A_159, %swap3A_160] {strides = array<i32>} : memref<4x128x64xf32, #tpu.memory_space<vmem>>, vector<1x1x16xf32>,
      %swap3A_162 = vector.shape_cast %swap3A_161 : vector<1x1x16xf32> to vector<16xf32>
      %swap3A_163 = vector.shape_cast %broadcast_in_dim3A_0 : vector<16xf32> to vector<1x1x16xf32>
      tpu.vector_store %arg8[%swap3A_158, %swap3A_159, %swap3A_160], %swap3A_163 {strides = array<i32>} : memref<4x128x64xf32, #tpu.memory_space<vmem>>, vector<1x1x16xf32>,
      %swap3A_164 = arith.constant 0 : i32
      %swap3A_165 = arith.index_cast %swap3A_164 : i32 to index
      %swap3A_166 = arith.index_cast %while3A_143 : i32 to index
      %swap3A_167 = arith.constant 48 : index
      %swap3A_168 = tpu.vector_load %arg8[%swap3A_165, %swap3A_166, %swap3A_167] {strides = array<i32>} : memref<4x128x64xf32, #tpu.memory_space<vmem>>, vector<1x1x16xf32>,
      %swap3A_169 = vector.shape_cast %swap3A_168 : vector<1x1x16xf32> to vector<16xf32>
      %swap3A_170 = vector.shape_cast %broadcast_in_dim3A_0 : vector<16xf32> to vector<1x1x16xf32>
      tpu.vector_store %arg8[%swap3A_165, %swap3A_166, %swap3A_167], %swap3A_170 {strides = array<i32>} : memref<4x128x64xf32, #tpu.memory_space<vmem>>, vector<1x1x16xf32>,
    }
    %while3A_10 = arith.constant 1 : i32
    scf.for %while3A_143 = %while3A_8 to %while3A_4 step %while3A_10  : i32 {
      %swap3A = arith.constant 0 : i32
      %swap3A_144 = arith.index_cast %swap3A : i32 to index
      %swap3A_145 = arith.index_cast %while3A_143 : i32 to index
      %swap3A_146 = arith.constant 0 : index
      %swap3A_147 = tpu.vector_load %arg8[%swap3A_144, %swap3A_145, %swap3A_146] {strides = array<i32>} : memref<4x128x64xf32, #tpu.memory_space<vmem>>, vector<1x1x16xf32>,
      %swap3A_148 = vector.shape_cast %swap3A_147 : vector<1x1x16xf32> to vector<16xf32>
      %swap3A_149 = vector.shape_cast %broadcast_in_dim3A_0 : vector<16xf32> to vector<1x1x16xf32>
      tpu.vector_store %arg8[%swap3A_144, %swap3A_145, %swap3A_146], %swap3A_149 {strides = array<i32>} : memref<4x128x64xf32, #tpu.memory_space<vmem>>, vector<1x1x16xf32>,
      %swap3A_150 = arith.constant 0 : i32
      %swap3A_151 = arith.index_cast %swap3A_150 : i32 to index
      %swap3A_152 = arith.index_cast %while3A_143 : i32 to index
      %swap3A_153 = arith.constant 16 : index
      %swap3A_154 = tpu.vector_load %arg8[%swap3A_151, %swap3A_152, %swap3A_153] {strides = array<i32>} : memref<4x128x64xf32, #tpu.memory_space<vmem>>, vector<1x1x16xf32>,
      %swap3A_155 = vector.shape_cast %swap3A_154 : vector<1x1x16xf32> to vector<16xf32>
      %swap3A_156 = vector.shape_cast %broadcast_in_dim3A_0 : vector<16xf32> to vector<1x1x16xf32>
      tpu.vector_store %arg8[%swap3A_151, %swap3A_152, %swap3A_153], %swap3A_156 {strides = array<i32>} : memref<4x128x64xf32, #tpu.memory_space<vmem>>, vector<1x1x16xf32>,
      %swap3A_157 = arith.constant 0 : i32
      %swap3A_158 = arith.index_cast %swap3A_157 : i32 to index
      %swap3A_159 = arith.index_cast %while3A_143 : i32 to index
      %swap3A_160 = arith.constant 32 : index
      %swap3A_161 = tpu.vector_load %arg8[%swap3A_158, %swap3A_159, %swap3A_160] {strides = array<i32>} : memref<4x128x64xf32, #tpu.memory_space<vmem>>, vector<1x1x16xf32>,
      %swap3A_162 = vector.shape_cast %swap3A_161 : vector<1x1x16xf32> to vector<16xf32>
      %swap3A_163 = vector.shape_cast %broadcast_in_dim3A_0 : vector<16xf32> to vector<1x1x16xf32>
      tpu.vector_store %arg8[%swap3A_158, %swap3A_159, %swap3A_160], %swap3A_163 {strides = array<i32>} : memref<4x128x64xf32, #tpu.memory_space<vmem>>, vector<1x1x16xf32>,
      %swap3A_164 = arith.constant 0 : i32
      %swap3A_165 = arith.index_cast %swap3A_164 : i32 to index
      %swap3A_166 = arith.index_cast %while3A_143 : i32 to index
      %swap3A_167 = arith.constant 48 : index
      %swap3A_168 = tpu.vector_load %arg8[%swap3A_165, %swap3A_166, %swap3A_167] {strides = array<i32>} : memref<4x128x64xf32, #tpu.memory_space<vmem>>, vector<1x1x16xf32>,
      %swap3A_169 = vector.shape_cast %swap3A_168 : vector<1x1x16xf32> to vector<16xf32>
      %swap3A_170 = vector.shape_cast %broadcast_in_dim3A_0 : vector<16xf32> to vector<1x1x16xf32>
      tpu.vector_store %arg8[%swap3A_165, %swap3A_166, %swap3A_167], %swap3A_170 {strides = array<i32>} : memref<4x128x64xf32, #tpu.memory_space<vmem>>, vector<1x1x16xf32>,
    }
    %mul3A = arith.constant 640 : i32
    %mul3A_11 = arith.muli %arg1, %mul3A : i32
    %add3A = arith.constant 640 : i32
    %add3A_12 = arith.addi %mul3A_11, %add3A : i32
    %le3A = arith.constant 10000 : i32
    %le3A_13 = arith.cmpi sle, %add3A_12, %le3A : i32
    %sub3A = arith.constant 10000 : i32
    %sub3A_14 = arith.subi %sub3A, %mul3A_11 : i32
    %jit3A = arith.constant 80 : i32
    %div3A = arith.divsi %sub3A_14, %jit3A : i32
    %sign3A = arith.constant 0 : i32
    %sign3A_15 = arith.cmpi sgt, %sub3A_14, %sign3A : i32
    %sign3A_16 = arith.extui %sign3A_15 : i1 to i32
    %sign3A_17 = arith.constant 0 : i32
    %sign3A_18 = arith.cmpi slt, %sub3A_14, %sign3A_17 : i32
    %sign3A_19 = arith.extui %sign3A_18 : i1 to i32
    %sign3A_20 = arith.subi %sign3A_16, %sign3A_19 : i32
    %sign3A_21 = arith.constant 0 : i32
    %sign3A_22 = arith.cmpi sgt, %jit3A, %sign3A_21 : i32
    %sign3A_23 = arith.extui %sign3A_22 : i1 to i32
    %sign3A_24 = arith.constant 0 : i32
    %sign3A_25 = arith.cmpi slt, %jit3A, %sign3A_24 : i32
    %sign3A_26 = arith.extui %sign3A_25 : i1 to i32
    %sign3A_27 = arith.subi %sign3A_23, %sign3A_26 : i32
    %ne3A = arith.cmpi ne, %sign3A_20, %sign3A_27 : i32
    %rem3A = arith.remsi %sub3A_14, %jit3A : i32
    %ne3A_28 = arith.constant 0 : i32
    %ne3A_29 = arith.cmpi ne, %rem3A, %ne3A_28 : i32
    %and3A = arith.andi %ne3A, %ne3A_29 : i1
    %sub3A_30 = arith.constant 1 : i32
    %sub3A_31 = arith.subi %div3A, %sub3A_30 : i32
    %select_n3A = arith.select %and3A, %sub3A_31, %div3A : i32
    %jit3A_32 = arith.constant 8 : i32
    %select_n3A_33 = arith.select %le3A_13, %jit3A_32, %select_n3A : i32
    %while3A_34 = arith.constant 0 : i32
    %while3A_35 = arith.constant 0 : i32
    %while3A_36 = arith.constant 0 : i32
    %while3A_37 = arith.subi %select_n3A_33, %while3A_36 : i32
    %while3A_38 = arith.addi %while3A_36, %while3A_37 : i32
    %while3A_39 = arith.constant 1 : i32
    %while3A_40 = arith.divsi %while3A_37, %while3A_39 : i32
    %while3A_41 = arith.muli %while3A_40, %while3A_39 : i32
    %while3A_42 = arith.addi %while3A_36, %while3A_41 : i32
    %while3A_43 = arith.constant 1 : i32
    scf.for %while3A_143 = %while3A_36 to %while3A_42 step %while3A_43  : i32 {
      %mul3A_144 = arith.constant 80 : i32
      %mul3A_145 = arith.muli %while3A_143, %mul3A_144 : i32
      %add3A_146 = arith.addi %mul3A_11, %mul3A_145 : i32
      "tpu.region"() ({
        %run_scoped3A_147 = tpu.sem_alloc : memref<!tpu.dma_semaphore, #tpu.memory_space<semaphore_mem>>
        %dma_start3A_148 = arith.constant 0 : i32
        %dma_start3A_149 = arith.constant 0 : i32
        %dma_start3A_150 = tpu.memref_slice %arg8[%while3A_35, %dma_start3A_148, %dma_start3A_149] : memref<4x128x64xf32, #tpu.memory_space<vmem>> -> memref<1x80x64xf32, #tpu.memory_space<vmem>>
        %dma_start3A_151 = tpu.memref_squeeze %dma_start3A_150 : memref<1x80x64xf32, #tpu.memory_space<vmem>> -> memref<80x64xf32, #tpu.memory_space<vmem>>
        %dma_start3A_152 = arith.constant 0 : i32
        %dma_start3A_153 = tpu.memref_slice %arg9[%add3A_146, %dma_start3A_152] : memref<10048x64xf32, #tpu.memory_space<vmem_shared>> -> memref<80x64xf32, #tpu.memory_space<vmem_shared>>
        %dma_start3A_154 = arith.constant 0 : i32
        %dma_start3A_155 = tpu.memref_slice %arg9[%add3A_146, %dma_start3A_154] : memref<10048x64xf32, #tpu.memory_space<vmem_shared>> -> memref<80x64xf32, #tpu.memory_space<vmem_shared>>
        %dma_start3A_156 = arith.constant 0 : i32
        %dma_start3A_157 = arith.constant 0 : i32
        %dma_start3A_158 = tpu.memref_slice %arg8[%while3A_35, %dma_start3A_156, %dma_start3A_157] : memref<4x128x64xf32, #tpu.memory_space<vmem>> -> memref<1x80x64xf32, #tpu.memory_space<vmem>>
        %dma_start3A_159 = tpu.memref_squeeze %dma_start3A_158 : memref<1x80x64xf32, #tpu.memory_space<vmem>> -> memref<80x64xf32, #tpu.memory_space<vmem>>
        tpu.enqueue_dma source(%dma_start3A_159 : memref<80x64xf32, #tpu.memory_space<vmem>>) target(%dma_start3A_155 : memref<80x64xf32, #tpu.memory_space<vmem_shared>>) target_semaphore(%run_scoped3A_147 : memref<!tpu.dma_semaphore, #tpu.memory_space<semaphore_mem>>)
        %dma_wait3A_160 = arith.constant 0 : i32
        %dma_wait3A_161 = arith.constant 0 : i32
        %dma_wait3A_162 = tpu.memref_slice %arg8[%while3A_35, %dma_wait3A_160, %dma_wait3A_161] : memref<4x128x64xf32, #tpu.memory_space<vmem>> -> memref<1x80x64xf32, #tpu.memory_space<vmem>>
        %dma_wait3A_163 = tpu.memref_squeeze %dma_wait3A_162 : memref<1x80x64xf32, #tpu.memory_space<vmem>> -> memref<80x64xf32, #tpu.memory_space<vmem>>
        %dma_wait3A_164 = arith.constant 0 : i32
        %dma_wait3A_165 = tpu.memref_slice %arg9[%add3A_146, %dma_wait3A_164] : memref<10048x64xf32, #tpu.memory_space<vmem_shared>> -> memref<80x64xf32, #tpu.memory_space<vmem_shared>>
        %dma_wait3A_166 = arith.constant 0 : i32
        %dma_wait3A_167 = tpu.memref_slice %arg9[%add3A_146, %dma_wait3A_166] : memref<10048x64xf32, #tpu.memory_space<vmem_shared>> -> memref<80x64xf32, #tpu.memory_space<vmem_shared>>
        %dma_wait3A_168 = arith.constant 0 : i32
        %dma_wait3A_169 = arith.constant 0 : i32
        %dma_wait3A_170 = tpu.memref_slice %arg8[%while3A_35, %dma_wait3A_168, %dma_wait3A_169] : memref<4x128x64xf32, #tpu.memory_space<vmem>> -> memref<1x80x64xf32, #tpu.memory_space<vmem>>
        %dma_wait3A_171 = tpu.memref_squeeze %dma_wait3A_170 : memref<1x80x64xf32, #tpu.memory_space<vmem>> -> memref<80x64xf32, #tpu.memory_space<vmem>>
        tpu.wait_dma2 semaphore(%run_scoped3A_147 : memref<!tpu.dma_semaphore, #tpu.memory_space<semaphore_mem>>) src(%dma_wait3A_171 : memref<80x64xf32, #tpu.memory_space<vmem>>) dst(%dma_wait3A_167 : memref<80x64xf32, #tpu.memory_space<vmem_shared>>)
        tpu.yield
      }) : () -> ()
    }
    %while3A_44 = arith.constant 1 : i32
    scf.for %while3A_143 = %while3A_42 to %while3A_38 step %while3A_44  : i32 {
      %mul3A_144 = arith.constant 80 : i32
      %mul3A_145 = arith.muli %while3A_143, %mul3A_144 : i32
      %add3A_146 = arith.addi %mul3A_11, %mul3A_145 : i32
      "tpu.region"() ({
        %run_scoped3A_147 = tpu.sem_alloc : memref<!tpu.dma_semaphore, #tpu.memory_space<semaphore_mem>>
        %dma_start3A_148 = arith.constant 0 : i32
        %dma_start3A_149 = arith.constant 0 : i32
        %dma_start3A_150 = tpu.memref_slice %arg8[%while3A_35, %dma_start3A_148, %dma_start3A_149] : memref<4x128x64xf32, #tpu.memory_space<vmem>> -> memref<1x80x64xf32, #tpu.memory_space<vmem>>
        %dma_start3A_151 = tpu.memref_squeeze %dma_start3A_150 : memref<1x80x64xf32, #tpu.memory_space<vmem>> -> memref<80x64xf32, #tpu.memory_space<vmem>>
        %dma_start3A_152 = arith.constant 0 : i32
        %dma_start3A_153 = tpu.memref_slice %arg9[%add3A_146, %dma_start3A_152] : memref<10048x64xf32, #tpu.memory_space<vmem_shared>> -> memref<80x64xf32, #tpu.memory_space<vmem_shared>>
        %dma_start3A_154 = arith.constant 0 : i32
        %dma_start3A_155 = tpu.memref_slice %arg9[%add3A_146, %dma_start3A_154] : memref<10048x64xf32, #tpu.memory_space<vmem_shared>> -> memref<80x64xf32, #tpu.memory_space<vmem_shared>>
        %dma_start3A_156 = arith.constant 0 : i32
        %dma_start3A_157 = arith.constant 0 : i32
        %dma_start3A_158 = tpu.memref_slice %arg8[%while3A_35, %dma_start3A_156, %dma_start3A_157] : memref<4x128x64xf32, #tpu.memory_space<vmem>> -> memref<1x80x64xf32, #tpu.memory_space<vmem>>
        %dma_start3A_159 = tpu.memref_squeeze %dma_start3A_158 : memref<1x80x64xf32, #tpu.memory_space<vmem>> -> memref<80x64xf32, #tpu.memory_space<vmem>>
        tpu.enqueue_dma source(%dma_start3A_159 : memref<80x64xf32, #tpu.memory_space<vmem>>) target(%dma_start3A_155 : memref<80x64xf32, #tpu.memory_space<vmem_shared>>) target_semaphore(%run_scoped3A_147 : memref<!tpu.dma_semaphore, #tpu.memory_space<semaphore_mem>>)
        %dma_wait3A_160 = arith.constant 0 : i32
        %dma_wait3A_161 = arith.constant 0 : i32
        %dma_wait3A_162 = tpu.memref_slice %arg8[%while3A_35, %dma_wait3A_160, %dma_wait3A_161] : memref<4x128x64xf32, #tpu.memory_space<vmem>> -> memref<1x80x64xf32, #tpu.memory_space<vmem>>
        %dma_wait3A_163 = tpu.memref_squeeze %dma_wait3A_162 : memref<1x80x64xf32, #tpu.memory_space<vmem>> -> memref<80x64xf32, #tpu.memory_space<vmem>>
        %dma_wait3A_164 = arith.constant 0 : i32
        %dma_wait3A_165 = tpu.memref_slice %arg9[%add3A_146, %dma_wait3A_164] : memref<10048x64xf32, #tpu.memory_space<vmem_shared>> -> memref<80x64xf32, #tpu.memory_space<vmem_shared>>
        %dma_wait3A_166 = arith.constant 0 : i32
        %dma_wait3A_167 = tpu.memref_slice %arg9[%add3A_146, %dma_wait3A_166] : memref<10048x64xf32, #tpu.memory_space<vmem_shared>> -> memref<80x64xf32, #tpu.memory_space<vmem_shared>>
        %dma_wait3A_168 = arith.constant 0 : i32
        %dma_wait3A_169 = arith.constant 0 : i32
        %dma_wait3A_170 = tpu.memref_slice %arg8[%while3A_35, %dma_wait3A_168, %dma_wait3A_169] : memref<4x128x64xf32, #tpu.memory_space<vmem>> -> memref<1x80x64xf32, #tpu.memory_space<vmem>>
        %dma_wait3A_171 = tpu.memref_squeeze %dma_wait3A_170 : memref<1x80x64xf32, #tpu.memory_space<vmem>> -> memref<80x64xf32, #tpu.memory_space<vmem>>
        tpu.wait_dma2 semaphore(%run_scoped3A_147 : memref<!tpu.dma_semaphore, #tpu.memory_space<semaphore_mem>>) src(%dma_wait3A_171 : memref<80x64xf32, #tpu.memory_space<vmem>>) dst(%dma_wait3A_167 : memref<80x64xf32, #tpu.memory_space<vmem_shared>>)
        tpu.yield
      }) : () -> ()
    }
    %barrier3A = arith.constant 0 : index
    tpu.barrier barrier_id(%barrier3A)
    "tpu.region"() ({
      %run_scoped3A_143 = tpu.sem_alloc : memref<!tpu.dma_semaphore, #tpu.memory_space<semaphore_mem>>
      %dma_start3A_144 = arith.constant 0 : i32
      %dma_start3A_145 = arith.constant 0 : i32
      %dma_start3A_146 = tpu.memref_slice %arg6[%dma_start3A_144, %dma_start3A_145] : memref<8x128xi32, #tpu.memory_space<vmem>> -> memref<4x128xi32, #tpu.memory_space<vmem>>
      %dma_start3A_147 = arith.constant 0 : i32
      %dma_start3A_148 = arith.constant 0 : i32
      %dma_start3A_149 = tpu.memref_slice %arg2[%arg1, %dma_start3A_147, %dma_start3A_148] : memref<16x160x128xi32, #tpu.memory_space<hbm>> -> memref<1x4x128xi32, #tpu.memory_space<hbm>>
      %dma_start3A_150 = tpu.memref_squeeze %dma_start3A_149 : memref<1x4x128xi32, #tpu.memory_space<hbm>> -> memref<4x128xi32, #tpu.memory_space<hbm>>
      %dma_start3A_151 = arith.constant 0 : i32
      %dma_start3A_152 = arith.constant 0 : i32
      %dma_start3A_153 = tpu.memref_slice %arg6[%dma_start3A_151, %dma_start3A_152] : memref<8x128xi32, #tpu.memory_space<vmem>> -> memref<4x128xi32, #tpu.memory_space<vmem>>
      %dma_start3A_154 = arith.constant 0 : i32
      %dma_start3A_155 = arith.constant 0 : i32
      %dma_start3A_156 = tpu.memref_slice %arg2[%arg1, %dma_start3A_154, %dma_start3A_155] : memref<16x160x128xi32, #tpu.memory_space<hbm>> -> memref<1x4x128xi32, #tpu.memory_space<hbm>>
      %dma_start3A_157 = tpu.memref_squeeze %dma_start3A_156 : memref<1x4x128xi32, #tpu.memory_space<hbm>> -> memref<4x128xi32, #tpu.memory_space<hbm>>
      tpu.enqueue_dma source(%dma_start3A_157 : memref<4x128xi32, #tpu.memory_space<hbm>>) target(%dma_start3A_153 : memref<4x128xi32, #tpu.memory_space<vmem>>) target_semaphore(%run_scoped3A_143 : memref<!tpu.dma_semaphore, #tpu.memory_space<semaphore_mem>>)
      %dma_wait3A_158 = arith.constant 0 : i32
      %dma_wait3A_159 = arith.constant 0 : i32
      %dma_wait3A_160 = tpu.memref_slice %arg6[%dma_wait3A_158, %dma_wait3A_159] : memref<8x128xi32, #tpu.memory_space<vmem>> -> memref<4x128xi32, #tpu.memory_space<vmem>>
      %dma_wait3A_161 = arith.constant 0 : i32
      %dma_wait3A_162 = arith.constant 0 : i32
      %dma_wait3A_163 = tpu.memref_slice %arg2[%arg1, %dma_wait3A_161, %dma_wait3A_162] : memref<16x160x128xi32, #tpu.memory_space<hbm>> -> memref<1x4x128xi32, #tpu.memory_space<hbm>>
      %dma_wait3A_164 = tpu.memref_squeeze %dma_wait3A_163 : memref<1x4x128xi32, #tpu.memory_space<hbm>> -> memref<4x128xi32, #tpu.memory_space<hbm>>
      %dma_wait3A_165 = arith.constant 0 : i32
      %dma_wait3A_166 = arith.constant 0 : i32
      %dma_wait3A_167 = tpu.memref_slice %arg6[%dma_wait3A_165, %dma_wait3A_166] : memref<8x128xi32, #tpu.memory_space<vmem>> -> memref<4x128xi32, #tpu.memory_space<vmem>>
      %dma_wait3A_168 = arith.constant 0 : i32
      %dma_wait3A_169 = arith.constant 0 : i32
      %dma_wait3A_170 = tpu.memref_slice %arg2[%arg1, %dma_wait3A_168, %dma_wait3A_169] : memref<16x160x128xi32, #tpu.memory_space<hbm>> -> memref<1x4x128xi32, #tpu.memory_space<hbm>>
      %dma_wait3A_171 = tpu.memref_squeeze %dma_wait3A_170 : memref<1x4x128xi32, #tpu.memory_space<hbm>> -> memref<4x128xi32, #tpu.memory_space<hbm>>
      tpu.wait_dma2 semaphore(%run_scoped3A_143 : memref<!tpu.dma_semaphore, #tpu.memory_space<semaphore_mem>>) src(%dma_wait3A_171 : memref<4x128xi32, #tpu.memory_space<hbm>>) dst(%dma_wait3A_167 : memref<4x128xi32, #tpu.memory_space<vmem>>)
      tpu.yield
    }) : () -> ()
    "tpu.region"() ({
      %run_scoped3A_143 = tpu.sem_alloc : memref<!tpu.dma_semaphore, #tpu.memory_space<semaphore_mem>>
      %dma_start3A_144 = arith.constant 0 : i32
      %dma_start3A_145 = arith.constant 0 : i32
      %dma_start3A_146 = tpu.memref_slice %arg7[%dma_start3A_144, %dma_start3A_145] : memref<8x128xi32, #tpu.memory_space<vmem>> -> memref<4x128xi32, #tpu.memory_space<vmem>>
      %dma_start3A_147 = arith.constant 0 : i32
      %dma_start3A_148 = arith.constant 0 : i32
      %dma_start3A_149 = tpu.memref_slice %arg3[%arg1, %dma_start3A_147, %dma_start3A_148] : memref<16x160x128xi32, #tpu.memory_space<hbm>> -> memref<1x4x128xi32, #tpu.memory_space<hbm>>
      %dma_start3A_150 = tpu.memref_squeeze %dma_start3A_149 : memref<1x4x128xi32, #tpu.memory_space<hbm>> -> memref<4x128xi32, #tpu.memory_space<hbm>>
      %dma_start3A_151 = arith.constant 0 : i32
      %dma_start3A_152 = arith.constant 0 : i32
      %dma_start3A_153 = tpu.memref_slice %arg7[%dma_start3A_151, %dma_start3A_152] : memref<8x128xi32, #tpu.memory_space<vmem>> -> memref<4x128xi32, #tpu.memory_space<vmem>>
      %dma_start3A_154 = arith.constant 0 : i32
      %dma_start3A_155 = arith.constant 0 : i32
      %dma_start3A_156 = tpu.memref_slice %arg3[%arg1, %dma_start3A_154, %dma_start3A_155] : memref<16x160x128xi32, #tpu.memory_space<hbm>> -> memref<1x4x128xi32, #tpu.memory_space<hbm>>
      %dma_start3A_157 = tpu.memref_squeeze %dma_start3A_156 : memref<1x4x128xi32, #tpu.memory_space<hbm>> -> memref<4x128xi32, #tpu.memory_space<hbm>>
      tpu.enqueue_dma source(%dma_start3A_157 : memref<4x128xi32, #tpu.memory_space<hbm>>) target(%dma_start3A_153 : memref<4x128xi32, #tpu.memory_space<vmem>>) target_semaphore(%run_scoped3A_143 : memref<!tpu.dma_semaphore, #tpu.memory_space<semaphore_mem>>)
      %dma_wait3A_158 = arith.constant 0 : i32
      %dma_wait3A_159 = arith.constant 0 : i32
      %dma_wait3A_160 = tpu.memref_slice %arg7[%dma_wait3A_158, %dma_wait3A_159] : memref<8x128xi32, #tpu.memory_space<vmem>> -> memref<4x128xi32, #tpu.memory_space<vmem>>
      %dma_wait3A_161 = arith.constant 0 : i32
      %dma_wait3A_162 = arith.constant 0 : i32
      %dma_wait3A_163 = tpu.memref_slice %arg3[%arg1, %dma_wait3A_161, %dma_wait3A_162] : memref<16x160x128xi32, #tpu.memory_space<hbm>> -> memref<1x4x128xi32, #tpu.memory_space<hbm>>
      %dma_wait3A_164 = tpu.memref_squeeze %dma_wait3A_163 : memref<1x4x128xi32, #tpu.memory_space<hbm>> -> memref<4x128xi32, #tpu.memory_space<hbm>>
      %dma_wait3A_165 = arith.constant 0 : i32
      %dma_wait3A_166 = arith.constant 0 : i32
      %dma_wait3A_167 = tpu.memref_slice %arg7[%dma_wait3A_165, %dma_wait3A_166] : memref<8x128xi32, #tpu.memory_space<vmem>> -> memref<4x128xi32, #tpu.memory_space<vmem>>
      %dma_wait3A_168 = arith.constant 0 : i32
      %dma_wait3A_169 = arith.constant 0 : i32
      %dma_wait3A_170 = tpu.memref_slice %arg3[%arg1, %dma_wait3A_168, %dma_wait3A_169] : memref<16x160x128xi32, #tpu.memory_space<hbm>> -> memref<1x4x128xi32, #tpu.memory_space<hbm>>
      %dma_wait3A_171 = tpu.memref_squeeze %dma_wait3A_170 : memref<1x4x128xi32, #tpu.memory_space<hbm>> -> memref<4x128xi32, #tpu.memory_space<hbm>>
      tpu.wait_dma2 semaphore(%run_scoped3A_143 : memref<!tpu.dma_semaphore, #tpu.memory_space<semaphore_mem>>) src(%dma_wait3A_171 : memref<4x128xi32, #tpu.memory_space<hbm>>) dst(%dma_wait3A_167 : memref<4x128xi32, #tpu.memory_space<vmem>>)
      tpu.yield
    }) : () -> ()
    %run_scoped3A = arith.constant 0 : i32
    %run_scoped3A_45 = arith.constant 0 : i32
    "tpu.region"() ({
      %run_scoped3A_143 = tpu.sem_alloc : memref<!tpu.dma_semaphore, #tpu.memory_space<semaphore_mem>>
      %dma_start3A_144 = arith.constant 0 : i32
      %dma_start3A_145 = arith.constant 0 : i32
      %dma_start3A_146 = tpu.memref_slice %arg8[%run_scoped3A_45, %dma_start3A_144, %dma_start3A_145] : memref<4x128x64xf32, #tpu.memory_space<vmem>> -> memref<1x128x64xf32, #tpu.memory_space<vmem>>
      %dma_start3A_147 = tpu.memref_squeeze %dma_start3A_146 : memref<1x128x64xf32, #tpu.memory_space<vmem>> -> memref<128x64xf32, #tpu.memory_space<vmem>>
      %dma_start3A_148 = arith.constant 0 : i32
      %dma_start3A_149 = tpu.memref_slice %arg6[%run_scoped3A, %dma_start3A_148] : memref<8x128xi32, #tpu.memory_space<vmem>> -> memref<1x128xi32, #tpu.memory_space<vmem>>
      %dma_start3A_150 = tpu.memref_squeeze %dma_start3A_149 : memref<1x128xi32, #tpu.memory_space<vmem>> -> memref<128xi32, #tpu.memory_space<vmem>>
      %dma_start3A_151 = arith.constant 0 : i32
      %dma_start3A_152 = arith.constant 0 : i32
      %dma_start3A_153 = tpu.memref_slice %arg4[%arg0, %dma_start3A_151, %dma_start3A_152] : memref<2x10000x64xf32, #tpu.memory_space<hbm>> -> memref<1x10000x64xf32, #tpu.memory_space<hbm>>
      %dma_start3A_154 = tpu.memref_squeeze %dma_start3A_153 : memref<1x10000x64xf32, #tpu.memory_space<hbm>> -> memref<10000x64xf32, #tpu.memory_space<hbm>>
      %dma_start3A_155 = arith.constant 0 : i32
      %dma_start3A_156 = arith.constant 0 : i32
      %dma_start3A_157 = tpu.memref_slice %dma_start3A_154[%dma_start3A_155, %dma_start3A_156] : memref<10000x64xf32, #tpu.memory_space<hbm>> -> memref<10000x64xf32, #tpu.memory_space<hbm>>
      tpu.enqueue_indirect_dma source(%dma_start3A_157 : memref<10000x64xf32, #tpu.memory_space<hbm>>) target(%dma_start3A_147 : memref<128x64xf32, #tpu.memory_space<vmem>>) offsets(%dma_start3A_150 : memref<128xi32, #tpu.memory_space<vmem>>) semaphore(%run_scoped3A_143 : memref<!tpu.dma_semaphore, #tpu.memory_space<semaphore_mem>>)
      %dma_wait3A_158 = arith.constant 0 : i32
      %dma_wait3A_159 = arith.constant 0 : i32
      %dma_wait3A_160 = tpu.memref_slice %arg8[%run_scoped3A_45, %dma_wait3A_158, %dma_wait3A_159] : memref<4x128x64xf32, #tpu.memory_space<vmem>> -> memref<1x128x64xf32, #tpu.memory_space<vmem>>
      %dma_wait3A_161 = tpu.memref_squeeze %dma_wait3A_160 : memref<1x128x64xf32, #tpu.memory_space<vmem>> -> memref<128x64xf32, #tpu.memory_space<vmem>>
      %dma_wait3A_162 = arith.constant 0 : i32
      %dma_wait3A_163 = tpu.memref_slice %arg6[%run_scoped3A, %dma_wait3A_162] : memref<8x128xi32, #tpu.memory_space<vmem>> -> memref<1x128xi32, #tpu.memory_space<vmem>>
      %dma_wait3A_164 = tpu.memref_squeeze %dma_wait3A_163 : memref<1x128xi32, #tpu.memory_space<vmem>> -> memref<128xi32, #tpu.memory_space<vmem>>
      %dma_wait3A_165 = arith.constant 0 : i32
      %dma_wait3A_166 = arith.constant 0 : i32
      %dma_wait3A_167 = tpu.memref_slice %arg4[%arg0, %dma_wait3A_165, %dma_wait3A_166] : memref<2x10000x64xf32, #tpu.memory_space<hbm>> -> memref<1x10000x64xf32, #tpu.memory_space<hbm>>
      %dma_wait3A_168 = tpu.memref_squeeze %dma_wait3A_167 : memref<1x10000x64xf32, #tpu.memory_space<hbm>> -> memref<10000x64xf32, #tpu.memory_space<hbm>>
      %dma_wait3A_169 = arith.constant 0 : i32
      %dma_wait3A_170 = arith.constant 0 : i32
      %dma_wait3A_171 = tpu.memref_slice %dma_wait3A_168[%dma_wait3A_169, %dma_wait3A_170] : memref<10000x64xf32, #tpu.memory_space<hbm>> -> memref<10000x64xf32, #tpu.memory_space<hbm>>
      tpu.wait_indirect_dma semaphore(%run_scoped3A_143 : memref<!tpu.dma_semaphore, #tpu.memory_space<semaphore_mem>>) src(%dma_wait3A_171 : memref<10000x64xf32, #tpu.memory_space<hbm>>) dst(%dma_wait3A_161 : memref<128x64xf32, #tpu.memory_space<vmem>>)
      tpu.yield
    }) : () -> ()
    %dma_start3A = arith.constant 1 : i32
    %dma_start3A_46 = arith.constant 1 : i32
    %dma_start3A_47 = arith.constant 0 : i32
    %dma_start3A_48 = arith.constant 0 : i32
    %dma_start3A_49 = tpu.memref_slice %arg8[%dma_start3A_46, %dma_start3A_47, %dma_start3A_48] : memref<4x128x64xf32, #tpu.memory_space<vmem>> -> memref<1x128x64xf32, #tpu.memory_space<vmem>>
    %dma_start3A_50 = tpu.memref_squeeze %dma_start3A_49 : memref<1x128x64xf32, #tpu.memory_space<vmem>> -> memref<128x64xf32, #tpu.memory_space<vmem>>
    %dma_start3A_51 = arith.constant 0 : i32
    %dma_start3A_52 = tpu.memref_slice %arg6[%dma_start3A, %dma_start3A_51] : memref<8x128xi32, #tpu.memory_space<vmem>> -> memref<1x128xi32, #tpu.memory_space<vmem>>
    %dma_start3A_53 = tpu.memref_squeeze %dma_start3A_52 : memref<1x128xi32, #tpu.memory_space<vmem>> -> memref<128xi32, #tpu.memory_space<vmem>>
    %dma_start3A_54 = arith.constant 0 : i32
    %dma_start3A_55 = arith.constant 0 : i32
    %dma_start3A_56 = tpu.memref_slice %arg4[%arg0, %dma_start3A_54, %dma_start3A_55] : memref<2x10000x64xf32, #tpu.memory_space<hbm>> -> memref<1x10000x64xf32, #tpu.memory_space<hbm>>
    %dma_start3A_57 = tpu.memref_squeeze %dma_start3A_56 : memref<1x10000x64xf32, #tpu.memory_space<hbm>> -> memref<10000x64xf32, #tpu.memory_space<hbm>>
    %dma_start3A_58 = arith.constant 0 : i32
    %dma_start3A_59 = arith.constant 0 : i32
    %dma_start3A_60 = tpu.memref_slice %dma_start3A_57[%dma_start3A_58, %dma_start3A_59] : memref<10000x64xf32, #tpu.memory_space<hbm>> -> memref<10000x64xf32, #tpu.memory_space<hbm>>
    tpu.enqueue_indirect_dma source(%dma_start3A_60 : memref<10000x64xf32, #tpu.memory_space<hbm>>) target(%dma_start3A_50 : memref<128x64xf32, #tpu.memory_space<vmem>>) offsets(%dma_start3A_53 : memref<128xi32, #tpu.memory_space<vmem>>) semaphore(%arg11 : memref<!tpu.dma_semaphore, #tpu.memory_space<semaphore_mem>>)
    %dma_start3A_61 = arith.constant 2 : i32
    %dma_start3A_62 = arith.constant 2 : i32
    %dma_start3A_63 = arith.constant 0 : i32
    %dma_start3A_64 = arith.constant 0 : i32
    %dma_start3A_65 = tpu.memref_slice %arg8[%dma_start3A_62, %dma_start3A_63, %dma_start3A_64] : memref<4x128x64xf32, #tpu.memory_space<vmem>> -> memref<1x128x64xf32, #tpu.memory_space<vmem>>
    %dma_start3A_66 = tpu.memref_squeeze %dma_start3A_65 : memref<1x128x64xf32, #tpu.memory_space<vmem>> -> memref<128x64xf32, #tpu.memory_space<vmem>>
    %dma_start3A_67 = arith.constant 0 : i32
    %dma_start3A_68 = tpu.memref_slice %arg6[%dma_start3A_61, %dma_start3A_67] : memref<8x128xi32, #tpu.memory_space<vmem>> -> memref<1x128xi32, #tpu.memory_space<vmem>>
    %dma_start3A_69 = tpu.memref_squeeze %dma_start3A_68 : memref<1x128xi32, #tpu.memory_space<vmem>> -> memref<128xi32, #tpu.memory_space<vmem>>
    %dma_start3A_70 = arith.constant 0 : i32
    %dma_start3A_71 = arith.constant 0 : i32
    %dma_start3A_72 = tpu.memref_slice %arg4[%arg0, %dma_start3A_70, %dma_start3A_71] : memref<2x10000x64xf32, #tpu.memory_space<hbm>> -> memref<1x10000x64xf32, #tpu.memory_space<hbm>>
    %dma_start3A_73 = tpu.memref_squeeze %dma_start3A_72 : memref<1x10000x64xf32, #tpu.memory_space<hbm>> -> memref<10000x64xf32, #tpu.memory_space<hbm>>
    %dma_start3A_74 = arith.constant 0 : i32
    %dma_start3A_75 = arith.constant 0 : i32
    %dma_start3A_76 = tpu.memref_slice %dma_start3A_73[%dma_start3A_74, %dma_start3A_75] : memref<10000x64xf32, #tpu.memory_space<hbm>> -> memref<10000x64xf32, #tpu.memory_space<hbm>>
    tpu.enqueue_indirect_dma source(%dma_start3A_76 : memref<10000x64xf32, #tpu.memory_space<hbm>>) target(%dma_start3A_66 : memref<128x64xf32, #tpu.memory_space<vmem>>) offsets(%dma_start3A_69 : memref<128xi32, #tpu.memory_space<vmem>>) semaphore(%arg12 : memref<!tpu.dma_semaphore, #tpu.memory_space<semaphore_mem>>)
    %while3A_77 = arith.constant 0 : i32
    %while3A_78 = arith.constant 0 : i32
    %while3A_79 = arith.constant 40 : i32
    %while3A_80 = arith.subi %while3A_79, %while3A_78 : i32
    %while3A_81 = arith.addi %while3A_78, %while3A_80 : i32
    %while3A_82 = arith.constant 1 : i32
    %while3A_83 = arith.divsi %while3A_80, %while3A_82 : i32
    %while3A_84 = arith.muli %while3A_83, %while3A_82 : i32
    %while3A_85 = arith.addi %while3A_78, %while3A_84 : i32
    %while3A_86 = arith.constant 1 : i32
    scf.for %while3A_143 = %while3A_78 to %while3A_85 step %while3A_86  : i32 {
      %rem3A_144 = arith.constant 2 : i32
      %rem3A_145 = arith.remsi %while3A_143, %rem3A_144 : i32
      %add3A_146 = arith.constant 1 : i32
      %add3A_147 = arith.addi %while3A_143, %add3A_146 : i32
      %lt3A = arith.constant 40 : i32
      %lt3A_148 = arith.cmpi slt, %add3A_147, %lt3A : i32
      %add3A_149 = arith.constant 1 : i32
      %add3A_150 = arith.addi %while3A_143, %add3A_149 : i32
      %jit3A_151 = arith.constant 0 : i32
      %select_n3A_152 = arith.select %lt3A_148, %add3A_150, %jit3A_151 : i32
      %mul3A_153 = arith.constant 4 : i32
      %mul3A_154 = arith.muli %select_n3A_152, %mul3A_153 : i32
      %multiple_of3A = tpu.assume_multiple %mul3A_154, 4 : i32
      %sub3A_155 = arith.constant 1 : i32
      %sub3A_156 = arith.subi %sub3A_155, %rem3A_145 : i32
      %mul3A_157 = arith.constant 4 : i32
      %mul3A_158 = arith.muli %sub3A_156, %mul3A_157 : i32
      %dma_start3A_159 = arith.constant 0 : i32
      %dma_start3A_160 = tpu.memref_slice %arg6[%mul3A_158, %dma_start3A_159] : memref<8x128xi32, #tpu.memory_space<vmem>> -> memref<4x128xi32, #tpu.memory_space<vmem>>
      %dma_start3A_161 = arith.constant 0 : i32
      %dma_start3A_162 = tpu.memref_slice %arg2[%arg1, %multiple_of3A, %dma_start3A_161] : memref<16x160x128xi32, #tpu.memory_space<hbm>> -> memref<1x4x128xi32, #tpu.memory_space<hbm>>
      %dma_start3A_163 = tpu.memref_squeeze %dma_start3A_162 : memref<1x4x128xi32, #tpu.memory_space<hbm>> -> memref<4x128xi32, #tpu.memory_space<hbm>>
      %dma_start3A_164 = arith.constant 0 : i32
      %dma_start3A_165 = tpu.memref_slice %arg6[%mul3A_158, %dma_start3A_164] : memref<8x128xi32, #tpu.memory_space<vmem>> -> memref<4x128xi32, #tpu.memory_space<vmem>>
      %dma_start3A_166 = arith.constant 0 : i32
      %dma_start3A_167 = tpu.memref_slice %arg2[%arg1, %multiple_of3A, %dma_start3A_166] : memref<16x160x128xi32, #tpu.memory_space<hbm>> -> memref<1x4x128xi32, #tpu.memory_space<hbm>>
      %dma_start3A_168 = tpu.memref_squeeze %dma_start3A_167 : memref<1x4x128xi32, #tpu.memory_space<hbm>> -> memref<4x128xi32, #tpu.memory_space<hbm>>
      tpu.enqueue_dma source(%dma_start3A_168 : memref<4x128xi32, #tpu.memory_space<hbm>>) target(%dma_start3A_165 : memref<4x128xi32, #tpu.memory_space<vmem>>) target_semaphore(%arg13 : memref<!tpu.dma_semaphore, #tpu.memory_space<semaphore_mem>>)
      %dma_start3A_169 = arith.constant 0 : i32
      %dma_start3A_170 = tpu.memref_slice %arg7[%mul3A_158, %dma_start3A_169] : memref<8x128xi32, #tpu.memory_space<vmem>> -> memref<4x128xi32, #tpu.memory_space<vmem>>
      %dma_start3A_171 = arith.constant 0 : i32
      %dma_start3A_172 = tpu.memref_slice %arg3[%arg1, %multiple_of3A, %dma_start3A_171] : memref<16x160x128xi32, #tpu.memory_space<hbm>> -> memref<1x4x128xi32, #tpu.memory_space<hbm>>
      %dma_start3A_173 = tpu.memref_squeeze %dma_start3A_172 : memref<1x4x128xi32, #tpu.memory_space<hbm>> -> memref<4x128xi32, #tpu.memory_space<hbm>>
      %dma_start3A_174 = arith.constant 0 : i32
      %dma_start3A_175 = tpu.memref_slice %arg7[%mul3A_158, %dma_start3A_174] : memref<8x128xi32, #tpu.memory_space<vmem>> -> memref<4x128xi32, #tpu.memory_space<vmem>>
      %dma_start3A_176 = arith.constant 0 : i32
      %dma_start3A_177 = tpu.memref_slice %arg3[%arg1, %multiple_of3A, %dma_start3A_176] : memref<16x160x128xi32, #tpu.memory_space<hbm>> -> memref<1x4x128xi32, #tpu.memory_space<hbm>>
      %dma_start3A_178 = tpu.memref_squeeze %dma_start3A_177 : memref<1x4x128xi32, #tpu.memory_space<hbm>> -> memref<4x128xi32, #tpu.memory_space<hbm>>
      tpu.enqueue_dma source(%dma_start3A_178 : memref<4x128xi32, #tpu.memory_space<hbm>>) target(%dma_start3A_175 : memref<4x128xi32, #tpu.memory_space<vmem>>) target_semaphore(%arg13 : memref<!tpu.dma_semaphore, #tpu.memory_space<semaphore_mem>>)
      %mul3A_179 = arith.constant 4 : i32
      %mul3A_180 = arith.muli %while3A_143, %mul3A_179 : i32
      %while3A_181 = arith.constant 0 : i32
      %while3A_182 = arith.constant 1 : i32
      %while3A_183 = arith.subi %while3A_182, %while3A_181 : i32
      %while3A_184 = arith.addi %while3A_181, %while3A_183 : i32
      %while3A_185 = arith.constant 1 : i32
      %while3A_186 = arith.divsi %while3A_183, %while3A_185 : i32
      %while3A_187 = arith.muli %while3A_186, %while3A_185 : i32
      %while3A_188 = arith.addi %while3A_181, %while3A_187 : i32
      %while3A_189 = arith.constant 1 : i32
      scf.for %while3A_408 = %while3A_181 to %while3A_188 step %while3A_189  : i32 {
        %add3A_409 = arith.addi %mul3A_180, %while3A_408 : i32
        %rem3A_410 = arith.constant 8 : i32
        %rem3A_411 = arith.remsi %add3A_409, %rem3A_410 : i32
        %add3A_412 = arith.constant 3 : i32
        %add3A_413 = arith.addi %add3A_409, %add3A_412 : i32
        %rem3A_414 = arith.constant 8 : i32
        %rem3A_415 = arith.remsi %add3A_413, %rem3A_414 : i32
        %rem3A_416 = arith.constant 4 : i32
        %rem3A_417 = arith.remsi %add3A_409, %rem3A_416 : i32
        %add3A_418 = arith.constant 3 : i32
        %add3A_419 = arith.addi %add3A_409, %add3A_418 : i32
        %rem3A_420 = arith.constant 4 : i32
        %rem3A_421 = arith.remsi %add3A_419, %rem3A_420 : i32
        %add3A_422 = arith.constant 3 : i32
        %add3A_423 = arith.addi %add3A_409, %add3A_422 : i32
        %rem3A_424 = arith.constant 3 : i32
        %rem3A_425 = arith.remsi %add3A_423, %rem3A_424 : i32
        %gt3A_426 = arith.constant 0 : i32
        %gt3A_427 = arith.cmpi sgt, %add3A_409, %gt3A_426 : i32
        %convert_element_type3A_428 = arith.extui %gt3A_427 : i1 to i32
        %cond3A_429 = arith.constant 0 : i32
        %cond3A_430 = arith.cmpi ne, %convert_element_type3A_428, %cond3A_429 : i32
        scf.if %cond3A_430 {
          %dma_wait3A_475 = arith.constant 0 : i32
          %dma_wait3A_476 = arith.constant 0 : i32
          %dma_wait3A_477 = tpu.memref_slice %arg8[%rem3A_417, %dma_wait3A_475, %dma_wait3A_476] : memref<4x128x64xf32, #tpu.memory_space<vmem>> -> memref<1x128x64xf32, #tpu.memory_space<vmem>>
          %dma_wait3A_478 = tpu.memref_squeeze %dma_wait3A_477 : memref<1x128x64xf32, #tpu.memory_space<vmem>> -> memref<128x64xf32, #tpu.memory_space<vmem>>
          %dma_wait3A_479 = arith.constant 0 : i32
          %dma_wait3A_480 = tpu.memref_slice %arg7[%rem3A_411, %dma_wait3A_479] : memref<8x128xi32, #tpu.memory_space<vmem>> -> memref<1x128xi32, #tpu.memory_space<vmem>>
          %dma_wait3A_481 = tpu.memref_squeeze %dma_wait3A_480 : memref<1x128xi32, #tpu.memory_space<vmem>> -> memref<128xi32, #tpu.memory_space<vmem>>
          %dma_wait3A_482 = arith.constant 0 : i32
          %dma_wait3A_483 = arith.constant 0 : i32
          %dma_wait3A_484 = tpu.memref_slice %arg9[%dma_wait3A_482, %dma_wait3A_483] : memref<10048x64xf32, #tpu.memory_space<vmem_shared>> -> memref<10048x64xf32, #tpu.memory_space<vmem_shared>>
          tpu.wait_indirect_dma semaphore(%arg14 : memref<!tpu.dma_semaphore, #tpu.memory_space<semaphore_mem>>) src(%dma_wait3A_478 : memref<128x64xf32, #tpu.memory_space<vmem>>) dst(%dma_wait3A_484 : memref<10048x64xf32, #tpu.memory_space<vmem_shared>>)
        } else {
        }
        %eq3A_431 = arith.constant 0 : i32
        %eq3A_432 = arith.cmpi eq, %rem3A_425, %eq3A_431 : i32
        %convert_element_type3A_433 = arith.extui %eq3A_432 : i1 to i32
        %cond3A_434 = arith.constant 0 : i32
        %cond3A_435 = arith.cmpi ne, %convert_element_type3A_433, %cond3A_434 : i32
        scf.if %cond3A_435 {
          %dma_start3A_475 = arith.constant 0 : i32
          %dma_start3A_476 = arith.constant 0 : i32
          %dma_start3A_477 = tpu.memref_slice %arg8[%rem3A_421, %dma_start3A_475, %dma_start3A_476] : memref<4x128x64xf32, #tpu.memory_space<vmem>> -> memref<1x128x64xf32, #tpu.memory_space<vmem>>
          %dma_start3A_478 = tpu.memref_squeeze %dma_start3A_477 : memref<1x128x64xf32, #tpu.memory_space<vmem>> -> memref<128x64xf32, #tpu.memory_space<vmem>>
          %dma_start3A_479 = arith.constant 0 : i32
          %dma_start3A_480 = tpu.memref_slice %arg6[%rem3A_415, %dma_start3A_479] : memref<8x128xi32, #tpu.memory_space<vmem>> -> memref<1x128xi32, #tpu.memory_space<vmem>>
          %dma_start3A_481 = tpu.memref_squeeze %dma_start3A_480 : memref<1x128xi32, #tpu.memory_space<vmem>> -> memref<128xi32, #tpu.memory_space<vmem>>
          %dma_start3A_482 = arith.constant 0 : i32
          %dma_start3A_483 = arith.constant 0 : i32
          %dma_start3A_484 = tpu.memref_slice %arg4[%arg0, %dma_start3A_482, %dma_start3A_483] : memref<2x10000x64xf32, #tpu.memory_space<hbm>> -> memref<1x10000x64xf32, #tpu.memory_space<hbm>>
          %dma_start3A_485 = tpu.memref_squeeze %dma_start3A_484 : memref<1x10000x64xf32, #tpu.memory_space<hbm>> -> memref<10000x64xf32, #tpu.memory_space<hbm>>
          %dma_start3A_486 = arith.constant 0 : i32
          %dma_start3A_487 = arith.constant 0 : i32
          %dma_start3A_488 = tpu.memref_slice %dma_start3A_485[%dma_start3A_486, %dma_start3A_487] : memref<10000x64xf32, #tpu.memory_space<hbm>> -> memref<10000x64xf32, #tpu.memory_space<hbm>>
          tpu.enqueue_indirect_dma source(%dma_start3A_488 : memref<10000x64xf32, #tpu.memory_space<hbm>>) target(%dma_start3A_478 : memref<128x64xf32, #tpu.memory_space<vmem>>) offsets(%dma_start3A_481 : memref<128xi32, #tpu.memory_space<vmem>>) semaphore(%arg10 : memref<!tpu.dma_semaphore, #tpu.memory_space<semaphore_mem>>)
        } else {
        }
        %eq3A_436 = arith.constant 1 : i32
        %eq3A_437 = arith.cmpi eq, %rem3A_425, %eq3A_436 : i32
        %convert_element_type3A_438 = arith.extui %eq3A_437 : i1 to i32
        %cond3A_439 = arith.constant 0 : i32
        %cond3A_440 = arith.cmpi ne, %convert_element_type3A_438, %cond3A_439 : i32
        scf.if %cond3A_440 {
          %dma_start3A_475 = arith.constant 0 : i32
          %dma_start3A_476 = arith.constant 0 : i32
          %dma_start3A_477 = tpu.memref_slice %arg8[%rem3A_421, %dma_start3A_475, %dma_start3A_476] : memref<4x128x64xf32, #tpu.memory_space<vmem>> -> memref<1x128x64xf32, #tpu.memory_space<vmem>>
          %dma_start3A_478 = tpu.memref_squeeze %dma_start3A_477 : memref<1x128x64xf32, #tpu.memory_space<vmem>> -> memref<128x64xf32, #tpu.memory_space<vmem>>
          %dma_start3A_479 = arith.constant 0 : i32
          %dma_start3A_480 = tpu.memref_slice %arg6[%rem3A_415, %dma_start3A_479] : memref<8x128xi32, #tpu.memory_space<vmem>> -> memref<1x128xi32, #tpu.memory_space<vmem>>
          %dma_start3A_481 = tpu.memref_squeeze %dma_start3A_480 : memref<1x128xi32, #tpu.memory_space<vmem>> -> memref<128xi32, #tpu.memory_space<vmem>>
          %dma_start3A_482 = arith.constant 0 : i32
          %dma_start3A_483 = arith.constant 0 : i32
          %dma_start3A_484 = tpu.memref_slice %arg4[%arg0, %dma_start3A_482, %dma_start3A_483] : memref<2x10000x64xf32, #tpu.memory_space<hbm>> -> memref<1x10000x64xf32, #tpu.memory_space<hbm>>
          %dma_start3A_485 = tpu.memref_squeeze %dma_start3A_484 : memref<1x10000x64xf32, #tpu.memory_space<hbm>> -> memref<10000x64xf32, #tpu.memory_space<hbm>>
          %dma_start3A_486 = arith.constant 0 : i32
          %dma_start3A_487 = arith.constant 0 : i32
          %dma_start3A_488 = tpu.memref_slice %dma_start3A_485[%dma_start3A_486, %dma_start3A_487] : memref<10000x64xf32, #tpu.memory_space<hbm>> -> memref<10000x64xf32, #tpu.memory_space<hbm>>
          tpu.enqueue_indirect_dma source(%dma_start3A_488 : memref<10000x64xf32, #tpu.memory_space<hbm>>) target(%dma_start3A_478 : memref<128x64xf32, #tpu.memory_space<vmem>>) offsets(%dma_start3A_481 : memref<128xi32, #tpu.memory_space<vmem>>) semaphore(%arg11 : memref<!tpu.dma_semaphore, #tpu.memory_space<semaphore_mem>>)
        } else {
        }
        %eq3A_441 = arith.constant 2 : i32
        %eq3A_442 = arith.cmpi eq, %rem3A_425, %eq3A_441 : i32
        %convert_element_type3A_443 = arith.extui %eq3A_442 : i1 to i32
        %cond3A_444 = arith.constant 0 : i32
        %cond3A_445 = arith.cmpi ne, %convert_element_type3A_443, %cond3A_444 : i32
        scf.if %cond3A_445 {
          %dma_start3A_475 = arith.constant 0 : i32
          %dma_start3A_476 = arith.constant 0 : i32
          %dma_start3A_477 = tpu.memref_slice %arg8[%rem3A_421, %dma_start3A_475, %dma_start3A_476] : memref<4x128x64xf32, #tpu.memory_space<vmem>> -> memref<1x128x64xf32, #tpu.memory_space<vmem>>
          %dma_start3A_478 = tpu.memref_squeeze %dma_start3A_477 : memref<1x128x64xf32, #tpu.memory_space<vmem>> -> memref<128x64xf32, #tpu.memory_space<vmem>>
          %dma_start3A_479 = arith.constant 0 : i32
          %dma_start3A_480 = tpu.memref_slice %arg6[%rem3A_415, %dma_start3A_479] : memref<8x128xi32, #tpu.memory_space<vmem>> -> memref<1x128xi32, #tpu.memory_space<vmem>>
          %dma_start3A_481 = tpu.memref_squeeze %dma_start3A_480 : memref<1x128xi32, #tpu.memory_space<vmem>> -> memref<128xi32, #tpu.memory_space<vmem>>
          %dma_start3A_482 = arith.constant 0 : i32
          %dma_start3A_483 = arith.constant 0 : i32
          %dma_start3A_484 = tpu.memref_slice %arg4[%arg0, %dma_start3A_482, %dma_start3A_483] : memref<2x10000x64xf32, #tpu.memory_space<hbm>> -> memref<1x10000x64xf32, #tpu.memory_space<hbm>>
          %dma_start3A_485 = tpu.memref_squeeze %dma_start3A_484 : memref<1x10000x64xf32, #tpu.memory_space<hbm>> -> memref<10000x64xf32, #tpu.memory_space<hbm>>
          %dma_start3A_486 = arith.constant 0 : i32
          %dma_start3A_487 = arith.constant 0 : i32
          %dma_start3A_488 = tpu.memref_slice %dma_start3A_485[%dma_start3A_486, %dma_start3A_487] : memref<10000x64xf32, #tpu.memory_space<hbm>> -> memref<10000x64xf32, #tpu.memory_space<hbm>>
          tpu.enqueue_indirect_dma source(%dma_start3A_488 : memref<10000x64xf32, #tpu.memory_space<hbm>>) target(%dma_start3A_478 : memref<128x64xf32, #tpu.memory_space<vmem>>) offsets(%dma_start3A_481 : memref<128xi32, #tpu.memory_space<vmem>>) semaphore(%arg12 : memref<!tpu.dma_semaphore, #tpu.memory_space<semaphore_mem>>)
        } else {
        }
        %dma_start3A_446 = arith.constant 0 : i32
        %dma_start3A_447 = arith.constant 0 : i32
        %dma_start3A_448 = tpu.memref_slice %arg8[%rem3A_417, %dma_start3A_446, %dma_start3A_447] : memref<4x128x64xf32, #tpu.memory_space<vmem>> -> memref<1x128x64xf32, #tpu.memory_space<vmem>>
        %dma_start3A_449 = tpu.memref_squeeze %dma_start3A_448 : memref<1x128x64xf32, #tpu.memory_space<vmem>> -> memref<128x64xf32, #tpu.memory_space<vmem>>
        %dma_start3A_450 = arith.constant 0 : i32
        %dma_start3A_451 = tpu.memref_slice %arg7[%rem3A_411, %dma_start3A_450] : memref<8x128xi32, #tpu.memory_space<vmem>> -> memref<1x128xi32, #tpu.memory_space<vmem>>
        %dma_start3A_452 = tpu.memref_squeeze %dma_start3A_451 : memref<1x128xi32, #tpu.memory_space<vmem>> -> memref<128xi32, #tpu.memory_space<vmem>>
        %dma_start3A_453 = arith.constant 0 : i32
        %dma_start3A_454 = arith.constant 0 : i32
        %dma_start3A_455 = tpu.memref_slice %arg9[%dma_start3A_453, %dma_start3A_454] : memref<10048x64xf32, #tpu.memory_space<vmem_shared>> -> memref<10048x64xf32, #tpu.memory_space<vmem_shared>>
        tpu.enqueue_indirect_dma source(%dma_start3A_449 : memref<128x64xf32, #tpu.memory_space<vmem>>) target(%dma_start3A_455 : memref<10048x64xf32, #tpu.memory_space<vmem_shared>>) offsets(%dma_start3A_452 : memref<128xi32, #tpu.memory_space<vmem>>) semaphore(%arg14 : memref<!tpu.dma_semaphore, #tpu.memory_space<semaphore_mem>>) {add = true}
        %add3A_456 = arith.constant 1 : i32
        %add3A_457 = arith.addi %add3A_409, %add3A_456 : i32
        %rem3A_458 = arith.constant 3 : i32
        %rem3A_459 = arith.remsi %add3A_457, %rem3A_458 : i32
        %eq3A_460 = arith.constant 0 : i32
        %eq3A_461 = arith.cmpi eq, %rem3A_459, %eq3A_460 : i32
        %convert_element_type3A_462 = arith.extui %eq3A_461 : i1 to i32
        %cond3A_463 = arith.constant 0 : i32
        %cond3A_464 = arith.cmpi ne, %convert_element_type3A_462, %cond3A_463 : i32
        scf.if %cond3A_464 {
          %dma_wait3A_475 = arith.constant 0 : i32
          %dma_wait3A_476 = arith.constant 0 : i32
          %dma_wait3A_477 = arith.constant 0 : i32
          %dma_wait3A_478 = arith.constant 0 : i32
          %dma_wait3A_479 = tpu.memref_slice %arg8[%dma_wait3A_476, %dma_wait3A_477, %dma_wait3A_478] : memref<4x128x64xf32, #tpu.memory_space<vmem>> -> memref<1x128x64xf32, #tpu.memory_space<vmem>>
          %dma_wait3A_480 = tpu.memref_squeeze %dma_wait3A_479 : memref<1x128x64xf32, #tpu.memory_space<vmem>> -> memref<128x64xf32, #tpu.memory_space<vmem>>
          %dma_wait3A_481 = arith.constant 0 : i32
          %dma_wait3A_482 = tpu.memref_slice %arg6[%dma_wait3A_475, %dma_wait3A_481] : memref<8x128xi32, #tpu.memory_space<vmem>> -> memref<1x128xi32, #tpu.memory_space<vmem>>
          %dma_wait3A_483 = tpu.memref_squeeze %dma_wait3A_482 : memref<1x128xi32, #tpu.memory_space<vmem>> -> memref<128xi32, #tpu.memory_space<vmem>>
          %dma_wait3A_484 = arith.constant 0 : i32
          %dma_wait3A_485 = arith.constant 0 : i32
          %dma_wait3A_486 = tpu.memref_slice %arg4[%arg0, %dma_wait3A_484, %dma_wait3A_485] : memref<2x10000x64xf32, #tpu.memory_space<hbm>> -> memref<1x10000x64xf32, #tpu.memory_space<hbm>>
          %dma_wait3A_487 = tpu.memref_squeeze %dma_wait3A_486 : memref<1x10000x64xf32, #tpu.memory_space<hbm>> -> memref<10000x64xf32, #tpu.memory_space<hbm>>
          %dma_wait3A_488 = arith.constant 0 : i32
          %dma_wait3A_489 = arith.constant 0 : i32
          %dma_wait3A_490 = tpu.memref_slice %dma_wait3A_487[%dma_wait3A_488, %dma_wait3A_489] : memref<10000x64xf32, #tpu.memory_space<hbm>> -> memref<10000x64xf32, #tpu.memory_space<hbm>>
          tpu.wait_indirect_dma semaphore(%arg10 : memref<!tpu.dma_semaphore, #tpu.memory_space<semaphore_mem>>) src(%dma_wait3A_490 : memref<10000x64xf32, #tpu.memory_space<hbm>>) dst(%dma_wait3A_480 : memref<128x64xf32, #tpu.memory_space<vmem>>)
        } else {
        }
        %eq3A_465 = arith.constant 1 : i32
        %eq3A_466 = arith.cmpi eq, %rem3A_459, %eq3A_465 : i32
        %convert_element_type3A_467 = arith.extui %eq3A_466 : i1 to i32
        %cond3A_468 = arith.constant 0 : i32
        %cond3A_469 = arith.cmpi ne, %convert_element_type3A_467, %cond3A_468 : i32
        scf.if %cond3A_469 {
          %dma_wait3A_475 = arith.constant 0 : i32
          %dma_wait3A_476 = arith.constant 0 : i32
          %dma_wait3A_477 = arith.constant 0 : i32
          %dma_wait3A_478 = arith.constant 0 : i32
          %dma_wait3A_479 = tpu.memref_slice %arg8[%dma_wait3A_476, %dma_wait3A_477, %dma_wait3A_478] : memref<4x128x64xf32, #tpu.memory_space<vmem>> -> memref<1x128x64xf32, #tpu.memory_space<vmem>>
          %dma_wait3A_480 = tpu.memref_squeeze %dma_wait3A_479 : memref<1x128x64xf32, #tpu.memory_space<vmem>> -> memref<128x64xf32, #tpu.memory_space<vmem>>
          %dma_wait3A_481 = arith.constant 0 : i32
          %dma_wait3A_482 = tpu.memref_slice %arg6[%dma_wait3A_475, %dma_wait3A_481] : memref<8x128xi32, #tpu.memory_space<vmem>> -> memref<1x128xi32, #tpu.memory_space<vmem>>
          %dma_wait3A_483 = tpu.memref_squeeze %dma_wait3A_482 : memref<1x128xi32, #tpu.memory_space<vmem>> -> memref<128xi32, #tpu.memory_space<vmem>>
          %dma_wait3A_484 = arith.constant 0 : i32
          %dma_wait3A_485 = arith.constant 0 : i32
          %dma_wait3A_486 = tpu.memref_slice %arg4[%arg0, %dma_wait3A_484, %dma_wait3A_485] : memref<2x10000x64xf32, #tpu.memory_space<hbm>> -> memref<1x10000x64xf32, #tpu.memory_space<hbm>>
          %dma_wait3A_487 = tpu.memref_squeeze %dma_wait3A_486 : memref<1x10000x64xf32, #tpu.memory_space<hbm>> -> memref<10000x64xf32, #tpu.memory_space<hbm>>
          %dma_wait3A_488 = arith.constant 0 : i32
          %dma_wait3A_489 = arith.constant 0 : i32
          %dma_wait3A_490 = tpu.memref_slice %dma_wait3A_487[%dma_wait3A_488, %dma_wait3A_489] : memref<10000x64xf32, #tpu.memory_space<hbm>> -> memref<10000x64xf32, #tpu.memory_space<hbm>>
          tpu.wait_indirect_dma semaphore(%arg11 : memref<!tpu.dma_semaphore, #tpu.memory_space<semaphore_mem>>) src(%dma_wait3A_490 : memref<10000x64xf32, #tpu.memory_space<hbm>>) dst(%dma_wait3A_480 : memref<128x64xf32, #tpu.memory_space<vmem>>)
        } else {
        }
        %eq3A_470 = arith.constant 2 : i32
        %eq3A_471 = arith.cmpi eq, %rem3A_459, %eq3A_470 : i32
        %convert_element_type3A_472 = arith.extui %eq3A_471 : i1 to i32
        %cond3A_473 = arith.constant 0 : i32
        %cond3A_474 = arith.cmpi ne, %convert_element_type3A_472, %cond3A_473 : i32
        scf.if %cond3A_474 {
          %dma_wait3A_475 = arith.constant 0 : i32
          %dma_wait3A_476 = arith.constant 0 : i32
          %dma_wait3A_477 = arith.constant 0 : i32
          %dma_wait3A_478 = arith.constant 0 : i32
          %dma_wait3A_479 = tpu.memref_slice %arg8[%dma_wait3A_476, %dma_wait3A_477, %dma_wait3A_478] : memref<4x128x64xf32, #tpu.memory_space<vmem>> -> memref<1x128x64xf32, #tpu.memory_space<vmem>>
          %dma_wait3A_480 = tpu.memref_squeeze %dma_wait3A_479 : memref<1x128x64xf32, #tpu.memory_space<vmem>> -> memref<128x64xf32, #tpu.memory_space<vmem>>
          %dma_wait3A_481 = arith.constant 0 : i32
          %dma_wait3A_482 = tpu.memref_slice %arg6[%dma_wait3A_475, %dma_wait3A_481] : memref<8x128xi32, #tpu.memory_space<vmem>> -> memref<1x128xi32, #tpu.memory_space<vmem>>
          %dma_wait3A_483 = tpu.memref_squeeze %dma_wait3A_482 : memref<1x128xi32, #tpu.memory_space<vmem>> -> memref<128xi32, #tpu.memory_space<vmem>>
          %dma_wait3A_484 = arith.constant 0 : i32
          %dma_wait3A_485 = arith.constant 0 : i32
          %dma_wait3A_486 = tpu.memref_slice %arg4[%arg0, %dma_wait3A_484, %dma_wait3A_485] : memref<2x10000x64xf32, #tpu.memory_space<hbm>> -> memref<1x10000x64xf32, #tpu.memory_space<hbm>>
          %dma_wait3A_487 = tpu.memref_squeeze %dma_wait3A_486 : memref<1x10000x64xf32, #tpu.memory_space<hbm>> -> memref<10000x64xf32, #tpu.memory_space<hbm>>
          %dma_wait3A_488 = arith.constant 0 : i32
          %dma_wait3A_489 = arith.constant 0 : i32
          %dma_wait3A_490 = tpu.memref_slice %dma_wait3A_487[%dma_wait3A_488, %dma_wait3A_489] : memref<10000x64xf32, #tpu.memory_space<hbm>> -> memref<10000x64xf32, #tpu.memory_space<hbm>>
          tpu.wait_indirect_dma semaphore(%arg12 : memref<!tpu.dma_semaphore, #tpu.memory_space<semaphore_mem>>) src(%dma_wait3A_490 : memref<10000x64xf32, #tpu.memory_space<hbm>>) dst(%dma_wait3A_480 : memref<128x64xf32, #tpu.memory_space<vmem>>)
        } else {
        }
      }
      %while3A_190 = arith.constant 1 : i32
      scf.for %while3A_408 = %while3A_188 to %while3A_184 step %while3A_190  : i32 {
        %add3A_409 = arith.addi %mul3A_180, %while3A_408 : i32
        %rem3A_410 = arith.constant 8 : i32
        %rem3A_411 = arith.remsi %add3A_409, %rem3A_410 : i32
        %add3A_412 = arith.constant 3 : i32
        %add3A_413 = arith.addi %add3A_409, %add3A_412 : i32
        %rem3A_414 = arith.constant 8 : i32
        %rem3A_415 = arith.remsi %add3A_413, %rem3A_414 : i32
        %rem3A_416 = arith.constant 4 : i32
        %rem3A_417 = arith.remsi %add3A_409, %rem3A_416 : i32
        %add3A_418 = arith.constant 3 : i32
        %add3A_419 = arith.addi %add3A_409, %add3A_418 : i32
        %rem3A_420 = arith.constant 4 : i32
        %rem3A_421 = arith.remsi %add3A_419, %rem3A_420 : i32
        %add3A_422 = arith.constant 3 : i32
        %add3A_423 = arith.addi %add3A_409, %add3A_422 : i32
        %rem3A_424 = arith.constant 3 : i32
        %rem3A_425 = arith.remsi %add3A_423, %rem3A_424 : i32
        %gt3A_426 = arith.constant 0 : i32
        %gt3A_427 = arith.cmpi sgt, %add3A_409, %gt3A_426 : i32
        %convert_element_type3A_428 = arith.extui %gt3A_427 : i1 to i32
        %cond3A_429 = arith.constant 0 : i32
        %cond3A_430 = arith.cmpi ne, %convert_element_type3A_428, %cond3A_429 : i32
        scf.if %cond3A_430 {
          %dma_wait3A_475 = arith.constant 0 : i32
          %dma_wait3A_476 = arith.constant 0 : i32
          %dma_wait3A_477 = tpu.memref_slice %arg8[%rem3A_417, %dma_wait3A_475, %dma_wait3A_476] : memref<4x128x64xf32, #tpu.memory_space<vmem>> -> memref<1x128x64xf32, #tpu.memory_space<vmem>>
          %dma_wait3A_478 = tpu.memref_squeeze %dma_wait3A_477 : memref<1x128x64xf32, #tpu.memory_space<vmem>> -> memref<128x64xf32, #tpu.memory_space<vmem>>
          %dma_wait3A_479 = arith.constant 0 : i32
          %dma_wait3A_480 = tpu.memref_slice %arg7[%rem3A_411, %dma_wait3A_479] : memref<8x128xi32, #tpu.memory_space<vmem>> -> memref<1x128xi32, #tpu.memory_space<vmem>>
          %dma_wait3A_481 = tpu.memref_squeeze %dma_wait3A_480 : memref<1x128xi32, #tpu.memory_space<vmem>> -> memref<128xi32, #tpu.memory_space<vmem>>
          %dma_wait3A_482 = arith.constant 0 : i32
          %dma_wait3A_483 = arith.constant 0 : i32
          %dma_wait3A_484 = tpu.memref_slice %arg9[%dma_wait3A_482, %dma_wait3A_483] : memref<10048x64xf32, #tpu.memory_space<vmem_shared>> -> memref<10048x64xf32, #tpu.memory_space<vmem_shared>>
          tpu.wait_indirect_dma semaphore(%arg14 : memref<!tpu.dma_semaphore, #tpu.memory_space<semaphore_mem>>) src(%dma_wait3A_478 : memref<128x64xf32, #tpu.memory_space<vmem>>) dst(%dma_wait3A_484 : memref<10048x64xf32, #tpu.memory_space<vmem_shared>>)
        } else {
        }
        %eq3A_431 = arith.constant 0 : i32
        %eq3A_432 = arith.cmpi eq, %rem3A_425, %eq3A_431 : i32
        %convert_element_type3A_433 = arith.extui %eq3A_432 : i1 to i32
        %cond3A_434 = arith.constant 0 : i32
        %cond3A_435 = arith.cmpi ne, %convert_element_type3A_433, %cond3A_434 : i32
        scf.if %cond3A_435 {
          %dma_start3A_475 = arith.constant 0 : i32
          %dma_start3A_476 = arith.constant 0 : i32
          %dma_start3A_477 = tpu.memref_slice %arg8[%rem3A_421, %dma_start3A_475, %dma_start3A_476] : memref<4x128x64xf32, #tpu.memory_space<vmem>> -> memref<1x128x64xf32, #tpu.memory_space<vmem>>
          %dma_start3A_478 = tpu.memref_squeeze %dma_start3A_477 : memref<1x128x64xf32, #tpu.memory_space<vmem>> -> memref<128x64xf32, #tpu.memory_space<vmem>>
          %dma_start3A_479 = arith.constant 0 : i32
          %dma_start3A_480 = tpu.memref_slice %arg6[%rem3A_415, %dma_start3A_479] : memref<8x128xi32, #tpu.memory_space<vmem>> -> memref<1x128xi32, #tpu.memory_space<vmem>>
          %dma_start3A_481 = tpu.memref_squeeze %dma_start3A_480 : memref<1x128xi32, #tpu.memory_space<vmem>> -> memref<128xi32, #tpu.memory_space<vmem>>
          %dma_start3A_482 = arith.constant 0 : i32
          %dma_start3A_483 = arith.constant 0 : i32
          %dma_start3A_484 = tpu.memref_slice %arg4[%arg0, %dma_start3A_482, %dma_start3A_483] : memref<2x10000x64xf32, #tpu.memory_space<hbm>> -> memref<1x10000x64xf32, #tpu.memory_space<hbm>>
          %dma_start3A_485 = tpu.memref_squeeze %dma_start3A_484 : memref<1x10000x64xf32, #tpu.memory_space<hbm>> -> memref<10000x64xf32, #tpu.memory_space<hbm>>
          %dma_start3A_486 = arith.constant 0 : i32
          %dma_start3A_487 = arith.constant 0 : i32
          %dma_start3A_488 = tpu.memref_slice %dma_start3A_485[%dma_start3A_486, %dma_start3A_487] : memref<10000x64xf32, #tpu.memory_space<hbm>> -> memref<10000x64xf32, #tpu.memory_space<hbm>>
          tpu.enqueue_indirect_dma source(%dma_start3A_488 : memref<10000x64xf32, #tpu.memory_space<hbm>>) target(%dma_start3A_478 : memref<128x64xf32, #tpu.memory_space<vmem>>) offsets(%dma_start3A_481 : memref<128xi32, #tpu.memory_space<vmem>>) semaphore(%arg10 : memref<!tpu.dma_semaphore, #tpu.memory_space<semaphore_mem>>)
        } else {
        }
        %eq3A_436 = arith.constant 1 : i32
        %eq3A_437 = arith.cmpi eq, %rem3A_425, %eq3A_436 : i32
        %convert_element_type3A_438 = arith.extui %eq3A_437 : i1 to i32
        %cond3A_439 = arith.constant 0 : i32
        %cond3A_440 = arith.cmpi ne, %convert_element_type3A_438, %cond3A_439 : i32
        scf.if %cond3A_440 {
          %dma_start3A_475 = arith.constant 0 : i32
          %dma_start3A_476 = arith.constant 0 : i32
          %dma_start3A_477 = tpu.memref_slice %arg8[%rem3A_421, %dma_start3A_475, %dma_start3A_476] : memref<4x128x64xf32, #tpu.memory_space<vmem>> -> memref<1x128x64xf32, #tpu.memory_space<vmem>>
          %dma_start3A_478 = tpu.memref_squeeze %dma_start3A_477 : memref<1x128x64xf32, #tpu.memory_space<vmem>> -> memref<128x64xf32, #tpu.memory_space<vmem>>
          %dma_start3A_479 = arith.constant 0 : i32
          %dma_start3A_480 = tpu.memref_slice %arg6[%rem3A_415, %dma_start3A_479] : memref<8x128xi32, #tpu.memory_space<vmem>> -> memref<1x128xi32, #tpu.memory_space<vmem>>
          %dma_start3A_481 = tpu.memref_squeeze %dma_start3A_480 : memref<1x128xi32, #tpu.memory_space<vmem>> -> memref<128xi32, #tpu.memory_space<vmem>>
          %dma_start3A_482 = arith.constant 0 : i32
          %dma_start3A_483 = arith.constant 0 : i32
          %dma_start3A_484 = tpu.memref_slice %arg4[%arg0, %dma_start3A_482, %dma_start3A_483] : memref<2x10000x64xf32, #tpu.memory_space<hbm>> -> memref<1x10000x64xf32, #tpu.memory_space<hbm>>
          %dma_start3A_485 = tpu.memref_squeeze %dma_start3A_484 : memref<1x10000x64xf32, #tpu.memory_space<hbm>> -> memref<10000x64xf32, #tpu.memory_space<hbm>>
          %dma_start3A_486 = arith.constant 0 : i32
          %dma_start3A_487 = arith.constant 0 : i32
          %dma_start3A_488 = tpu.memref_slice %dma_start3A_485[%dma_start3A_486, %dma_start3A_487] : memref<10000x64xf32, #tpu.memory_space<hbm>> -> memref<10000x64xf32, #tpu.memory_space<hbm>>
          tpu.enqueue_indirect_dma source(%dma_start3A_488 : memref<10000x64xf32, #tpu.memory_space<hbm>>) target(%dma_start3A_478 : memref<128x64xf32, #tpu.memory_space<vmem>>) offsets(%dma_start3A_481 : memref<128xi32, #tpu.memory_space<vmem>>) semaphore(%arg11 : memref<!tpu.dma_semaphore, #tpu.memory_space<semaphore_mem>>)
        } else {
        }
        %eq3A_441 = arith.constant 2 : i32
        %eq3A_442 = arith.cmpi eq, %rem3A_425, %eq3A_441 : i32
        %convert_element_type3A_443 = arith.extui %eq3A_442 : i1 to i32
        %cond3A_444 = arith.constant 0 : i32
        %cond3A_445 = arith.cmpi ne, %convert_element_type3A_443, %cond3A_444 : i32
        scf.if %cond3A_445 {
          %dma_start3A_475 = arith.constant 0 : i32
          %dma_start3A_476 = arith.constant 0 : i32
          %dma_start3A_477 = tpu.memref_slice %arg8[%rem3A_421, %dma_start3A_475, %dma_start3A_476] : memref<4x128x64xf32, #tpu.memory_space<vmem>> -> memref<1x128x64xf32, #tpu.memory_space<vmem>>
          %dma_start3A_478 = tpu.memref_squeeze %dma_start3A_477 : memref<1x128x64xf32, #tpu.memory_space<vmem>> -> memref<128x64xf32, #tpu.memory_space<vmem>>
          %dma_start3A_479 = arith.constant 0 : i32
          %dma_start3A_480 = tpu.memref_slice %arg6[%rem3A_415, %dma_start3A_479] : memref<8x128xi32, #tpu.memory_space<vmem>> -> memref<1x128xi32, #tpu.memory_space<vmem>>
          %dma_start3A_481 = tpu.memref_squeeze %dma_start3A_480 : memref<1x128xi32, #tpu.memory_space<vmem>> -> memref<128xi32, #tpu.memory_space<vmem>>
          %dma_start3A_482 = arith.constant 0 : i32
          %dma_start3A_483 = arith.constant 0 : i32
          %dma_start3A_484 = tpu.memref_slice %arg4[%arg0, %dma_start3A_482, %dma_start3A_483] : memref<2x10000x64xf32, #tpu.memory_space<hbm>> -> memref<1x10000x64xf32, #tpu.memory_space<hbm>>
          %dma_start3A_485 = tpu.memref_squeeze %dma_start3A_484 : memref<1x10000x64xf32, #tpu.memory_space<hbm>> -> memref<10000x64xf32, #tpu.memory_space<hbm>>
          %dma_start3A_486 = arith.constant 0 : i32
          %dma_start3A_487 = arith.constant 0 : i32
          %dma_start3A_488 = tpu.memref_slice %dma_start3A_485[%dma_start3A_486, %dma_start3A_487] : memref<10000x64xf32, #tpu.memory_space<hbm>> -> memref<10000x64xf32, #tpu.memory_space<hbm>>
          tpu.enqueue_indirect_dma source(%dma_start3A_488 : memref<10000x64xf32, #tpu.memory_space<hbm>>) target(%dma_start3A_478 : memref<128x64xf32, #tpu.memory_space<vmem>>) offsets(%dma_start3A_481 : memref<128xi32, #tpu.memory_space<vmem>>) semaphore(%arg12 : memref<!tpu.dma_semaphore, #tpu.memory_space<semaphore_mem>>)
        } else {
        }
        %dma_start3A_446 = arith.constant 0 : i32
        %dma_start3A_447 = arith.constant 0 : i32
        %dma_start3A_448 = tpu.memref_slice %arg8[%rem3A_417, %dma_start3A_446, %dma_start3A_447] : memref<4x128x64xf32, #tpu.memory_space<vmem>> -> memref<1x128x64xf32, #tpu.memory_space<vmem>>
        %dma_start3A_449 = tpu.memref_squeeze %dma_start3A_448 : memref<1x128x64xf32, #tpu.memory_space<vmem>> -> memref<128x64xf32, #tpu.memory_space<vmem>>
        %dma_start3A_450 = arith.constant 0 : i32
        %dma_start3A_451 = tpu.memref_slice %arg7[%rem3A_411, %dma_start3A_450] : memref<8x128xi32, #tpu.memory_space<vmem>> -> memref<1x128xi32, #tpu.memory_space<vmem>>
        %dma_start3A_452 = tpu.memref_squeeze %dma_start3A_451 : memref<1x128xi32, #tpu.memory_space<vmem>> -> memref<128xi32, #tpu.memory_space<vmem>>
        %dma_start3A_453 = arith.constant 0 : i32
        %dma_start3A_454 = arith.constant 0 : i32
        %dma_start3A_455 = tpu.memref_slice %arg9[%dma_start3A_453, %dma_start3A_454] : memref<10048x64xf32, #tpu.memory_space<vmem_shared>> -> memref<10048x64xf32, #tpu.memory_space<vmem_shared>>
        tpu.enqueue_indirect_dma source(%dma_start3A_449 : memref<128x64xf32, #tpu.memory_space<vmem>>) target(%dma_start3A_455 : memref<10048x64xf32, #tpu.memory_space<vmem_shared>>) offsets(%dma_start3A_452 : memref<128xi32, #tpu.memory_space<vmem>>) semaphore(%arg14 : memref<!tpu.dma_semaphore, #tpu.memory_space<semaphore_mem>>) {add = true}
        %add3A_456 = arith.constant 1 : i32
        %add3A_457 = arith.addi %add3A_409, %add3A_456 : i32
        %rem3A_458 = arith.constant 3 : i32
        %rem3A_459 = arith.remsi %add3A_457, %rem3A_458 : i32
        %eq3A_460 = arith.constant 0 : i32
        %eq3A_461 = arith.cmpi eq, %rem3A_459, %eq3A_460 : i32
        %convert_element_type3A_462 = arith.extui %eq3A_461 : i1 to i32
        %cond3A_463 = arith.constant 0 : i32
        %cond3A_464 = arith.cmpi ne, %convert_element_type3A_462, %cond3A_463 : i32
        scf.if %cond3A_464 {
          %dma_wait3A_475 = arith.constant 0 : i32
          %dma_wait3A_476 = arith.constant 0 : i32
          %dma_wait3A_477 = arith.constant 0 : i32
          %dma_wait3A_478 = arith.constant 0 : i32
          %dma_wait3A_479 = tpu.memref_slice %arg8[%dma_wait3A_476, %dma_wait3A_477, %dma_wait3A_478] : memref<4x128x64xf32, #tpu.memory_space<vmem>> -> memref<1x128x64xf32, #tpu.memory_space<vmem>>
          %dma_wait3A_480 = tpu.memref_squeeze %dma_wait3A_479 : memref<1x128x64xf32, #tpu.memory_space<vmem>> -> memref<128x64xf32, #tpu.memory_space<vmem>>
          %dma_wait3A_481 = arith.constant 0 : i32
          %dma_wait3A_482 = tpu.memref_slice %arg6[%dma_wait3A_475, %dma_wait3A_481] : memref<8x128xi32, #tpu.memory_space<vmem>> -> memref<1x128xi32, #tpu.memory_space<vmem>>
          %dma_wait3A_483 = tpu.memref_squeeze %dma_wait3A_482 : memref<1x128xi32, #tpu.memory_space<vmem>> -> memref<128xi32, #tpu.memory_space<vmem>>
          %dma_wait3A_484 = arith.constant 0 : i32
          %dma_wait3A_485 = arith.constant 0 : i32
          %dma_wait3A_486 = tpu.memref_slice %arg4[%arg0, %dma_wait3A_484, %dma_wait3A_485] : memref<2x10000x64xf32, #tpu.memory_space<hbm>> -> memref<1x10000x64xf32, #tpu.memory_space<hbm>>
          %dma_wait3A_487 = tpu.memref_squeeze %dma_wait3A_486 : memref<1x10000x64xf32, #tpu.memory_space<hbm>> -> memref<10000x64xf32, #tpu.memory_space<hbm>>
          %dma_wait3A_488 = arith.constant 0 : i32
          %dma_wait3A_489 = arith.constant 0 : i32
          %dma_wait3A_490 = tpu.memref_slice %dma_wait3A_487[%dma_wait3A_488, %dma_wait3A_489] : memref<10000x64xf32, #tpu.memory_space<hbm>> -> memref<10000x64xf32, #tpu.memory_space<hbm>>
          tpu.wait_indirect_dma semaphore(%arg10 : memref<!tpu.dma_semaphore, #tpu.memory_space<semaphore_mem>>) src(%dma_wait3A_490 : memref<10000x64xf32, #tpu.memory_space<hbm>>) dst(%dma_wait3A_480 : memref<128x64xf32, #tpu.memory_space<vmem>>)
        } else {
        }
        %eq3A_465 = arith.constant 1 : i32
        %eq3A_466 = arith.cmpi eq, %rem3A_459, %eq3A_465 : i32
        %convert_element_type3A_467 = arith.extui %eq3A_466 : i1 to i32
        %cond3A_468 = arith.constant 0 : i32
        %cond3A_469 = arith.cmpi ne, %convert_element_type3A_467, %cond3A_468 : i32
        scf.if %cond3A_469 {
          %dma_wait3A_475 = arith.constant 0 : i32
          %dma_wait3A_476 = arith.constant 0 : i32
          %dma_wait3A_477 = arith.constant 0 : i32
          %dma_wait3A_478 = arith.constant 0 : i32
          %dma_wait3A_479 = tpu.memref_slice %arg8[%dma_wait3A_476, %dma_wait3A_477, %dma_wait3A_478] : memref<4x128x64xf32, #tpu.memory_space<vmem>> -> memref<1x128x64xf32, #tpu.memory_space<vmem>>
          %dma_wait3A_480 = tpu.memref_squeeze %dma_wait3A_479 : memref<1x128x64xf32, #tpu.memory_space<vmem>> -> memref<128x64xf32, #tpu.memory_space<vmem>>
          %dma_wait3A_481 = arith.constant 0 : i32
          %dma_wait3A_482 = tpu.memref_slice %arg6[%dma_wait3A_475, %dma_wait3A_481] : memref<8x128xi32, #tpu.memory_space<vmem>> -> memref<1x128xi32, #tpu.memory_space<vmem>>
          %dma_wait3A_483 = tpu.memref_squeeze %dma_wait3A_482 : memref<1x128xi32, #tpu.memory_space<vmem>> -> memref<128xi32, #tpu.memory_space<vmem>>
          %dma_wait3A_484 = arith.constant 0 : i32
          %dma_wait3A_485 = arith.constant 0 : i32
          %dma_wait3A_486 = tpu.memref_slice %arg4[%arg0, %dma_wait3A_484, %dma_wait3A_485] : memref<2x10000x64xf32, #tpu.memory_space<hbm>> -> memref<1x10000x64xf32, #tpu.memory_space<hbm>>
          %dma_wait3A_487 = tpu.memref_squeeze %dma_wait3A_486 : memref<1x10000x64xf32, #tpu.memory_space<hbm>> -> memref<10000x64xf32, #tpu.memory_space<hbm>>
          %dma_wait3A_488 = arith.constant 0 : i32
          %dma_wait3A_489 = arith.constant 0 : i32
          %dma_wait3A_490 = tpu.memref_slice %dma_wait3A_487[%dma_wait3A_488, %dma_wait3A_489] : memref<10000x64xf32, #tpu.memory_space<hbm>> -> memref<10000x64xf32, #tpu.memory_space<hbm>>
          tpu.wait_indirect_dma semaphore(%arg11 : memref<!tpu.dma_semaphore, #tpu.memory_space<semaphore_mem>>) src(%dma_wait3A_490 : memref<10000x64xf32, #tpu.memory_space<hbm>>) dst(%dma_wait3A_480 : memref<128x64xf32, #tpu.memory_space<vmem>>)
        } else {
        }
        %eq3A_470 = arith.constant 2 : i32
        %eq3A_471 = arith.cmpi eq, %rem3A_459, %eq3A_470 : i32
        %convert_element_type3A_472 = arith.extui %eq3A_471 : i1 to i32
        %cond3A_473 = arith.constant 0 : i32
        %cond3A_474 = arith.cmpi ne, %convert_element_type3A_472, %cond3A_473 : i32
        scf.if %cond3A_474 {
          %dma_wait3A_475 = arith.constant 0 : i32
          %dma_wait3A_476 = arith.constant 0 : i32
          %dma_wait3A_477 = arith.constant 0 : i32
          %dma_wait3A_478 = arith.constant 0 : i32
          %dma_wait3A_479 = tpu.memref_slice %arg8[%dma_wait3A_476, %dma_wait3A_477, %dma_wait3A_478] : memref<4x128x64xf32, #tpu.memory_space<vmem>> -> memref<1x128x64xf32, #tpu.memory_space<vmem>>
          %dma_wait3A_480 = tpu.memref_squeeze %dma_wait3A_479 : memref<1x128x64xf32, #tpu.memory_space<vmem>> -> memref<128x64xf32, #tpu.memory_space<vmem>>
          %dma_wait3A_481 = arith.constant 0 : i32
          %dma_wait3A_482 = tpu.memref_slice %arg6[%dma_wait3A_475, %dma_wait3A_481] : memref<8x128xi32, #tpu.memory_space<vmem>> -> memref<1x128xi32, #tpu.memory_space<vmem>>
          %dma_wait3A_483 = tpu.memref_squeeze %dma_wait3A_482 : memref<1x128xi32, #tpu.memory_space<vmem>> -> memref<128xi32, #tpu.memory_space<vmem>>
          %dma_wait3A_484 = arith.constant 0 : i32
          %dma_wait3A_485 = arith.constant 0 : i32
          %dma_wait3A_486 = tpu.memref_slice %arg4[%arg0, %dma_wait3A_484, %dma_wait3A_485] : memref<2x10000x64xf32, #tpu.memory_space<hbm>> -> memref<1x10000x64xf32, #tpu.memory_space<hbm>>
          %dma_wait3A_487 = tpu.memref_squeeze %dma_wait3A_486 : memref<1x10000x64xf32, #tpu.memory_space<hbm>> -> memref<10000x64xf32, #tpu.memory_space<hbm>>
          %dma_wait3A_488 = arith.constant 0 : i32
          %dma_wait3A_489 = arith.constant 0 : i32
          %dma_wait3A_490 = tpu.memref_slice %dma_wait3A_487[%dma_wait3A_488, %dma_wait3A_489] : memref<10000x64xf32, #tpu.memory_space<hbm>> -> memref<10000x64xf32, #tpu.memory_space<hbm>>
          tpu.wait_indirect_dma semaphore(%arg12 : memref<!tpu.dma_semaphore, #tpu.memory_space<semaphore_mem>>) src(%dma_wait3A_490 : memref<10000x64xf32, #tpu.memory_space<hbm>>) dst(%dma_wait3A_480 : memref<128x64xf32, #tpu.memory_space<vmem>>)
        } else {
        }
      }
      %dma_wait3A_191 = arith.constant 0 : i32
      %dma_wait3A_192 = tpu.memref_slice %arg6[%mul3A_158, %dma_wait3A_191] : memref<8x128xi32, #tpu.memory_space<vmem>> -> memref<4x128xi32, #tpu.memory_space<vmem>>
      %dma_wait3A_193 = arith.constant 0 : i32
      %dma_wait3A_194 = tpu.memref_slice %arg2[%arg1, %multiple_of3A, %dma_wait3A_193] : memref<16x160x128xi32, #tpu.memory_space<hbm>> -> memref<1x4x128xi32, #tpu.memory_space<hbm>>
      %dma_wait3A_195 = tpu.memref_squeeze %dma_wait3A_194 : memref<1x4x128xi32, #tpu.memory_space<hbm>> -> memref<4x128xi32, #tpu.memory_space<hbm>>
      %dma_wait3A_196 = arith.constant 0 : i32
      %dma_wait3A_197 = tpu.memref_slice %arg6[%mul3A_158, %dma_wait3A_196] : memref<8x128xi32, #tpu.memory_space<vmem>> -> memref<4x128xi32, #tpu.memory_space<vmem>>
      %dma_wait3A_198 = arith.constant 0 : i32
      %dma_wait3A_199 = tpu.memref_slice %arg2[%arg1, %multiple_of3A, %dma_wait3A_198] : memref<16x160x128xi32, #tpu.memory_space<hbm>> -> memref<1x4x128xi32, #tpu.memory_space<hbm>>
      %dma_wait3A_200 = tpu.memref_squeeze %dma_wait3A_199 : memref<1x4x128xi32, #tpu.memory_space<hbm>> -> memref<4x128xi32, #tpu.memory_space<hbm>>
      tpu.wait_dma2 semaphore(%arg13 : memref<!tpu.dma_semaphore, #tpu.memory_space<semaphore_mem>>) src(%dma_wait3A_200 : memref<4x128xi32, #tpu.memory_space<hbm>>) dst(%dma_wait3A_197 : memref<4x128xi32, #tpu.memory_space<vmem>>)
      %dma_wait3A_201 = arith.constant 0 : i32
      %dma_wait3A_202 = tpu.memref_slice %arg7[%mul3A_158, %dma_wait3A_201] : memref<8x128xi32, #tpu.memory_space<vmem>> -> memref<4x128xi32, #tpu.memory_space<vmem>>
      %dma_wait3A_203 = arith.constant 0 : i32
      %dma_wait3A_204 = tpu.memref_slice %arg3[%arg1, %multiple_of3A, %dma_wait3A_203] : memref<16x160x128xi32, #tpu.memory_space<hbm>> -> memref<1x4x128xi32, #tpu.memory_space<hbm>>
      %dma_wait3A_205 = tpu.memref_squeeze %dma_wait3A_204 : memref<1x4x128xi32, #tpu.memory_space<hbm>> -> memref<4x128xi32, #tpu.memory_space<hbm>>
      %dma_wait3A_206 = arith.constant 0 : i32
      %dma_wait3A_207 = tpu.memref_slice %arg7[%mul3A_158, %dma_wait3A_206] : memref<8x128xi32, #tpu.memory_space<vmem>> -> memref<4x128xi32, #tpu.memory_space<vmem>>
      %dma_wait3A_208 = arith.constant 0 : i32
      %dma_wait3A_209 = tpu.memref_slice %arg3[%arg1, %multiple_of3A, %dma_wait3A_208] : memref<16x160x128xi32, #tpu.memory_space<hbm>> -> memref<1x4x128xi32, #tpu.memory_space<hbm>>
      %dma_wait3A_210 = tpu.memref_squeeze %dma_wait3A_209 : memref<1x4x128xi32, #tpu.memory_space<hbm>> -> memref<4x128xi32, #tpu.memory_space<hbm>>
      tpu.wait_dma2 semaphore(%arg13 : memref<!tpu.dma_semaphore, #tpu.memory_space<semaphore_mem>>) src(%dma_wait3A_210 : memref<4x128xi32, #tpu.memory_space<hbm>>) dst(%dma_wait3A_207 : memref<4x128xi32, #tpu.memory_space<vmem>>)
      %add3A_211 = arith.constant 1 : i32
      %add3A_212 = arith.addi %mul3A_180, %add3A_211 : i32
      %rem3A_213 = arith.constant 8 : i32
      %rem3A_214 = arith.remsi %add3A_212, %rem3A_213 : i32
      %add3A_215 = arith.constant 3 : i32
      %add3A_216 = arith.addi %add3A_212, %add3A_215 : i32
      %rem3A_217 = arith.constant 8 : i32
      %rem3A_218 = arith.remsi %add3A_216, %rem3A_217 : i32
      %rem3A_219 = arith.constant 4 : i32
      %rem3A_220 = arith.remsi %add3A_212, %rem3A_219 : i32
      %add3A_221 = arith.constant 3 : i32
      %add3A_222 = arith.addi %add3A_212, %add3A_221 : i32
      %rem3A_223 = arith.constant 4 : i32
      %rem3A_224 = arith.remsi %add3A_222, %rem3A_223 : i32
      %add3A_225 = arith.constant 3 : i32
      %add3A_226 = arith.addi %add3A_212, %add3A_225 : i32
      %rem3A_227 = arith.constant 3 : i32
      %rem3A_228 = arith.remsi %add3A_226, %rem3A_227 : i32
      %gt3A = arith.constant 0 : i32
      %gt3A_229 = arith.cmpi sgt, %add3A_212, %gt3A : i32
      %convert_element_type3A = arith.extui %gt3A_229 : i1 to i32
      %cond3A = arith.constant 0 : i32
      %cond3A_230 = arith.cmpi ne, %convert_element_type3A, %cond3A : i32
      scf.if %cond3A_230 {
        %dma_wait3A_408 = arith.constant 0 : i32
        %dma_wait3A_409 = arith.constant 0 : i32
        %dma_wait3A_410 = tpu.memref_slice %arg8[%rem3A_220, %dma_wait3A_408, %dma_wait3A_409] : memref<4x128x64xf32, #tpu.memory_space<vmem>> -> memref<1x128x64xf32, #tpu.memory_space<vmem>>
        %dma_wait3A_411 = tpu.memref_squeeze %dma_wait3A_410 : memref<1x128x64xf32, #tpu.memory_space<vmem>> -> memref<128x64xf32, #tpu.memory_space<vmem>>
        %dma_wait3A_412 = arith.constant 0 : i32
        %dma_wait3A_413 = tpu.memref_slice %arg7[%rem3A_214, %dma_wait3A_412] : memref<8x128xi32, #tpu.memory_space<vmem>> -> memref<1x128xi32, #tpu.memory_space<vmem>>
        %dma_wait3A_414 = tpu.memref_squeeze %dma_wait3A_413 : memref<1x128xi32, #tpu.memory_space<vmem>> -> memref<128xi32, #tpu.memory_space<vmem>>
        %dma_wait3A_415 = arith.constant 0 : i32
        %dma_wait3A_416 = arith.constant 0 : i32
        %dma_wait3A_417 = tpu.memref_slice %arg9[%dma_wait3A_415, %dma_wait3A_416] : memref<10048x64xf32, #tpu.memory_space<vmem_shared>> -> memref<10048x64xf32, #tpu.memory_space<vmem_shared>>
        tpu.wait_indirect_dma semaphore(%arg14 : memref<!tpu.dma_semaphore, #tpu.memory_space<semaphore_mem>>) src(%dma_wait3A_411 : memref<128x64xf32, #tpu.memory_space<vmem>>) dst(%dma_wait3A_417 : memref<10048x64xf32, #tpu.memory_space<vmem_shared>>)
      } else {
      }
      %eq3A = arith.constant 0 : i32
      %eq3A_231 = arith.cmpi eq, %rem3A_228, %eq3A : i32
      %convert_element_type3A_232 = arith.extui %eq3A_231 : i1 to i32
      %cond3A_233 = arith.constant 0 : i32
      %cond3A_234 = arith.cmpi ne, %convert_element_type3A_232, %cond3A_233 : i32
      scf.if %cond3A_234 {
        %dma_start3A_408 = arith.constant 0 : i32
        %dma_start3A_409 = arith.constant 0 : i32
        %dma_start3A_410 = tpu.memref_slice %arg8[%rem3A_224, %dma_start3A_408, %dma_start3A_409] : memref<4x128x64xf32, #tpu.memory_space<vmem>> -> memref<1x128x64xf32, #tpu.memory_space<vmem>>
        %dma_start3A_411 = tpu.memref_squeeze %dma_start3A_410 : memref<1x128x64xf32, #tpu.memory_space<vmem>> -> memref<128x64xf32, #tpu.memory_space<vmem>>
        %dma_start3A_412 = arith.constant 0 : i32
        %dma_start3A_413 = tpu.memref_slice %arg6[%rem3A_218, %dma_start3A_412] : memref<8x128xi32, #tpu.memory_space<vmem>> -> memref<1x128xi32, #tpu.memory_space<vmem>>
        %dma_start3A_414 = tpu.memref_squeeze %dma_start3A_413 : memref<1x128xi32, #tpu.memory_space<vmem>> -> memref<128xi32, #tpu.memory_space<vmem>>
        %dma_start3A_415 = arith.constant 0 : i32
        %dma_start3A_416 = arith.constant 0 : i32
        %dma_start3A_417 = tpu.memref_slice %arg4[%arg0, %dma_start3A_415, %dma_start3A_416] : memref<2x10000x64xf32, #tpu.memory_space<hbm>> -> memref<1x10000x64xf32, #tpu.memory_space<hbm>>
        %dma_start3A_418 = tpu.memref_squeeze %dma_start3A_417 : memref<1x10000x64xf32, #tpu.memory_space<hbm>> -> memref<10000x64xf32, #tpu.memory_space<hbm>>
        %dma_start3A_419 = arith.constant 0 : i32
        %dma_start3A_420 = arith.constant 0 : i32
        %dma_start3A_421 = tpu.memref_slice %dma_start3A_418[%dma_start3A_419, %dma_start3A_420] : memref<10000x64xf32, #tpu.memory_space<hbm>> -> memref<10000x64xf32, #tpu.memory_space<hbm>>
        tpu.enqueue_indirect_dma source(%dma_start3A_421 : memref<10000x64xf32, #tpu.memory_space<hbm>>) target(%dma_start3A_411 : memref<128x64xf32, #tpu.memory_space<vmem>>) offsets(%dma_start3A_414 : memref<128xi32, #tpu.memory_space<vmem>>) semaphore(%arg10 : memref<!tpu.dma_semaphore, #tpu.memory_space<semaphore_mem>>)
      } else {
      }
      %eq3A_235 = arith.constant 1 : i32
      %eq3A_236 = arith.cmpi eq, %rem3A_228, %eq3A_235 : i32
      %convert_element_type3A_237 = arith.extui %eq3A_236 : i1 to i32
      %cond3A_238 = arith.constant 0 : i32
      %cond3A_239 = arith.cmpi ne, %convert_element_type3A_237, %cond3A_238 : i32
      scf.if %cond3A_239 {
        %dma_start3A_408 = arith.constant 0 : i32
        %dma_start3A_409 = arith.constant 0 : i32
        %dma_start3A_410 = tpu.memref_slice %arg8[%rem3A_224, %dma_start3A_408, %dma_start3A_409] : memref<4x128x64xf32, #tpu.memory_space<vmem>> -> memref<1x128x64xf32, #tpu.memory_space<vmem>>
        %dma_start3A_411 = tpu.memref_squeeze %dma_start3A_410 : memref<1x128x64xf32, #tpu.memory_space<vmem>> -> memref<128x64xf32, #tpu.memory_space<vmem>>
        %dma_start3A_412 = arith.constant 0 : i32
        %dma_start3A_413 = tpu.memref_slice %arg6[%rem3A_218, %dma_start3A_412] : memref<8x128xi32, #tpu.memory_space<vmem>> -> memref<1x128xi32, #tpu.memory_space<vmem>>
        %dma_start3A_414 = tpu.memref_squeeze %dma_start3A_413 : memref<1x128xi32, #tpu.memory_space<vmem>> -> memref<128xi32, #tpu.memory_space<vmem>>
        %dma_start3A_415 = arith.constant 0 : i32
        %dma_start3A_416 = arith.constant 0 : i32
        %dma_start3A_417 = tpu.memref_slice %arg4[%arg0, %dma_start3A_415, %dma_start3A_416] : memref<2x10000x64xf32, #tpu.memory_space<hbm>> -> memref<1x10000x64xf32, #tpu.memory_space<hbm>>
        %dma_start3A_418 = tpu.memref_squeeze %dma_start3A_417 : memref<1x10000x64xf32, #tpu.memory_space<hbm>> -> memref<10000x64xf32, #tpu.memory_space<hbm>>
        %dma_start3A_419 = arith.constant 0 : i32
        %dma_start3A_420 = arith.constant 0 : i32
        %dma_start3A_421 = tpu.memref_slice %dma_start3A_418[%dma_start3A_419, %dma_start3A_420] : memref<10000x64xf32, #tpu.memory_space<hbm>> -> memref<10000x64xf32, #tpu.memory_space<hbm>>
        tpu.enqueue_indirect_dma source(%dma_start3A_421 : memref<10000x64xf32, #tpu.memory_space<hbm>>) target(%dma_start3A_411 : memref<128x64xf32, #tpu.memory_space<vmem>>) offsets(%dma_start3A_414 : memref<128xi32, #tpu.memory_space<vmem>>) semaphore(%arg11 : memref<!tpu.dma_semaphore, #tpu.memory_space<semaphore_mem>>)
      } else {
      }
      %eq3A_240 = arith.constant 2 : i32
      %eq3A_241 = arith.cmpi eq, %rem3A_228, %eq3A_240 : i32
      %convert_element_type3A_242 = arith.extui %eq3A_241 : i1 to i32
      %cond3A_243 = arith.constant 0 : i32
      %cond3A_244 = arith.cmpi ne, %convert_element_type3A_242, %cond3A_243 : i32
      scf.if %cond3A_244 {
        %dma_start3A_408 = arith.constant 0 : i32
        %dma_start3A_409 = arith.constant 0 : i32
        %dma_start3A_410 = tpu.memref_slice %arg8[%rem3A_224, %dma_start3A_408, %dma_start3A_409] : memref<4x128x64xf32, #tpu.memory_space<vmem>> -> memref<1x128x64xf32, #tpu.memory_space<vmem>>
        %dma_start3A_411 = tpu.memref_squeeze %dma_start3A_410 : memref<1x128x64xf32, #tpu.memory_space<vmem>> -> memref<128x64xf32, #tpu.memory_space<vmem>>
        %dma_start3A_412 = arith.constant 0 : i32
        %dma_start3A_413 = tpu.memref_slice %arg6[%rem3A_218, %dma_start3A_412] : memref<8x128xi32, #tpu.memory_space<vmem>> -> memref<1x128xi32, #tpu.memory_space<vmem>>
        %dma_start3A_414 = tpu.memref_squeeze %dma_start3A_413 : memref<1x128xi32, #tpu.memory_space<vmem>> -> memref<128xi32, #tpu.memory_space<vmem>>
        %dma_start3A_415 = arith.constant 0 : i32
        %dma_start3A_416 = arith.constant 0 : i32
        %dma_start3A_417 = tpu.memref_slice %arg4[%arg0, %dma_start3A_415, %dma_start3A_416] : memref<2x10000x64xf32, #tpu.memory_space<hbm>> -> memref<1x10000x64xf32, #tpu.memory_space<hbm>>
        %dma_start3A_418 = tpu.memref_squeeze %dma_start3A_417 : memref<1x10000x64xf32, #tpu.memory_space<hbm>> -> memref<10000x64xf32, #tpu.memory_space<hbm>>
        %dma_start3A_419 = arith.constant 0 : i32
        %dma_start3A_420 = arith.constant 0 : i32
        %dma_start3A_421 = tpu.memref_slice %dma_start3A_418[%dma_start3A_419, %dma_start3A_420] : memref<10000x64xf32, #tpu.memory_space<hbm>> -> memref<10000x64xf32, #tpu.memory_space<hbm>>
        tpu.enqueue_indirect_dma source(%dma_start3A_421 : memref<10000x64xf32, #tpu.memory_space<hbm>>) target(%dma_start3A_411 : memref<128x64xf32, #tpu.memory_space<vmem>>) offsets(%dma_start3A_414 : memref<128xi32, #tpu.memory_space<vmem>>) semaphore(%arg12 : memref<!tpu.dma_semaphore, #tpu.memory_space<semaphore_mem>>)
      } else {
      }
      %dma_start3A_245 = arith.constant 0 : i32
      %dma_start3A_246 = arith.constant 0 : i32
      %dma_start3A_247 = tpu.memref_slice %arg8[%rem3A_220, %dma_start3A_245, %dma_start3A_246] : memref<4x128x64xf32, #tpu.memory_space<vmem>> -> memref<1x128x64xf32, #tpu.memory_space<vmem>>
      %dma_start3A_248 = tpu.memref_squeeze %dma_start3A_247 : memref<1x128x64xf32, #tpu.memory_space<vmem>> -> memref<128x64xf32, #tpu.memory_space<vmem>>
      %dma_start3A_249 = arith.constant 0 : i32
      %dma_start3A_250 = tpu.memref_slice %arg7[%rem3A_214, %dma_start3A_249] : memref<8x128xi32, #tpu.memory_space<vmem>> -> memref<1x128xi32, #tpu.memory_space<vmem>>
      %dma_start3A_251 = tpu.memref_squeeze %dma_start3A_250 : memref<1x128xi32, #tpu.memory_space<vmem>> -> memref<128xi32, #tpu.memory_space<vmem>>
      %dma_start3A_252 = arith.constant 0 : i32
      %dma_start3A_253 = arith.constant 0 : i32
      %dma_start3A_254 = tpu.memref_slice %arg9[%dma_start3A_252, %dma_start3A_253] : memref<10048x64xf32, #tpu.memory_space<vmem_shared>> -> memref<10048x64xf32, #tpu.memory_space<vmem_shared>>
      tpu.enqueue_indirect_dma source(%dma_start3A_248 : memref<128x64xf32, #tpu.memory_space<vmem>>) target(%dma_start3A_254 : memref<10048x64xf32, #tpu.memory_space<vmem_shared>>) offsets(%dma_start3A_251 : memref<128xi32, #tpu.memory_space<vmem>>) semaphore(%arg14 : memref<!tpu.dma_semaphore, #tpu.memory_space<semaphore_mem>>) {add = true}
      %add3A_255 = arith.constant 1 : i32
      %add3A_256 = arith.addi %add3A_212, %add3A_255 : i32
      %rem3A_257 = arith.constant 3 : i32
      %rem3A_258 = arith.remsi %add3A_256, %rem3A_257 : i32
      %eq3A_259 = arith.constant 0 : i32
      %eq3A_260 = arith.cmpi eq, %rem3A_258, %eq3A_259 : i32
      %convert_element_type3A_261 = arith.extui %eq3A_260 : i1 to i32
      %cond3A_262 = arith.constant 0 : i32
      %cond3A_263 = arith.cmpi ne, %convert_element_type3A_261, %cond3A_262 : i32
      scf.if %cond3A_263 {
        %dma_wait3A_408 = arith.constant 0 : i32
        %dma_wait3A_409 = arith.constant 0 : i32
        %dma_wait3A_410 = arith.constant 0 : i32
        %dma_wait3A_411 = arith.constant 0 : i32
        %dma_wait3A_412 = tpu.memref_slice %arg8[%dma_wait3A_409, %dma_wait3A_410, %dma_wait3A_411] : memref<4x128x64xf32, #tpu.memory_space<vmem>> -> memref<1x128x64xf32, #tpu.memory_space<vmem>>
        %dma_wait3A_413 = tpu.memref_squeeze %dma_wait3A_412 : memref<1x128x64xf32, #tpu.memory_space<vmem>> -> memref<128x64xf32, #tpu.memory_space<vmem>>
        %dma_wait3A_414 = arith.constant 0 : i32
        %dma_wait3A_415 = tpu.memref_slice %arg6[%dma_wait3A_408, %dma_wait3A_414] : memref<8x128xi32, #tpu.memory_space<vmem>> -> memref<1x128xi32, #tpu.memory_space<vmem>>
        %dma_wait3A_416 = tpu.memref_squeeze %dma_wait3A_415 : memref<1x128xi32, #tpu.memory_space<vmem>> -> memref<128xi32, #tpu.memory_space<vmem>>
        %dma_wait3A_417 = arith.constant 0 : i32
        %dma_wait3A_418 = arith.constant 0 : i32
        %dma_wait3A_419 = tpu.memref_slice %arg4[%arg0, %dma_wait3A_417, %dma_wait3A_418] : memref<2x10000x64xf32, #tpu.memory_space<hbm>> -> memref<1x10000x64xf32, #tpu.memory_space<hbm>>
        %dma_wait3A_420 = tpu.memref_squeeze %dma_wait3A_419 : memref<1x10000x64xf32, #tpu.memory_space<hbm>> -> memref<10000x64xf32, #tpu.memory_space<hbm>>
        %dma_wait3A_421 = arith.constant 0 : i32
        %dma_wait3A_422 = arith.constant 0 : i32
        %dma_wait3A_423 = tpu.memref_slice %dma_wait3A_420[%dma_wait3A_421, %dma_wait3A_422] : memref<10000x64xf32, #tpu.memory_space<hbm>> -> memref<10000x64xf32, #tpu.memory_space<hbm>>
        tpu.wait_indirect_dma semaphore(%arg10 : memref<!tpu.dma_semaphore, #tpu.memory_space<semaphore_mem>>) src(%dma_wait3A_423 : memref<10000x64xf32, #tpu.memory_space<hbm>>) dst(%dma_wait3A_413 : memref<128x64xf32, #tpu.memory_space<vmem>>)
      } else {
      }
      %eq3A_264 = arith.constant 1 : i32
      %eq3A_265 = arith.cmpi eq, %rem3A_258, %eq3A_264 : i32
      %convert_element_type3A_266 = arith.extui %eq3A_265 : i1 to i32
      %cond3A_267 = arith.constant 0 : i32
      %cond3A_268 = arith.cmpi ne, %convert_element_type3A_266, %cond3A_267 : i32
      scf.if %cond3A_268 {
        %dma_wait3A_408 = arith.constant 0 : i32
        %dma_wait3A_409 = arith.constant 0 : i32
        %dma_wait3A_410 = arith.constant 0 : i32
        %dma_wait3A_411 = arith.constant 0 : i32
        %dma_wait3A_412 = tpu.memref_slice %arg8[%dma_wait3A_409, %dma_wait3A_410, %dma_wait3A_411] : memref<4x128x64xf32, #tpu.memory_space<vmem>> -> memref<1x128x64xf32, #tpu.memory_space<vmem>>
        %dma_wait3A_413 = tpu.memref_squeeze %dma_wait3A_412 : memref<1x128x64xf32, #tpu.memory_space<vmem>> -> memref<128x64xf32, #tpu.memory_space<vmem>>
        %dma_wait3A_414 = arith.constant 0 : i32
        %dma_wait3A_415 = tpu.memref_slice %arg6[%dma_wait3A_408, %dma_wait3A_414] : memref<8x128xi32, #tpu.memory_space<vmem>> -> memref<1x128xi32, #tpu.memory_space<vmem>>
        %dma_wait3A_416 = tpu.memref_squeeze %dma_wait3A_415 : memref<1x128xi32, #tpu.memory_space<vmem>> -> memref<128xi32, #tpu.memory_space<vmem>>
        %dma_wait3A_417 = arith.constant 0 : i32
        %dma_wait3A_418 = arith.constant 0 : i32
        %dma_wait3A_419 = tpu.memref_slice %arg4[%arg0, %dma_wait3A_417, %dma_wait3A_418] : memref<2x10000x64xf32, #tpu.memory_space<hbm>> -> memref<1x10000x64xf32, #tpu.memory_space<hbm>>
        %dma_wait3A_420 = tpu.memref_squeeze %dma_wait3A_419 : memref<1x10000x64xf32, #tpu.memory_space<hbm>> -> memref<10000x64xf32, #tpu.memory_space<hbm>>
        %dma_wait3A_421 = arith.constant 0 : i32
        %dma_wait3A_422 = arith.constant 0 : i32
        %dma_wait3A_423 = tpu.memref_slice %dma_wait3A_420[%dma_wait3A_421, %dma_wait3A_422] : memref<10000x64xf32, #tpu.memory_space<hbm>> -> memref<10000x64xf32, #tpu.memory_space<hbm>>
        tpu.wait_indirect_dma semaphore(%arg11 : memref<!tpu.dma_semaphore, #tpu.memory_space<semaphore_mem>>) src(%dma_wait3A_423 : memref<10000x64xf32, #tpu.memory_space<hbm>>) dst(%dma_wait3A_413 : memref<128x64xf32, #tpu.memory_space<vmem>>)
      } else {
      }
      %eq3A_269 = arith.constant 2 : i32
      %eq3A_270 = arith.cmpi eq, %rem3A_258, %eq3A_269 : i32
      %convert_element_type3A_271 = arith.extui %eq3A_270 : i1 to i32
      %cond3A_272 = arith.constant 0 : i32
      %cond3A_273 = arith.cmpi ne, %convert_element_type3A_271, %cond3A_272 : i32
      scf.if %cond3A_273 {
        %dma_wait3A_408 = arith.constant 0 : i32
        %dma_wait3A_409 = arith.constant 0 : i32
        %dma_wait3A_410 = arith.constant 0 : i32
        %dma_wait3A_411 = arith.constant 0 : i32
        %dma_wait3A_412 = tpu.memref_slice %arg8[%dma_wait3A_409, %dma_wait3A_410, %dma_wait3A_411] : memref<4x128x64xf32, #tpu.memory_space<vmem>> -> memref<1x128x64xf32, #tpu.memory_space<vmem>>
        %dma_wait3A_413 = tpu.memref_squeeze %dma_wait3A_412 : memref<1x128x64xf32, #tpu.memory_space<vmem>> -> memref<128x64xf32, #tpu.memory_space<vmem>>
        %dma_wait3A_414 = arith.constant 0 : i32
        %dma_wait3A_415 = tpu.memref_slice %arg6[%dma_wait3A_408, %dma_wait3A_414] : memref<8x128xi32, #tpu.memory_space<vmem>> -> memref<1x128xi32, #tpu.memory_space<vmem>>
        %dma_wait3A_416 = tpu.memref_squeeze %dma_wait3A_415 : memref<1x128xi32, #tpu.memory_space<vmem>> -> memref<128xi32, #tpu.memory_space<vmem>>
        %dma_wait3A_417 = arith.constant 0 : i32
        %dma_wait3A_418 = arith.constant 0 : i32
        %dma_wait3A_419 = tpu.memref_slice %arg4[%arg0, %dma_wait3A_417, %dma_wait3A_418] : memref<2x10000x64xf32, #tpu.memory_space<hbm>> -> memref<1x10000x64xf32, #tpu.memory_space<hbm>>
        %dma_wait3A_420 = tpu.memref_squeeze %dma_wait3A_419 : memref<1x10000x64xf32, #tpu.memory_space<hbm>> -> memref<10000x64xf32, #tpu.memory_space<hbm>>
        %dma_wait3A_421 = arith.constant 0 : i32
        %dma_wait3A_422 = arith.constant 0 : i32
        %dma_wait3A_423 = tpu.memref_slice %dma_wait3A_420[%dma_wait3A_421, %dma_wait3A_422] : memref<10000x64xf32, #tpu.memory_space<hbm>> -> memref<10000x64xf32, #tpu.memory_space<hbm>>
        tpu.wait_indirect_dma semaphore(%arg12 : memref<!tpu.dma_semaphore, #tpu.memory_space<semaphore_mem>>) src(%dma_wait3A_423 : memref<10000x64xf32, #tpu.memory_space<hbm>>) dst(%dma_wait3A_413 : memref<128x64xf32, #tpu.memory_space<vmem>>)
      } else {
      }
      %add3A_274 = arith.constant 2 : i32
      %add3A_275 = arith.addi %mul3A_180, %add3A_274 : i32
      %rem3A_276 = arith.constant 8 : i32
      %rem3A_277 = arith.remsi %add3A_275, %rem3A_276 : i32
      %add3A_278 = arith.constant 3 : i32
      %add3A_279 = arith.addi %add3A_275, %add3A_278 : i32
      %rem3A_280 = arith.constant 8 : i32
      %rem3A_281 = arith.remsi %add3A_279, %rem3A_280 : i32
      %rem3A_282 = arith.constant 4 : i32
      %rem3A_283 = arith.remsi %add3A_275, %rem3A_282 : i32
      %add3A_284 = arith.constant 3 : i32
      %add3A_285 = arith.addi %add3A_275, %add3A_284 : i32
      %rem3A_286 = arith.constant 4 : i32
      %rem3A_287 = arith.remsi %add3A_285, %rem3A_286 : i32
      %add3A_288 = arith.constant 3 : i32
      %add3A_289 = arith.addi %add3A_275, %add3A_288 : i32
      %rem3A_290 = arith.constant 3 : i32
      %rem3A_291 = arith.remsi %add3A_289, %rem3A_290 : i32
      %gt3A_292 = arith.constant 0 : i32
      %gt3A_293 = arith.cmpi sgt, %add3A_275, %gt3A_292 : i32
      %convert_element_type3A_294 = arith.extui %gt3A_293 : i1 to i32
      %cond3A_295 = arith.constant 0 : i32
      %cond3A_296 = arith.cmpi ne, %convert_element_type3A_294, %cond3A_295 : i32
      scf.if %cond3A_296 {
        %dma_wait3A_408 = arith.constant 0 : i32
        %dma_wait3A_409 = arith.constant 0 : i32
        %dma_wait3A_410 = tpu.memref_slice %arg8[%rem3A_283, %dma_wait3A_408, %dma_wait3A_409] : memref<4x128x64xf32, #tpu.memory_space<vmem>> -> memref<1x128x64xf32, #tpu.memory_space<vmem>>
        %dma_wait3A_411 = tpu.memref_squeeze %dma_wait3A_410 : memref<1x128x64xf32, #tpu.memory_space<vmem>> -> memref<128x64xf32, #tpu.memory_space<vmem>>
        %dma_wait3A_412 = arith.constant 0 : i32
        %dma_wait3A_413 = tpu.memref_slice %arg7[%rem3A_277, %dma_wait3A_412] : memref<8x128xi32, #tpu.memory_space<vmem>> -> memref<1x128xi32, #tpu.memory_space<vmem>>
        %dma_wait3A_414 = tpu.memref_squeeze %dma_wait3A_413 : memref<1x128xi32, #tpu.memory_space<vmem>> -> memref<128xi32, #tpu.memory_space<vmem>>
        %dma_wait3A_415 = arith.constant 0 : i32
        %dma_wait3A_416 = arith.constant 0 : i32
        %dma_wait3A_417 = tpu.memref_slice %arg9[%dma_wait3A_415, %dma_wait3A_416] : memref<10048x64xf32, #tpu.memory_space<vmem_shared>> -> memref<10048x64xf32, #tpu.memory_space<vmem_shared>>
        tpu.wait_indirect_dma semaphore(%arg14 : memref<!tpu.dma_semaphore, #tpu.memory_space<semaphore_mem>>) src(%dma_wait3A_411 : memref<128x64xf32, #tpu.memory_space<vmem>>) dst(%dma_wait3A_417 : memref<10048x64xf32, #tpu.memory_space<vmem_shared>>)
      } else {
      }
      %eq3A_297 = arith.constant 0 : i32
      %eq3A_298 = arith.cmpi eq, %rem3A_291, %eq3A_297 : i32
      %convert_element_type3A_299 = arith.extui %eq3A_298 : i1 to i32
      %cond3A_300 = arith.constant 0 : i32
      %cond3A_301 = arith.cmpi ne, %convert_element_type3A_299, %cond3A_300 : i32
      scf.if %cond3A_301 {
        %dma_start3A_408 = arith.constant 0 : i32
        %dma_start3A_409 = arith.constant 0 : i32
        %dma_start3A_410 = tpu.memref_slice %arg8[%rem3A_287, %dma_start3A_408, %dma_start3A_409] : memref<4x128x64xf32, #tpu.memory_space<vmem>> -> memref<1x128x64xf32, #tpu.memory_space<vmem>>
        %dma_start3A_411 = tpu.memref_squeeze %dma_start3A_410 : memref<1x128x64xf32, #tpu.memory_space<vmem>> -> memref<128x64xf32, #tpu.memory_space<vmem>>
        %dma_start3A_412 = arith.constant 0 : i32
        %dma_start3A_413 = tpu.memref_slice %arg6[%rem3A_281, %dma_start3A_412] : memref<8x128xi32, #tpu.memory_space<vmem>> -> memref<1x128xi32, #tpu.memory_space<vmem>>
        %dma_start3A_414 = tpu.memref_squeeze %dma_start3A_413 : memref<1x128xi32, #tpu.memory_space<vmem>> -> memref<128xi32, #tpu.memory_space<vmem>>
        %dma_start3A_415 = arith.constant 0 : i32
        %dma_start3A_416 = arith.constant 0 : i32
        %dma_start3A_417 = tpu.memref_slice %arg4[%arg0, %dma_start3A_415, %dma_start3A_416] : memref<2x10000x64xf32, #tpu.memory_space<hbm>> -> memref<1x10000x64xf32, #tpu.memory_space<hbm>>
        %dma_start3A_418 = tpu.memref_squeeze %dma_start3A_417 : memref<1x10000x64xf32, #tpu.memory_space<hbm>> -> memref<10000x64xf32, #tpu.memory_space<hbm>>
        %dma_start3A_419 = arith.constant 0 : i32
        %dma_start3A_420 = arith.constant 0 : i32
        %dma_start3A_421 = tpu.memref_slice %dma_start3A_418[%dma_start3A_419, %dma_start3A_420] : memref<10000x64xf32, #tpu.memory_space<hbm>> -> memref<10000x64xf32, #tpu.memory_space<hbm>>
        tpu.enqueue_indirect_dma source(%dma_start3A_421 : memref<10000x64xf32, #tpu.memory_space<hbm>>) target(%dma_start3A_411 : memref<128x64xf32, #tpu.memory_space<vmem>>) offsets(%dma_start3A_414 : memref<128xi32, #tpu.memory_space<vmem>>) semaphore(%arg10 : memref<!tpu.dma_semaphore, #tpu.memory_space<semaphore_mem>>)
      } else {
      }
      %eq3A_302 = arith.constant 1 : i32
      %eq3A_303 = arith.cmpi eq, %rem3A_291, %eq3A_302 : i32
      %convert_element_type3A_304 = arith.extui %eq3A_303 : i1 to i32
      %cond3A_305 = arith.constant 0 : i32
      %cond3A_306 = arith.cmpi ne, %convert_element_type3A_304, %cond3A_305 : i32
      scf.if %cond3A_306 {
        %dma_start3A_408 = arith.constant 0 : i32
        %dma_start3A_409 = arith.constant 0 : i32
        %dma_start3A_410 = tpu.memref_slice %arg8[%rem3A_287, %dma_start3A_408, %dma_start3A_409] : memref<4x128x64xf32, #tpu.memory_space<vmem>> -> memref<1x128x64xf32, #tpu.memory_space<vmem>>
        %dma_start3A_411 = tpu.memref_squeeze %dma_start3A_410 : memref<1x128x64xf32, #tpu.memory_space<vmem>> -> memref<128x64xf32, #tpu.memory_space<vmem>>
        %dma_start3A_412 = arith.constant 0 : i32
        %dma_start3A_413 = tpu.memref_slice %arg6[%rem3A_281, %dma_start3A_412] : memref<8x128xi32, #tpu.memory_space<vmem>> -> memref<1x128xi32, #tpu.memory_space<vmem>>
        %dma_start3A_414 = tpu.memref_squeeze %dma_start3A_413 : memref<1x128xi32, #tpu.memory_space<vmem>> -> memref<128xi32, #tpu.memory_space<vmem>>
        %dma_start3A_415 = arith.constant 0 : i32
        %dma_start3A_416 = arith.constant 0 : i32
        %dma_start3A_417 = tpu.memref_slice %arg4[%arg0, %dma_start3A_415, %dma_start3A_416] : memref<2x10000x64xf32, #tpu.memory_space<hbm>> -> memref<1x10000x64xf32, #tpu.memory_space<hbm>>
        %dma_start3A_418 = tpu.memref_squeeze %dma_start3A_417 : memref<1x10000x64xf32, #tpu.memory_space<hbm>> -> memref<10000x64xf32, #tpu.memory_space<hbm>>
        %dma_start3A_419 = arith.constant 0 : i32
        %dma_start3A_420 = arith.constant 0 : i32
        %dma_start3A_421 = tpu.memref_slice %dma_start3A_418[%dma_start3A_419, %dma_start3A_420] : memref<10000x64xf32, #tpu.memory_space<hbm>> -> memref<10000x64xf32, #tpu.memory_space<hbm>>
        tpu.enqueue_indirect_dma source(%dma_start3A_421 : memref<10000x64xf32, #tpu.memory_space<hbm>>) target(%dma_start3A_411 : memref<128x64xf32, #tpu.memory_space<vmem>>) offsets(%dma_start3A_414 : memref<128xi32, #tpu.memory_space<vmem>>) semaphore(%arg11 : memref<!tpu.dma_semaphore, #tpu.memory_space<semaphore_mem>>)
      } else {
      }
      %eq3A_307 = arith.constant 2 : i32
      %eq3A_308 = arith.cmpi eq, %rem3A_291, %eq3A_307 : i32
      %convert_element_type3A_309 = arith.extui %eq3A_308 : i1 to i32
      %cond3A_310 = arith.constant 0 : i32
      %cond3A_311 = arith.cmpi ne, %convert_element_type3A_309, %cond3A_310 : i32
      scf.if %cond3A_311 {
        %dma_start3A_408 = arith.constant 0 : i32
        %dma_start3A_409 = arith.constant 0 : i32
        %dma_start3A_410 = tpu.memref_slice %arg8[%rem3A_287, %dma_start3A_408, %dma_start3A_409] : memref<4x128x64xf32, #tpu.memory_space<vmem>> -> memref<1x128x64xf32, #tpu.memory_space<vmem>>
        %dma_start3A_411 = tpu.memref_squeeze %dma_start3A_410 : memref<1x128x64xf32, #tpu.memory_space<vmem>> -> memref<128x64xf32, #tpu.memory_space<vmem>>
        %dma_start3A_412 = arith.constant 0 : i32
        %dma_start3A_413 = tpu.memref_slice %arg6[%rem3A_281, %dma_start3A_412] : memref<8x128xi32, #tpu.memory_space<vmem>> -> memref<1x128xi32, #tpu.memory_space<vmem>>
        %dma_start3A_414 = tpu.memref_squeeze %dma_start3A_413 : memref<1x128xi32, #tpu.memory_space<vmem>> -> memref<128xi32, #tpu.memory_space<vmem>>
        %dma_start3A_415 = arith.constant 0 : i32
        %dma_start3A_416 = arith.constant 0 : i32
        %dma_start3A_417 = tpu.memref_slice %arg4[%arg0, %dma_start3A_415, %dma_start3A_416] : memref<2x10000x64xf32, #tpu.memory_space<hbm>> -> memref<1x10000x64xf32, #tpu.memory_space<hbm>>
        %dma_start3A_418 = tpu.memref_squeeze %dma_start3A_417 : memref<1x10000x64xf32, #tpu.memory_space<hbm>> -> memref<10000x64xf32, #tpu.memory_space<hbm>>
        %dma_start3A_419 = arith.constant 0 : i32
        %dma_start3A_420 = arith.constant 0 : i32
        %dma_start3A_421 = tpu.memref_slice %dma_start3A_418[%dma_start3A_419, %dma_start3A_420] : memref<10000x64xf32, #tpu.memory_space<hbm>> -> memref<10000x64xf32, #tpu.memory_space<hbm>>
        tpu.enqueue_indirect_dma source(%dma_start3A_421 : memref<10000x64xf32, #tpu.memory_space<hbm>>) target(%dma_start3A_411 : memref<128x64xf32, #tpu.memory_space<vmem>>) offsets(%dma_start3A_414 : memref<128xi32, #tpu.memory_space<vmem>>) semaphore(%arg12 : memref<!tpu.dma_semaphore, #tpu.memory_space<semaphore_mem>>)
      } else {
      }
      %dma_start3A_312 = arith.constant 0 : i32
      %dma_start3A_313 = arith.constant 0 : i32
      %dma_start3A_314 = tpu.memref_slice %arg8[%rem3A_283, %dma_start3A_312, %dma_start3A_313] : memref<4x128x64xf32, #tpu.memory_space<vmem>> -> memref<1x128x64xf32, #tpu.memory_space<vmem>>
      %dma_start3A_315 = tpu.memref_squeeze %dma_start3A_314 : memref<1x128x64xf32, #tpu.memory_space<vmem>> -> memref<128x64xf32, #tpu.memory_space<vmem>>
      %dma_start3A_316 = arith.constant 0 : i32
      %dma_start3A_317 = tpu.memref_slice %arg7[%rem3A_277, %dma_start3A_316] : memref<8x128xi32, #tpu.memory_space<vmem>> -> memref<1x128xi32, #tpu.memory_space<vmem>>
      %dma_start3A_318 = tpu.memref_squeeze %dma_start3A_317 : memref<1x128xi32, #tpu.memory_space<vmem>> -> memref<128xi32, #tpu.memory_space<vmem>>
      %dma_start3A_319 = arith.constant 0 : i32
      %dma_start3A_320 = arith.constant 0 : i32
      %dma_start3A_321 = tpu.memref_slice %arg9[%dma_start3A_319, %dma_start3A_320] : memref<10048x64xf32, #tpu.memory_space<vmem_shared>> -> memref<10048x64xf32, #tpu.memory_space<vmem_shared>>
      tpu.enqueue_indirect_dma source(%dma_start3A_315 : memref<128x64xf32, #tpu.memory_space<vmem>>) target(%dma_start3A_321 : memref<10048x64xf32, #tpu.memory_space<vmem_shared>>) offsets(%dma_start3A_318 : memref<128xi32, #tpu.memory_space<vmem>>) semaphore(%arg14 : memref<!tpu.dma_semaphore, #tpu.memory_space<semaphore_mem>>) {add = true}
      %add3A_322 = arith.constant 1 : i32
      %add3A_323 = arith.addi %add3A_275, %add3A_322 : i32
      %rem3A_324 = arith.constant 3 : i32
      %rem3A_325 = arith.remsi %add3A_323, %rem3A_324 : i32
      %eq3A_326 = arith.constant 0 : i32
      %eq3A_327 = arith.cmpi eq, %rem3A_325, %eq3A_326 : i32
      %convert_element_type3A_328 = arith.extui %eq3A_327 : i1 to i32
      %cond3A_329 = arith.constant 0 : i32
      %cond3A_330 = arith.cmpi ne, %convert_element_type3A_328, %cond3A_329 : i32
      scf.if %cond3A_330 {
        %dma_wait3A_408 = arith.constant 0 : i32
        %dma_wait3A_409 = arith.constant 0 : i32
        %dma_wait3A_410 = arith.constant 0 : i32
        %dma_wait3A_411 = arith.constant 0 : i32
        %dma_wait3A_412 = tpu.memref_slice %arg8[%dma_wait3A_409, %dma_wait3A_410, %dma_wait3A_411] : memref<4x128x64xf32, #tpu.memory_space<vmem>> -> memref<1x128x64xf32, #tpu.memory_space<vmem>>
        %dma_wait3A_413 = tpu.memref_squeeze %dma_wait3A_412 : memref<1x128x64xf32, #tpu.memory_space<vmem>> -> memref<128x64xf32, #tpu.memory_space<vmem>>
        %dma_wait3A_414 = arith.constant 0 : i32
        %dma_wait3A_415 = tpu.memref_slice %arg6[%dma_wait3A_408, %dma_wait3A_414] : memref<8x128xi32, #tpu.memory_space<vmem>> -> memref<1x128xi32, #tpu.memory_space<vmem>>
        %dma_wait3A_416 = tpu.memref_squeeze %dma_wait3A_415 : memref<1x128xi32, #tpu.memory_space<vmem>> -> memref<128xi32, #tpu.memory_space<vmem>>
        %dma_wait3A_417 = arith.constant 0 : i32
        %dma_wait3A_418 = arith.constant 0 : i32
        %dma_wait3A_419 = tpu.memref_slice %arg4[%arg0, %dma_wait3A_417, %dma_wait3A_418] : memref<2x10000x64xf32, #tpu.memory_space<hbm>> -> memref<1x10000x64xf32, #tpu.memory_space<hbm>>
        %dma_wait3A_420 = tpu.memref_squeeze %dma_wait3A_419 : memref<1x10000x64xf32, #tpu.memory_space<hbm>> -> memref<10000x64xf32, #tpu.memory_space<hbm>>
        %dma_wait3A_421 = arith.constant 0 : i32
        %dma_wait3A_422 = arith.constant 0 : i32
        %dma_wait3A_423 = tpu.memref_slice %dma_wait3A_420[%dma_wait3A_421, %dma_wait3A_422] : memref<10000x64xf32, #tpu.memory_space<hbm>> -> memref<10000x64xf32, #tpu.memory_space<hbm>>
        tpu.wait_indirect_dma semaphore(%arg10 : memref<!tpu.dma_semaphore, #tpu.memory_space<semaphore_mem>>) src(%dma_wait3A_423 : memref<10000x64xf32, #tpu.memory_space<hbm>>) dst(%dma_wait3A_413 : memref<128x64xf32, #tpu.memory_space<vmem>>)
      } else {
      }
      %eq3A_331 = arith.constant 1 : i32
      %eq3A_332 = arith.cmpi eq, %rem3A_325, %eq3A_331 : i32
      %convert_element_type3A_333 = arith.extui %eq3A_332 : i1 to i32
      %cond3A_334 = arith.constant 0 : i32
      %cond3A_335 = arith.cmpi ne, %convert_element_type3A_333, %cond3A_334 : i32
      scf.if %cond3A_335 {
        %dma_wait3A_408 = arith.constant 0 : i32
        %dma_wait3A_409 = arith.constant 0 : i32
        %dma_wait3A_410 = arith.constant 0 : i32
        %dma_wait3A_411 = arith.constant 0 : i32
        %dma_wait3A_412 = tpu.memref_slice %arg8[%dma_wait3A_409, %dma_wait3A_410, %dma_wait3A_411] : memref<4x128x64xf32, #tpu.memory_space<vmem>> -> memref<1x128x64xf32, #tpu.memory_space<vmem>>
        %dma_wait3A_413 = tpu.memref_squeeze %dma_wait3A_412 : memref<1x128x64xf32, #tpu.memory_space<vmem>> -> memref<128x64xf32, #tpu.memory_space<vmem>>
        %dma_wait3A_414 = arith.constant 0 : i32
        %dma_wait3A_415 = tpu.memref_slice %arg6[%dma_wait3A_408, %dma_wait3A_414] : memref<8x128xi32, #tpu.memory_space<vmem>> -> memref<1x128xi32, #tpu.memory_space<vmem>>
        %dma_wait3A_416 = tpu.memref_squeeze %dma_wait3A_415 : memref<1x128xi32, #tpu.memory_space<vmem>> -> memref<128xi32, #tpu.memory_space<vmem>>
        %dma_wait3A_417 = arith.constant 0 : i32
        %dma_wait3A_418 = arith.constant 0 : i32
        %dma_wait3A_419 = tpu.memref_slice %arg4[%arg0, %dma_wait3A_417, %dma_wait3A_418] : memref<2x10000x64xf32, #tpu.memory_space<hbm>> -> memref<1x10000x64xf32, #tpu.memory_space<hbm>>
        %dma_wait3A_420 = tpu.memref_squeeze %dma_wait3A_419 : memref<1x10000x64xf32, #tpu.memory_space<hbm>> -> memref<10000x64xf32, #tpu.memory_space<hbm>>
        %dma_wait3A_421 = arith.constant 0 : i32
        %dma_wait3A_422 = arith.constant 0 : i32
        %dma_wait3A_423 = tpu.memref_slice %dma_wait3A_420[%dma_wait3A_421, %dma_wait3A_422] : memref<10000x64xf32, #tpu.memory_space<hbm>> -> memref<10000x64xf32, #tpu.memory_space<hbm>>
        tpu.wait_indirect_dma semaphore(%arg11 : memref<!tpu.dma_semaphore, #tpu.memory_space<semaphore_mem>>) src(%dma_wait3A_423 : memref<10000x64xf32, #tpu.memory_space<hbm>>) dst(%dma_wait3A_413 : memref<128x64xf32, #tpu.memory_space<vmem>>)
      } else {
      }
      %eq3A_336 = arith.constant 2 : i32
      %eq3A_337 = arith.cmpi eq, %rem3A_325, %eq3A_336 : i32
      %convert_element_type3A_338 = arith.extui %eq3A_337 : i1 to i32
      %cond3A_339 = arith.constant 0 : i32
      %cond3A_340 = arith.cmpi ne, %convert_element_type3A_338, %cond3A_339 : i32
      scf.if %cond3A_340 {
        %dma_wait3A_408 = arith.constant 0 : i32
        %dma_wait3A_409 = arith.constant 0 : i32
        %dma_wait3A_410 = arith.constant 0 : i32
        %dma_wait3A_411 = arith.constant 0 : i32
        %dma_wait3A_412 = tpu.memref_slice %arg8[%dma_wait3A_409, %dma_wait3A_410, %dma_wait3A_411] : memref<4x128x64xf32, #tpu.memory_space<vmem>> -> memref<1x128x64xf32, #tpu.memory_space<vmem>>
        %dma_wait3A_413 = tpu.memref_squeeze %dma_wait3A_412 : memref<1x128x64xf32, #tpu.memory_space<vmem>> -> memref<128x64xf32, #tpu.memory_space<vmem>>
        %dma_wait3A_414 = arith.constant 0 : i32
        %dma_wait3A_415 = tpu.memref_slice %arg6[%dma_wait3A_408, %dma_wait3A_414] : memref<8x128xi32, #tpu.memory_space<vmem>> -> memref<1x128xi32, #tpu.memory_space<vmem>>
        %dma_wait3A_416 = tpu.memref_squeeze %dma_wait3A_415 : memref<1x128xi32, #tpu.memory_space<vmem>> -> memref<128xi32, #tpu.memory_space<vmem>>
        %dma_wait3A_417 = arith.constant 0 : i32
        %dma_wait3A_418 = arith.constant 0 : i32
        %dma_wait3A_419 = tpu.memref_slice %arg4[%arg0, %dma_wait3A_417, %dma_wait3A_418] : memref<2x10000x64xf32, #tpu.memory_space<hbm>> -> memref<1x10000x64xf32, #tpu.memory_space<hbm>>
        %dma_wait3A_420 = tpu.memref_squeeze %dma_wait3A_419 : memref<1x10000x64xf32, #tpu.memory_space<hbm>> -> memref<10000x64xf32, #tpu.memory_space<hbm>>
        %dma_wait3A_421 = arith.constant 0 : i32
        %dma_wait3A_422 = arith.constant 0 : i32
        %dma_wait3A_423 = tpu.memref_slice %dma_wait3A_420[%dma_wait3A_421, %dma_wait3A_422] : memref<10000x64xf32, #tpu.memory_space<hbm>> -> memref<10000x64xf32, #tpu.memory_space<hbm>>
        tpu.wait_indirect_dma semaphore(%arg12 : memref<!tpu.dma_semaphore, #tpu.memory_space<semaphore_mem>>) src(%dma_wait3A_423 : memref<10000x64xf32, #tpu.memory_space<hbm>>) dst(%dma_wait3A_413 : memref<128x64xf32, #tpu.memory_space<vmem>>)
      } else {
      }
      %add3A_341 = arith.constant 3 : i32
      %add3A_342 = arith.addi %mul3A_180, %add3A_341 : i32
      %rem3A_343 = arith.constant 8 : i32
      %rem3A_344 = arith.remsi %add3A_342, %rem3A_343 : i32
      %add3A_345 = arith.constant 3 : i32
      %add3A_346 = arith.addi %add3A_342, %add3A_345 : i32
      %rem3A_347 = arith.constant 8 : i32
      %rem3A_348 = arith.remsi %add3A_346, %rem3A_347 : i32
      %rem3A_349 = arith.constant 4 : i32
      %rem3A_350 = arith.remsi %add3A_342, %rem3A_349 : i32
      %add3A_351 = arith.constant 3 : i32
      %add3A_352 = arith.addi %add3A_342, %add3A_351 : i32
      %rem3A_353 = arith.constant 4 : i32
      %rem3A_354 = arith.remsi %add3A_352, %rem3A_353 : i32
      %add3A_355 = arith.constant 3 : i32
      %add3A_356 = arith.addi %add3A_342, %add3A_355 : i32
      %rem3A_357 = arith.constant 3 : i32
      %rem3A_358 = arith.remsi %add3A_356, %rem3A_357 : i32
      %gt3A_359 = arith.constant 0 : i32
      %gt3A_360 = arith.cmpi sgt, %add3A_342, %gt3A_359 : i32
      %convert_element_type3A_361 = arith.extui %gt3A_360 : i1 to i32
      %cond3A_362 = arith.constant 0 : i32
      %cond3A_363 = arith.cmpi ne, %convert_element_type3A_361, %cond3A_362 : i32
      scf.if %cond3A_363 {
        %dma_wait3A_408 = arith.constant 0 : i32
        %dma_wait3A_409 = arith.constant 0 : i32
        %dma_wait3A_410 = tpu.memref_slice %arg8[%rem3A_350, %dma_wait3A_408, %dma_wait3A_409] : memref<4x128x64xf32, #tpu.memory_space<vmem>> -> memref<1x128x64xf32, #tpu.memory_space<vmem>>
        %dma_wait3A_411 = tpu.memref_squeeze %dma_wait3A_410 : memref<1x128x64xf32, #tpu.memory_space<vmem>> -> memref<128x64xf32, #tpu.memory_space<vmem>>
        %dma_wait3A_412 = arith.constant 0 : i32
        %dma_wait3A_413 = tpu.memref_slice %arg7[%rem3A_344, %dma_wait3A_412] : memref<8x128xi32, #tpu.memory_space<vmem>> -> memref<1x128xi32, #tpu.memory_space<vmem>>
        %dma_wait3A_414 = tpu.memref_squeeze %dma_wait3A_413 : memref<1x128xi32, #tpu.memory_space<vmem>> -> memref<128xi32, #tpu.memory_space<vmem>>
        %dma_wait3A_415 = arith.constant 0 : i32
        %dma_wait3A_416 = arith.constant 0 : i32
        %dma_wait3A_417 = tpu.memref_slice %arg9[%dma_wait3A_415, %dma_wait3A_416] : memref<10048x64xf32, #tpu.memory_space<vmem_shared>> -> memref<10048x64xf32, #tpu.memory_space<vmem_shared>>
        tpu.wait_indirect_dma semaphore(%arg14 : memref<!tpu.dma_semaphore, #tpu.memory_space<semaphore_mem>>) src(%dma_wait3A_411 : memref<128x64xf32, #tpu.memory_space<vmem>>) dst(%dma_wait3A_417 : memref<10048x64xf32, #tpu.memory_space<vmem_shared>>)
      } else {
      }
      %eq3A_364 = arith.constant 0 : i32
      %eq3A_365 = arith.cmpi eq, %rem3A_358, %eq3A_364 : i32
      %convert_element_type3A_366 = arith.extui %eq3A_365 : i1 to i32
      %cond3A_367 = arith.constant 0 : i32
      %cond3A_368 = arith.cmpi ne, %convert_element_type3A_366, %cond3A_367 : i32
      scf.if %cond3A_368 {
        %dma_start3A_408 = arith.constant 0 : i32
        %dma_start3A_409 = arith.constant 0 : i32
        %dma_start3A_410 = tpu.memref_slice %arg8[%rem3A_354, %dma_start3A_408, %dma_start3A_409] : memref<4x128x64xf32, #tpu.memory_space<vmem>> -> memref<1x128x64xf32, #tpu.memory_space<vmem>>
        %dma_start3A_411 = tpu.memref_squeeze %dma_start3A_410 : memref<1x128x64xf32, #tpu.memory_space<vmem>> -> memref<128x64xf32, #tpu.memory_space<vmem>>
        %dma_start3A_412 = arith.constant 0 : i32
        %dma_start3A_413 = tpu.memref_slice %arg6[%rem3A_348, %dma_start3A_412] : memref<8x128xi32, #tpu.memory_space<vmem>> -> memref<1x128xi32, #tpu.memory_space<vmem>>
        %dma_start3A_414 = tpu.memref_squeeze %dma_start3A_413 : memref<1x128xi32, #tpu.memory_space<vmem>> -> memref<128xi32, #tpu.memory_space<vmem>>
        %dma_start3A_415 = arith.constant 0 : i32
        %dma_start3A_416 = arith.constant 0 : i32
        %dma_start3A_417 = tpu.memref_slice %arg4[%arg0, %dma_start3A_415, %dma_start3A_416] : memref<2x10000x64xf32, #tpu.memory_space<hbm>> -> memref<1x10000x64xf32, #tpu.memory_space<hbm>>
        %dma_start3A_418 = tpu.memref_squeeze %dma_start3A_417 : memref<1x10000x64xf32, #tpu.memory_space<hbm>> -> memref<10000x64xf32, #tpu.memory_space<hbm>>
        %dma_start3A_419 = arith.constant 0 : i32
        %dma_start3A_420 = arith.constant 0 : i32
        %dma_start3A_421 = tpu.memref_slice %dma_start3A_418[%dma_start3A_419, %dma_start3A_420] : memref<10000x64xf32, #tpu.memory_space<hbm>> -> memref<10000x64xf32, #tpu.memory_space<hbm>>
        tpu.enqueue_indirect_dma source(%dma_start3A_421 : memref<10000x64xf32, #tpu.memory_space<hbm>>) target(%dma_start3A_411 : memref<128x64xf32, #tpu.memory_space<vmem>>) offsets(%dma_start3A_414 : memref<128xi32, #tpu.memory_space<vmem>>) semaphore(%arg10 : memref<!tpu.dma_semaphore, #tpu.memory_space<semaphore_mem>>)
      } else {
      }
      %eq3A_369 = arith.constant 1 : i32
      %eq3A_370 = arith.cmpi eq, %rem3A_358, %eq3A_369 : i32
      %convert_element_type3A_371 = arith.extui %eq3A_370 : i1 to i32
      %cond3A_372 = arith.constant 0 : i32
      %cond3A_373 = arith.cmpi ne, %convert_element_type3A_371, %cond3A_372 : i32
      scf.if %cond3A_373 {
        %dma_start3A_408 = arith.constant 0 : i32
        %dma_start3A_409 = arith.constant 0 : i32
        %dma_start3A_410 = tpu.memref_slice %arg8[%rem3A_354, %dma_start3A_408, %dma_start3A_409] : memref<4x128x64xf32, #tpu.memory_space<vmem>> -> memref<1x128x64xf32, #tpu.memory_space<vmem>>
        %dma_start3A_411 = tpu.memref_squeeze %dma_start3A_410 : memref<1x128x64xf32, #tpu.memory_space<vmem>> -> memref<128x64xf32, #tpu.memory_space<vmem>>
        %dma_start3A_412 = arith.constant 0 : i32
        %dma_start3A_413 = tpu.memref_slice %arg6[%rem3A_348, %dma_start3A_412] : memref<8x128xi32, #tpu.memory_space<vmem>> -> memref<1x128xi32, #tpu.memory_space<vmem>>
        %dma_start3A_414 = tpu.memref_squeeze %dma_start3A_413 : memref<1x128xi32, #tpu.memory_space<vmem>> -> memref<128xi32, #tpu.memory_space<vmem>>
        %dma_start3A_415 = arith.constant 0 : i32
        %dma_start3A_416 = arith.constant 0 : i32
        %dma_start3A_417 = tpu.memref_slice %arg4[%arg0, %dma_start3A_415, %dma_start3A_416] : memref<2x10000x64xf32, #tpu.memory_space<hbm>> -> memref<1x10000x64xf32, #tpu.memory_space<hbm>>
        %dma_start3A_418 = tpu.memref_squeeze %dma_start3A_417 : memref<1x10000x64xf32, #tpu.memory_space<hbm>> -> memref<10000x64xf32, #tpu.memory_space<hbm>>
        %dma_start3A_419 = arith.constant 0 : i32
        %dma_start3A_420 = arith.constant 0 : i32
        %dma_start3A_421 = tpu.memref_slice %dma_start3A_418[%dma_start3A_419, %dma_start3A_420] : memref<10000x64xf32, #tpu.memory_space<hbm>> -> memref<10000x64xf32, #tpu.memory_space<hbm>>
        tpu.enqueue_indirect_dma source(%dma_start3A_421 : memref<10000x64xf32, #tpu.memory_space<hbm>>) target(%dma_start3A_411 : memref<128x64xf32, #tpu.memory_space<vmem>>) offsets(%dma_start3A_414 : memref<128xi32, #tpu.memory_space<vmem>>) semaphore(%arg11 : memref<!tpu.dma_semaphore, #tpu.memory_space<semaphore_mem>>)
      } else {
      }
      %eq3A_374 = arith.constant 2 : i32
      %eq3A_375 = arith.cmpi eq, %rem3A_358, %eq3A_374 : i32
      %convert_element_type3A_376 = arith.extui %eq3A_375 : i1 to i32
      %cond3A_377 = arith.constant 0 : i32
      %cond3A_378 = arith.cmpi ne, %convert_element_type3A_376, %cond3A_377 : i32
      scf.if %cond3A_378 {
        %dma_start3A_408 = arith.constant 0 : i32
        %dma_start3A_409 = arith.constant 0 : i32
        %dma_start3A_410 = tpu.memref_slice %arg8[%rem3A_354, %dma_start3A_408, %dma_start3A_409] : memref<4x128x64xf32, #tpu.memory_space<vmem>> -> memref<1x128x64xf32, #tpu.memory_space<vmem>>
        %dma_start3A_411 = tpu.memref_squeeze %dma_start3A_410 : memref<1x128x64xf32, #tpu.memory_space<vmem>> -> memref<128x64xf32, #tpu.memory_space<vmem>>
        %dma_start3A_412 = arith.constant 0 : i32
        %dma_start3A_413 = tpu.memref_slice %arg6[%rem3A_348, %dma_start3A_412] : memref<8x128xi32, #tpu.memory_space<vmem>> -> memref<1x128xi32, #tpu.memory_space<vmem>>
        %dma_start3A_414 = tpu.memref_squeeze %dma_start3A_413 : memref<1x128xi32, #tpu.memory_space<vmem>> -> memref<128xi32, #tpu.memory_space<vmem>>
        %dma_start3A_415 = arith.constant 0 : i32
        %dma_start3A_416 = arith.constant 0 : i32
        %dma_start3A_417 = tpu.memref_slice %arg4[%arg0, %dma_start3A_415, %dma_start3A_416] : memref<2x10000x64xf32, #tpu.memory_space<hbm>> -> memref<1x10000x64xf32, #tpu.memory_space<hbm>>
        %dma_start3A_418 = tpu.memref_squeeze %dma_start3A_417 : memref<1x10000x64xf32, #tpu.memory_space<hbm>> -> memref<10000x64xf32, #tpu.memory_space<hbm>>
        %dma_start3A_419 = arith.constant 0 : i32
        %dma_start3A_420 = arith.constant 0 : i32
        %dma_start3A_421 = tpu.memref_slice %dma_start3A_418[%dma_start3A_419, %dma_start3A_420] : memref<10000x64xf32, #tpu.memory_space<hbm>> -> memref<10000x64xf32, #tpu.memory_space<hbm>>
        tpu.enqueue_indirect_dma source(%dma_start3A_421 : memref<10000x64xf32, #tpu.memory_space<hbm>>) target(%dma_start3A_411 : memref<128x64xf32, #tpu.memory_space<vmem>>) offsets(%dma_start3A_414 : memref<128xi32, #tpu.memory_space<vmem>>) semaphore(%arg12 : memref<!tpu.dma_semaphore, #tpu.memory_space<semaphore_mem>>)
      } else {
      }
      %dma_start3A_379 = arith.constant 0 : i32
      %dma_start3A_380 = arith.constant 0 : i32
      %dma_start3A_381 = tpu.memref_slice %arg8[%rem3A_350, %dma_start3A_379, %dma_start3A_380] : memref<4x128x64xf32, #tpu.memory_space<vmem>> -> memref<1x128x64xf32, #tpu.memory_space<vmem>>
      %dma_start3A_382 = tpu.memref_squeeze %dma_start3A_381 : memref<1x128x64xf32, #tpu.memory_space<vmem>> -> memref<128x64xf32, #tpu.memory_space<vmem>>
      %dma_start3A_383 = arith.constant 0 : i32
      %dma_start3A_384 = tpu.memref_slice %arg7[%rem3A_344, %dma_start3A_383] : memref<8x128xi32, #tpu.memory_space<vmem>> -> memref<1x128xi32, #tpu.memory_space<vmem>>
      %dma_start3A_385 = tpu.memref_squeeze %dma_start3A_384 : memref<1x128xi32, #tpu.memory_space<vmem>> -> memref<128xi32, #tpu.memory_space<vmem>>
      %dma_start3A_386 = arith.constant 0 : i32
      %dma_start3A_387 = arith.constant 0 : i32
      %dma_start3A_388 = tpu.memref_slice %arg9[%dma_start3A_386, %dma_start3A_387] : memref<10048x64xf32, #tpu.memory_space<vmem_shared>> -> memref<10048x64xf32, #tpu.memory_space<vmem_shared>>
      tpu.enqueue_indirect_dma source(%dma_start3A_382 : memref<128x64xf32, #tpu.memory_space<vmem>>) target(%dma_start3A_388 : memref<10048x64xf32, #tpu.memory_space<vmem_shared>>) offsets(%dma_start3A_385 : memref<128xi32, #tpu.memory_space<vmem>>) semaphore(%arg14 : memref<!tpu.dma_semaphore, #tpu.memory_space<semaphore_mem>>) {add = true}
      %add3A_389 = arith.constant 1 : i32
      %add3A_390 = arith.addi %add3A_342, %add3A_389 : i32
      %rem3A_391 = arith.constant 3 : i32
      %rem3A_392 = arith.remsi %add3A_390, %rem3A_391 : i32
      %eq3A_393 = arith.constant 0 : i32
      %eq3A_394 = arith.cmpi eq, %rem3A_392, %eq3A_393 : i32
      %convert_element_type3A_395 = arith.extui %eq3A_394 : i1 to i32
      %cond3A_396 = arith.constant 0 : i32
      %cond3A_397 = arith.cmpi ne, %convert_element_type3A_395, %cond3A_396 : i32
      scf.if %cond3A_397 {
        %dma_wait3A_408 = arith.constant 0 : i32
        %dma_wait3A_409 = arith.constant 0 : i32
        %dma_wait3A_410 = arith.constant 0 : i32
        %dma_wait3A_411 = arith.constant 0 : i32
        %dma_wait3A_412 = tpu.memref_slice %arg8[%dma_wait3A_409, %dma_wait3A_410, %dma_wait3A_411] : memref<4x128x64xf32, #tpu.memory_space<vmem>> -> memref<1x128x64xf32, #tpu.memory_space<vmem>>
        %dma_wait3A_413 = tpu.memref_squeeze %dma_wait3A_412 : memref<1x128x64xf32, #tpu.memory_space<vmem>> -> memref<128x64xf32, #tpu.memory_space<vmem>>
        %dma_wait3A_414 = arith.constant 0 : i32
        %dma_wait3A_415 = tpu.memref_slice %arg6[%dma_wait3A_408, %dma_wait3A_414] : memref<8x128xi32, #tpu.memory_space<vmem>> -> memref<1x128xi32, #tpu.memory_space<vmem>>
        %dma_wait3A_416 = tpu.memref_squeeze %dma_wait3A_415 : memref<1x128xi32, #tpu.memory_space<vmem>> -> memref<128xi32, #tpu.memory_space<vmem>>
        %dma_wait3A_417 = arith.constant 0 : i32
        %dma_wait3A_418 = arith.constant 0 : i32
        %dma_wait3A_419 = tpu.memref_slice %arg4[%arg0, %dma_wait3A_417, %dma_wait3A_418] : memref<2x10000x64xf32, #tpu.memory_space<hbm>> -> memref<1x10000x64xf32, #tpu.memory_space<hbm>>
        %dma_wait3A_420 = tpu.memref_squeeze %dma_wait3A_419 : memref<1x10000x64xf32, #tpu.memory_space<hbm>> -> memref<10000x64xf32, #tpu.memory_space<hbm>>
        %dma_wait3A_421 = arith.constant 0 : i32
        %dma_wait3A_422 = arith.constant 0 : i32
        %dma_wait3A_423 = tpu.memref_slice %dma_wait3A_420[%dma_wait3A_421, %dma_wait3A_422] : memref<10000x64xf32, #tpu.memory_space<hbm>> -> memref<10000x64xf32, #tpu.memory_space<hbm>>
        tpu.wait_indirect_dma semaphore(%arg10 : memref<!tpu.dma_semaphore, #tpu.memory_space<semaphore_mem>>) src(%dma_wait3A_423 : memref<10000x64xf32, #tpu.memory_space<hbm>>) dst(%dma_wait3A_413 : memref<128x64xf32, #tpu.memory_space<vmem>>)
      } else {
      }
      %eq3A_398 = arith.constant 1 : i32
      %eq3A_399 = arith.cmpi eq, %rem3A_392, %eq3A_398 : i32
      %convert_element_type3A_400 = arith.extui %eq3A_399 : i1 to i32
      %cond3A_401 = arith.constant 0 : i32
      %cond3A_402 = arith.cmpi ne, %convert_element_type3A_400, %cond3A_401 : i32
      scf.if %cond3A_402 {
        %dma_wait3A_408 = arith.constant 0 : i32
        %dma_wait3A_409 = arith.constant 0 : i32
        %dma_wait3A_410 = arith.constant 0 : i32
        %dma_wait3A_411 = arith.constant 0 : i32
        %dma_wait3A_412 = tpu.memref_slice %arg8[%dma_wait3A_409, %dma_wait3A_410, %dma_wait3A_411] : memref<4x128x64xf32, #tpu.memory_space<vmem>> -> memref<1x128x64xf32, #tpu.memory_space<vmem>>
        %dma_wait3A_413 = tpu.memref_squeeze %dma_wait3A_412 : memref<1x128x64xf32, #tpu.memory_space<vmem>> -> memref<128x64xf32, #tpu.memory_space<vmem>>
        %dma_wait3A_414 = arith.constant 0 : i32
        %dma_wait3A_415 = tpu.memref_slice %arg6[%dma_wait3A_408, %dma_wait3A_414] : memref<8x128xi32, #tpu.memory_space<vmem>> -> memref<1x128xi32, #tpu.memory_space<vmem>>
        %dma_wait3A_416 = tpu.memref_squeeze %dma_wait3A_415 : memref<1x128xi32, #tpu.memory_space<vmem>> -> memref<128xi32, #tpu.memory_space<vmem>>
        %dma_wait3A_417 = arith.constant 0 : i32
        %dma_wait3A_418 = arith.constant 0 : i32
        %dma_wait3A_419 = tpu.memref_slice %arg4[%arg0, %dma_wait3A_417, %dma_wait3A_418] : memref<2x10000x64xf32, #tpu.memory_space<hbm>> -> memref<1x10000x64xf32, #tpu.memory_space<hbm>>
        %dma_wait3A_420 = tpu.memref_squeeze %dma_wait3A_419 : memref<1x10000x64xf32, #tpu.memory_space<hbm>> -> memref<10000x64xf32, #tpu.memory_space<hbm>>
        %dma_wait3A_421 = arith.constant 0 : i32
        %dma_wait3A_422 = arith.constant 0 : i32
        %dma_wait3A_423 = tpu.memref_slice %dma_wait3A_420[%dma_wait3A_421, %dma_wait3A_422] : memref<10000x64xf32, #tpu.memory_space<hbm>> -> memref<10000x64xf32, #tpu.memory_space<hbm>>
        tpu.wait_indirect_dma semaphore(%arg11 : memref<!tpu.dma_semaphore, #tpu.memory_space<semaphore_mem>>) src(%dma_wait3A_423 : memref<10000x64xf32, #tpu.memory_space<hbm>>) dst(%dma_wait3A_413 : memref<128x64xf32, #tpu.memory_space<vmem>>)
      } else {
      }
      %eq3A_403 = arith.constant 2 : i32
      %eq3A_404 = arith.cmpi eq, %rem3A_392, %eq3A_403 : i32
      %convert_element_type3A_405 = arith.extui %eq3A_404 : i1 to i32
      %cond3A_406 = arith.constant 0 : i32
      %cond3A_407 = arith.cmpi ne, %convert_element_type3A_405, %cond3A_406 : i32
      scf.if %cond3A_407 {
        %dma_wait3A_408 = arith.constant 0 : i32
        %dma_wait3A_409 = arith.constant 0 : i32
        %dma_wait3A_410 = arith.constant 0 : i32
        %dma_wait3A_411 = arith.constant 0 : i32
        %dma_wait3A_412 = tpu.memref_slice %arg8[%dma_wait3A_409, %dma_wait3A_410, %dma_wait3A_411] : memref<4x128x64xf32, #tpu.memory_space<vmem>> -> memref<1x128x64xf32, #tpu.memory_space<vmem>>
        %dma_wait3A_413 = tpu.memref_squeeze %dma_wait3A_412 : memref<1x128x64xf32, #tpu.memory_space<vmem>> -> memref<128x64xf32, #tpu.memory_space<vmem>>
        %dma_wait3A_414 = arith.constant 0 : i32
        %dma_wait3A_415 = tpu.memref_slice %arg6[%dma_wait3A_408, %dma_wait3A_414] : memref<8x128xi32, #tpu.memory_space<vmem>> -> memref<1x128xi32, #tpu.memory_space<vmem>>
        %dma_wait3A_416 = tpu.memref_squeeze %dma_wait3A_415 : memref<1x128xi32, #tpu.memory_space<vmem>> -> memref<128xi32, #tpu.memory_space<vmem>>
        %dma_wait3A_417 = arith.constant 0 : i32
        %dma_wait3A_418 = arith.constant 0 : i32
        %dma_wait3A_419 = tpu.memref_slice %arg4[%arg0, %dma_wait3A_417, %dma_wait3A_418] : memref<2x10000x64xf32, #tpu.memory_space<hbm>> -> memref<1x10000x64xf32, #tpu.memory_space<hbm>>
        %dma_wait3A_420 = tpu.memref_squeeze %dma_wait3A_419 : memref<1x10000x64xf32, #tpu.memory_space<hbm>> -> memref<10000x64xf32, #tpu.memory_space<hbm>>
        %dma_wait3A_421 = arith.constant 0 : i32
        %dma_wait3A_422 = arith.constant 0 : i32
        %dma_wait3A_423 = tpu.memref_slice %dma_wait3A_420[%dma_wait3A_421, %dma_wait3A_422] : memref<10000x64xf32, #tpu.memory_space<hbm>> -> memref<10000x64xf32, #tpu.memory_space<hbm>>
        tpu.wait_indirect_dma semaphore(%arg12 : memref<!tpu.dma_semaphore, #tpu.memory_space<semaphore_mem>>) src(%dma_wait3A_423 : memref<10000x64xf32, #tpu.memory_space<hbm>>) dst(%dma_wait3A_413 : memref<128x64xf32, #tpu.memory_space<vmem>>)
      } else {
      }
    }
    %while3A_87 = arith.constant 1 : i32
    scf.for %while3A_143 = %while3A_85 to %while3A_81 step %while3A_87  : i32 {
      %rem3A_144 = arith.constant 2 : i32
      %rem3A_145 = arith.remsi %while3A_143, %rem3A_144 : i32
      %add3A_146 = arith.constant 1 : i32
      %add3A_147 = arith.addi %while3A_143, %add3A_146 : i32
      %lt3A = arith.constant 40 : i32
      %lt3A_148 = arith.cmpi slt, %add3A_147, %lt3A : i32
      %add3A_149 = arith.constant 1 : i32
      %add3A_150 = arith.addi %while3A_143, %add3A_149 : i32
      %jit3A_151 = arith.constant 0 : i32
      %select_n3A_152 = arith.select %lt3A_148, %add3A_150, %jit3A_151 : i32
      %mul3A_153 = arith.constant 4 : i32
      %mul3A_154 = arith.muli %select_n3A_152, %mul3A_153 : i32
      %multiple_of3A = tpu.assume_multiple %mul3A_154, 4 : i32
      %sub3A_155 = arith.constant 1 : i32
      %sub3A_156 = arith.subi %sub3A_155, %rem3A_145 : i32
      %mul3A_157 = arith.constant 4 : i32
      %mul3A_158 = arith.muli %sub3A_156, %mul3A_157 : i32
      %dma_start3A_159 = arith.constant 0 : i32
      %dma_start3A_160 = tpu.memref_slice %arg6[%mul3A_158, %dma_start3A_159] : memref<8x128xi32, #tpu.memory_space<vmem>> -> memref<4x128xi32, #tpu.memory_space<vmem>>
      %dma_start3A_161 = arith.constant 0 : i32
      %dma_start3A_162 = tpu.memref_slice %arg2[%arg1, %multiple_of3A, %dma_start3A_161] : memref<16x160x128xi32, #tpu.memory_space<hbm>> -> memref<1x4x128xi32, #tpu.memory_space<hbm>>
      %dma_start3A_163 = tpu.memref_squeeze %dma_start3A_162 : memref<1x4x128xi32, #tpu.memory_space<hbm>> -> memref<4x128xi32, #tpu.memory_space<hbm>>
      %dma_start3A_164 = arith.constant 0 : i32
      %dma_start3A_165 = tpu.memref_slice %arg6[%mul3A_158, %dma_start3A_164] : memref<8x128xi32, #tpu.memory_space<vmem>> -> memref<4x128xi32, #tpu.memory_space<vmem>>
      %dma_start3A_166 = arith.constant 0 : i32
      %dma_start3A_167 = tpu.memref_slice %arg2[%arg1, %multiple_of3A, %dma_start3A_166] : memref<16x160x128xi32, #tpu.memory_space<hbm>> -> memref<1x4x128xi32, #tpu.memory_space<hbm>>
      %dma_start3A_168 = tpu.memref_squeeze %dma_start3A_167 : memref<1x4x128xi32, #tpu.memory_space<hbm>> -> memref<4x128xi32, #tpu.memory_space<hbm>>
      tpu.enqueue_dma source(%dma_start3A_168 : memref<4x128xi32, #tpu.memory_space<hbm>>) target(%dma_start3A_165 : memref<4x128xi32, #tpu.memory_space<vmem>>) target_semaphore(%arg13 : memref<!tpu.dma_semaphore, #tpu.memory_space<semaphore_mem>>)
      %dma_start3A_169 = arith.constant 0 : i32
      %dma_start3A_170 = tpu.memref_slice %arg7[%mul3A_158, %dma_start3A_169] : memref<8x128xi32, #tpu.memory_space<vmem>> -> memref<4x128xi32, #tpu.memory_space<vmem>>
      %dma_start3A_171 = arith.constant 0 : i32
      %dma_start3A_172 = tpu.memref_slice %arg3[%arg1, %multiple_of3A, %dma_start3A_171] : memref<16x160x128xi32, #tpu.memory_space<hbm>> -> memref<1x4x128xi32, #tpu.memory_space<hbm>>
      %dma_start3A_173 = tpu.memref_squeeze %dma_start3A_172 : memref<1x4x128xi32, #tpu.memory_space<hbm>> -> memref<4x128xi32, #tpu.memory_space<hbm>>
      %dma_start3A_174 = arith.constant 0 : i32
      %dma_start3A_175 = tpu.memref_slice %arg7[%mul3A_158, %dma_start3A_174] : memref<8x128xi32, #tpu.memory_space<vmem>> -> memref<4x128xi32, #tpu.memory_space<vmem>>
      %dma_start3A_176 = arith.constant 0 : i32
      %dma_start3A_177 = tpu.memref_slice %arg3[%arg1, %multiple_of3A, %dma_start3A_176] : memref<16x160x128xi32, #tpu.memory_space<hbm>> -> memref<1x4x128xi32, #tpu.memory_space<hbm>>
      %dma_start3A_178 = tpu.memref_squeeze %dma_start3A_177 : memref<1x4x128xi32, #tpu.memory_space<hbm>> -> memref<4x128xi32, #tpu.memory_space<hbm>>
      tpu.enqueue_dma source(%dma_start3A_178 : memref<4x128xi32, #tpu.memory_space<hbm>>) target(%dma_start3A_175 : memref<4x128xi32, #tpu.memory_space<vmem>>) target_semaphore(%arg13 : memref<!tpu.dma_semaphore, #tpu.memory_space<semaphore_mem>>)
      %mul3A_179 = arith.constant 4 : i32
      %mul3A_180 = arith.muli %while3A_143, %mul3A_179 : i32
      %while3A_181 = arith.constant 0 : i32
      %while3A_182 = arith.constant 1 : i32
      %while3A_183 = arith.subi %while3A_182, %while3A_181 : i32
      %while3A_184 = arith.addi %while3A_181, %while3A_183 : i32
      %while3A_185 = arith.constant 1 : i32
      %while3A_186 = arith.divsi %while3A_183, %while3A_185 : i32
      %while3A_187 = arith.muli %while3A_186, %while3A_185 : i32
      %while3A_188 = arith.addi %while3A_181, %while3A_187 : i32
      %while3A_189 = arith.constant 1 : i32
      scf.for %while3A_408 = %while3A_181 to %while3A_188 step %while3A_189  : i32 {
        %add3A_409 = arith.addi %mul3A_180, %while3A_408 : i32
        %rem3A_410 = arith.constant 8 : i32
        %rem3A_411 = arith.remsi %add3A_409, %rem3A_410 : i32
        %add3A_412 = arith.constant 3 : i32
        %add3A_413 = arith.addi %add3A_409, %add3A_412 : i32
        %rem3A_414 = arith.constant 8 : i32
        %rem3A_415 = arith.remsi %add3A_413, %rem3A_414 : i32
        %rem3A_416 = arith.constant 4 : i32
        %rem3A_417 = arith.remsi %add3A_409, %rem3A_416 : i32
        %add3A_418 = arith.constant 3 : i32
        %add3A_419 = arith.addi %add3A_409, %add3A_418 : i32
        %rem3A_420 = arith.constant 4 : i32
        %rem3A_421 = arith.remsi %add3A_419, %rem3A_420 : i32
        %add3A_422 = arith.constant 3 : i32
        %add3A_423 = arith.addi %add3A_409, %add3A_422 : i32
        %rem3A_424 = arith.constant 3 : i32
        %rem3A_425 = arith.remsi %add3A_423, %rem3A_424 : i32
        %gt3A_426 = arith.constant 0 : i32
        %gt3A_427 = arith.cmpi sgt, %add3A_409, %gt3A_426 : i32
        %convert_element_type3A_428 = arith.extui %gt3A_427 : i1 to i32
        %cond3A_429 = arith.constant 0 : i32
        %cond3A_430 = arith.cmpi ne, %convert_element_type3A_428, %cond3A_429 : i32
        scf.if %cond3A_430 {
          %dma_wait3A_475 = arith.constant 0 : i32
          %dma_wait3A_476 = arith.constant 0 : i32
          %dma_wait3A_477 = tpu.memref_slice %arg8[%rem3A_417, %dma_wait3A_475, %dma_wait3A_476] : memref<4x128x64xf32, #tpu.memory_space<vmem>> -> memref<1x128x64xf32, #tpu.memory_space<vmem>>
          %dma_wait3A_478 = tpu.memref_squeeze %dma_wait3A_477 : memref<1x128x64xf32, #tpu.memory_space<vmem>> -> memref<128x64xf32, #tpu.memory_space<vmem>>
          %dma_wait3A_479 = arith.constant 0 : i32
          %dma_wait3A_480 = tpu.memref_slice %arg7[%rem3A_411, %dma_wait3A_479] : memref<8x128xi32, #tpu.memory_space<vmem>> -> memref<1x128xi32, #tpu.memory_space<vmem>>
          %dma_wait3A_481 = tpu.memref_squeeze %dma_wait3A_480 : memref<1x128xi32, #tpu.memory_space<vmem>> -> memref<128xi32, #tpu.memory_space<vmem>>
          %dma_wait3A_482 = arith.constant 0 : i32
          %dma_wait3A_483 = arith.constant 0 : i32
          %dma_wait3A_484 = tpu.memref_slice %arg9[%dma_wait3A_482, %dma_wait3A_483] : memref<10048x64xf32, #tpu.memory_space<vmem_shared>> -> memref<10048x64xf32, #tpu.memory_space<vmem_shared>>
          tpu.wait_indirect_dma semaphore(%arg14 : memref<!tpu.dma_semaphore, #tpu.memory_space<semaphore_mem>>) src(%dma_wait3A_478 : memref<128x64xf32, #tpu.memory_space<vmem>>) dst(%dma_wait3A_484 : memref<10048x64xf32, #tpu.memory_space<vmem_shared>>)
        } else {
        }
        %eq3A_431 = arith.constant 0 : i32
        %eq3A_432 = arith.cmpi eq, %rem3A_425, %eq3A_431 : i32
        %convert_element_type3A_433 = arith.extui %eq3A_432 : i1 to i32
        %cond3A_434 = arith.constant 0 : i32
        %cond3A_435 = arith.cmpi ne, %convert_element_type3A_433, %cond3A_434 : i32
        scf.if %cond3A_435 {
          %dma_start3A_475 = arith.constant 0 : i32
          %dma_start3A_476 = arith.constant 0 : i32
          %dma_start3A_477 = tpu.memref_slice %arg8[%rem3A_421, %dma_start3A_475, %dma_start3A_476] : memref<4x128x64xf32, #tpu.memory_space<vmem>> -> memref<1x128x64xf32, #tpu.memory_space<vmem>>
          %dma_start3A_478 = tpu.memref_squeeze %dma_start3A_477 : memref<1x128x64xf32, #tpu.memory_space<vmem>> -> memref<128x64xf32, #tpu.memory_space<vmem>>
          %dma_start3A_479 = arith.constant 0 : i32
          %dma_start3A_480 = tpu.memref_slice %arg6[%rem3A_415, %dma_start3A_479] : memref<8x128xi32, #tpu.memory_space<vmem>> -> memref<1x128xi32, #tpu.memory_space<vmem>>
          %dma_start3A_481 = tpu.memref_squeeze %dma_start3A_480 : memref<1x128xi32, #tpu.memory_space<vmem>> -> memref<128xi32, #tpu.memory_space<vmem>>
          %dma_start3A_482 = arith.constant 0 : i32
          %dma_start3A_483 = arith.constant 0 : i32
          %dma_start3A_484 = tpu.memref_slice %arg4[%arg0, %dma_start3A_482, %dma_start3A_483] : memref<2x10000x64xf32, #tpu.memory_space<hbm>> -> memref<1x10000x64xf32, #tpu.memory_space<hbm>>
          %dma_start3A_485 = tpu.memref_squeeze %dma_start3A_484 : memref<1x10000x64xf32, #tpu.memory_space<hbm>> -> memref<10000x64xf32, #tpu.memory_space<hbm>>
          %dma_start3A_486 = arith.constant 0 : i32
          %dma_start3A_487 = arith.constant 0 : i32
          %dma_start3A_488 = tpu.memref_slice %dma_start3A_485[%dma_start3A_486, %dma_start3A_487] : memref<10000x64xf32, #tpu.memory_space<hbm>> -> memref<10000x64xf32, #tpu.memory_space<hbm>>
          tpu.enqueue_indirect_dma source(%dma_start3A_488 : memref<10000x64xf32, #tpu.memory_space<hbm>>) target(%dma_start3A_478 : memref<128x64xf32, #tpu.memory_space<vmem>>) offsets(%dma_start3A_481 : memref<128xi32, #tpu.memory_space<vmem>>) semaphore(%arg10 : memref<!tpu.dma_semaphore, #tpu.memory_space<semaphore_mem>>)
        } else {
        }
        %eq3A_436 = arith.constant 1 : i32
        %eq3A_437 = arith.cmpi eq, %rem3A_425, %eq3A_436 : i32
        %convert_element_type3A_438 = arith.extui %eq3A_437 : i1 to i32
        %cond3A_439 = arith.constant 0 : i32
        %cond3A_440 = arith.cmpi ne, %convert_element_type3A_438, %cond3A_439 : i32
        scf.if %cond3A_440 {
          %dma_start3A_475 = arith.constant 0 : i32
          %dma_start3A_476 = arith.constant 0 : i32
          %dma_start3A_477 = tpu.memref_slice %arg8[%rem3A_421, %dma_start3A_475, %dma_start3A_476] : memref<4x128x64xf32, #tpu.memory_space<vmem>> -> memref<1x128x64xf32, #tpu.memory_space<vmem>>
          %dma_start3A_478 = tpu.memref_squeeze %dma_start3A_477 : memref<1x128x64xf32, #tpu.memory_space<vmem>> -> memref<128x64xf32, #tpu.memory_space<vmem>>
          %dma_start3A_479 = arith.constant 0 : i32
          %dma_start3A_480 = tpu.memref_slice %arg6[%rem3A_415, %dma_start3A_479] : memref<8x128xi32, #tpu.memory_space<vmem>> -> memref<1x128xi32, #tpu.memory_space<vmem>>
          %dma_start3A_481 = tpu.memref_squeeze %dma_start3A_480 : memref<1x128xi32, #tpu.memory_space<vmem>> -> memref<128xi32, #tpu.memory_space<vmem>>
          %dma_start3A_482 = arith.constant 0 : i32
          %dma_start3A_483 = arith.constant 0 : i32
          %dma_start3A_484 = tpu.memref_slice %arg4[%arg0, %dma_start3A_482, %dma_start3A_483] : memref<2x10000x64xf32, #tpu.memory_space<hbm>> -> memref<1x10000x64xf32, #tpu.memory_space<hbm>>
          %dma_start3A_485 = tpu.memref_squeeze %dma_start3A_484 : memref<1x10000x64xf32, #tpu.memory_space<hbm>> -> memref<10000x64xf32, #tpu.memory_space<hbm>>
          %dma_start3A_486 = arith.constant 0 : i32
          %dma_start3A_487 = arith.constant 0 : i32
          %dma_start3A_488 = tpu.memref_slice %dma_start3A_485[%dma_start3A_486, %dma_start3A_487] : memref<10000x64xf32, #tpu.memory_space<hbm>> -> memref<10000x64xf32, #tpu.memory_space<hbm>>
          tpu.enqueue_indirect_dma source(%dma_start3A_488 : memref<10000x64xf32, #tpu.memory_space<hbm>>) target(%dma_start3A_478 : memref<128x64xf32, #tpu.memory_space<vmem>>) offsets(%dma_start3A_481 : memref<128xi32, #tpu.memory_space<vmem>>) semaphore(%arg11 : memref<!tpu.dma_semaphore, #tpu.memory_space<semaphore_mem>>)
        } else {
        }
        %eq3A_441 = arith.constant 2 : i32
        %eq3A_442 = arith.cmpi eq, %rem3A_425, %eq3A_441 : i32
        %convert_element_type3A_443 = arith.extui %eq3A_442 : i1 to i32
        %cond3A_444 = arith.constant 0 : i32
        %cond3A_445 = arith.cmpi ne, %convert_element_type3A_443, %cond3A_444 : i32
        scf.if %cond3A_445 {
          %dma_start3A_475 = arith.constant 0 : i32
          %dma_start3A_476 = arith.constant 0 : i32
          %dma_start3A_477 = tpu.memref_slice %arg8[%rem3A_421, %dma_start3A_475, %dma_start3A_476] : memref<4x128x64xf32, #tpu.memory_space<vmem>> -> memref<1x128x64xf32, #tpu.memory_space<vmem>>
          %dma_start3A_478 = tpu.memref_squeeze %dma_start3A_477 : memref<1x128x64xf32, #tpu.memory_space<vmem>> -> memref<128x64xf32, #tpu.memory_space<vmem>>
          %dma_start3A_479 = arith.constant 0 : i32
          %dma_start3A_480 = tpu.memref_slice %arg6[%rem3A_415, %dma_start3A_479] : memref<8x128xi32, #tpu.memory_space<vmem>> -> memref<1x128xi32, #tpu.memory_space<vmem>>
          %dma_start3A_481 = tpu.memref_squeeze %dma_start3A_480 : memref<1x128xi32, #tpu.memory_space<vmem>> -> memref<128xi32, #tpu.memory_space<vmem>>
          %dma_start3A_482 = arith.constant 0 : i32
          %dma_start3A_483 = arith.constant 0 : i32
          %dma_start3A_484 = tpu.memref_slice %arg4[%arg0, %dma_start3A_482, %dma_start3A_483] : memref<2x10000x64xf32, #tpu.memory_space<hbm>> -> memref<1x10000x64xf32, #tpu.memory_space<hbm>>
          %dma_start3A_485 = tpu.memref_squeeze %dma_start3A_484 : memref<1x10000x64xf32, #tpu.memory_space<hbm>> -> memref<10000x64xf32, #tpu.memory_space<hbm>>
          %dma_start3A_486 = arith.constant 0 : i32
          %dma_start3A_487 = arith.constant 0 : i32
          %dma_start3A_488 = tpu.memref_slice %dma_start3A_485[%dma_start3A_486, %dma_start3A_487] : memref<10000x64xf32, #tpu.memory_space<hbm>> -> memref<10000x64xf32, #tpu.memory_space<hbm>>
          tpu.enqueue_indirect_dma source(%dma_start3A_488 : memref<10000x64xf32, #tpu.memory_space<hbm>>) target(%dma_start3A_478 : memref<128x64xf32, #tpu.memory_space<vmem>>) offsets(%dma_start3A_481 : memref<128xi32, #tpu.memory_space<vmem>>) semaphore(%arg12 : memref<!tpu.dma_semaphore, #tpu.memory_space<semaphore_mem>>)
        } else {
        }
        %dma_start3A_446 = arith.constant 0 : i32
        %dma_start3A_447 = arith.constant 0 : i32
        %dma_start3A_448 = tpu.memref_slice %arg8[%rem3A_417, %dma_start3A_446, %dma_start3A_447] : memref<4x128x64xf32, #tpu.memory_space<vmem>> -> memref<1x128x64xf32, #tpu.memory_space<vmem>>
        %dma_start3A_449 = tpu.memref_squeeze %dma_start3A_448 : memref<1x128x64xf32, #tpu.memory_space<vmem>> -> memref<128x64xf32, #tpu.memory_space<vmem>>
        %dma_start3A_450 = arith.constant 0 : i32
        %dma_start3A_451 = tpu.memref_slice %arg7[%rem3A_411, %dma_start3A_450] : memref<8x128xi32, #tpu.memory_space<vmem>> -> memref<1x128xi32, #tpu.memory_space<vmem>>
        %dma_start3A_452 = tpu.memref_squeeze %dma_start3A_451 : memref<1x128xi32, #tpu.memory_space<vmem>> -> memref<128xi32, #tpu.memory_space<vmem>>
        %dma_start3A_453 = arith.constant 0 : i32
        %dma_start3A_454 = arith.constant 0 : i32
        %dma_start3A_455 = tpu.memref_slice %arg9[%dma_start3A_453, %dma_start3A_454] : memref<10048x64xf32, #tpu.memory_space<vmem_shared>> -> memref<10048x64xf32, #tpu.memory_space<vmem_shared>>
        tpu.enqueue_indirect_dma source(%dma_start3A_449 : memref<128x64xf32, #tpu.memory_space<vmem>>) target(%dma_start3A_455 : memref<10048x64xf32, #tpu.memory_space<vmem_shared>>) offsets(%dma_start3A_452 : memref<128xi32, #tpu.memory_space<vmem>>) semaphore(%arg14 : memref<!tpu.dma_semaphore, #tpu.memory_space<semaphore_mem>>) {add = true}
        %add3A_456 = arith.constant 1 : i32
        %add3A_457 = arith.addi %add3A_409, %add3A_456 : i32
        %rem3A_458 = arith.constant 3 : i32
        %rem3A_459 = arith.remsi %add3A_457, %rem3A_458 : i32
        %eq3A_460 = arith.constant 0 : i32
        %eq3A_461 = arith.cmpi eq, %rem3A_459, %eq3A_460 : i32
        %convert_element_type3A_462 = arith.extui %eq3A_461 : i1 to i32
        %cond3A_463 = arith.constant 0 : i32
        %cond3A_464 = arith.cmpi ne, %convert_element_type3A_462, %cond3A_463 : i32
        scf.if %cond3A_464 {
          %dma_wait3A_475 = arith.constant 0 : i32
          %dma_wait3A_476 = arith.constant 0 : i32
          %dma_wait3A_477 = arith.constant 0 : i32
          %dma_wait3A_478 = arith.constant 0 : i32
          %dma_wait3A_479 = tpu.memref_slice %arg8[%dma_wait3A_476, %dma_wait3A_477, %dma_wait3A_478] : memref<4x128x64xf32, #tpu.memory_space<vmem>> -> memref<1x128x64xf32, #tpu.memory_space<vmem>>
          %dma_wait3A_480 = tpu.memref_squeeze %dma_wait3A_479 : memref<1x128x64xf32, #tpu.memory_space<vmem>> -> memref<128x64xf32, #tpu.memory_space<vmem>>
          %dma_wait3A_481 = arith.constant 0 : i32
          %dma_wait3A_482 = tpu.memref_slice %arg6[%dma_wait3A_475, %dma_wait3A_481] : memref<8x128xi32, #tpu.memory_space<vmem>> -> memref<1x128xi32, #tpu.memory_space<vmem>>
          %dma_wait3A_483 = tpu.memref_squeeze %dma_wait3A_482 : memref<1x128xi32, #tpu.memory_space<vmem>> -> memref<128xi32, #tpu.memory_space<vmem>>
          %dma_wait3A_484 = arith.constant 0 : i32
          %dma_wait3A_485 = arith.constant 0 : i32
          %dma_wait3A_486 = tpu.memref_slice %arg4[%arg0, %dma_wait3A_484, %dma_wait3A_485] : memref<2x10000x64xf32, #tpu.memory_space<hbm>> -> memref<1x10000x64xf32, #tpu.memory_space<hbm>>
          %dma_wait3A_487 = tpu.memref_squeeze %dma_wait3A_486 : memref<1x10000x64xf32, #tpu.memory_space<hbm>> -> memref<10000x64xf32, #tpu.memory_space<hbm>>
          %dma_wait3A_488 = arith.constant 0 : i32
          %dma_wait3A_489 = arith.constant 0 : i32
          %dma_wait3A_490 = tpu.memref_slice %dma_wait3A_487[%dma_wait3A_488, %dma_wait3A_489] : memref<10000x64xf32, #tpu.memory_space<hbm>> -> memref<10000x64xf32, #tpu.memory_space<hbm>>
          tpu.wait_indirect_dma semaphore(%arg10 : memref<!tpu.dma_semaphore, #tpu.memory_space<semaphore_mem>>) src(%dma_wait3A_490 : memref<10000x64xf32, #tpu.memory_space<hbm>>) dst(%dma_wait3A_480 : memref<128x64xf32, #tpu.memory_space<vmem>>)
        } else {
        }
        %eq3A_465 = arith.constant 1 : i32
        %eq3A_466 = arith.cmpi eq, %rem3A_459, %eq3A_465 : i32
        %convert_element_type3A_467 = arith.extui %eq3A_466 : i1 to i32
        %cond3A_468 = arith.constant 0 : i32
        %cond3A_469 = arith.cmpi ne, %convert_element_type3A_467, %cond3A_468 : i32
        scf.if %cond3A_469 {
          %dma_wait3A_475 = arith.constant 0 : i32
          %dma_wait3A_476 = arith.constant 0 : i32
          %dma_wait3A_477 = arith.constant 0 : i32
          %dma_wait3A_478 = arith.constant 0 : i32
          %dma_wait3A_479 = tpu.memref_slice %arg8[%dma_wait3A_476, %dma_wait3A_477, %dma_wait3A_478] : memref<4x128x64xf32, #tpu.memory_space<vmem>> -> memref<1x128x64xf32, #tpu.memory_space<vmem>>
          %dma_wait3A_480 = tpu.memref_squeeze %dma_wait3A_479 : memref<1x128x64xf32, #tpu.memory_space<vmem>> -> memref<128x64xf32, #tpu.memory_space<vmem>>
          %dma_wait3A_481 = arith.constant 0 : i32
          %dma_wait3A_482 = tpu.memref_slice %arg6[%dma_wait3A_475, %dma_wait3A_481] : memref<8x128xi32, #tpu.memory_space<vmem>> -> memref<1x128xi32, #tpu.memory_space<vmem>>
          %dma_wait3A_483 = tpu.memref_squeeze %dma_wait3A_482 : memref<1x128xi32, #tpu.memory_space<vmem>> -> memref<128xi32, #tpu.memory_space<vmem>>
          %dma_wait3A_484 = arith.constant 0 : i32
          %dma_wait3A_485 = arith.constant 0 : i32
          %dma_wait3A_486 = tpu.memref_slice %arg4[%arg0, %dma_wait3A_484, %dma_wait3A_485] : memref<2x10000x64xf32, #tpu.memory_space<hbm>> -> memref<1x10000x64xf32, #tpu.memory_space<hbm>>
          %dma_wait3A_487 = tpu.memref_squeeze %dma_wait3A_486 : memref<1x10000x64xf32, #tpu.memory_space<hbm>> -> memref<10000x64xf32, #tpu.memory_space<hbm>>
          %dma_wait3A_488 = arith.constant 0 : i32
          %dma_wait3A_489 = arith.constant 0 : i32
          %dma_wait3A_490 = tpu.memref_slice %dma_wait3A_487[%dma_wait3A_488, %dma_wait3A_489] : memref<10000x64xf32, #tpu.memory_space<hbm>> -> memref<10000x64xf32, #tpu.memory_space<hbm>>
          tpu.wait_indirect_dma semaphore(%arg11 : memref<!tpu.dma_semaphore, #tpu.memory_space<semaphore_mem>>) src(%dma_wait3A_490 : memref<10000x64xf32, #tpu.memory_space<hbm>>) dst(%dma_wait3A_480 : memref<128x64xf32, #tpu.memory_space<vmem>>)
        } else {
        }
        %eq3A_470 = arith.constant 2 : i32
        %eq3A_471 = arith.cmpi eq, %rem3A_459, %eq3A_470 : i32
        %convert_element_type3A_472 = arith.extui %eq3A_471 : i1 to i32
        %cond3A_473 = arith.constant 0 : i32
        %cond3A_474 = arith.cmpi ne, %convert_element_type3A_472, %cond3A_473 : i32
        scf.if %cond3A_474 {
          %dma_wait3A_475 = arith.constant 0 : i32
          %dma_wait3A_476 = arith.constant 0 : i32
          %dma_wait3A_477 = arith.constant 0 : i32
          %dma_wait3A_478 = arith.constant 0 : i32
          %dma_wait3A_479 = tpu.memref_slice %arg8[%dma_wait3A_476, %dma_wait3A_477, %dma_wait3A_478] : memref<4x128x64xf32, #tpu.memory_space<vmem>> -> memref<1x128x64xf32, #tpu.memory_space<vmem>>
          %dma_wait3A_480 = tpu.memref_squeeze %dma_wait3A_479 : memref<1x128x64xf32, #tpu.memory_space<vmem>> -> memref<128x64xf32, #tpu.memory_space<vmem>>
          %dma_wait3A_481 = arith.constant 0 : i32
          %dma_wait3A_482 = tpu.memref_slice %arg6[%dma_wait3A_475, %dma_wait3A_481] : memref<8x128xi32, #tpu.memory_space<vmem>> -> memref<1x128xi32, #tpu.memory_space<vmem>>
          %dma_wait3A_483 = tpu.memref_squeeze %dma_wait3A_482 : memref<1x128xi32, #tpu.memory_space<vmem>> -> memref<128xi32, #tpu.memory_space<vmem>>
          %dma_wait3A_484 = arith.constant 0 : i32
          %dma_wait3A_485 = arith.constant 0 : i32
          %dma_wait3A_486 = tpu.memref_slice %arg4[%arg0, %dma_wait3A_484, %dma_wait3A_485] : memref<2x10000x64xf32, #tpu.memory_space<hbm>> -> memref<1x10000x64xf32, #tpu.memory_space<hbm>>
          %dma_wait3A_487 = tpu.memref_squeeze %dma_wait3A_486 : memref<1x10000x64xf32, #tpu.memory_space<hbm>> -> memref<10000x64xf32, #tpu.memory_space<hbm>>
          %dma_wait3A_488 = arith.constant 0 : i32
          %dma_wait3A_489 = arith.constant 0 : i32
          %dma_wait3A_490 = tpu.memref_slice %dma_wait3A_487[%dma_wait3A_488, %dma_wait3A_489] : memref<10000x64xf32, #tpu.memory_space<hbm>> -> memref<10000x64xf32, #tpu.memory_space<hbm>>
          tpu.wait_indirect_dma semaphore(%arg12 : memref<!tpu.dma_semaphore, #tpu.memory_space<semaphore_mem>>) src(%dma_wait3A_490 : memref<10000x64xf32, #tpu.memory_space<hbm>>) dst(%dma_wait3A_480 : memref<128x64xf32, #tpu.memory_space<vmem>>)
        } else {
        }
      }
      %while3A_190 = arith.constant 1 : i32
      scf.for %while3A_408 = %while3A_188 to %while3A_184 step %while3A_190  : i32 {
        %add3A_409 = arith.addi %mul3A_180, %while3A_408 : i32
        %rem3A_410 = arith.constant 8 : i32
        %rem3A_411 = arith.remsi %add3A_409, %rem3A_410 : i32
        %add3A_412 = arith.constant 3 : i32
        %add3A_413 = arith.addi %add3A_409, %add3A_412 : i32
        %rem3A_414 = arith.constant 8 : i32
        %rem3A_415 = arith.remsi %add3A_413, %rem3A_414 : i32
        %rem3A_416 = arith.constant 4 : i32
        %rem3A_417 = arith.remsi %add3A_409, %rem3A_416 : i32
        %add3A_418 = arith.constant 3 : i32
        %add3A_419 = arith.addi %add3A_409, %add3A_418 : i32
        %rem3A_420 = arith.constant 4 : i32
        %rem3A_421 = arith.remsi %add3A_419, %rem3A_420 : i32
        %add3A_422 = arith.constant 3 : i32
        %add3A_423 = arith.addi %add3A_409, %add3A_422 : i32
        %rem3A_424 = arith.constant 3 : i32
        %rem3A_425 = arith.remsi %add3A_423, %rem3A_424 : i32
        %gt3A_426 = arith.constant 0 : i32
        %gt3A_427 = arith.cmpi sgt, %add3A_409, %gt3A_426 : i32
        %convert_element_type3A_428 = arith.extui %gt3A_427 : i1 to i32
        %cond3A_429 = arith.constant 0 : i32
        %cond3A_430 = arith.cmpi ne, %convert_element_type3A_428, %cond3A_429 : i32
        scf.if %cond3A_430 {
          %dma_wait3A_475 = arith.constant 0 : i32
          %dma_wait3A_476 = arith.constant 0 : i32
          %dma_wait3A_477 = tpu.memref_slice %arg8[%rem3A_417, %dma_wait3A_475, %dma_wait3A_476] : memref<4x128x64xf32, #tpu.memory_space<vmem>> -> memref<1x128x64xf32, #tpu.memory_space<vmem>>
          %dma_wait3A_478 = tpu.memref_squeeze %dma_wait3A_477 : memref<1x128x64xf32, #tpu.memory_space<vmem>> -> memref<128x64xf32, #tpu.memory_space<vmem>>
          %dma_wait3A_479 = arith.constant 0 : i32
          %dma_wait3A_480 = tpu.memref_slice %arg7[%rem3A_411, %dma_wait3A_479] : memref<8x128xi32, #tpu.memory_space<vmem>> -> memref<1x128xi32, #tpu.memory_space<vmem>>
          %dma_wait3A_481 = tpu.memref_squeeze %dma_wait3A_480 : memref<1x128xi32, #tpu.memory_space<vmem>> -> memref<128xi32, #tpu.memory_space<vmem>>
          %dma_wait3A_482 = arith.constant 0 : i32
          %dma_wait3A_483 = arith.constant 0 : i32
          %dma_wait3A_484 = tpu.memref_slice %arg9[%dma_wait3A_482, %dma_wait3A_483] : memref<10048x64xf32, #tpu.memory_space<vmem_shared>> -> memref<10048x64xf32, #tpu.memory_space<vmem_shared>>
          tpu.wait_indirect_dma semaphore(%arg14 : memref<!tpu.dma_semaphore, #tpu.memory_space<semaphore_mem>>) src(%dma_wait3A_478 : memref<128x64xf32, #tpu.memory_space<vmem>>) dst(%dma_wait3A_484 : memref<10048x64xf32, #tpu.memory_space<vmem_shared>>)
        } else {
        }
        %eq3A_431 = arith.constant 0 : i32
        %eq3A_432 = arith.cmpi eq, %rem3A_425, %eq3A_431 : i32
        %convert_element_type3A_433 = arith.extui %eq3A_432 : i1 to i32
        %cond3A_434 = arith.constant 0 : i32
        %cond3A_435 = arith.cmpi ne, %convert_element_type3A_433, %cond3A_434 : i32
        scf.if %cond3A_435 {
          %dma_start3A_475 = arith.constant 0 : i32
          %dma_start3A_476 = arith.constant 0 : i32
          %dma_start3A_477 = tpu.memref_slice %arg8[%rem3A_421, %dma_start3A_475, %dma_start3A_476] : memref<4x128x64xf32, #tpu.memory_space<vmem>> -> memref<1x128x64xf32, #tpu.memory_space<vmem>>
          %dma_start3A_478 = tpu.memref_squeeze %dma_start3A_477 : memref<1x128x64xf32, #tpu.memory_space<vmem>> -> memref<128x64xf32, #tpu.memory_space<vmem>>
          %dma_start3A_479 = arith.constant 0 : i32
          %dma_start3A_480 = tpu.memref_slice %arg6[%rem3A_415, %dma_start3A_479] : memref<8x128xi32, #tpu.memory_space<vmem>> -> memref<1x128xi32, #tpu.memory_space<vmem>>
          %dma_start3A_481 = tpu.memref_squeeze %dma_start3A_480 : memref<1x128xi32, #tpu.memory_space<vmem>> -> memref<128xi32, #tpu.memory_space<vmem>>
          %dma_start3A_482 = arith.constant 0 : i32
          %dma_start3A_483 = arith.constant 0 : i32
          %dma_start3A_484 = tpu.memref_slice %arg4[%arg0, %dma_start3A_482, %dma_start3A_483] : memref<2x10000x64xf32, #tpu.memory_space<hbm>> -> memref<1x10000x64xf32, #tpu.memory_space<hbm>>
          %dma_start3A_485 = tpu.memref_squeeze %dma_start3A_484 : memref<1x10000x64xf32, #tpu.memory_space<hbm>> -> memref<10000x64xf32, #tpu.memory_space<hbm>>
          %dma_start3A_486 = arith.constant 0 : i32
          %dma_start3A_487 = arith.constant 0 : i32
          %dma_start3A_488 = tpu.memref_slice %dma_start3A_485[%dma_start3A_486, %dma_start3A_487] : memref<10000x64xf32, #tpu.memory_space<hbm>> -> memref<10000x64xf32, #tpu.memory_space<hbm>>
          tpu.enqueue_indirect_dma source(%dma_start3A_488 : memref<10000x64xf32, #tpu.memory_space<hbm>>) target(%dma_start3A_478 : memref<128x64xf32, #tpu.memory_space<vmem>>) offsets(%dma_start3A_481 : memref<128xi32, #tpu.memory_space<vmem>>) semaphore(%arg10 : memref<!tpu.dma_semaphore, #tpu.memory_space<semaphore_mem>>)
        } else {
        }
        %eq3A_436 = arith.constant 1 : i32
        %eq3A_437 = arith.cmpi eq, %rem3A_425, %eq3A_436 : i32
        %convert_element_type3A_438 = arith.extui %eq3A_437 : i1 to i32
        %cond3A_439 = arith.constant 0 : i32
        %cond3A_440 = arith.cmpi ne, %convert_element_type3A_438, %cond3A_439 : i32
        scf.if %cond3A_440 {
          %dma_start3A_475 = arith.constant 0 : i32
          %dma_start3A_476 = arith.constant 0 : i32
          %dma_start3A_477 = tpu.memref_slice %arg8[%rem3A_421, %dma_start3A_475, %dma_start3A_476] : memref<4x128x64xf32, #tpu.memory_space<vmem>> -> memref<1x128x64xf32, #tpu.memory_space<vmem>>
          %dma_start3A_478 = tpu.memref_squeeze %dma_start3A_477 : memref<1x128x64xf32, #tpu.memory_space<vmem>> -> memref<128x64xf32, #tpu.memory_space<vmem>>
          %dma_start3A_479 = arith.constant 0 : i32
          %dma_start3A_480 = tpu.memref_slice %arg6[%rem3A_415, %dma_start3A_479] : memref<8x128xi32, #tpu.memory_space<vmem>> -> memref<1x128xi32, #tpu.memory_space<vmem>>
          %dma_start3A_481 = tpu.memref_squeeze %dma_start3A_480 : memref<1x128xi32, #tpu.memory_space<vmem>> -> memref<128xi32, #tpu.memory_space<vmem>>
          %dma_start3A_482 = arith.constant 0 : i32
          %dma_start3A_483 = arith.constant 0 : i32
          %dma_start3A_484 = tpu.memref_slice %arg4[%arg0, %dma_start3A_482, %dma_start3A_483] : memref<2x10000x64xf32, #tpu.memory_space<hbm>> -> memref<1x10000x64xf32, #tpu.memory_space<hbm>>
          %dma_start3A_485 = tpu.memref_squeeze %dma_start3A_484 : memref<1x10000x64xf32, #tpu.memory_space<hbm>> -> memref<10000x64xf32, #tpu.memory_space<hbm>>
          %dma_start3A_486 = arith.constant 0 : i32
          %dma_start3A_487 = arith.constant 0 : i32
          %dma_start3A_488 = tpu.memref_slice %dma_start3A_485[%dma_start3A_486, %dma_start3A_487] : memref<10000x64xf32, #tpu.memory_space<hbm>> -> memref<10000x64xf32, #tpu.memory_space<hbm>>
          tpu.enqueue_indirect_dma source(%dma_start3A_488 : memref<10000x64xf32, #tpu.memory_space<hbm>>) target(%dma_start3A_478 : memref<128x64xf32, #tpu.memory_space<vmem>>) offsets(%dma_start3A_481 : memref<128xi32, #tpu.memory_space<vmem>>) semaphore(%arg11 : memref<!tpu.dma_semaphore, #tpu.memory_space<semaphore_mem>>)
        } else {
        }
        %eq3A_441 = arith.constant 2 : i32
        %eq3A_442 = arith.cmpi eq, %rem3A_425, %eq3A_441 : i32
        %convert_element_type3A_443 = arith.extui %eq3A_442 : i1 to i32
        %cond3A_444 = arith.constant 0 : i32
        %cond3A_445 = arith.cmpi ne, %convert_element_type3A_443, %cond3A_444 : i32
        scf.if %cond3A_445 {
          %dma_start3A_475 = arith.constant 0 : i32
          %dma_start3A_476 = arith.constant 0 : i32
          %dma_start3A_477 = tpu.memref_slice %arg8[%rem3A_421, %dma_start3A_475, %dma_start3A_476] : memref<4x128x64xf32, #tpu.memory_space<vmem>> -> memref<1x128x64xf32, #tpu.memory_space<vmem>>
          %dma_start3A_478 = tpu.memref_squeeze %dma_start3A_477 : memref<1x128x64xf32, #tpu.memory_space<vmem>> -> memref<128x64xf32, #tpu.memory_space<vmem>>
          %dma_start3A_479 = arith.constant 0 : i32
          %dma_start3A_480 = tpu.memref_slice %arg6[%rem3A_415, %dma_start3A_479] : memref<8x128xi32, #tpu.memory_space<vmem>> -> memref<1x128xi32, #tpu.memory_space<vmem>>
          %dma_start3A_481 = tpu.memref_squeeze %dma_start3A_480 : memref<1x128xi32, #tpu.memory_space<vmem>> -> memref<128xi32, #tpu.memory_space<vmem>>
          %dma_start3A_482 = arith.constant 0 : i32
          %dma_start3A_483 = arith.constant 0 : i32
          %dma_start3A_484 = tpu.memref_slice %arg4[%arg0, %dma_start3A_482, %dma_start3A_483] : memref<2x10000x64xf32, #tpu.memory_space<hbm>> -> memref<1x10000x64xf32, #tpu.memory_space<hbm>>
          %dma_start3A_485 = tpu.memref_squeeze %dma_start3A_484 : memref<1x10000x64xf32, #tpu.memory_space<hbm>> -> memref<10000x64xf32, #tpu.memory_space<hbm>>
          %dma_start3A_486 = arith.constant 0 : i32
          %dma_start3A_487 = arith.constant 0 : i32
          %dma_start3A_488 = tpu.memref_slice %dma_start3A_485[%dma_start3A_486, %dma_start3A_487] : memref<10000x64xf32, #tpu.memory_space<hbm>> -> memref<10000x64xf32, #tpu.memory_space<hbm>>
          tpu.enqueue_indirect_dma source(%dma_start3A_488 : memref<10000x64xf32, #tpu.memory_space<hbm>>) target(%dma_start3A_478 : memref<128x64xf32, #tpu.memory_space<vmem>>) offsets(%dma_start3A_481 : memref<128xi32, #tpu.memory_space<vmem>>) semaphore(%arg12 : memref<!tpu.dma_semaphore, #tpu.memory_space<semaphore_mem>>)
        } else {
        }
        %dma_start3A_446 = arith.constant 0 : i32
        %dma_start3A_447 = arith.constant 0 : i32
        %dma_start3A_448 = tpu.memref_slice %arg8[%rem3A_417, %dma_start3A_446, %dma_start3A_447] : memref<4x128x64xf32, #tpu.memory_space<vmem>> -> memref<1x128x64xf32, #tpu.memory_space<vmem>>
        %dma_start3A_449 = tpu.memref_squeeze %dma_start3A_448 : memref<1x128x64xf32, #tpu.memory_space<vmem>> -> memref<128x64xf32, #tpu.memory_space<vmem>>
        %dma_start3A_450 = arith.constant 0 : i32
        %dma_start3A_451 = tpu.memref_slice %arg7[%rem3A_411, %dma_start3A_450] : memref<8x128xi32, #tpu.memory_space<vmem>> -> memref<1x128xi32, #tpu.memory_space<vmem>>
        %dma_start3A_452 = tpu.memref_squeeze %dma_start3A_451 : memref<1x128xi32, #tpu.memory_space<vmem>> -> memref<128xi32, #tpu.memory_space<vmem>>
        %dma_start3A_453 = arith.constant 0 : i32
        %dma_start3A_454 = arith.constant 0 : i32
        %dma_start3A_455 = tpu.memref_slice %arg9[%dma_start3A_453, %dma_start3A_454] : memref<10048x64xf32, #tpu.memory_space<vmem_shared>> -> memref<10048x64xf32, #tpu.memory_space<vmem_shared>>
        tpu.enqueue_indirect_dma source(%dma_start3A_449 : memref<128x64xf32, #tpu.memory_space<vmem>>) target(%dma_start3A_455 : memref<10048x64xf32, #tpu.memory_space<vmem_shared>>) offsets(%dma_start3A_452 : memref<128xi32, #tpu.memory_space<vmem>>) semaphore(%arg14 : memref<!tpu.dma_semaphore, #tpu.memory_space<semaphore_mem>>) {add = true}
        %add3A_456 = arith.constant 1 : i32
        %add3A_457 = arith.addi %add3A_409, %add3A_456 : i32
        %rem3A_458 = arith.constant 3 : i32
        %rem3A_459 = arith.remsi %add3A_457, %rem3A_458 : i32
        %eq3A_460 = arith.constant 0 : i32
        %eq3A_461 = arith.cmpi eq, %rem3A_459, %eq3A_460 : i32
        %convert_element_type3A_462 = arith.extui %eq3A_461 : i1 to i32
        %cond3A_463 = arith.constant 0 : i32
        %cond3A_464 = arith.cmpi ne, %convert_element_type3A_462, %cond3A_463 : i32
        scf.if %cond3A_464 {
          %dma_wait3A_475 = arith.constant 0 : i32
          %dma_wait3A_476 = arith.constant 0 : i32
          %dma_wait3A_477 = arith.constant 0 : i32
          %dma_wait3A_478 = arith.constant 0 : i32
          %dma_wait3A_479 = tpu.memref_slice %arg8[%dma_wait3A_476, %dma_wait3A_477, %dma_wait3A_478] : memref<4x128x64xf32, #tpu.memory_space<vmem>> -> memref<1x128x64xf32, #tpu.memory_space<vmem>>
          %dma_wait3A_480 = tpu.memref_squeeze %dma_wait3A_479 : memref<1x128x64xf32, #tpu.memory_space<vmem>> -> memref<128x64xf32, #tpu.memory_space<vmem>>
          %dma_wait3A_481 = arith.constant 0 : i32
          %dma_wait3A_482 = tpu.memref_slice %arg6[%dma_wait3A_475, %dma_wait3A_481] : memref<8x128xi32, #tpu.memory_space<vmem>> -> memref<1x128xi32, #tpu.memory_space<vmem>>
          %dma_wait3A_483 = tpu.memref_squeeze %dma_wait3A_482 : memref<1x128xi32, #tpu.memory_space<vmem>> -> memref<128xi32, #tpu.memory_space<vmem>>
          %dma_wait3A_484 = arith.constant 0 : i32
          %dma_wait3A_485 = arith.constant 0 : i32
          %dma_wait3A_486 = tpu.memref_slice %arg4[%arg0, %dma_wait3A_484, %dma_wait3A_485] : memref<2x10000x64xf32, #tpu.memory_space<hbm>> -> memref<1x10000x64xf32, #tpu.memory_space<hbm>>
          %dma_wait3A_487 = tpu.memref_squeeze %dma_wait3A_486 : memref<1x10000x64xf32, #tpu.memory_space<hbm>> -> memref<10000x64xf32, #tpu.memory_space<hbm>>
          %dma_wait3A_488 = arith.constant 0 : i32
          %dma_wait3A_489 = arith.constant 0 : i32
          %dma_wait3A_490 = tpu.memref_slice %dma_wait3A_487[%dma_wait3A_488, %dma_wait3A_489] : memref<10000x64xf32, #tpu.memory_space<hbm>> -> memref<10000x64xf32, #tpu.memory_space<hbm>>
          tpu.wait_indirect_dma semaphore(%arg10 : memref<!tpu.dma_semaphore, #tpu.memory_space<semaphore_mem>>) src(%dma_wait3A_490 : memref<10000x64xf32, #tpu.memory_space<hbm>>) dst(%dma_wait3A_480 : memref<128x64xf32, #tpu.memory_space<vmem>>)
        } else {
        }
        %eq3A_465 = arith.constant 1 : i32
        %eq3A_466 = arith.cmpi eq, %rem3A_459, %eq3A_465 : i32
        %convert_element_type3A_467 = arith.extui %eq3A_466 : i1 to i32
        %cond3A_468 = arith.constant 0 : i32
        %cond3A_469 = arith.cmpi ne, %convert_element_type3A_467, %cond3A_468 : i32
        scf.if %cond3A_469 {
          %dma_wait3A_475 = arith.constant 0 : i32
          %dma_wait3A_476 = arith.constant 0 : i32
          %dma_wait3A_477 = arith.constant 0 : i32
          %dma_wait3A_478 = arith.constant 0 : i32
          %dma_wait3A_479 = tpu.memref_slice %arg8[%dma_wait3A_476, %dma_wait3A_477, %dma_wait3A_478] : memref<4x128x64xf32, #tpu.memory_space<vmem>> -> memref<1x128x64xf32, #tpu.memory_space<vmem>>
          %dma_wait3A_480 = tpu.memref_squeeze %dma_wait3A_479 : memref<1x128x64xf32, #tpu.memory_space<vmem>> -> memref<128x64xf32, #tpu.memory_space<vmem>>
          %dma_wait3A_481 = arith.constant 0 : i32
          %dma_wait3A_482 = tpu.memref_slice %arg6[%dma_wait3A_475, %dma_wait3A_481] : memref<8x128xi32, #tpu.memory_space<vmem>> -> memref<1x128xi32, #tpu.memory_space<vmem>>
          %dma_wait3A_483 = tpu.memref_squeeze %dma_wait3A_482 : memref<1x128xi32, #tpu.memory_space<vmem>> -> memref<128xi32, #tpu.memory_space<vmem>>
          %dma_wait3A_484 = arith.constant 0 : i32
          %dma_wait3A_485 = arith.constant 0 : i32
          %dma_wait3A_486 = tpu.memref_slice %arg4[%arg0, %dma_wait3A_484, %dma_wait3A_485] : memref<2x10000x64xf32, #tpu.memory_space<hbm>> -> memref<1x10000x64xf32, #tpu.memory_space<hbm>>
          %dma_wait3A_487 = tpu.memref_squeeze %dma_wait3A_486 : memref<1x10000x64xf32, #tpu.memory_space<hbm>> -> memref<10000x64xf32, #tpu.memory_space<hbm>>
          %dma_wait3A_488 = arith.constant 0 : i32
          %dma_wait3A_489 = arith.constant 0 : i32
          %dma_wait3A_490 = tpu.memref_slice %dma_wait3A_487[%dma_wait3A_488, %dma_wait3A_489] : memref<10000x64xf32, #tpu.memory_space<hbm>> -> memref<10000x64xf32, #tpu.memory_space<hbm>>
          tpu.wait_indirect_dma semaphore(%arg11 : memref<!tpu.dma_semaphore, #tpu.memory_space<semaphore_mem>>) src(%dma_wait3A_490 : memref<10000x64xf32, #tpu.memory_space<hbm>>) dst(%dma_wait3A_480 : memref<128x64xf32, #tpu.memory_space<vmem>>)
        } else {
        }
        %eq3A_470 = arith.constant 2 : i32
        %eq3A_471 = arith.cmpi eq, %rem3A_459, %eq3A_470 : i32
        %convert_element_type3A_472 = arith.extui %eq3A_471 : i1 to i32
        %cond3A_473 = arith.constant 0 : i32
        %cond3A_474 = arith.cmpi ne, %convert_element_type3A_472, %cond3A_473 : i32
        scf.if %cond3A_474 {
          %dma_wait3A_475 = arith.constant 0 : i32
          %dma_wait3A_476 = arith.constant 0 : i32
          %dma_wait3A_477 = arith.constant 0 : i32
          %dma_wait3A_478 = arith.constant 0 : i32
          %dma_wait3A_479 = tpu.memref_slice %arg8[%dma_wait3A_476, %dma_wait3A_477, %dma_wait3A_478] : memref<4x128x64xf32, #tpu.memory_space<vmem>> -> memref<1x128x64xf32, #tpu.memory_space<vmem>>
          %dma_wait3A_480 = tpu.memref_squeeze %dma_wait3A_479 : memref<1x128x64xf32, #tpu.memory_space<vmem>> -> memref<128x64xf32, #tpu.memory_space<vmem>>
          %dma_wait3A_481 = arith.constant 0 : i32
          %dma_wait3A_482 = tpu.memref_slice %arg6[%dma_wait3A_475, %dma_wait3A_481] : memref<8x128xi32, #tpu.memory_space<vmem>> -> memref<1x128xi32, #tpu.memory_space<vmem>>
          %dma_wait3A_483 = tpu.memref_squeeze %dma_wait3A_482 : memref<1x128xi32, #tpu.memory_space<vmem>> -> memref<128xi32, #tpu.memory_space<vmem>>
          %dma_wait3A_484 = arith.constant 0 : i32
          %dma_wait3A_485 = arith.constant 0 : i32
          %dma_wait3A_486 = tpu.memref_slice %arg4[%arg0, %dma_wait3A_484, %dma_wait3A_485] : memref<2x10000x64xf32, #tpu.memory_space<hbm>> -> memref<1x10000x64xf32, #tpu.memory_space<hbm>>
          %dma_wait3A_487 = tpu.memref_squeeze %dma_wait3A_486 : memref<1x10000x64xf32, #tpu.memory_space<hbm>> -> memref<10000x64xf32, #tpu.memory_space<hbm>>
          %dma_wait3A_488 = arith.constant 0 : i32
          %dma_wait3A_489 = arith.constant 0 : i32
          %dma_wait3A_490 = tpu.memref_slice %dma_wait3A_487[%dma_wait3A_488, %dma_wait3A_489] : memref<10000x64xf32, #tpu.memory_space<hbm>> -> memref<10000x64xf32, #tpu.memory_space<hbm>>
          tpu.wait_indirect_dma semaphore(%arg12 : memref<!tpu.dma_semaphore, #tpu.memory_space<semaphore_mem>>) src(%dma_wait3A_490 : memref<10000x64xf32, #tpu.memory_space<hbm>>) dst(%dma_wait3A_480 : memref<128x64xf32, #tpu.memory_space<vmem>>)
        } else {
        }
      }
      %dma_wait3A_191 = arith.constant 0 : i32
      %dma_wait3A_192 = tpu.memref_slice %arg6[%mul3A_158, %dma_wait3A_191] : memref<8x128xi32, #tpu.memory_space<vmem>> -> memref<4x128xi32, #tpu.memory_space<vmem>>
      %dma_wait3A_193 = arith.constant 0 : i32
      %dma_wait3A_194 = tpu.memref_slice %arg2[%arg1, %multiple_of3A, %dma_wait3A_193] : memref<16x160x128xi32, #tpu.memory_space<hbm>> -> memref<1x4x128xi32, #tpu.memory_space<hbm>>
      %dma_wait3A_195 = tpu.memref_squeeze %dma_wait3A_194 : memref<1x4x128xi32, #tpu.memory_space<hbm>> -> memref<4x128xi32, #tpu.memory_space<hbm>>
      %dma_wait3A_196 = arith.constant 0 : i32
      %dma_wait3A_197 = tpu.memref_slice %arg6[%mul3A_158, %dma_wait3A_196] : memref<8x128xi32, #tpu.memory_space<vmem>> -> memref<4x128xi32, #tpu.memory_space<vmem>>
      %dma_wait3A_198 = arith.constant 0 : i32
      %dma_wait3A_199 = tpu.memref_slice %arg2[%arg1, %multiple_of3A, %dma_wait3A_198] : memref<16x160x128xi32, #tpu.memory_space<hbm>> -> memref<1x4x128xi32, #tpu.memory_space<hbm>>
      %dma_wait3A_200 = tpu.memref_squeeze %dma_wait3A_199 : memref<1x4x128xi32, #tpu.memory_space<hbm>> -> memref<4x128xi32, #tpu.memory_space<hbm>>
      tpu.wait_dma2 semaphore(%arg13 : memref<!tpu.dma_semaphore, #tpu.memory_space<semaphore_mem>>) src(%dma_wait3A_200 : memref<4x128xi32, #tpu.memory_space<hbm>>) dst(%dma_wait3A_197 : memref<4x128xi32, #tpu.memory_space<vmem>>)
      %dma_wait3A_201 = arith.constant 0 : i32
      %dma_wait3A_202 = tpu.memref_slice %arg7[%mul3A_158, %dma_wait3A_201] : memref<8x128xi32, #tpu.memory_space<vmem>> -> memref<4x128xi32, #tpu.memory_space<vmem>>
      %dma_wait3A_203 = arith.constant 0 : i32
      %dma_wait3A_204 = tpu.memref_slice %arg3[%arg1, %multiple_of3A, %dma_wait3A_203] : memref<16x160x128xi32, #tpu.memory_space<hbm>> -> memref<1x4x128xi32, #tpu.memory_space<hbm>>
      %dma_wait3A_205 = tpu.memref_squeeze %dma_wait3A_204 : memref<1x4x128xi32, #tpu.memory_space<hbm>> -> memref<4x128xi32, #tpu.memory_space<hbm>>
      %dma_wait3A_206 = arith.constant 0 : i32
      %dma_wait3A_207 = tpu.memref_slice %arg7[%mul3A_158, %dma_wait3A_206] : memref<8x128xi32, #tpu.memory_space<vmem>> -> memref<4x128xi32, #tpu.memory_space<vmem>>
      %dma_wait3A_208 = arith.constant 0 : i32
      %dma_wait3A_209 = tpu.memref_slice %arg3[%arg1, %multiple_of3A, %dma_wait3A_208] : memref<16x160x128xi32, #tpu.memory_space<hbm>> -> memref<1x4x128xi32, #tpu.memory_space<hbm>>
      %dma_wait3A_210 = tpu.memref_squeeze %dma_wait3A_209 : memref<1x4x128xi32, #tpu.memory_space<hbm>> -> memref<4x128xi32, #tpu.memory_space<hbm>>
      tpu.wait_dma2 semaphore(%arg13 : memref<!tpu.dma_semaphore, #tpu.memory_space<semaphore_mem>>) src(%dma_wait3A_210 : memref<4x128xi32, #tpu.memory_space<hbm>>) dst(%dma_wait3A_207 : memref<4x128xi32, #tpu.memory_space<vmem>>)
      %add3A_211 = arith.constant 1 : i32
      %add3A_212 = arith.addi %mul3A_180, %add3A_211 : i32
      %rem3A_213 = arith.constant 8 : i32
      %rem3A_214 = arith.remsi %add3A_212, %rem3A_213 : i32
      %add3A_215 = arith.constant 3 : i32
      %add3A_216 = arith.addi %add3A_212, %add3A_215 : i32
      %rem3A_217 = arith.constant 8 : i32
      %rem3A_218 = arith.remsi %add3A_216, %rem3A_217 : i32
      %rem3A_219 = arith.constant 4 : i32
      %rem3A_220 = arith.remsi %add3A_212, %rem3A_219 : i32
      %add3A_221 = arith.constant 3 : i32
      %add3A_222 = arith.addi %add3A_212, %add3A_221 : i32
      %rem3A_223 = arith.constant 4 : i32
      %rem3A_224 = arith.remsi %add3A_222, %rem3A_223 : i32
      %add3A_225 = arith.constant 3 : i32
      %add3A_226 = arith.addi %add3A_212, %add3A_225 : i32
      %rem3A_227 = arith.constant 3 : i32
      %rem3A_228 = arith.remsi %add3A_226, %rem3A_227 : i32
      %gt3A = arith.constant 0 : i32
      %gt3A_229 = arith.cmpi sgt, %add3A_212, %gt3A : i32
      %convert_element_type3A = arith.extui %gt3A_229 : i1 to i32
      %cond3A = arith.constant 0 : i32
      %cond3A_230 = arith.cmpi ne, %convert_element_type3A, %cond3A : i32
      scf.if %cond3A_230 {
        %dma_wait3A_408 = arith.constant 0 : i32
        %dma_wait3A_409 = arith.constant 0 : i32
        %dma_wait3A_410 = tpu.memref_slice %arg8[%rem3A_220, %dma_wait3A_408, %dma_wait3A_409] : memref<4x128x64xf32, #tpu.memory_space<vmem>> -> memref<1x128x64xf32, #tpu.memory_space<vmem>>
        %dma_wait3A_411 = tpu.memref_squeeze %dma_wait3A_410 : memref<1x128x64xf32, #tpu.memory_space<vmem>> -> memref<128x64xf32, #tpu.memory_space<vmem>>
        %dma_wait3A_412 = arith.constant 0 : i32
        %dma_wait3A_413 = tpu.memref_slice %arg7[%rem3A_214, %dma_wait3A_412] : memref<8x128xi32, #tpu.memory_space<vmem>> -> memref<1x128xi32, #tpu.memory_space<vmem>>
        %dma_wait3A_414 = tpu.memref_squeeze %dma_wait3A_413 : memref<1x128xi32, #tpu.memory_space<vmem>> -> memref<128xi32, #tpu.memory_space<vmem>>
        %dma_wait3A_415 = arith.constant 0 : i32
        %dma_wait3A_416 = arith.constant 0 : i32
        %dma_wait3A_417 = tpu.memref_slice %arg9[%dma_wait3A_415, %dma_wait3A_416] : memref<10048x64xf32, #tpu.memory_space<vmem_shared>> -> memref<10048x64xf32, #tpu.memory_space<vmem_shared>>
        tpu.wait_indirect_dma semaphore(%arg14 : memref<!tpu.dma_semaphore, #tpu.memory_space<semaphore_mem>>) src(%dma_wait3A_411 : memref<128x64xf32, #tpu.memory_space<vmem>>) dst(%dma_wait3A_417 : memref<10048x64xf32, #tpu.memory_space<vmem_shared>>)
      } else {
      }
      %eq3A = arith.constant 0 : i32
      %eq3A_231 = arith.cmpi eq, %rem3A_228, %eq3A : i32
      %convert_element_type3A_232 = arith.extui %eq3A_231 : i1 to i32
      %cond3A_233 = arith.constant 0 : i32
      %cond3A_234 = arith.cmpi ne, %convert_element_type3A_232, %cond3A_233 : i32
      scf.if %cond3A_234 {
        %dma_start3A_408 = arith.constant 0 : i32
        %dma_start3A_409 = arith.constant 0 : i32
        %dma_start3A_410 = tpu.memref_slice %arg8[%rem3A_224, %dma_start3A_408, %dma_start3A_409] : memref<4x128x64xf32, #tpu.memory_space<vmem>> -> memref<1x128x64xf32, #tpu.memory_space<vmem>>
        %dma_start3A_411 = tpu.memref_squeeze %dma_start3A_410 : memref<1x128x64xf32, #tpu.memory_space<vmem>> -> memref<128x64xf32, #tpu.memory_space<vmem>>
        %dma_start3A_412 = arith.constant 0 : i32
        %dma_start3A_413 = tpu.memref_slice %arg6[%rem3A_218, %dma_start3A_412] : memref<8x128xi32, #tpu.memory_space<vmem>> -> memref<1x128xi32, #tpu.memory_space<vmem>>
        %dma_start3A_414 = tpu.memref_squeeze %dma_start3A_413 : memref<1x128xi32, #tpu.memory_space<vmem>> -> memref<128xi32, #tpu.memory_space<vmem>>
        %dma_start3A_415 = arith.constant 0 : i32
        %dma_start3A_416 = arith.constant 0 : i32
        %dma_start3A_417 = tpu.memref_slice %arg4[%arg0, %dma_start3A_415, %dma_start3A_416] : memref<2x10000x64xf32, #tpu.memory_space<hbm>> -> memref<1x10000x64xf32, #tpu.memory_space<hbm>>
        %dma_start3A_418 = tpu.memref_squeeze %dma_start3A_417 : memref<1x10000x64xf32, #tpu.memory_space<hbm>> -> memref<10000x64xf32, #tpu.memory_space<hbm>>
        %dma_start3A_419 = arith.constant 0 : i32
        %dma_start3A_420 = arith.constant 0 : i32
        %dma_start3A_421 = tpu.memref_slice %dma_start3A_418[%dma_start3A_419, %dma_start3A_420] : memref<10000x64xf32, #tpu.memory_space<hbm>> -> memref<10000x64xf32, #tpu.memory_space<hbm>>
        tpu.enqueue_indirect_dma source(%dma_start3A_421 : memref<10000x64xf32, #tpu.memory_space<hbm>>) target(%dma_start3A_411 : memref<128x64xf32, #tpu.memory_space<vmem>>) offsets(%dma_start3A_414 : memref<128xi32, #tpu.memory_space<vmem>>) semaphore(%arg10 : memref<!tpu.dma_semaphore, #tpu.memory_space<semaphore_mem>>)
      } else {
      }
      %eq3A_235 = arith.constant 1 : i32
      %eq3A_236 = arith.cmpi eq, %rem3A_228, %eq3A_235 : i32
      %convert_element_type3A_237 = arith.extui %eq3A_236 : i1 to i32
      %cond3A_238 = arith.constant 0 : i32
      %cond3A_239 = arith.cmpi ne, %convert_element_type3A_237, %cond3A_238 : i32
      scf.if %cond3A_239 {
        %dma_start3A_408 = arith.constant 0 : i32
        %dma_start3A_409 = arith.constant 0 : i32
        %dma_start3A_410 = tpu.memref_slice %arg8[%rem3A_224, %dma_start3A_408, %dma_start3A_409] : memref<4x128x64xf32, #tpu.memory_space<vmem>> -> memref<1x128x64xf32, #tpu.memory_space<vmem>>
        %dma_start3A_411 = tpu.memref_squeeze %dma_start3A_410 : memref<1x128x64xf32, #tpu.memory_space<vmem>> -> memref<128x64xf32, #tpu.memory_space<vmem>>
        %dma_start3A_412 = arith.constant 0 : i32
        %dma_start3A_413 = tpu.memref_slice %arg6[%rem3A_218, %dma_start3A_412] : memref<8x128xi32, #tpu.memory_space<vmem>> -> memref<1x128xi32, #tpu.memory_space<vmem>>
        %dma_start3A_414 = tpu.memref_squeeze %dma_start3A_413 : memref<1x128xi32, #tpu.memory_space<vmem>> -> memref<128xi32, #tpu.memory_space<vmem>>
        %dma_start3A_415 = arith.constant 0 : i32
        %dma_start3A_416 = arith.constant 0 : i32
        %dma_start3A_417 = tpu.memref_slice %arg4[%arg0, %dma_start3A_415, %dma_start3A_416] : memref<2x10000x64xf32, #tpu.memory_space<hbm>> -> memref<1x10000x64xf32, #tpu.memory_space<hbm>>
        %dma_start3A_418 = tpu.memref_squeeze %dma_start3A_417 : memref<1x10000x64xf32, #tpu.memory_space<hbm>> -> memref<10000x64xf32, #tpu.memory_space<hbm>>
        %dma_start3A_419 = arith.constant 0 : i32
        %dma_start3A_420 = arith.constant 0 : i32
        %dma_start3A_421 = tpu.memref_slice %dma_start3A_418[%dma_start3A_419, %dma_start3A_420] : memref<10000x64xf32, #tpu.memory_space<hbm>> -> memref<10000x64xf32, #tpu.memory_space<hbm>>
        tpu.enqueue_indirect_dma source(%dma_start3A_421 : memref<10000x64xf32, #tpu.memory_space<hbm>>) target(%dma_start3A_411 : memref<128x64xf32, #tpu.memory_space<vmem>>) offsets(%dma_start3A_414 : memref<128xi32, #tpu.memory_space<vmem>>) semaphore(%arg11 : memref<!tpu.dma_semaphore, #tpu.memory_space<semaphore_mem>>)
      } else {
      }
      %eq3A_240 = arith.constant 2 : i32
      %eq3A_241 = arith.cmpi eq, %rem3A_228, %eq3A_240 : i32
      %convert_element_type3A_242 = arith.extui %eq3A_241 : i1 to i32
      %cond3A_243 = arith.constant 0 : i32
      %cond3A_244 = arith.cmpi ne, %convert_element_type3A_242, %cond3A_243 : i32
      scf.if %cond3A_244 {
        %dma_start3A_408 = arith.constant 0 : i32
        %dma_start3A_409 = arith.constant 0 : i32
        %dma_start3A_410 = tpu.memref_slice %arg8[%rem3A_224, %dma_start3A_408, %dma_start3A_409] : memref<4x128x64xf32, #tpu.memory_space<vmem>> -> memref<1x128x64xf32, #tpu.memory_space<vmem>>
        %dma_start3A_411 = tpu.memref_squeeze %dma_start3A_410 : memref<1x128x64xf32, #tpu.memory_space<vmem>> -> memref<128x64xf32, #tpu.memory_space<vmem>>
        %dma_start3A_412 = arith.constant 0 : i32
        %dma_start3A_413 = tpu.memref_slice %arg6[%rem3A_218, %dma_start3A_412] : memref<8x128xi32, #tpu.memory_space<vmem>> -> memref<1x128xi32, #tpu.memory_space<vmem>>
        %dma_start3A_414 = tpu.memref_squeeze %dma_start3A_413 : memref<1x128xi32, #tpu.memory_space<vmem>> -> memref<128xi32, #tpu.memory_space<vmem>>
        %dma_start3A_415 = arith.constant 0 : i32
        %dma_start3A_416 = arith.constant 0 : i32
        %dma_start3A_417 = tpu.memref_slice %arg4[%arg0, %dma_start3A_415, %dma_start3A_416] : memref<2x10000x64xf32, #tpu.memory_space<hbm>> -> memref<1x10000x64xf32, #tpu.memory_space<hbm>>
        %dma_start3A_418 = tpu.memref_squeeze %dma_start3A_417 : memref<1x10000x64xf32, #tpu.memory_space<hbm>> -> memref<10000x64xf32, #tpu.memory_space<hbm>>
        %dma_start3A_419 = arith.constant 0 : i32
        %dma_start3A_420 = arith.constant 0 : i32
        %dma_start3A_421 = tpu.memref_slice %dma_start3A_418[%dma_start3A_419, %dma_start3A_420] : memref<10000x64xf32, #tpu.memory_space<hbm>> -> memref<10000x64xf32, #tpu.memory_space<hbm>>
        tpu.enqueue_indirect_dma source(%dma_start3A_421 : memref<10000x64xf32, #tpu.memory_space<hbm>>) target(%dma_start3A_411 : memref<128x64xf32, #tpu.memory_space<vmem>>) offsets(%dma_start3A_414 : memref<128xi32, #tpu.memory_space<vmem>>) semaphore(%arg12 : memref<!tpu.dma_semaphore, #tpu.memory_space<semaphore_mem>>)
      } else {
      }
      %dma_start3A_245 = arith.constant 0 : i32
      %dma_start3A_246 = arith.constant 0 : i32
      %dma_start3A_247 = tpu.memref_slice %arg8[%rem3A_220, %dma_start3A_245, %dma_start3A_246] : memref<4x128x64xf32, #tpu.memory_space<vmem>> -> memref<1x128x64xf32, #tpu.memory_space<vmem>>
      %dma_start3A_248 = tpu.memref_squeeze %dma_start3A_247 : memref<1x128x64xf32, #tpu.memory_space<vmem>> -> memref<128x64xf32, #tpu.memory_space<vmem>>
      %dma_start3A_249 = arith.constant 0 : i32
      %dma_start3A_250 = tpu.memref_slice %arg7[%rem3A_214, %dma_start3A_249] : memref<8x128xi32, #tpu.memory_space<vmem>> -> memref<1x128xi32, #tpu.memory_space<vmem>>
      %dma_start3A_251 = tpu.memref_squeeze %dma_start3A_250 : memref<1x128xi32, #tpu.memory_space<vmem>> -> memref<128xi32, #tpu.memory_space<vmem>>
      %dma_start3A_252 = arith.constant 0 : i32
      %dma_start3A_253 = arith.constant 0 : i32
      %dma_start3A_254 = tpu.memref_slice %arg9[%dma_start3A_252, %dma_start3A_253] : memref<10048x64xf32, #tpu.memory_space<vmem_shared>> -> memref<10048x64xf32, #tpu.memory_space<vmem_shared>>
      tpu.enqueue_indirect_dma source(%dma_start3A_248 : memref<128x64xf32, #tpu.memory_space<vmem>>) target(%dma_start3A_254 : memref<10048x64xf32, #tpu.memory_space<vmem_shared>>) offsets(%dma_start3A_251 : memref<128xi32, #tpu.memory_space<vmem>>) semaphore(%arg14 : memref<!tpu.dma_semaphore, #tpu.memory_space<semaphore_mem>>) {add = true}
      %add3A_255 = arith.constant 1 : i32
      %add3A_256 = arith.addi %add3A_212, %add3A_255 : i32
      %rem3A_257 = arith.constant 3 : i32
      %rem3A_258 = arith.remsi %add3A_256, %rem3A_257 : i32
      %eq3A_259 = arith.constant 0 : i32
      %eq3A_260 = arith.cmpi eq, %rem3A_258, %eq3A_259 : i32
      %convert_element_type3A_261 = arith.extui %eq3A_260 : i1 to i32
      %cond3A_262 = arith.constant 0 : i32
      %cond3A_263 = arith.cmpi ne, %convert_element_type3A_261, %cond3A_262 : i32
      scf.if %cond3A_263 {
        %dma_wait3A_408 = arith.constant 0 : i32
        %dma_wait3A_409 = arith.constant 0 : i32
        %dma_wait3A_410 = arith.constant 0 : i32
        %dma_wait3A_411 = arith.constant 0 : i32
        %dma_wait3A_412 = tpu.memref_slice %arg8[%dma_wait3A_409, %dma_wait3A_410, %dma_wait3A_411] : memref<4x128x64xf32, #tpu.memory_space<vmem>> -> memref<1x128x64xf32, #tpu.memory_space<vmem>>
        %dma_wait3A_413 = tpu.memref_squeeze %dma_wait3A_412 : memref<1x128x64xf32, #tpu.memory_space<vmem>> -> memref<128x64xf32, #tpu.memory_space<vmem>>
        %dma_wait3A_414 = arith.constant 0 : i32
        %dma_wait3A_415 = tpu.memref_slice %arg6[%dma_wait3A_408, %dma_wait3A_414] : memref<8x128xi32, #tpu.memory_space<vmem>> -> memref<1x128xi32, #tpu.memory_space<vmem>>
        %dma_wait3A_416 = tpu.memref_squeeze %dma_wait3A_415 : memref<1x128xi32, #tpu.memory_space<vmem>> -> memref<128xi32, #tpu.memory_space<vmem>>
        %dma_wait3A_417 = arith.constant 0 : i32
        %dma_wait3A_418 = arith.constant 0 : i32
        %dma_wait3A_419 = tpu.memref_slice %arg4[%arg0, %dma_wait3A_417, %dma_wait3A_418] : memref<2x10000x64xf32, #tpu.memory_space<hbm>> -> memref<1x10000x64xf32, #tpu.memory_space<hbm>>
        %dma_wait3A_420 = tpu.memref_squeeze %dma_wait3A_419 : memref<1x10000x64xf32, #tpu.memory_space<hbm>> -> memref<10000x64xf32, #tpu.memory_space<hbm>>
        %dma_wait3A_421 = arith.constant 0 : i32
        %dma_wait3A_422 = arith.constant 0 : i32
        %dma_wait3A_423 = tpu.memref_slice %dma_wait3A_420[%dma_wait3A_421, %dma_wait3A_422] : memref<10000x64xf32, #tpu.memory_space<hbm>> -> memref<10000x64xf32, #tpu.memory_space<hbm>>
        tpu.wait_indirect_dma semaphore(%arg10 : memref<!tpu.dma_semaphore, #tpu.memory_space<semaphore_mem>>) src(%dma_wait3A_423 : memref<10000x64xf32, #tpu.memory_space<hbm>>) dst(%dma_wait3A_413 : memref<128x64xf32, #tpu.memory_space<vmem>>)
      } else {
      }
      %eq3A_264 = arith.constant 1 : i32
      %eq3A_265 = arith.cmpi eq, %rem3A_258, %eq3A_264 : i32
      %convert_element_type3A_266 = arith.extui %eq3A_265 : i1 to i32
      %cond3A_267 = arith.constant 0 : i32
      %cond3A_268 = arith.cmpi ne, %convert_element_type3A_266, %cond3A_267 : i32
      scf.if %cond3A_268 {
        %dma_wait3A_408 = arith.constant 0 : i32
        %dma_wait3A_409 = arith.constant 0 : i32
        %dma_wait3A_410 = arith.constant 0 : i32
        %dma_wait3A_411 = arith.constant 0 : i32
        %dma_wait3A_412 = tpu.memref_slice %arg8[%dma_wait3A_409, %dma_wait3A_410, %dma_wait3A_411] : memref<4x128x64xf32, #tpu.memory_space<vmem>> -> memref<1x128x64xf32, #tpu.memory_space<vmem>>
        %dma_wait3A_413 = tpu.memref_squeeze %dma_wait3A_412 : memref<1x128x64xf32, #tpu.memory_space<vmem>> -> memref<128x64xf32, #tpu.memory_space<vmem>>
        %dma_wait3A_414 = arith.constant 0 : i32
        %dma_wait3A_415 = tpu.memref_slice %arg6[%dma_wait3A_408, %dma_wait3A_414] : memref<8x128xi32, #tpu.memory_space<vmem>> -> memref<1x128xi32, #tpu.memory_space<vmem>>
        %dma_wait3A_416 = tpu.memref_squeeze %dma_wait3A_415 : memref<1x128xi32, #tpu.memory_space<vmem>> -> memref<128xi32, #tpu.memory_space<vmem>>
        %dma_wait3A_417 = arith.constant 0 : i32
        %dma_wait3A_418 = arith.constant 0 : i32
        %dma_wait3A_419 = tpu.memref_slice %arg4[%arg0, %dma_wait3A_417, %dma_wait3A_418] : memref<2x10000x64xf32, #tpu.memory_space<hbm>> -> memref<1x10000x64xf32, #tpu.memory_space<hbm>>
        %dma_wait3A_420 = tpu.memref_squeeze %dma_wait3A_419 : memref<1x10000x64xf32, #tpu.memory_space<hbm>> -> memref<10000x64xf32, #tpu.memory_space<hbm>>
        %dma_wait3A_421 = arith.constant 0 : i32
        %dma_wait3A_422 = arith.constant 0 : i32
        %dma_wait3A_423 = tpu.memref_slice %dma_wait3A_420[%dma_wait3A_421, %dma_wait3A_422] : memref<10000x64xf32, #tpu.memory_space<hbm>> -> memref<10000x64xf32, #tpu.memory_space<hbm>>
        tpu.wait_indirect_dma semaphore(%arg11 : memref<!tpu.dma_semaphore, #tpu.memory_space<semaphore_mem>>) src(%dma_wait3A_423 : memref<10000x64xf32, #tpu.memory_space<hbm>>) dst(%dma_wait3A_413 : memref<128x64xf32, #tpu.memory_space<vmem>>)
      } else {
      }
      %eq3A_269 = arith.constant 2 : i32
      %eq3A_270 = arith.cmpi eq, %rem3A_258, %eq3A_269 : i32
      %convert_element_type3A_271 = arith.extui %eq3A_270 : i1 to i32
      %cond3A_272 = arith.constant 0 : i32
      %cond3A_273 = arith.cmpi ne, %convert_element_type3A_271, %cond3A_272 : i32
      scf.if %cond3A_273 {
        %dma_wait3A_408 = arith.constant 0 : i32
        %dma_wait3A_409 = arith.constant 0 : i32
        %dma_wait3A_410 = arith.constant 0 : i32
        %dma_wait3A_411 = arith.constant 0 : i32
        %dma_wait3A_412 = tpu.memref_slice %arg8[%dma_wait3A_409, %dma_wait3A_410, %dma_wait3A_411] : memref<4x128x64xf32, #tpu.memory_space<vmem>> -> memref<1x128x64xf32, #tpu.memory_space<vmem>>
        %dma_wait3A_413 = tpu.memref_squeeze %dma_wait3A_412 : memref<1x128x64xf32, #tpu.memory_space<vmem>> -> memref<128x64xf32, #tpu.memory_space<vmem>>
        %dma_wait3A_414 = arith.constant 0 : i32
        %dma_wait3A_415 = tpu.memref_slice %arg6[%dma_wait3A_408, %dma_wait3A_414] : memref<8x128xi32, #tpu.memory_space<vmem>> -> memref<1x128xi32, #tpu.memory_space<vmem>>
        %dma_wait3A_416 = tpu.memref_squeeze %dma_wait3A_415 : memref<1x128xi32, #tpu.memory_space<vmem>> -> memref<128xi32, #tpu.memory_space<vmem>>
        %dma_wait3A_417 = arith.constant 0 : i32
        %dma_wait3A_418 = arith.constant 0 : i32
        %dma_wait3A_419 = tpu.memref_slice %arg4[%arg0, %dma_wait3A_417, %dma_wait3A_418] : memref<2x10000x64xf32, #tpu.memory_space<hbm>> -> memref<1x10000x64xf32, #tpu.memory_space<hbm>>
        %dma_wait3A_420 = tpu.memref_squeeze %dma_wait3A_419 : memref<1x10000x64xf32, #tpu.memory_space<hbm>> -> memref<10000x64xf32, #tpu.memory_space<hbm>>
        %dma_wait3A_421 = arith.constant 0 : i32
        %dma_wait3A_422 = arith.constant 0 : i32
        %dma_wait3A_423 = tpu.memref_slice %dma_wait3A_420[%dma_wait3A_421, %dma_wait3A_422] : memref<10000x64xf32, #tpu.memory_space<hbm>> -> memref<10000x64xf32, #tpu.memory_space<hbm>>
        tpu.wait_indirect_dma semaphore(%arg12 : memref<!tpu.dma_semaphore, #tpu.memory_space<semaphore_mem>>) src(%dma_wait3A_423 : memref<10000x64xf32, #tpu.memory_space<hbm>>) dst(%dma_wait3A_413 : memref<128x64xf32, #tpu.memory_space<vmem>>)
      } else {
      }
      %add3A_274 = arith.constant 2 : i32
      %add3A_275 = arith.addi %mul3A_180, %add3A_274 : i32
      %rem3A_276 = arith.constant 8 : i32
      %rem3A_277 = arith.remsi %add3A_275, %rem3A_276 : i32
      %add3A_278 = arith.constant 3 : i32
      %add3A_279 = arith.addi %add3A_275, %add3A_278 : i32
      %rem3A_280 = arith.constant 8 : i32
      %rem3A_281 = arith.remsi %add3A_279, %rem3A_280 : i32
      %rem3A_282 = arith.constant 4 : i32
      %rem3A_283 = arith.remsi %add3A_275, %rem3A_282 : i32
      %add3A_284 = arith.constant 3 : i32
      %add3A_285 = arith.addi %add3A_275, %add3A_284 : i32
      %rem3A_286 = arith.constant 4 : i32
      %rem3A_287 = arith.remsi %add3A_285, %rem3A_286 : i32
      %add3A_288 = arith.constant 3 : i32
      %add3A_289 = arith.addi %add3A_275, %add3A_288 : i32
      %rem3A_290 = arith.constant 3 : i32
      %rem3A_291 = arith.remsi %add3A_289, %rem3A_290 : i32
      %gt3A_292 = arith.constant 0 : i32
      %gt3A_293 = arith.cmpi sgt, %add3A_275, %gt3A_292 : i32
      %convert_element_type3A_294 = arith.extui %gt3A_293 : i1 to i32
      %cond3A_295 = arith.constant 0 : i32
      %cond3A_296 = arith.cmpi ne, %convert_element_type3A_294, %cond3A_295 : i32
      scf.if %cond3A_296 {
        %dma_wait3A_408 = arith.constant 0 : i32
        %dma_wait3A_409 = arith.constant 0 : i32
        %dma_wait3A_410 = tpu.memref_slice %arg8[%rem3A_283, %dma_wait3A_408, %dma_wait3A_409] : memref<4x128x64xf32, #tpu.memory_space<vmem>> -> memref<1x128x64xf32, #tpu.memory_space<vmem>>
        %dma_wait3A_411 = tpu.memref_squeeze %dma_wait3A_410 : memref<1x128x64xf32, #tpu.memory_space<vmem>> -> memref<128x64xf32, #tpu.memory_space<vmem>>
        %dma_wait3A_412 = arith.constant 0 : i32
        %dma_wait3A_413 = tpu.memref_slice %arg7[%rem3A_277, %dma_wait3A_412] : memref<8x128xi32, #tpu.memory_space<vmem>> -> memref<1x128xi32, #tpu.memory_space<vmem>>
        %dma_wait3A_414 = tpu.memref_squeeze %dma_wait3A_413 : memref<1x128xi32, #tpu.memory_space<vmem>> -> memref<128xi32, #tpu.memory_space<vmem>>
        %dma_wait3A_415 = arith.constant 0 : i32
        %dma_wait3A_416 = arith.constant 0 : i32
        %dma_wait3A_417 = tpu.memref_slice %arg9[%dma_wait3A_415, %dma_wait3A_416] : memref<10048x64xf32, #tpu.memory_space<vmem_shared>> -> memref<10048x64xf32, #tpu.memory_space<vmem_shared>>
        tpu.wait_indirect_dma semaphore(%arg14 : memref<!tpu.dma_semaphore, #tpu.memory_space<semaphore_mem>>) src(%dma_wait3A_411 : memref<128x64xf32, #tpu.memory_space<vmem>>) dst(%dma_wait3A_417 : memref<10048x64xf32, #tpu.memory_space<vmem_shared>>)
      } else {
      }
      %eq3A_297 = arith.constant 0 : i32
      %eq3A_298 = arith.cmpi eq, %rem3A_291, %eq3A_297 : i32
      %convert_element_type3A_299 = arith.extui %eq3A_298 : i1 to i32
      %cond3A_300 = arith.constant 0 : i32
      %cond3A_301 = arith.cmpi ne, %convert_element_type3A_299, %cond3A_300 : i32
      scf.if %cond3A_301 {
        %dma_start3A_408 = arith.constant 0 : i32
        %dma_start3A_409 = arith.constant 0 : i32
        %dma_start3A_410 = tpu.memref_slice %arg8[%rem3A_287, %dma_start3A_408, %dma_start3A_409] : memref<4x128x64xf32, #tpu.memory_space<vmem>> -> memref<1x128x64xf32, #tpu.memory_space<vmem>>
        %dma_start3A_411 = tpu.memref_squeeze %dma_start3A_410 : memref<1x128x64xf32, #tpu.memory_space<vmem>> -> memref<128x64xf32, #tpu.memory_space<vmem>>
        %dma_start3A_412 = arith.constant 0 : i32
        %dma_start3A_413 = tpu.memref_slice %arg6[%rem3A_281, %dma_start3A_412] : memref<8x128xi32, #tpu.memory_space<vmem>> -> memref<1x128xi32, #tpu.memory_space<vmem>>
        %dma_start3A_414 = tpu.memref_squeeze %dma_start3A_413 : memref<1x128xi32, #tpu.memory_space<vmem>> -> memref<128xi32, #tpu.memory_space<vmem>>
        %dma_start3A_415 = arith.constant 0 : i32
        %dma_start3A_416 = arith.constant 0 : i32
        %dma_start3A_417 = tpu.memref_slice %arg4[%arg0, %dma_start3A_415, %dma_start3A_416] : memref<2x10000x64xf32, #tpu.memory_space<hbm>> -> memref<1x10000x64xf32, #tpu.memory_space<hbm>>
        %dma_start3A_418 = tpu.memref_squeeze %dma_start3A_417 : memref<1x10000x64xf32, #tpu.memory_space<hbm>> -> memref<10000x64xf32, #tpu.memory_space<hbm>>
        %dma_start3A_419 = arith.constant 0 : i32
        %dma_start3A_420 = arith.constant 0 : i32
        %dma_start3A_421 = tpu.memref_slice %dma_start3A_418[%dma_start3A_419, %dma_start3A_420] : memref<10000x64xf32, #tpu.memory_space<hbm>> -> memref<10000x64xf32, #tpu.memory_space<hbm>>
        tpu.enqueue_indirect_dma source(%dma_start3A_421 : memref<10000x64xf32, #tpu.memory_space<hbm>>) target(%dma_start3A_411 : memref<128x64xf32, #tpu.memory_space<vmem>>) offsets(%dma_start3A_414 : memref<128xi32, #tpu.memory_space<vmem>>) semaphore(%arg10 : memref<!tpu.dma_semaphore, #tpu.memory_space<semaphore_mem>>)
      } else {
      }
      %eq3A_302 = arith.constant 1 : i32
      %eq3A_303 = arith.cmpi eq, %rem3A_291, %eq3A_302 : i32
      %convert_element_type3A_304 = arith.extui %eq3A_303 : i1 to i32
      %cond3A_305 = arith.constant 0 : i32
      %cond3A_306 = arith.cmpi ne, %convert_element_type3A_304, %cond3A_305 : i32
      scf.if %cond3A_306 {
        %dma_start3A_408 = arith.constant 0 : i32
        %dma_start3A_409 = arith.constant 0 : i32
        %dma_start3A_410 = tpu.memref_slice %arg8[%rem3A_287, %dma_start3A_408, %dma_start3A_409] : memref<4x128x64xf32, #tpu.memory_space<vmem>> -> memref<1x128x64xf32, #tpu.memory_space<vmem>>
        %dma_start3A_411 = tpu.memref_squeeze %dma_start3A_410 : memref<1x128x64xf32, #tpu.memory_space<vmem>> -> memref<128x64xf32, #tpu.memory_space<vmem>>
        %dma_start3A_412 = arith.constant 0 : i32
        %dma_start3A_413 = tpu.memref_slice %arg6[%rem3A_281, %dma_start3A_412] : memref<8x128xi32, #tpu.memory_space<vmem>> -> memref<1x128xi32, #tpu.memory_space<vmem>>
        %dma_start3A_414 = tpu.memref_squeeze %dma_start3A_413 : memref<1x128xi32, #tpu.memory_space<vmem>> -> memref<128xi32, #tpu.memory_space<vmem>>
        %dma_start3A_415 = arith.constant 0 : i32
        %dma_start3A_416 = arith.constant 0 : i32
        %dma_start3A_417 = tpu.memref_slice %arg4[%arg0, %dma_start3A_415, %dma_start3A_416] : memref<2x10000x64xf32, #tpu.memory_space<hbm>> -> memref<1x10000x64xf32, #tpu.memory_space<hbm>>
        %dma_start3A_418 = tpu.memref_squeeze %dma_start3A_417 : memref<1x10000x64xf32, #tpu.memory_space<hbm>> -> memref<10000x64xf32, #tpu.memory_space<hbm>>
        %dma_start3A_419 = arith.constant 0 : i32
        %dma_start3A_420 = arith.constant 0 : i32
        %dma_start3A_421 = tpu.memref_slice %dma_start3A_418[%dma_start3A_419, %dma_start3A_420] : memref<10000x64xf32, #tpu.memory_space<hbm>> -> memref<10000x64xf32, #tpu.memory_space<hbm>>
        tpu.enqueue_indirect_dma source(%dma_start3A_421 : memref<10000x64xf32, #tpu.memory_space<hbm>>) target(%dma_start3A_411 : memref<128x64xf32, #tpu.memory_space<vmem>>) offsets(%dma_start3A_414 : memref<128xi32, #tpu.memory_space<vmem>>) semaphore(%arg11 : memref<!tpu.dma_semaphore, #tpu.memory_space<semaphore_mem>>)
      } else {
      }
      %eq3A_307 = arith.constant 2 : i32
      %eq3A_308 = arith.cmpi eq, %rem3A_291, %eq3A_307 : i32
      %convert_element_type3A_309 = arith.extui %eq3A_308 : i1 to i32
      %cond3A_310 = arith.constant 0 : i32
      %cond3A_311 = arith.cmpi ne, %convert_element_type3A_309, %cond3A_310 : i32
      scf.if %cond3A_311 {
        %dma_start3A_408 = arith.constant 0 : i32
        %dma_start3A_409 = arith.constant 0 : i32
        %dma_start3A_410 = tpu.memref_slice %arg8[%rem3A_287, %dma_start3A_408, %dma_start3A_409] : memref<4x128x64xf32, #tpu.memory_space<vmem>> -> memref<1x128x64xf32, #tpu.memory_space<vmem>>
        %dma_start3A_411 = tpu.memref_squeeze %dma_start3A_410 : memref<1x128x64xf32, #tpu.memory_space<vmem>> -> memref<128x64xf32, #tpu.memory_space<vmem>>
        %dma_start3A_412 = arith.constant 0 : i32
        %dma_start3A_413 = tpu.memref_slice %arg6[%rem3A_281, %dma_start3A_412] : memref<8x128xi32, #tpu.memory_space<vmem>> -> memref<1x128xi32, #tpu.memory_space<vmem>>
        %dma_start3A_414 = tpu.memref_squeeze %dma_start3A_413 : memref<1x128xi32, #tpu.memory_space<vmem>> -> memref<128xi32, #tpu.memory_space<vmem>>
        %dma_start3A_415 = arith.constant 0 : i32
        %dma_start3A_416 = arith.constant 0 : i32
        %dma_start3A_417 = tpu.memref_slice %arg4[%arg0, %dma_start3A_415, %dma_start3A_416] : memref<2x10000x64xf32, #tpu.memory_space<hbm>> -> memref<1x10000x64xf32, #tpu.memory_space<hbm>>
        %dma_start3A_418 = tpu.memref_squeeze %dma_start3A_417 : memref<1x10000x64xf32, #tpu.memory_space<hbm>> -> memref<10000x64xf32, #tpu.memory_space<hbm>>
        %dma_start3A_419 = arith.constant 0 : i32
        %dma_start3A_420 = arith.constant 0 : i32
        %dma_start3A_421 = tpu.memref_slice %dma_start3A_418[%dma_start3A_419, %dma_start3A_420] : memref<10000x64xf32, #tpu.memory_space<hbm>> -> memref<10000x64xf32, #tpu.memory_space<hbm>>
        tpu.enqueue_indirect_dma source(%dma_start3A_421 : memref<10000x64xf32, #tpu.memory_space<hbm>>) target(%dma_start3A_411 : memref<128x64xf32, #tpu.memory_space<vmem>>) offsets(%dma_start3A_414 : memref<128xi32, #tpu.memory_space<vmem>>) semaphore(%arg12 : memref<!tpu.dma_semaphore, #tpu.memory_space<semaphore_mem>>)
      } else {
      }
      %dma_start3A_312 = arith.constant 0 : i32
      %dma_start3A_313 = arith.constant 0 : i32
      %dma_start3A_314 = tpu.memref_slice %arg8[%rem3A_283, %dma_start3A_312, %dma_start3A_313] : memref<4x128x64xf32, #tpu.memory_space<vmem>> -> memref<1x128x64xf32, #tpu.memory_space<vmem>>
      %dma_start3A_315 = tpu.memref_squeeze %dma_start3A_314 : memref<1x128x64xf32, #tpu.memory_space<vmem>> -> memref<128x64xf32, #tpu.memory_space<vmem>>
      %dma_start3A_316 = arith.constant 0 : i32
      %dma_start3A_317 = tpu.memref_slice %arg7[%rem3A_277, %dma_start3A_316] : memref<8x128xi32, #tpu.memory_space<vmem>> -> memref<1x128xi32, #tpu.memory_space<vmem>>
      %dma_start3A_318 = tpu.memref_squeeze %dma_start3A_317 : memref<1x128xi32, #tpu.memory_space<vmem>> -> memref<128xi32, #tpu.memory_space<vmem>>
      %dma_start3A_319 = arith.constant 0 : i32
      %dma_start3A_320 = arith.constant 0 : i32
      %dma_start3A_321 = tpu.memref_slice %arg9[%dma_start3A_319, %dma_start3A_320] : memref<10048x64xf32, #tpu.memory_space<vmem_shared>> -> memref<10048x64xf32, #tpu.memory_space<vmem_shared>>
      tpu.enqueue_indirect_dma source(%dma_start3A_315 : memref<128x64xf32, #tpu.memory_space<vmem>>) target(%dma_start3A_321 : memref<10048x64xf32, #tpu.memory_space<vmem_shared>>) offsets(%dma_start3A_318 : memref<128xi32, #tpu.memory_space<vmem>>) semaphore(%arg14 : memref<!tpu.dma_semaphore, #tpu.memory_space<semaphore_mem>>) {add = true}
      %add3A_322 = arith.constant 1 : i32
      %add3A_323 = arith.addi %add3A_275, %add3A_322 : i32
      %rem3A_324 = arith.constant 3 : i32
      %rem3A_325 = arith.remsi %add3A_323, %rem3A_324 : i32
      %eq3A_326 = arith.constant 0 : i32
      %eq3A_327 = arith.cmpi eq, %rem3A_325, %eq3A_326 : i32
      %convert_element_type3A_328 = arith.extui %eq3A_327 : i1 to i32
      %cond3A_329 = arith.constant 0 : i32
      %cond3A_330 = arith.cmpi ne, %convert_element_type3A_328, %cond3A_329 : i32
      scf.if %cond3A_330 {
        %dma_wait3A_408 = arith.constant 0 : i32
        %dma_wait3A_409 = arith.constant 0 : i32
        %dma_wait3A_410 = arith.constant 0 : i32
        %dma_wait3A_411 = arith.constant 0 : i32
        %dma_wait3A_412 = tpu.memref_slice %arg8[%dma_wait3A_409, %dma_wait3A_410, %dma_wait3A_411] : memref<4x128x64xf32, #tpu.memory_space<vmem>> -> memref<1x128x64xf32, #tpu.memory_space<vmem>>
        %dma_wait3A_413 = tpu.memref_squeeze %dma_wait3A_412 : memref<1x128x64xf32, #tpu.memory_space<vmem>> -> memref<128x64xf32, #tpu.memory_space<vmem>>
        %dma_wait3A_414 = arith.constant 0 : i32
        %dma_wait3A_415 = tpu.memref_slice %arg6[%dma_wait3A_408, %dma_wait3A_414] : memref<8x128xi32, #tpu.memory_space<vmem>> -> memref<1x128xi32, #tpu.memory_space<vmem>>
        %dma_wait3A_416 = tpu.memref_squeeze %dma_wait3A_415 : memref<1x128xi32, #tpu.memory_space<vmem>> -> memref<128xi32, #tpu.memory_space<vmem>>
        %dma_wait3A_417 = arith.constant 0 : i32
        %dma_wait3A_418 = arith.constant 0 : i32
        %dma_wait3A_419 = tpu.memref_slice %arg4[%arg0, %dma_wait3A_417, %dma_wait3A_418] : memref<2x10000x64xf32, #tpu.memory_space<hbm>> -> memref<1x10000x64xf32, #tpu.memory_space<hbm>>
        %dma_wait3A_420 = tpu.memref_squeeze %dma_wait3A_419 : memref<1x10000x64xf32, #tpu.memory_space<hbm>> -> memref<10000x64xf32, #tpu.memory_space<hbm>>
        %dma_wait3A_421 = arith.constant 0 : i32
        %dma_wait3A_422 = arith.constant 0 : i32
        %dma_wait3A_423 = tpu.memref_slice %dma_wait3A_420[%dma_wait3A_421, %dma_wait3A_422] : memref<10000x64xf32, #tpu.memory_space<hbm>> -> memref<10000x64xf32, #tpu.memory_space<hbm>>
        tpu.wait_indirect_dma semaphore(%arg10 : memref<!tpu.dma_semaphore, #tpu.memory_space<semaphore_mem>>) src(%dma_wait3A_423 : memref<10000x64xf32, #tpu.memory_space<hbm>>) dst(%dma_wait3A_413 : memref<128x64xf32, #tpu.memory_space<vmem>>)
      } else {
      }
      %eq3A_331 = arith.constant 1 : i32
      %eq3A_332 = arith.cmpi eq, %rem3A_325, %eq3A_331 : i32
      %convert_element_type3A_333 = arith.extui %eq3A_332 : i1 to i32
      %cond3A_334 = arith.constant 0 : i32
      %cond3A_335 = arith.cmpi ne, %convert_element_type3A_333, %cond3A_334 : i32
      scf.if %cond3A_335 {
        %dma_wait3A_408 = arith.constant 0 : i32
        %dma_wait3A_409 = arith.constant 0 : i32
        %dma_wait3A_410 = arith.constant 0 : i32
        %dma_wait3A_411 = arith.constant 0 : i32
        %dma_wait3A_412 = tpu.memref_slice %arg8[%dma_wait3A_409, %dma_wait3A_410, %dma_wait3A_411] : memref<4x128x64xf32, #tpu.memory_space<vmem>> -> memref<1x128x64xf32, #tpu.memory_space<vmem>>
        %dma_wait3A_413 = tpu.memref_squeeze %dma_wait3A_412 : memref<1x128x64xf32, #tpu.memory_space<vmem>> -> memref<128x64xf32, #tpu.memory_space<vmem>>
        %dma_wait3A_414 = arith.constant 0 : i32
        %dma_wait3A_415 = tpu.memref_slice %arg6[%dma_wait3A_408, %dma_wait3A_414] : memref<8x128xi32, #tpu.memory_space<vmem>> -> memref<1x128xi32, #tpu.memory_space<vmem>>
        %dma_wait3A_416 = tpu.memref_squeeze %dma_wait3A_415 : memref<1x128xi32, #tpu.memory_space<vmem>> -> memref<128xi32, #tpu.memory_space<vmem>>
        %dma_wait3A_417 = arith.constant 0 : i32
        %dma_wait3A_418 = arith.constant 0 : i32
        %dma_wait3A_419 = tpu.memref_slice %arg4[%arg0, %dma_wait3A_417, %dma_wait3A_418] : memref<2x10000x64xf32, #tpu.memory_space<hbm>> -> memref<1x10000x64xf32, #tpu.memory_space<hbm>>
        %dma_wait3A_420 = tpu.memref_squeeze %dma_wait3A_419 : memref<1x10000x64xf32, #tpu.memory_space<hbm>> -> memref<10000x64xf32, #tpu.memory_space<hbm>>
        %dma_wait3A_421 = arith.constant 0 : i32
        %dma_wait3A_422 = arith.constant 0 : i32
        %dma_wait3A_423 = tpu.memref_slice %dma_wait3A_420[%dma_wait3A_421, %dma_wait3A_422] : memref<10000x64xf32, #tpu.memory_space<hbm>> -> memref<10000x64xf32, #tpu.memory_space<hbm>>
        tpu.wait_indirect_dma semaphore(%arg11 : memref<!tpu.dma_semaphore, #tpu.memory_space<semaphore_mem>>) src(%dma_wait3A_423 : memref<10000x64xf32, #tpu.memory_space<hbm>>) dst(%dma_wait3A_413 : memref<128x64xf32, #tpu.memory_space<vmem>>)
      } else {
      }
      %eq3A_336 = arith.constant 2 : i32
      %eq3A_337 = arith.cmpi eq, %rem3A_325, %eq3A_336 : i32
      %convert_element_type3A_338 = arith.extui %eq3A_337 : i1 to i32
      %cond3A_339 = arith.constant 0 : i32
      %cond3A_340 = arith.cmpi ne, %convert_element_type3A_338, %cond3A_339 : i32
      scf.if %cond3A_340 {
        %dma_wait3A_408 = arith.constant 0 : i32
        %dma_wait3A_409 = arith.constant 0 : i32
        %dma_wait3A_410 = arith.constant 0 : i32
        %dma_wait3A_411 = arith.constant 0 : i32
        %dma_wait3A_412 = tpu.memref_slice %arg8[%dma_wait3A_409, %dma_wait3A_410, %dma_wait3A_411] : memref<4x128x64xf32, #tpu.memory_space<vmem>> -> memref<1x128x64xf32, #tpu.memory_space<vmem>>
        %dma_wait3A_413 = tpu.memref_squeeze %dma_wait3A_412 : memref<1x128x64xf32, #tpu.memory_space<vmem>> -> memref<128x64xf32, #tpu.memory_space<vmem>>
        %dma_wait3A_414 = arith.constant 0 : i32
        %dma_wait3A_415 = tpu.memref_slice %arg6[%dma_wait3A_408, %dma_wait3A_414] : memref<8x128xi32, #tpu.memory_space<vmem>> -> memref<1x128xi32, #tpu.memory_space<vmem>>
        %dma_wait3A_416 = tpu.memref_squeeze %dma_wait3A_415 : memref<1x128xi32, #tpu.memory_space<vmem>> -> memref<128xi32, #tpu.memory_space<vmem>>
        %dma_wait3A_417 = arith.constant 0 : i32
        %dma_wait3A_418 = arith.constant 0 : i32
        %dma_wait3A_419 = tpu.memref_slice %arg4[%arg0, %dma_wait3A_417, %dma_wait3A_418] : memref<2x10000x64xf32, #tpu.memory_space<hbm>> -> memref<1x10000x64xf32, #tpu.memory_space<hbm>>
        %dma_wait3A_420 = tpu.memref_squeeze %dma_wait3A_419 : memref<1x10000x64xf32, #tpu.memory_space<hbm>> -> memref<10000x64xf32, #tpu.memory_space<hbm>>
        %dma_wait3A_421 = arith.constant 0 : i32
        %dma_wait3A_422 = arith.constant 0 : i32
        %dma_wait3A_423 = tpu.memref_slice %dma_wait3A_420[%dma_wait3A_421, %dma_wait3A_422] : memref<10000x64xf32, #tpu.memory_space<hbm>> -> memref<10000x64xf32, #tpu.memory_space<hbm>>
        tpu.wait_indirect_dma semaphore(%arg12 : memref<!tpu.dma_semaphore, #tpu.memory_space<semaphore_mem>>) src(%dma_wait3A_423 : memref<10000x64xf32, #tpu.memory_space<hbm>>) dst(%dma_wait3A_413 : memref<128x64xf32, #tpu.memory_space<vmem>>)
      } else {
      }
      %add3A_341 = arith.constant 3 : i32
      %add3A_342 = arith.addi %mul3A_180, %add3A_341 : i32
      %rem3A_343 = arith.constant 8 : i32
      %rem3A_344 = arith.remsi %add3A_342, %rem3A_343 : i32
      %add3A_345 = arith.constant 3 : i32
      %add3A_346 = arith.addi %add3A_342, %add3A_345 : i32
      %rem3A_347 = arith.constant 8 : i32
      %rem3A_348 = arith.remsi %add3A_346, %rem3A_347 : i32
      %rem3A_349 = arith.constant 4 : i32
      %rem3A_350 = arith.remsi %add3A_342, %rem3A_349 : i32
      %add3A_351 = arith.constant 3 : i32
      %add3A_352 = arith.addi %add3A_342, %add3A_351 : i32
      %rem3A_353 = arith.constant 4 : i32
      %rem3A_354 = arith.remsi %add3A_352, %rem3A_353 : i32
      %add3A_355 = arith.constant 3 : i32
      %add3A_356 = arith.addi %add3A_342, %add3A_355 : i32
      %rem3A_357 = arith.constant 3 : i32
      %rem3A_358 = arith.remsi %add3A_356, %rem3A_357 : i32
      %gt3A_359 = arith.constant 0 : i32
      %gt3A_360 = arith.cmpi sgt, %add3A_342, %gt3A_359 : i32
      %convert_element_type3A_361 = arith.extui %gt3A_360 : i1 to i32
      %cond3A_362 = arith.constant 0 : i32
      %cond3A_363 = arith.cmpi ne, %convert_element_type3A_361, %cond3A_362 : i32
      scf.if %cond3A_363 {
        %dma_wait3A_408 = arith.constant 0 : i32
        %dma_wait3A_409 = arith.constant 0 : i32
        %dma_wait3A_410 = tpu.memref_slice %arg8[%rem3A_350, %dma_wait3A_408, %dma_wait3A_409] : memref<4x128x64xf32, #tpu.memory_space<vmem>> -> memref<1x128x64xf32, #tpu.memory_space<vmem>>
        %dma_wait3A_411 = tpu.memref_squeeze %dma_wait3A_410 : memref<1x128x64xf32, #tpu.memory_space<vmem>> -> memref<128x64xf32, #tpu.memory_space<vmem>>
        %dma_wait3A_412 = arith.constant 0 : i32
        %dma_wait3A_413 = tpu.memref_slice %arg7[%rem3A_344, %dma_wait3A_412] : memref<8x128xi32, #tpu.memory_space<vmem>> -> memref<1x128xi32, #tpu.memory_space<vmem>>
        %dma_wait3A_414 = tpu.memref_squeeze %dma_wait3A_413 : memref<1x128xi32, #tpu.memory_space<vmem>> -> memref<128xi32, #tpu.memory_space<vmem>>
        %dma_wait3A_415 = arith.constant 0 : i32
        %dma_wait3A_416 = arith.constant 0 : i32
        %dma_wait3A_417 = tpu.memref_slice %arg9[%dma_wait3A_415, %dma_wait3A_416] : memref<10048x64xf32, #tpu.memory_space<vmem_shared>> -> memref<10048x64xf32, #tpu.memory_space<vmem_shared>>
        tpu.wait_indirect_dma semaphore(%arg14 : memref<!tpu.dma_semaphore, #tpu.memory_space<semaphore_mem>>) src(%dma_wait3A_411 : memref<128x64xf32, #tpu.memory_space<vmem>>) dst(%dma_wait3A_417 : memref<10048x64xf32, #tpu.memory_space<vmem_shared>>)
      } else {
      }
      %eq3A_364 = arith.constant 0 : i32
      %eq3A_365 = arith.cmpi eq, %rem3A_358, %eq3A_364 : i32
      %convert_element_type3A_366 = arith.extui %eq3A_365 : i1 to i32
      %cond3A_367 = arith.constant 0 : i32
      %cond3A_368 = arith.cmpi ne, %convert_element_type3A_366, %cond3A_367 : i32
      scf.if %cond3A_368 {
        %dma_start3A_408 = arith.constant 0 : i32
        %dma_start3A_409 = arith.constant 0 : i32
        %dma_start3A_410 = tpu.memref_slice %arg8[%rem3A_354, %dma_start3A_408, %dma_start3A_409] : memref<4x128x64xf32, #tpu.memory_space<vmem>> -> memref<1x128x64xf32, #tpu.memory_space<vmem>>
        %dma_start3A_411 = tpu.memref_squeeze %dma_start3A_410 : memref<1x128x64xf32, #tpu.memory_space<vmem>> -> memref<128x64xf32, #tpu.memory_space<vmem>>
        %dma_start3A_412 = arith.constant 0 : i32
        %dma_start3A_413 = tpu.memref_slice %arg6[%rem3A_348, %dma_start3A_412] : memref<8x128xi32, #tpu.memory_space<vmem>> -> memref<1x128xi32, #tpu.memory_space<vmem>>
        %dma_start3A_414 = tpu.memref_squeeze %dma_start3A_413 : memref<1x128xi32, #tpu.memory_space<vmem>> -> memref<128xi32, #tpu.memory_space<vmem>>
        %dma_start3A_415 = arith.constant 0 : i32
        %dma_start3A_416 = arith.constant 0 : i32
        %dma_start3A_417 = tpu.memref_slice %arg4[%arg0, %dma_start3A_415, %dma_start3A_416] : memref<2x10000x64xf32, #tpu.memory_space<hbm>> -> memref<1x10000x64xf32, #tpu.memory_space<hbm>>
        %dma_start3A_418 = tpu.memref_squeeze %dma_start3A_417 : memref<1x10000x64xf32, #tpu.memory_space<hbm>> -> memref<10000x64xf32, #tpu.memory_space<hbm>>
        %dma_start3A_419 = arith.constant 0 : i32
        %dma_start3A_420 = arith.constant 0 : i32
        %dma_start3A_421 = tpu.memref_slice %dma_start3A_418[%dma_start3A_419, %dma_start3A_420] : memref<10000x64xf32, #tpu.memory_space<hbm>> -> memref<10000x64xf32, #tpu.memory_space<hbm>>
        tpu.enqueue_indirect_dma source(%dma_start3A_421 : memref<10000x64xf32, #tpu.memory_space<hbm>>) target(%dma_start3A_411 : memref<128x64xf32, #tpu.memory_space<vmem>>) offsets(%dma_start3A_414 : memref<128xi32, #tpu.memory_space<vmem>>) semaphore(%arg10 : memref<!tpu.dma_semaphore, #tpu.memory_space<semaphore_mem>>)
      } else {
      }
      %eq3A_369 = arith.constant 1 : i32
      %eq3A_370 = arith.cmpi eq, %rem3A_358, %eq3A_369 : i32
      %convert_element_type3A_371 = arith.extui %eq3A_370 : i1 to i32
      %cond3A_372 = arith.constant 0 : i32
      %cond3A_373 = arith.cmpi ne, %convert_element_type3A_371, %cond3A_372 : i32
      scf.if %cond3A_373 {
        %dma_start3A_408 = arith.constant 0 : i32
        %dma_start3A_409 = arith.constant 0 : i32
        %dma_start3A_410 = tpu.memref_slice %arg8[%rem3A_354, %dma_start3A_408, %dma_start3A_409] : memref<4x128x64xf32, #tpu.memory_space<vmem>> -> memref<1x128x64xf32, #tpu.memory_space<vmem>>
        %dma_start3A_411 = tpu.memref_squeeze %dma_start3A_410 : memref<1x128x64xf32, #tpu.memory_space<vmem>> -> memref<128x64xf32, #tpu.memory_space<vmem>>
        %dma_start3A_412 = arith.constant 0 : i32
        %dma_start3A_413 = tpu.memref_slice %arg6[%rem3A_348, %dma_start3A_412] : memref<8x128xi32, #tpu.memory_space<vmem>> -> memref<1x128xi32, #tpu.memory_space<vmem>>
        %dma_start3A_414 = tpu.memref_squeeze %dma_start3A_413 : memref<1x128xi32, #tpu.memory_space<vmem>> -> memref<128xi32, #tpu.memory_space<vmem>>
        %dma_start3A_415 = arith.constant 0 : i32
        %dma_start3A_416 = arith.constant 0 : i32
        %dma_start3A_417 = tpu.memref_slice %arg4[%arg0, %dma_start3A_415, %dma_start3A_416] : memref<2x10000x64xf32, #tpu.memory_space<hbm>> -> memref<1x10000x64xf32, #tpu.memory_space<hbm>>
        %dma_start3A_418 = tpu.memref_squeeze %dma_start3A_417 : memref<1x10000x64xf32, #tpu.memory_space<hbm>> -> memref<10000x64xf32, #tpu.memory_space<hbm>>
        %dma_start3A_419 = arith.constant 0 : i32
        %dma_start3A_420 = arith.constant 0 : i32
        %dma_start3A_421 = tpu.memref_slice %dma_start3A_418[%dma_start3A_419, %dma_start3A_420] : memref<10000x64xf32, #tpu.memory_space<hbm>> -> memref<10000x64xf32, #tpu.memory_space<hbm>>
        tpu.enqueue_indirect_dma source(%dma_start3A_421 : memref<10000x64xf32, #tpu.memory_space<hbm>>) target(%dma_start3A_411 : memref<128x64xf32, #tpu.memory_space<vmem>>) offsets(%dma_start3A_414 : memref<128xi32, #tpu.memory_space<vmem>>) semaphore(%arg11 : memref<!tpu.dma_semaphore, #tpu.memory_space<semaphore_mem>>)
      } else {
      }
      %eq3A_374 = arith.constant 2 : i32
      %eq3A_375 = arith.cmpi eq, %rem3A_358, %eq3A_374 : i32
      %convert_element_type3A_376 = arith.extui %eq3A_375 : i1 to i32
      %cond3A_377 = arith.constant 0 : i32
      %cond3A_378 = arith.cmpi ne, %convert_element_type3A_376, %cond3A_377 : i32
      scf.if %cond3A_378 {
        %dma_start3A_408 = arith.constant 0 : i32
        %dma_start3A_409 = arith.constant 0 : i32
        %dma_start3A_410 = tpu.memref_slice %arg8[%rem3A_354, %dma_start3A_408, %dma_start3A_409] : memref<4x128x64xf32, #tpu.memory_space<vmem>> -> memref<1x128x64xf32, #tpu.memory_space<vmem>>
        %dma_start3A_411 = tpu.memref_squeeze %dma_start3A_410 : memref<1x128x64xf32, #tpu.memory_space<vmem>> -> memref<128x64xf32, #tpu.memory_space<vmem>>
        %dma_start3A_412 = arith.constant 0 : i32
        %dma_start3A_413 = tpu.memref_slice %arg6[%rem3A_348, %dma_start3A_412] : memref<8x128xi32, #tpu.memory_space<vmem>> -> memref<1x128xi32, #tpu.memory_space<vmem>>
        %dma_start3A_414 = tpu.memref_squeeze %dma_start3A_413 : memref<1x128xi32, #tpu.memory_space<vmem>> -> memref<128xi32, #tpu.memory_space<vmem>>
        %dma_start3A_415 = arith.constant 0 : i32
        %dma_start3A_416 = arith.constant 0 : i32
        %dma_start3A_417 = tpu.memref_slice %arg4[%arg0, %dma_start3A_415, %dma_start3A_416] : memref<2x10000x64xf32, #tpu.memory_space<hbm>> -> memref<1x10000x64xf32, #tpu.memory_space<hbm>>
        %dma_start3A_418 = tpu.memref_squeeze %dma_start3A_417 : memref<1x10000x64xf32, #tpu.memory_space<hbm>> -> memref<10000x64xf32, #tpu.memory_space<hbm>>
        %dma_start3A_419 = arith.constant 0 : i32
        %dma_start3A_420 = arith.constant 0 : i32
        %dma_start3A_421 = tpu.memref_slice %dma_start3A_418[%dma_start3A_419, %dma_start3A_420] : memref<10000x64xf32, #tpu.memory_space<hbm>> -> memref<10000x64xf32, #tpu.memory_space<hbm>>
        tpu.enqueue_indirect_dma source(%dma_start3A_421 : memref<10000x64xf32, #tpu.memory_space<hbm>>) target(%dma_start3A_411 : memref<128x64xf32, #tpu.memory_space<vmem>>) offsets(%dma_start3A_414 : memref<128xi32, #tpu.memory_space<vmem>>) semaphore(%arg12 : memref<!tpu.dma_semaphore, #tpu.memory_space<semaphore_mem>>)
      } else {
      }
      %dma_start3A_379 = arith.constant 0 : i32
      %dma_start3A_380 = arith.constant 0 : i32
      %dma_start3A_381 = tpu.memref_slice %arg8[%rem3A_350, %dma_start3A_379, %dma_start3A_380] : memref<4x128x64xf32, #tpu.memory_space<vmem>> -> memref<1x128x64xf32, #tpu.memory_space<vmem>>
      %dma_start3A_382 = tpu.memref_squeeze %dma_start3A_381 : memref<1x128x64xf32, #tpu.memory_space<vmem>> -> memref<128x64xf32, #tpu.memory_space<vmem>>
      %dma_start3A_383 = arith.constant 0 : i32
      %dma_start3A_384 = tpu.memref_slice %arg7[%rem3A_344, %dma_start3A_383] : memref<8x128xi32, #tpu.memory_space<vmem>> -> memref<1x128xi32, #tpu.memory_space<vmem>>
      %dma_start3A_385 = tpu.memref_squeeze %dma_start3A_384 : memref<1x128xi32, #tpu.memory_space<vmem>> -> memref<128xi32, #tpu.memory_space<vmem>>
      %dma_start3A_386 = arith.constant 0 : i32
      %dma_start3A_387 = arith.constant 0 : i32
      %dma_start3A_388 = tpu.memref_slice %arg9[%dma_start3A_386, %dma_start3A_387] : memref<10048x64xf32, #tpu.memory_space<vmem_shared>> -> memref<10048x64xf32, #tpu.memory_space<vmem_shared>>
      tpu.enqueue_indirect_dma source(%dma_start3A_382 : memref<128x64xf32, #tpu.memory_space<vmem>>) target(%dma_start3A_388 : memref<10048x64xf32, #tpu.memory_space<vmem_shared>>) offsets(%dma_start3A_385 : memref<128xi32, #tpu.memory_space<vmem>>) semaphore(%arg14 : memref<!tpu.dma_semaphore, #tpu.memory_space<semaphore_mem>>) {add = true}
      %add3A_389 = arith.constant 1 : i32
      %add3A_390 = arith.addi %add3A_342, %add3A_389 : i32
      %rem3A_391 = arith.constant 3 : i32
      %rem3A_392 = arith.remsi %add3A_390, %rem3A_391 : i32
      %eq3A_393 = arith.constant 0 : i32
      %eq3A_394 = arith.cmpi eq, %rem3A_392, %eq3A_393 : i32
      %convert_element_type3A_395 = arith.extui %eq3A_394 : i1 to i32
      %cond3A_396 = arith.constant 0 : i32
      %cond3A_397 = arith.cmpi ne, %convert_element_type3A_395, %cond3A_396 : i32
      scf.if %cond3A_397 {
        %dma_wait3A_408 = arith.constant 0 : i32
        %dma_wait3A_409 = arith.constant 0 : i32
        %dma_wait3A_410 = arith.constant 0 : i32
        %dma_wait3A_411 = arith.constant 0 : i32
        %dma_wait3A_412 = tpu.memref_slice %arg8[%dma_wait3A_409, %dma_wait3A_410, %dma_wait3A_411] : memref<4x128x64xf32, #tpu.memory_space<vmem>> -> memref<1x128x64xf32, #tpu.memory_space<vmem>>
        %dma_wait3A_413 = tpu.memref_squeeze %dma_wait3A_412 : memref<1x128x64xf32, #tpu.memory_space<vmem>> -> memref<128x64xf32, #tpu.memory_space<vmem>>
        %dma_wait3A_414 = arith.constant 0 : i32
        %dma_wait3A_415 = tpu.memref_slice %arg6[%dma_wait3A_408, %dma_wait3A_414] : memref<8x128xi32, #tpu.memory_space<vmem>> -> memref<1x128xi32, #tpu.memory_space<vmem>>
        %dma_wait3A_416 = tpu.memref_squeeze %dma_wait3A_415 : memref<1x128xi32, #tpu.memory_space<vmem>> -> memref<128xi32, #tpu.memory_space<vmem>>
        %dma_wait3A_417 = arith.constant 0 : i32
        %dma_wait3A_418 = arith.constant 0 : i32
        %dma_wait3A_419 = tpu.memref_slice %arg4[%arg0, %dma_wait3A_417, %dma_wait3A_418] : memref<2x10000x64xf32, #tpu.memory_space<hbm>> -> memref<1x10000x64xf32, #tpu.memory_space<hbm>>
        %dma_wait3A_420 = tpu.memref_squeeze %dma_wait3A_419 : memref<1x10000x64xf32, #tpu.memory_space<hbm>> -> memref<10000x64xf32, #tpu.memory_space<hbm>>
        %dma_wait3A_421 = arith.constant 0 : i32
        %dma_wait3A_422 = arith.constant 0 : i32
        %dma_wait3A_423 = tpu.memref_slice %dma_wait3A_420[%dma_wait3A_421, %dma_wait3A_422] : memref<10000x64xf32, #tpu.memory_space<hbm>> -> memref<10000x64xf32, #tpu.memory_space<hbm>>
        tpu.wait_indirect_dma semaphore(%arg10 : memref<!tpu.dma_semaphore, #tpu.memory_space<semaphore_mem>>) src(%dma_wait3A_423 : memref<10000x64xf32, #tpu.memory_space<hbm>>) dst(%dma_wait3A_413 : memref<128x64xf32, #tpu.memory_space<vmem>>)
      } else {
      }
      %eq3A_398 = arith.constant 1 : i32
      %eq3A_399 = arith.cmpi eq, %rem3A_392, %eq3A_398 : i32
      %convert_element_type3A_400 = arith.extui %eq3A_399 : i1 to i32
      %cond3A_401 = arith.constant 0 : i32
      %cond3A_402 = arith.cmpi ne, %convert_element_type3A_400, %cond3A_401 : i32
      scf.if %cond3A_402 {
        %dma_wait3A_408 = arith.constant 0 : i32
        %dma_wait3A_409 = arith.constant 0 : i32
        %dma_wait3A_410 = arith.constant 0 : i32
        %dma_wait3A_411 = arith.constant 0 : i32
        %dma_wait3A_412 = tpu.memref_slice %arg8[%dma_wait3A_409, %dma_wait3A_410, %dma_wait3A_411] : memref<4x128x64xf32, #tpu.memory_space<vmem>> -> memref<1x128x64xf32, #tpu.memory_space<vmem>>
        %dma_wait3A_413 = tpu.memref_squeeze %dma_wait3A_412 : memref<1x128x64xf32, #tpu.memory_space<vmem>> -> memref<128x64xf32, #tpu.memory_space<vmem>>
        %dma_wait3A_414 = arith.constant 0 : i32
        %dma_wait3A_415 = tpu.memref_slice %arg6[%dma_wait3A_408, %dma_wait3A_414] : memref<8x128xi32, #tpu.memory_space<vmem>> -> memref<1x128xi32, #tpu.memory_space<vmem>>
        %dma_wait3A_416 = tpu.memref_squeeze %dma_wait3A_415 : memref<1x128xi32, #tpu.memory_space<vmem>> -> memref<128xi32, #tpu.memory_space<vmem>>
        %dma_wait3A_417 = arith.constant 0 : i32
        %dma_wait3A_418 = arith.constant 0 : i32
        %dma_wait3A_419 = tpu.memref_slice %arg4[%arg0, %dma_wait3A_417, %dma_wait3A_418] : memref<2x10000x64xf32, #tpu.memory_space<hbm>> -> memref<1x10000x64xf32, #tpu.memory_space<hbm>>
        %dma_wait3A_420 = tpu.memref_squeeze %dma_wait3A_419 : memref<1x10000x64xf32, #tpu.memory_space<hbm>> -> memref<10000x64xf32, #tpu.memory_space<hbm>>
        %dma_wait3A_421 = arith.constant 0 : i32
        %dma_wait3A_422 = arith.constant 0 : i32
        %dma_wait3A_423 = tpu.memref_slice %dma_wait3A_420[%dma_wait3A_421, %dma_wait3A_422] : memref<10000x64xf32, #tpu.memory_space<hbm>> -> memref<10000x64xf32, #tpu.memory_space<hbm>>
        tpu.wait_indirect_dma semaphore(%arg11 : memref<!tpu.dma_semaphore, #tpu.memory_space<semaphore_mem>>) src(%dma_wait3A_423 : memref<10000x64xf32, #tpu.memory_space<hbm>>) dst(%dma_wait3A_413 : memref<128x64xf32, #tpu.memory_space<vmem>>)
      } else {
      }
      %eq3A_403 = arith.constant 2 : i32
      %eq3A_404 = arith.cmpi eq, %rem3A_392, %eq3A_403 : i32
      %convert_element_type3A_405 = arith.extui %eq3A_404 : i1 to i32
      %cond3A_406 = arith.constant 0 : i32
      %cond3A_407 = arith.cmpi ne, %convert_element_type3A_405, %cond3A_406 : i32
      scf.if %cond3A_407 {
        %dma_wait3A_408 = arith.constant 0 : i32
        %dma_wait3A_409 = arith.constant 0 : i32
        %dma_wait3A_410 = arith.constant 0 : i32
        %dma_wait3A_411 = arith.constant 0 : i32
        %dma_wait3A_412 = tpu.memref_slice %arg8[%dma_wait3A_409, %dma_wait3A_410, %dma_wait3A_411] : memref<4x128x64xf32, #tpu.memory_space<vmem>> -> memref<1x128x64xf32, #tpu.memory_space<vmem>>
        %dma_wait3A_413 = tpu.memref_squeeze %dma_wait3A_412 : memref<1x128x64xf32, #tpu.memory_space<vmem>> -> memref<128x64xf32, #tpu.memory_space<vmem>>
        %dma_wait3A_414 = arith.constant 0 : i32
        %dma_wait3A_415 = tpu.memref_slice %arg6[%dma_wait3A_408, %dma_wait3A_414] : memref<8x128xi32, #tpu.memory_space<vmem>> -> memref<1x128xi32, #tpu.memory_space<vmem>>
        %dma_wait3A_416 = tpu.memref_squeeze %dma_wait3A_415 : memref<1x128xi32, #tpu.memory_space<vmem>> -> memref<128xi32, #tpu.memory_space<vmem>>
        %dma_wait3A_417 = arith.constant 0 : i32
        %dma_wait3A_418 = arith.constant 0 : i32
        %dma_wait3A_419 = tpu.memref_slice %arg4[%arg0, %dma_wait3A_417, %dma_wait3A_418] : memref<2x10000x64xf32, #tpu.memory_space<hbm>> -> memref<1x10000x64xf32, #tpu.memory_space<hbm>>
        %dma_wait3A_420 = tpu.memref_squeeze %dma_wait3A_419 : memref<1x10000x64xf32, #tpu.memory_space<hbm>> -> memref<10000x64xf32, #tpu.memory_space<hbm>>
        %dma_wait3A_421 = arith.constant 0 : i32
        %dma_wait3A_422 = arith.constant 0 : i32
        %dma_wait3A_423 = tpu.memref_slice %dma_wait3A_420[%dma_wait3A_421, %dma_wait3A_422] : memref<10000x64xf32, #tpu.memory_space<hbm>> -> memref<10000x64xf32, #tpu.memory_space<hbm>>
        tpu.wait_indirect_dma semaphore(%arg12 : memref<!tpu.dma_semaphore, #tpu.memory_space<semaphore_mem>>) src(%dma_wait3A_423 : memref<10000x64xf32, #tpu.memory_space<hbm>>) dst(%dma_wait3A_413 : memref<128x64xf32, #tpu.memory_space<vmem>>)
      } else {
      }
    }
    %dma_wait3A = arith.constant 0 : i32
    %dma_wait3A_88 = arith.constant 0 : i32
    %dma_wait3A_89 = arith.constant 0 : i32
    %dma_wait3A_90 = arith.constant 0 : i32
    %dma_wait3A_91 = tpu.memref_slice %arg8[%dma_wait3A, %dma_wait3A_89, %dma_wait3A_90] : memref<4x128x64xf32, #tpu.memory_space<vmem>> -> memref<1x128x64xf32, #tpu.memory_space<vmem>>
    %dma_wait3A_92 = tpu.memref_squeeze %dma_wait3A_91 : memref<1x128x64xf32, #tpu.memory_space<vmem>> -> memref<128x64xf32, #tpu.memory_space<vmem>>
    %dma_wait3A_93 = arith.constant 0 : i32
    %dma_wait3A_94 = tpu.memref_slice %arg7[%dma_wait3A_88, %dma_wait3A_93] : memref<8x128xi32, #tpu.memory_space<vmem>> -> memref<1x128xi32, #tpu.memory_space<vmem>>
    %dma_wait3A_95 = tpu.memref_squeeze %dma_wait3A_94 : memref<1x128xi32, #tpu.memory_space<vmem>> -> memref<128xi32, #tpu.memory_space<vmem>>
    %dma_wait3A_96 = arith.constant 0 : i32
    %dma_wait3A_97 = arith.constant 0 : i32
    %dma_wait3A_98 = tpu.memref_slice %arg9[%dma_wait3A_96, %dma_wait3A_97] : memref<10048x64xf32, #tpu.memory_space<vmem_shared>> -> memref<10048x64xf32, #tpu.memory_space<vmem_shared>>
    tpu.wait_indirect_dma semaphore(%arg14 : memref<!tpu.dma_semaphore, #tpu.memory_space<semaphore_mem>>) src(%dma_wait3A_92 : memref<128x64xf32, #tpu.memory_space<vmem>>) dst(%dma_wait3A_98 : memref<10048x64xf32, #tpu.memory_space<vmem_shared>>)
    %dma_wait3A_99 = arith.constant 0 : i32
    %dma_wait3A_100 = arith.constant 0 : i32
    %dma_wait3A_101 = arith.constant 0 : i32
    %dma_wait3A_102 = arith.constant 0 : i32
    %dma_wait3A_103 = tpu.memref_slice %arg8[%dma_wait3A_100, %dma_wait3A_101, %dma_wait3A_102] : memref<4x128x64xf32, #tpu.memory_space<vmem>> -> memref<1x128x64xf32, #tpu.memory_space<vmem>>
    %dma_wait3A_104 = tpu.memref_squeeze %dma_wait3A_103 : memref<1x128x64xf32, #tpu.memory_space<vmem>> -> memref<128x64xf32, #tpu.memory_space<vmem>>
    %dma_wait3A_105 = arith.constant 0 : i32
    %dma_wait3A_106 = tpu.memref_slice %arg6[%dma_wait3A_99, %dma_wait3A_105] : memref<8x128xi32, #tpu.memory_space<vmem>> -> memref<1x128xi32, #tpu.memory_space<vmem>>
    %dma_wait3A_107 = tpu.memref_squeeze %dma_wait3A_106 : memref<1x128xi32, #tpu.memory_space<vmem>> -> memref<128xi32, #tpu.memory_space<vmem>>
    %dma_wait3A_108 = arith.constant 0 : i32
    %dma_wait3A_109 = arith.constant 0 : i32
    %dma_wait3A_110 = tpu.memref_slice %arg4[%arg0, %dma_wait3A_108, %dma_wait3A_109] : memref<2x10000x64xf32, #tpu.memory_space<hbm>> -> memref<1x10000x64xf32, #tpu.memory_space<hbm>>
    %dma_wait3A_111 = tpu.memref_squeeze %dma_wait3A_110 : memref<1x10000x64xf32, #tpu.memory_space<hbm>> -> memref<10000x64xf32, #tpu.memory_space<hbm>>
    %dma_wait3A_112 = arith.constant 0 : i32
    %dma_wait3A_113 = arith.constant 0 : i32
    %dma_wait3A_114 = tpu.memref_slice %dma_wait3A_111[%dma_wait3A_112, %dma_wait3A_113] : memref<10000x64xf32, #tpu.memory_space<hbm>> -> memref<10000x64xf32, #tpu.memory_space<hbm>>
    tpu.wait_indirect_dma semaphore(%arg12 : memref<!tpu.dma_semaphore, #tpu.memory_space<semaphore_mem>>) src(%dma_wait3A_114 : memref<10000x64xf32, #tpu.memory_space<hbm>>) dst(%dma_wait3A_104 : memref<128x64xf32, #tpu.memory_space<vmem>>)
    %dma_wait3A_115 = arith.constant 0 : i32
    %dma_wait3A_116 = arith.constant 0 : i32
    %dma_wait3A_117 = arith.constant 0 : i32
    %dma_wait3A_118 = arith.constant 0 : i32
    %dma_wait3A_119 = tpu.memref_slice %arg8[%dma_wait3A_116, %dma_wait3A_117, %dma_wait3A_118] : memref<4x128x64xf32, #tpu.memory_space<vmem>> -> memref<1x128x64xf32, #tpu.memory_space<vmem>>
    %dma_wait3A_120 = tpu.memref_squeeze %dma_wait3A_119 : memref<1x128x64xf32, #tpu.memory_space<vmem>> -> memref<128x64xf32, #tpu.memory_space<vmem>>
    %dma_wait3A_121 = arith.constant 0 : i32
    %dma_wait3A_122 = tpu.memref_slice %arg6[%dma_wait3A_115, %dma_wait3A_121] : memref<8x128xi32, #tpu.memory_space<vmem>> -> memref<1x128xi32, #tpu.memory_space<vmem>>
    %dma_wait3A_123 = tpu.memref_squeeze %dma_wait3A_122 : memref<1x128xi32, #tpu.memory_space<vmem>> -> memref<128xi32, #tpu.memory_space<vmem>>
    %dma_wait3A_124 = arith.constant 0 : i32
    %dma_wait3A_125 = arith.constant 0 : i32
    %dma_wait3A_126 = tpu.memref_slice %arg4[%arg0, %dma_wait3A_124, %dma_wait3A_125] : memref<2x10000x64xf32, #tpu.memory_space<hbm>> -> memref<1x10000x64xf32, #tpu.memory_space<hbm>>
    %dma_wait3A_127 = tpu.memref_squeeze %dma_wait3A_126 : memref<1x10000x64xf32, #tpu.memory_space<hbm>> -> memref<10000x64xf32, #tpu.memory_space<hbm>>
    %dma_wait3A_128 = arith.constant 0 : i32
    %dma_wait3A_129 = arith.constant 0 : i32
    %dma_wait3A_130 = tpu.memref_slice %dma_wait3A_127[%dma_wait3A_128, %dma_wait3A_129] : memref<10000x64xf32, #tpu.memory_space<hbm>> -> memref<10000x64xf32, #tpu.memory_space<hbm>>
    tpu.wait_indirect_dma semaphore(%arg10 : memref<!tpu.dma_semaphore, #tpu.memory_space<semaphore_mem>>) src(%dma_wait3A_130 : memref<10000x64xf32, #tpu.memory_space<hbm>>) dst(%dma_wait3A_120 : memref<128x64xf32, #tpu.memory_space<vmem>>)
    %barrier3A_131 = arith.constant 0 : index
    tpu.barrier barrier_id(%barrier3A_131)
    %while3A_132 = arith.constant 0 : i32
    %while3A_133 = arith.constant 0 : i32
    %while3A_134 = arith.constant 0 : i32
    %while3A_135 = arith.subi %select_n3A_33, %while3A_134 : i32
    %while3A_136 = arith.addi %while3A_134, %while3A_135 : i32
    %while3A_137 = arith.constant 1 : i32
    %while3A_138 = arith.divsi %while3A_135, %while3A_137 : i32
    %while3A_139 = arith.muli %while3A_138, %while3A_137 : i32
    %while3A_140 = arith.addi %while3A_134, %while3A_139 : i32
    %while3A_141 = arith.constant 1 : i32
    scf.for %while3A_143 = %while3A_134 to %while3A_140 step %while3A_141  : i32 {
      %mul3A_144 = arith.constant 80 : i32
      %mul3A_145 = arith.muli %while3A_143, %mul3A_144 : i32
      %add3A_146 = arith.addi %mul3A_11, %mul3A_145 : i32
      "tpu.region"() ({
        %run_scoped3A_147 = tpu.sem_alloc : memref<!tpu.dma_semaphore, #tpu.memory_space<semaphore_mem>>
        %dma_start3A_148 = arith.constant 0 : i32
        %dma_start3A_149 = arith.constant 0 : i32
        %dma_start3A_150 = tpu.memref_slice %arg8[%while3A_133, %dma_start3A_148, %dma_start3A_149] : memref<4x128x64xf32, #tpu.memory_space<vmem>> -> memref<1x80x64xf32, #tpu.memory_space<vmem>>
        %dma_start3A_151 = tpu.memref_squeeze %dma_start3A_150 : memref<1x80x64xf32, #tpu.memory_space<vmem>> -> memref<80x64xf32, #tpu.memory_space<vmem>>
        %dma_start3A_152 = arith.constant 0 : i32
        %dma_start3A_153 = tpu.memref_slice %arg9[%add3A_146, %dma_start3A_152] : memref<10048x64xf32, #tpu.memory_space<vmem_shared>> -> memref<80x64xf32, #tpu.memory_space<vmem_shared>>
        %dma_start3A_154 = arith.constant 0 : i32
        %dma_start3A_155 = arith.constant 0 : i32
        %dma_start3A_156 = tpu.memref_slice %arg8[%while3A_133, %dma_start3A_154, %dma_start3A_155] : memref<4x128x64xf32, #tpu.memory_space<vmem>> -> memref<1x80x64xf32, #tpu.memory_space<vmem>>
        %dma_start3A_157 = tpu.memref_squeeze %dma_start3A_156 : memref<1x80x64xf32, #tpu.memory_space<vmem>> -> memref<80x64xf32, #tpu.memory_space<vmem>>
        %dma_start3A_158 = arith.constant 0 : i32
        %dma_start3A_159 = tpu.memref_slice %arg9[%add3A_146, %dma_start3A_158] : memref<10048x64xf32, #tpu.memory_space<vmem_shared>> -> memref<80x64xf32, #tpu.memory_space<vmem_shared>>
        tpu.enqueue_dma source(%dma_start3A_159 : memref<80x64xf32, #tpu.memory_space<vmem_shared>>) target(%dma_start3A_157 : memref<80x64xf32, #tpu.memory_space<vmem>>) target_semaphore(%run_scoped3A_147 : memref<!tpu.dma_semaphore, #tpu.memory_space<semaphore_mem>>)
        %dma_wait3A_160 = arith.constant 0 : i32
        %dma_wait3A_161 = arith.constant 0 : i32
        %dma_wait3A_162 = tpu.memref_slice %arg8[%while3A_133, %dma_wait3A_160, %dma_wait3A_161] : memref<4x128x64xf32, #tpu.memory_space<vmem>> -> memref<1x80x64xf32, #tpu.memory_space<vmem>>
        %dma_wait3A_163 = tpu.memref_squeeze %dma_wait3A_162 : memref<1x80x64xf32, #tpu.memory_space<vmem>> -> memref<80x64xf32, #tpu.memory_space<vmem>>
        %dma_wait3A_164 = arith.constant 0 : i32
        %dma_wait3A_165 = tpu.memref_slice %arg9[%add3A_146, %dma_wait3A_164] : memref<10048x64xf32, #tpu.memory_space<vmem_shared>> -> memref<80x64xf32, #tpu.memory_space<vmem_shared>>
        %dma_wait3A_166 = arith.constant 0 : i32
        %dma_wait3A_167 = arith.constant 0 : i32
        %dma_wait3A_168 = tpu.memref_slice %arg8[%while3A_133, %dma_wait3A_166, %dma_wait3A_167] : memref<4x128x64xf32, #tpu.memory_space<vmem>> -> memref<1x80x64xf32, #tpu.memory_space<vmem>>
        %dma_wait3A_169 = tpu.memref_squeeze %dma_wait3A_168 : memref<1x80x64xf32, #tpu.memory_space<vmem>> -> memref<80x64xf32, #tpu.memory_space<vmem>>
        %dma_wait3A_170 = arith.constant 0 : i32
        %dma_wait3A_171 = tpu.memref_slice %arg9[%add3A_146, %dma_wait3A_170] : memref<10048x64xf32, #tpu.memory_space<vmem_shared>> -> memref<80x64xf32, #tpu.memory_space<vmem_shared>>
        tpu.wait_dma2 semaphore(%run_scoped3A_147 : memref<!tpu.dma_semaphore, #tpu.memory_space<semaphore_mem>>) src(%dma_wait3A_171 : memref<80x64xf32, #tpu.memory_space<vmem_shared>>) dst(%dma_wait3A_169 : memref<80x64xf32, #tpu.memory_space<vmem>>)
        tpu.yield
      }) : () -> ()
      "tpu.region"() ({
        %run_scoped3A_147 = tpu.sem_alloc : memref<!tpu.dma_semaphore, #tpu.memory_space<semaphore_mem>>
        %dma_start3A_148 = arith.constant 0 : i32
        %dma_start3A_149 = arith.constant 0 : i32
        %dma_start3A_150 = tpu.memref_slice %arg8[%while3A_133, %dma_start3A_148, %dma_start3A_149] : memref<4x128x64xf32, #tpu.memory_space<vmem>> -> memref<1x80x64xf32, #tpu.memory_space<vmem>>
        %dma_start3A_151 = tpu.memref_squeeze %dma_start3A_150 : memref<1x80x64xf32, #tpu.memory_space<vmem>> -> memref<80x64xf32, #tpu.memory_space<vmem>>
        %dma_start3A_152 = arith.constant 0 : i32
        %dma_start3A_153 = tpu.memref_slice %arg5[%arg0, %add3A_146, %dma_start3A_152] : memref<2x10000x64xf32, #tpu.memory_space<hbm>> -> memref<1x80x64xf32, #tpu.memory_space<hbm>>
        %dma_start3A_154 = tpu.memref_squeeze %dma_start3A_153 : memref<1x80x64xf32, #tpu.memory_space<hbm>> -> memref<80x64xf32, #tpu.memory_space<hbm>>
        %dma_start3A_155 = arith.constant 0 : i32
        %dma_start3A_156 = tpu.memref_slice %arg5[%arg0, %add3A_146, %dma_start3A_155] : memref<2x10000x64xf32, #tpu.memory_space<hbm>> -> memref<1x80x64xf32, #tpu.memory_space<hbm>>
        %dma_start3A_157 = tpu.memref_squeeze %dma_start3A_156 : memref<1x80x64xf32, #tpu.memory_space<hbm>> -> memref<80x64xf32, #tpu.memory_space<hbm>>
        %dma_start3A_158 = arith.constant 0 : i32
        %dma_start3A_159 = arith.constant 0 : i32
        %dma_start3A_160 = tpu.memref_slice %arg8[%while3A_133, %dma_start3A_158, %dma_start3A_159] : memref<4x128x64xf32, #tpu.memory_space<vmem>> -> memref<1x80x64xf32, #tpu.memory_space<vmem>>
        %dma_start3A_161 = tpu.memref_squeeze %dma_start3A_160 : memref<1x80x64xf32, #tpu.memory_space<vmem>> -> memref<80x64xf32, #tpu.memory_space<vmem>>
        tpu.enqueue_dma source(%dma_start3A_161 : memref<80x64xf32, #tpu.memory_space<vmem>>) target(%dma_start3A_157 : memref<80x64xf32, #tpu.memory_space<hbm>>) target_semaphore(%run_scoped3A_147 : memref<!tpu.dma_semaphore, #tpu.memory_space<semaphore_mem>>)
        %dma_wait3A_162 = arith.constant 0 : i32
        %dma_wait3A_163 = arith.constant 0 : i32
        %dma_wait3A_164 = tpu.memref_slice %arg8[%while3A_133, %dma_wait3A_162, %dma_wait3A_163] : memref<4x128x64xf32, #tpu.memory_space<vmem>> -> memref<1x80x64xf32, #tpu.memory_space<vmem>>
        %dma_wait3A_165 = tpu.memref_squeeze %dma_wait3A_164 : memref<1x80x64xf32, #tpu.memory_space<vmem>> -> memref<80x64xf32, #tpu.memory_space<vmem>>
        %dma_wait3A_166 = arith.constant 0 : i32
        %dma_wait3A_167 = tpu.memref_slice %arg5[%arg0, %add3A_146, %dma_wait3A_166] : memref<2x10000x64xf32, #tpu.memory_space<hbm>> -> memref<1x80x64xf32, #tpu.memory_space<hbm>>
        %dma_wait3A_168 = tpu.memref_squeeze %dma_wait3A_167 : memref<1x80x64xf32, #tpu.memory_space<hbm>> -> memref<80x64xf32, #tpu.memory_space<hbm>>
        %dma_wait3A_169 = arith.constant 0 : i32
        %dma_wait3A_170 = tpu.memref_slice %arg5[%arg0, %add3A_146, %dma_wait3A_169] : memref<2x10000x64xf32, #tpu.memory_space<hbm>> -> memref<1x80x64xf32, #tpu.memory_space<hbm>>
        %dma_wait3A_171 = tpu.memref_squeeze %dma_wait3A_170 : memref<1x80x64xf32, #tpu.memory_space<hbm>> -> memref<80x64xf32, #tpu.memory_space<hbm>>
        %dma_wait3A_172 = arith.constant 0 : i32
        %dma_wait3A_173 = arith.constant 0 : i32
        %dma_wait3A_174 = tpu.memref_slice %arg8[%while3A_133, %dma_wait3A_172, %dma_wait3A_173] : memref<4x128x64xf32, #tpu.memory_space<vmem>> -> memref<1x80x64xf32, #tpu.memory_space<vmem>>
        %dma_wait3A_175 = tpu.memref_squeeze %dma_wait3A_174 : memref<1x80x64xf32, #tpu.memory_space<vmem>> -> memref<80x64xf32, #tpu.memory_space<vmem>>
        tpu.wait_dma2 semaphore(%run_scoped3A_147 : memref<!tpu.dma_semaphore, #tpu.memory_space<semaphore_mem>>) src(%dma_wait3A_175 : memref<80x64xf32, #tpu.memory_space<vmem>>) dst(%dma_wait3A_171 : memref<80x64xf32, #tpu.memory_space<hbm>>)
        tpu.yield
      }) : () -> ()
    }
    %while3A_142 = arith.constant 1 : i32
    scf.for %while3A_143 = %while3A_140 to %while3A_136 step %while3A_142  : i32 {
      %mul3A_144 = arith.constant 80 : i32
      %mul3A_145 = arith.muli %while3A_143, %mul3A_144 : i32
      %add3A_146 = arith.addi %mul3A_11, %mul3A_145 : i32
      "tpu.region"() ({
        %run_scoped3A_147 = tpu.sem_alloc : memref<!tpu.dma_semaphore, #tpu.memory_space<semaphore_mem>>
        %dma_start3A_148 = arith.constant 0 : i32
        %dma_start3A_149 = arith.constant 0 : i32
        %dma_start3A_150 = tpu.memref_slice %arg8[%while3A_133, %dma_start3A_148, %dma_start3A_149] : memref<4x128x64xf32, #tpu.memory_space<vmem>> -> memref<1x80x64xf32, #tpu.memory_space<vmem>>
        %dma_start3A_151 = tpu.memref_squeeze %dma_start3A_150 : memref<1x80x64xf32, #tpu.memory_space<vmem>> -> memref<80x64xf32, #tpu.memory_space<vmem>>
        %dma_start3A_152 = arith.constant 0 : i32
        %dma_start3A_153 = tpu.memref_slice %arg9[%add3A_146, %dma_start3A_152] : memref<10048x64xf32, #tpu.memory_space<vmem_shared>> -> memref<80x64xf32, #tpu.memory_space<vmem_shared>>
        %dma_start3A_154 = arith.constant 0 : i32
        %dma_start3A_155 = arith.constant 0 : i32
        %dma_start3A_156 = tpu.memref_slice %arg8[%while3A_133, %dma_start3A_154, %dma_start3A_155] : memref<4x128x64xf32, #tpu.memory_space<vmem>> -> memref<1x80x64xf32, #tpu.memory_space<vmem>>
        %dma_start3A_157 = tpu.memref_squeeze %dma_start3A_156 : memref<1x80x64xf32, #tpu.memory_space<vmem>> -> memref<80x64xf32, #tpu.memory_space<vmem>>
        %dma_start3A_158 = arith.constant 0 : i32
        %dma_start3A_159 = tpu.memref_slice %arg9[%add3A_146, %dma_start3A_158] : memref<10048x64xf32, #tpu.memory_space<vmem_shared>> -> memref<80x64xf32, #tpu.memory_space<vmem_shared>>
        tpu.enqueue_dma source(%dma_start3A_159 : memref<80x64xf32, #tpu.memory_space<vmem_shared>>) target(%dma_start3A_157 : memref<80x64xf32, #tpu.memory_space<vmem>>) target_semaphore(%run_scoped3A_147 : memref<!tpu.dma_semaphore, #tpu.memory_space<semaphore_mem>>)
        %dma_wait3A_160 = arith.constant 0 : i32
        %dma_wait3A_161 = arith.constant 0 : i32
        %dma_wait3A_162 = tpu.memref_slice %arg8[%while3A_133, %dma_wait3A_160, %dma_wait3A_161] : memref<4x128x64xf32, #tpu.memory_space<vmem>> -> memref<1x80x64xf32, #tpu.memory_space<vmem>>
        %dma_wait3A_163 = tpu.memref_squeeze %dma_wait3A_162 : memref<1x80x64xf32, #tpu.memory_space<vmem>> -> memref<80x64xf32, #tpu.memory_space<vmem>>
        %dma_wait3A_164 = arith.constant 0 : i32
        %dma_wait3A_165 = tpu.memref_slice %arg9[%add3A_146, %dma_wait3A_164] : memref<10048x64xf32, #tpu.memory_space<vmem_shared>> -> memref<80x64xf32, #tpu.memory_space<vmem_shared>>
        %dma_wait3A_166 = arith.constant 0 : i32
        %dma_wait3A_167 = arith.constant 0 : i32
        %dma_wait3A_168 = tpu.memref_slice %arg8[%while3A_133, %dma_wait3A_166, %dma_wait3A_167] : memref<4x128x64xf32, #tpu.memory_space<vmem>> -> memref<1x80x64xf32, #tpu.memory_space<vmem>>
        %dma_wait3A_169 = tpu.memref_squeeze %dma_wait3A_168 : memref<1x80x64xf32, #tpu.memory_space<vmem>> -> memref<80x64xf32, #tpu.memory_space<vmem>>
        %dma_wait3A_170 = arith.constant 0 : i32
        %dma_wait3A_171 = tpu.memref_slice %arg9[%add3A_146, %dma_wait3A_170] : memref<10048x64xf32, #tpu.memory_space<vmem_shared>> -> memref<80x64xf32, #tpu.memory_space<vmem_shared>>
        tpu.wait_dma2 semaphore(%run_scoped3A_147 : memref<!tpu.dma_semaphore, #tpu.memory_space<semaphore_mem>>) src(%dma_wait3A_171 : memref<80x64xf32, #tpu.memory_space<vmem_shared>>) dst(%dma_wait3A_169 : memref<80x64xf32, #tpu.memory_space<vmem>>)
        tpu.yield
      }) : () -> ()
      "tpu.region"() ({
        %run_scoped3A_147 = tpu.sem_alloc : memref<!tpu.dma_semaphore, #tpu.memory_space<semaphore_mem>>
        %dma_start3A_148 = arith.constant 0 : i32
        %dma_start3A_149 = arith.constant 0 : i32
        %dma_start3A_150 = tpu.memref_slice %arg8[%while3A_133, %dma_start3A_148, %dma_start3A_149] : memref<4x128x64xf32, #tpu.memory_space<vmem>> -> memref<1x80x64xf32, #tpu.memory_space<vmem>>
        %dma_start3A_151 = tpu.memref_squeeze %dma_start3A_150 : memref<1x80x64xf32, #tpu.memory_space<vmem>> -> memref<80x64xf32, #tpu.memory_space<vmem>>
        %dma_start3A_152 = arith.constant 0 : i32
        %dma_start3A_153 = tpu.memref_slice %arg5[%arg0, %add3A_146, %dma_start3A_152] : memref<2x10000x64xf32, #tpu.memory_space<hbm>> -> memref<1x80x64xf32, #tpu.memory_space<hbm>>
        %dma_start3A_154 = tpu.memref_squeeze %dma_start3A_153 : memref<1x80x64xf32, #tpu.memory_space<hbm>> -> memref<80x64xf32, #tpu.memory_space<hbm>>
        %dma_start3A_155 = arith.constant 0 : i32
        %dma_start3A_156 = tpu.memref_slice %arg5[%arg0, %add3A_146, %dma_start3A_155] : memref<2x10000x64xf32, #tpu.memory_space<hbm>> -> memref<1x80x64xf32, #tpu.memory_space<hbm>>
        %dma_start3A_157 = tpu.memref_squeeze %dma_start3A_156 : memref<1x80x64xf32, #tpu.memory_space<hbm>> -> memref<80x64xf32, #tpu.memory_space<hbm>>
        %dma_start3A_158 = arith.constant 0 : i32
        %dma_start3A_159 = arith.constant 0 : i32
        %dma_start3A_160 = tpu.memref_slice %arg8[%while3A_133, %dma_start3A_158, %dma_start3A_159] : memref<4x128x64xf32, #tpu.memory_space<vmem>> -> memref<1x80x64xf32, #tpu.memory_space<vmem>>
        %dma_start3A_161 = tpu.memref_squeeze %dma_start3A_160 : memref<1x80x64xf32, #tpu.memory_space<vmem>> -> memref<80x64xf32, #tpu.memory_space<vmem>>
        tpu.enqueue_dma source(%dma_start3A_161 : memref<80x64xf32, #tpu.memory_space<vmem>>) target(%dma_start3A_157 : memref<80x64xf32, #tpu.memory_space<hbm>>) target_semaphore(%run_scoped3A_147 : memref<!tpu.dma_semaphore, #tpu.memory_space<semaphore_mem>>)
        %dma_wait3A_162 = arith.constant 0 : i32
        %dma_wait3A_163 = arith.constant 0 : i32
        %dma_wait3A_164 = tpu.memref_slice %arg8[%while3A_133, %dma_wait3A_162, %dma_wait3A_163] : memref<4x128x64xf32, #tpu.memory_space<vmem>> -> memref<1x80x64xf32, #tpu.memory_space<vmem>>
        %dma_wait3A_165 = tpu.memref_squeeze %dma_wait3A_164 : memref<1x80x64xf32, #tpu.memory_space<vmem>> -> memref<80x64xf32, #tpu.memory_space<vmem>>
        %dma_wait3A_166 = arith.constant 0 : i32
        %dma_wait3A_167 = tpu.memref_slice %arg5[%arg0, %add3A_146, %dma_wait3A_166] : memref<2x10000x64xf32, #tpu.memory_space<hbm>> -> memref<1x80x64xf32, #tpu.memory_space<hbm>>
        %dma_wait3A_168 = tpu.memref_squeeze %dma_wait3A_167 : memref<1x80x64xf32, #tpu.memory_space<hbm>> -> memref<80x64xf32, #tpu.memory_space<hbm>>
        %dma_wait3A_169 = arith.constant 0 : i32
        %dma_wait3A_170 = tpu.memref_slice %arg5[%arg0, %add3A_146, %dma_wait3A_169] : memref<2x10000x64xf32, #tpu.memory_space<hbm>> -> memref<1x80x64xf32, #tpu.memory_space<hbm>>
        %dma_wait3A_171 = tpu.memref_squeeze %dma_wait3A_170 : memref<1x80x64xf32, #tpu.memory_space<hbm>> -> memref<80x64xf32, #tpu.memory_space<hbm>>
        %dma_wait3A_172 = arith.constant 0 : i32
        %dma_wait3A_173 = arith.constant 0 : i32
        %dma_wait3A_174 = tpu.memref_slice %arg8[%while3A_133, %dma_wait3A_172, %dma_wait3A_173] : memref<4x128x64xf32, #tpu.memory_space<vmem>> -> memref<1x80x64xf32, #tpu.memory_space<vmem>>
        %dma_wait3A_175 = tpu.memref_squeeze %dma_wait3A_174 : memref<1x80x64xf32, #tpu.memory_space<vmem>> -> memref<80x64xf32, #tpu.memory_space<vmem>>
        tpu.wait_dma2 semaphore(%run_scoped3A_147 : memref<!tpu.dma_semaphore, #tpu.memory_space<semaphore_mem>>) src(%dma_wait3A_175 : memref<80x64xf32, #tpu.memory_space<vmem>>) dst(%dma_wait3A_171 : memref<80x64xf32, #tpu.memory_space<hbm>>)
        tpu.yield
      }) : () -> ()
    }
    return
  }
}

module attributes {stable_mosaic.version = 14 : i64} {
  func.func @body(%arg0: i32, %arg1: memref<2000x128xf32, #tpu.memory_space<vmem>>, %arg2: memref<128x128xf32, #tpu.memory_space<vmem>>, %arg3: memref<2000x2xf32, #tpu.memory_space<vmem>>, %arg4: memref<2000x128xf32, #tpu.memory_space<vmem>>, %arg5: memref<2x2000x64xf32, #tpu.memory_space<vmem>>) attributes {dimension_semantics = [#tpu.dimension_semantics<arbitrary>], iteration_bounds = array<i64: 5>, scalar_prefetch = 0 : i64, scratch_operands = 0 : i64, tpu.core_type = #tpu.core_type<tc>, window_params = [{transform_indices = @transform_0, window_bounds = array<i64: 2000, 128>}, {pipeline_mode = #tpu.pipeline_mode<synchronous>, transform_indices = @transform_1, window_bounds = array<i64: 128, 128>}, {transform_indices = @transform_2, window_bounds = array<i64: 2000, 2>}, {transform_indices = @transform_3, window_bounds = array<i64: 2000, 128>}, {transform_indices = @transform_4, window_bounds = array<i64: 2, 2000, 64>}]} {
    %get3A = arith.constant 0 : index
    %get3A_0 = arith.constant 0 : index
    %get3A_1 = vector.load %arg1[%get3A, %get3A_0] : memref<2000x128xf32, #tpu.memory_space<vmem>>, vector<2000x128xf32>
    %get3A_2 = arith.constant 0 : index
    %get3A_3 = arith.constant 0 : index
    %get3A_4 = vector.load %arg2[%get3A_2, %get3A_3] : memref<128x128xf32, #tpu.memory_space<vmem>>, vector<128x128xf32>
    %dot_general3A = arith.constant dense<0.000000e+00> : vector<2000x128xf32>
    %dot_general3A_5 = tpu.matmul %get3A_1, %get3A_4, %dot_general3A {dimension_numbers = #tpu.dot_dimension_numbers<[1], [0], [0], [1], [0, 0, 1, 1], [], []>, transpose_lhs_hint = false} : vector<2000x128xf32>, vector<128x128xf32>, vector<2000x128xf32> -> vector<2000x128xf32>
    %get3A_6 = arith.constant 0 : index
    %get3A_7 = arith.constant 0 : index
    %get3A_8 = vector.load %arg3[%get3A_6, %get3A_7] : memref<2000x2xf32, #tpu.memory_space<vmem>>, vector<2000x2xf32>
    %slice3A = vector.extract_strided_slice %get3A_8 {offsets = [0, 0], sizes = [2000, 1], strides = [1, 1]} : vector<2000x2xf32> to vector<2000x1xf32>
    %slice3A_9 = vector.extract_strided_slice %get3A_8 {offsets = [0, 1], sizes = [2000, 1], strides = [1, 1]} : vector<2000x2xf32> to vector<2000x1xf32>
    %add3A = arith.addf %slice3A, %slice3A_9 : vector<2000x1xf32>
    %add3A_10 = arith.constant 1.000000e+00 : f32
    %add3A_11 = vector.broadcast %add3A_10 : f32 to vector<2000x1xf32>
    %add3A_12 = arith.addf %add3A, %add3A_11 : vector<2000x1xf32>
    %rsqrt3A = math.rsqrt %add3A_12 : vector<2000x1xf32>
    %swap3A = arith.constant 0 : index
    %swap3A_13 = arith.constant 0 : index
    %swap3A_14 = vector.load %arg4[%swap3A, %swap3A_13] : memref<2000x128xf32, #tpu.memory_space<vmem>>, vector<2000x128xf32>
    tpu.vector_store %arg4[%swap3A, %swap3A_13], %dot_general3A_5 {strides = array<i32>} : memref<2000x128xf32, #tpu.memory_space<vmem>>, vector<2000x128xf32>,
    %mul3A = vector.broadcast %rsqrt3A : vector<2000x1xf32> to vector<2000x128xf32>
    %mul3A_15 = arith.mulf %dot_general3A_5, %mul3A : vector<2000x128xf32>
    %slice3A_16 = vector.extract_strided_slice %mul3A_15 {offsets = [0, 0], sizes = [2000, 64], strides = [1, 1]} : vector<2000x128xf32> to vector<2000x64xf32>
    %swap3A_17 = arith.constant 0 : index
    %swap3A_18 = arith.constant 0 : index
    %swap3A_19 = arith.constant 0 : index
    %swap3A_20 = vector.load %arg5[%swap3A_17, %swap3A_18, %swap3A_19] : memref<2x2000x64xf32, #tpu.memory_space<vmem>>, vector<1x2000x64xf32>
    %swap3A_21 = vector.shape_cast %swap3A_20 : vector<1x2000x64xf32> to vector<2000x64xf32>
    %swap3A_22 = vector.shape_cast %slice3A_16 : vector<2000x64xf32> to vector<1x2000x64xf32>
    tpu.vector_store %arg5[%swap3A_17, %swap3A_18, %swap3A_19], %swap3A_22 {strides = array<i32>} : memref<2x2000x64xf32, #tpu.memory_space<vmem>>, vector<1x2000x64xf32>,
    %slice3A_23 = vector.extract_strided_slice %mul3A_15 {offsets = [0, 64], sizes = [2000, 64], strides = [1, 1]} : vector<2000x128xf32> to vector<2000x64xf32>
    %swap3A_24 = arith.constant 1 : index
    %swap3A_25 = arith.constant 0 : index
    %swap3A_26 = arith.constant 0 : index
    %swap3A_27 = vector.load %arg5[%swap3A_24, %swap3A_25, %swap3A_26] : memref<2x2000x64xf32, #tpu.memory_space<vmem>>, vector<1x2000x64xf32>
    %swap3A_28 = vector.shape_cast %swap3A_27 : vector<1x2000x64xf32> to vector<2000x64xf32>
    %swap3A_29 = vector.shape_cast %slice3A_23 : vector<2000x64xf32> to vector<1x2000x64xf32>
    tpu.vector_store %arg5[%swap3A_24, %swap3A_25, %swap3A_26], %swap3A_29 {strides = array<i32>} : memref<2x2000x64xf32, #tpu.memory_space<vmem>>, vector<1x2000x64xf32>,
    return
  }
  func.func @transform_0(%arg0: i32) -> (i32, i32) {
    %c0_i32 = arith.constant 0 : i32
    %c0_i32_0 = arith.constant 0 : i32
    return %arg0, %c0_i32 : i32, i32
  }
  func.func @transform_1(%arg0: i32) -> (i32, i32) {
    %c0_i32 = arith.constant 0 : i32
    %c0_i32_0 = arith.constant 0 : i32
    %c0_i32_1 = arith.constant 0 : i32
    return %c0_i32, %c0_i32_0 : i32, i32
  }
  func.func @transform_2(%arg0: i32) -> (i32, i32) {
    %c0_i32 = arith.constant 0 : i32
    %c0_i32_0 = arith.constant 0 : i32
    return %arg0, %c0_i32 : i32, i32
  }
  func.func @transform_3(%arg0: i32) -> (i32, i32) {
    %c0_i32 = arith.constant 0 : i32
    %c0_i32_0 = arith.constant 0 : i32
    return %arg0, %c0_i32 : i32, i32
  }
  func.func @transform_4(%arg0: i32) -> (i32, i32, i32) {
    %c0_i32 = arith.constant 0 : i32
    %c0_i32_0 = arith.constant 0 : i32
    %c0_i32_1 = arith.constant 0 : i32
    return %c0_i32, %arg0, %c0_i32_0 : i32, i32, i32
  }
}

module attributes {stable_mosaic.version = 14 : i64} {
  func.func @body(%arg0: i32, %arg1: memref<2x2000x64xf32, #tpu.memory_space<vmem>>, %arg2: memref<2000x128xf32, #tpu.memory_space<vmem>>, %arg3: memref<2000x2xf32, #tpu.memory_space<vmem>>, %arg4: memref<1x128xf32, #tpu.memory_space<vmem>>, %arg5: memref<128x40xf32, #tpu.memory_space<vmem>>, %arg6: memref<2000x40xf32, #tpu.memory_space<vmem>>, %arg7: memref<2000x48xf32, #tpu.memory_space<vmem>>) attributes {dimension_semantics = [#tpu.dimension_semantics<arbitrary>], iteration_bounds = array<i64: 5>, scalar_prefetch = 0 : i64, scratch_operands = 0 : i64, tpu.core_type = #tpu.core_type<tc>, window_params = [{transform_indices = @transform_0, window_bounds = array<i64: 2, 2000, 64>}, {transform_indices = @transform_1, window_bounds = array<i64: 2000, 128>}, {transform_indices = @transform_2, window_bounds = array<i64: 2000, 2>}, {pipeline_mode = #tpu.pipeline_mode<synchronous>, transform_indices = @transform_3, window_bounds = array<i64: 1, 128>}, {pipeline_mode = #tpu.pipeline_mode<synchronous>, transform_indices = @transform_4, window_bounds = array<i64: 128, 40>}, {transform_indices = @transform_5, window_bounds = array<i64: 2000, 40>}, {transform_indices = @transform_6, window_bounds = array<i64: 2000, 48>}]} {
    %get3A = arith.constant 0 : index
    %get3A_0 = arith.constant 0 : index
    %get3A_1 = arith.constant 0 : index
    %get3A_2 = vector.load %arg1[%get3A, %get3A_0, %get3A_1] : memref<2x2000x64xf32, #tpu.memory_space<vmem>>, vector<1x2000x64xf32>
    %get3A_3 = vector.shape_cast %get3A_2 : vector<1x2000x64xf32> to vector<2000x64xf32>
    %get3A_4 = arith.constant 1 : index
    %get3A_5 = arith.constant 0 : index
    %get3A_6 = arith.constant 0 : index
    %get3A_7 = vector.load %arg1[%get3A_4, %get3A_5, %get3A_6] : memref<2x2000x64xf32, #tpu.memory_space<vmem>>, vector<1x2000x64xf32>
    %get3A_8 = vector.shape_cast %get3A_7 : vector<1x2000x64xf32> to vector<2000x64xf32>
    %concatenate3A = tpu.concatenate %get3A_3, %get3A_8 in 1 : vector<2000x64xf32>, vector<2000x64xf32> -> vector<2000x128xf32>
    %get3A_9 = arith.constant 0 : index
    %get3A_10 = arith.constant 0 : index
    %get3A_11 = vector.load %arg3[%get3A_9, %get3A_10] : memref<2000x2xf32, #tpu.memory_space<vmem>>, vector<2000x2xf32>
    %slice3A = vector.extract_strided_slice %get3A_11 {offsets = [0, 0], sizes = [2000, 1], strides = [1, 1]} : vector<2000x2xf32> to vector<2000x1xf32>
    %slice3A_12 = vector.extract_strided_slice %get3A_11 {offsets = [0, 1], sizes = [2000, 1], strides = [1, 1]} : vector<2000x2xf32> to vector<2000x1xf32>
    %add3A = arith.addf %slice3A, %slice3A_12 : vector<2000x1xf32>
    %add3A_13 = arith.constant 1.000000e+00 : f32
    %add3A_14 = vector.broadcast %add3A_13 : f32 to vector<2000x1xf32>
    %add3A_15 = arith.addf %add3A, %add3A_14 : vector<2000x1xf32>
    %rsqrt3A = math.rsqrt %add3A_15 : vector<2000x1xf32>
    %mul3A = vector.broadcast %rsqrt3A : vector<2000x1xf32> to vector<2000x128xf32>
    %mul3A_16 = arith.mulf %mul3A, %concatenate3A : vector<2000x128xf32>
    %mul3A_17 = arith.mulf %rsqrt3A, %rsqrt3A : vector<2000x1xf32>
    %get3A_18 = arith.constant 0 : index
    %get3A_19 = arith.constant 0 : index
    %get3A_20 = vector.load %arg2[%get3A_18, %get3A_19] : memref<2000x128xf32, #tpu.memory_space<vmem>>, vector<2000x128xf32>
    %mul3A_21 = vector.broadcast %mul3A_17 : vector<2000x1xf32> to vector<2000x128xf32>
    %mul3A_22 = arith.mulf %mul3A_21, %get3A_20 : vector<2000x128xf32>
    %add3A_23 = arith.addf %mul3A_16, %mul3A_22 : vector<2000x128xf32>
    %get3A_24 = arith.constant 0 : index
    %get3A_25 = arith.constant 0 : index
    %get3A_26 = vector.load %arg4[%get3A_24, %get3A_25] : memref<1x128xf32, #tpu.memory_space<vmem>>, vector<1x128xf32>
    %add3A_27 = vector.broadcast %get3A_26 : vector<1x128xf32> to vector<2000x128xf32>
    %add3A_28 = arith.addf %add3A_23, %add3A_27 : vector<2000x128xf32>
    %max3A = arith.constant 0.000000e+00 : f32
    %max3A_29 = vector.broadcast %max3A : f32 to vector<2000x128xf32>
    %max3A_30 = arith.maximumf %add3A_28, %max3A_29 : vector<2000x128xf32>
    %get3A_31 = arith.constant 0 : index
    %get3A_32 = arith.constant 0 : index
    %get3A_33 = vector.load %arg5[%get3A_31, %get3A_32] : memref<128x40xf32, #tpu.memory_space<vmem>>, vector<128x40xf32>
    %dot_general3A = arith.constant dense<0.000000e+00> : vector<2000x40xf32>
    %dot_general3A_34 = tpu.matmul %max3A_30, %get3A_33, %dot_general3A {dimension_numbers = #tpu.dot_dimension_numbers<[1], [0], [0], [1], [0, 0, 1, 1], [], []>, transpose_lhs_hint = false} : vector<2000x128xf32>, vector<128x40xf32>, vector<2000x40xf32> -> vector<2000x40xf32>
    %swap3A = arith.constant 0 : index
    %swap3A_35 = arith.constant 0 : index
    %swap3A_36 = vector.load %arg6[%swap3A, %swap3A_35] : memref<2000x40xf32, #tpu.memory_space<vmem>>, vector<2000x40xf32>
    tpu.vector_store %arg6[%swap3A, %swap3A_35], %dot_general3A_34 {strides = array<i32>} : memref<2000x40xf32, #tpu.memory_space<vmem>>, vector<2000x40xf32>,
    %mul3A_37 = vector.broadcast %rsqrt3A : vector<2000x1xf32> to vector<2000x40xf32>
    %mul3A_38 = arith.mulf %dot_general3A_34, %mul3A_37 : vector<2000x40xf32>
    %broadcast_in_dim3A = arith.constant 0.000000e+00 : f32
    %broadcast_in_dim3A_39 = vector.broadcast %broadcast_in_dim3A : f32 to vector<2000x8xf32>
    %concatenate3A_40 = tpu.concatenate %mul3A_38, %broadcast_in_dim3A_39 in 1 : vector<2000x40xf32>, vector<2000x8xf32> -> vector<2000x48xf32>
    %swap3A_41 = arith.constant 0 : index
    %swap3A_42 = arith.constant 0 : index
    %swap3A_43 = vector.load %arg7[%swap3A_41, %swap3A_42] : memref<2000x48xf32, #tpu.memory_space<vmem>>, vector<2000x48xf32>
    tpu.vector_store %arg7[%swap3A_41, %swap3A_42], %concatenate3A_40 {strides = array<i32>} : memref<2000x48xf32, #tpu.memory_space<vmem>>, vector<2000x48xf32>,
    return
  }
  func.func @transform_0(%arg0: i32) -> (i32, i32, i32) {
    %c0_i32 = arith.constant 0 : i32
    %c0_i32_0 = arith.constant 0 : i32
    %c0_i32_1 = arith.constant 0 : i32
    return %c0_i32, %arg0, %c0_i32_0 : i32, i32, i32
  }
  func.func @transform_1(%arg0: i32) -> (i32, i32) {
    %c0_i32 = arith.constant 0 : i32
    %c0_i32_0 = arith.constant 0 : i32
    return %arg0, %c0_i32 : i32, i32
  }
  func.func @transform_2(%arg0: i32) -> (i32, i32) {
    %c0_i32 = arith.constant 0 : i32
    %c0_i32_0 = arith.constant 0 : i32
    return %arg0, %c0_i32 : i32, i32
  }
  func.func @transform_3(%arg0: i32) -> (i32, i32) {
    %c0_i32 = arith.constant 0 : i32
    %c0_i32_0 = arith.constant 0 : i32
    %c0_i32_1 = arith.constant 0 : i32
    return %c0_i32, %c0_i32_0 : i32, i32
  }
  func.func @transform_4(%arg0: i32) -> (i32, i32) {
    %c0_i32 = arith.constant 0 : i32
    %c0_i32_0 = arith.constant 0 : i32
    %c0_i32_1 = arith.constant 0 : i32
    return %c0_i32, %c0_i32_0 : i32, i32
  }
  func.func @transform_5(%arg0: i32) -> (i32, i32) {
    %c0_i32 = arith.constant 0 : i32
    %c0_i32_0 = arith.constant 0 : i32
    return %arg0, %c0_i32 : i32, i32
  }
  func.func @transform_6(%arg0: i32) -> (i32, i32) {
    %c0_i32 = arith.constant 0 : i32
    %c0_i32_0 = arith.constant 0 : i32
    return %arg0, %c0_i32 : i32, i32
  }
}

module attributes {stable_mosaic.version = 14 : i64} {
  func.func @body(%arg0: i32, %arg1: memref<2x2000x48xf32, #tpu.memory_space<vmem>>, %arg2: memref<2000x40xf32, #tpu.memory_space<vmem>>, %arg3: memref<2000x2xf32, #tpu.memory_space<vmem>>, %arg4: memref<1x40xf32, #tpu.memory_space<vmem>>, %arg5: memref<2000x40xf32, #tpu.memory_space<vmem>>) attributes {dimension_semantics = [#tpu.dimension_semantics<arbitrary>], iteration_bounds = array<i64: 5>, scalar_prefetch = 0 : i64, scratch_operands = 0 : i64, tpu.core_type = #tpu.core_type<tc>, window_params = [{transform_indices = @transform_0, window_bounds = array<i64: 2, 2000, 48>}, {transform_indices = @transform_1, window_bounds = array<i64: 2000, 40>}, {transform_indices = @transform_2, window_bounds = array<i64: 2000, 2>}, {pipeline_mode = #tpu.pipeline_mode<synchronous>, transform_indices = @transform_3, window_bounds = array<i64: 1, 40>}, {transform_indices = @transform_4, window_bounds = array<i64: 2000, 40>}]} {
    %get3A = arith.constant 0 : index
    %get3A_0 = arith.constant 0 : index
    %get3A_1 = arith.constant 0 : index
    %get3A_2 = vector.load %arg1[%get3A, %get3A_0, %get3A_1] : memref<2x2000x48xf32, #tpu.memory_space<vmem>>, vector<1x2000x48xf32>
    %get3A_3 = vector.shape_cast %get3A_2 : vector<1x2000x48xf32> to vector<2000x48xf32>
    %get3A_4 = arith.constant 1 : index
    %get3A_5 = arith.constant 0 : index
    %get3A_6 = arith.constant 0 : index
    %get3A_7 = vector.load %arg1[%get3A_4, %get3A_5, %get3A_6] : memref<2x2000x48xf32, #tpu.memory_space<vmem>>, vector<1x2000x48xf32>
    %get3A_8 = vector.shape_cast %get3A_7 : vector<1x2000x48xf32> to vector<2000x48xf32>
    %add3A = arith.addf %get3A_3, %get3A_8 : vector<2000x48xf32>
    %slice3A = vector.extract_strided_slice %add3A {offsets = [0, 0], sizes = [2000, 40], strides = [1, 1]} : vector<2000x48xf32> to vector<2000x40xf32>
    %get3A_9 = arith.constant 0 : index
    %get3A_10 = arith.constant 0 : index
    %get3A_11 = vector.load %arg3[%get3A_9, %get3A_10] : memref<2000x2xf32, #tpu.memory_space<vmem>>, vector<2000x2xf32>
    %slice3A_12 = vector.extract_strided_slice %get3A_11 {offsets = [0, 0], sizes = [2000, 1], strides = [1, 1]} : vector<2000x2xf32> to vector<2000x1xf32>
    %slice3A_13 = vector.extract_strided_slice %get3A_11 {offsets = [0, 1], sizes = [2000, 1], strides = [1, 1]} : vector<2000x2xf32> to vector<2000x1xf32>
    %add3A_14 = arith.addf %slice3A_12, %slice3A_13 : vector<2000x1xf32>
    %add3A_15 = arith.constant 1.000000e+00 : f32
    %add3A_16 = vector.broadcast %add3A_15 : f32 to vector<2000x1xf32>
    %add3A_17 = arith.addf %add3A_14, %add3A_16 : vector<2000x1xf32>
    %rsqrt3A = math.rsqrt %add3A_17 : vector<2000x1xf32>
    %mul3A = vector.broadcast %rsqrt3A : vector<2000x1xf32> to vector<2000x40xf32>
    %mul3A_18 = arith.mulf %mul3A, %slice3A : vector<2000x40xf32>
    %mul3A_19 = arith.mulf %rsqrt3A, %rsqrt3A : vector<2000x1xf32>
    %get3A_20 = arith.constant 0 : index
    %get3A_21 = arith.constant 0 : index
    %get3A_22 = vector.load %arg2[%get3A_20, %get3A_21] : memref<2000x40xf32, #tpu.memory_space<vmem>>, vector<2000x40xf32>
    %mul3A_23 = vector.broadcast %mul3A_19 : vector<2000x1xf32> to vector<2000x40xf32>
    %mul3A_24 = arith.mulf %mul3A_23, %get3A_22 : vector<2000x40xf32>
    %add3A_25 = arith.addf %mul3A_18, %mul3A_24 : vector<2000x40xf32>
    %get3A_26 = arith.constant 0 : index
    %get3A_27 = arith.constant 0 : index
    %get3A_28 = vector.load %arg4[%get3A_26, %get3A_27] : memref<1x40xf32, #tpu.memory_space<vmem>>, vector<1x40xf32>
    %add3A_29 = vector.broadcast %get3A_28 : vector<1x40xf32> to vector<2000x40xf32>
    %add3A_30 = arith.addf %add3A_25, %add3A_29 : vector<2000x40xf32>
    %reduce_max3A = arith.constant dense<0xFF800000> : vector<2000xf32>
    %reduce_max3A_31 = vector.multi_reduction <maximumf>, %add3A_30, %reduce_max3A [1] : vector<2000x40xf32> to vector<2000xf32>
    %broadcast_in_dim3A = vector.shape_cast %reduce_max3A_31 : vector<2000xf32> to vector<2000x1xf32>
    %sub3A = vector.broadcast %broadcast_in_dim3A : vector<2000x1xf32> to vector<2000x40xf32>
    %sub3A_32 = arith.subf %add3A_30, %sub3A : vector<2000x40xf32>
    %exp3A = math.exp %sub3A_32 : vector<2000x40xf32>
    %reduce_sum3A = arith.constant dense<0.000000e+00> : vector<2000xf32>
    %reduce_sum3A_33 = vector.multi_reduction <add>, %exp3A, %reduce_sum3A [1] : vector<2000x40xf32> to vector<2000xf32>
    %broadcast_in_dim3A_34 = vector.shape_cast %reduce_sum3A_33 : vector<2000xf32> to vector<2000x1xf32>
    %log3A = math.log %broadcast_in_dim3A_34 : vector<2000x1xf32>
    %add3A_35 = arith.addf %log3A, %broadcast_in_dim3A : vector<2000x1xf32>
    %sub3A_36 = vector.broadcast %add3A_35 : vector<2000x1xf32> to vector<2000x40xf32>
    %sub3A_37 = arith.subf %add3A_30, %sub3A_36 : vector<2000x40xf32>
    %swap3A = arith.constant 0 : index
    %swap3A_38 = arith.constant 0 : index
    %swap3A_39 = vector.load %arg5[%swap3A, %swap3A_38] : memref<2000x40xf32, #tpu.memory_space<vmem>>, vector<2000x40xf32>
    tpu.vector_store %arg5[%swap3A, %swap3A_38], %sub3A_37 {strides = array<i32>} : memref<2000x40xf32, #tpu.memory_space<vmem>>, vector<2000x40xf32>,
    return
  }
  func.func @transform_0(%arg0: i32) -> (i32, i32, i32) {
    %c0_i32 = arith.constant 0 : i32
    %c0_i32_0 = arith.constant 0 : i32
    %c0_i32_1 = arith.constant 0 : i32
    return %c0_i32, %arg0, %c0_i32_0 : i32, i32, i32
  }
  func.func @transform_1(%arg0: i32) -> (i32, i32) {
    %c0_i32 = arith.constant 0 : i32
    %c0_i32_0 = arith.constant 0 : i32
    return %arg0, %c0_i32 : i32, i32
  }
  func.func @transform_2(%arg0: i32) -> (i32, i32) {
    %c0_i32 = arith.constant 0 : i32
    %c0_i32_0 = arith.constant 0 : i32
    return %arg0, %c0_i32 : i32, i32
  }
  func.func @transform_3(%arg0: i32) -> (i32, i32) {
    %c0_i32 = arith.constant 0 : i32
    %c0_i32_0 = arith.constant 0 : i32
    %c0_i32_1 = arith.constant 0 : i32
    return %c0_i32, %c0_i32_0 : i32, i32
  }
  func.func @transform_4(%arg0: i32) -> (i32, i32) {
    %c0_i32 = arith.constant 0 : i32
    %c0_i32_0 = arith.constant 0 : i32
    return %arg0, %c0_i32 : i32, i32
  }
}

</mosaic_0001>

<sc_bundles>
// kernel: kernel.11.cloned.1.call-start
scs
__scs_entry_jumppad:
0x0: {  	(pc) =	sbr.rel $0x88, $3  }
0x1: {  	(tag) =	ssettag $0x0;
	lr =	simm.s32 $0x1  }
0x2: {  	[smem:$0x3F9B] =	sst lr;
	_ =	strace $0xD0000000  }
0x3: {  	_ = 	snop  }
0x4: {  	_ = 	snop  }
0x5: {  	_ = 	snop  }
0x6: {  	_ = 	snop  }
0x7: {  	_ = 	snop  }
__scs_overlays_trampoline_lowered:
0x8: {  	[smem:$0x3FAA] =	sst s0  }
0x9: {  	[smem:$0x3FAB] =	sst s1  }
0xa: {  	[smem:$0x3FAC] =	sst s2  }
0xb: {  	[smem:$0x3FAD] =	sst s3  }
0xc: {  	[smem:$0x3FAE] =	sst s4  }
0xd: {  	[smem:$0x3FAF] =	sst s5  }
0xe: {  	[smem:$0x3FB0] =	sst s6  }
0xf: {  	[smem:$0x3FB1] =	sst s7  }
0x10: {  	[smem:$0x3FB2] =	sst s8  }
0x11: {  	[smem:$0x3FB3] =	sst s9;
	s0 =	simm.s32 @!p0 $0x0  }
0x12: {  	s1 =	sld [smem:$0x3F99];
	s0 =	simm.s32 @p0 $0x1  }
0x13: {  	[smem:$0x3FB4] =	sst s0;
	s0 =	simm.s32 @!p1 $0x0  }
0x14: {  	s2 =	sld [smem:$0x3F98];
	s0 =	simm.s32 @p1 $0x1  }
0x15: {  	[smem:$0x3FB5] =	sst s0;
	s0 =	simm.s32 @!p2 $0x0  }
0x16: {  	s3 =	sld [smem:$0x3FDB];
	s0 =	simm.s32 @p2 $0x1  }
0x17: {  	s4 =	simm.s32 $0x1BF5;
	[smem:$0x3FB7] =	sst s0  }
0x18: {  	s0 =	sld [smem:$0x3F9A];
	_ =	swait.ge [sflag:s4], $0x0  }
0x19: {  	s7 =	sld [smem:$0x3F9B]  }
0x1a: {  	s8 =	sadd.s32 $0xFFFFE003, lr  }
0x1b: {  	s9 =	sadd.s32 $0xFFFFFEF7, lr;
	s5 =	simm.s32 $0xFFFFFFFF;
	p2 =	slt.u32 s8, $0xFFFFF086  }
0x1c: {  	p1 =	slt.u32 s9, $0xF7A;
	s5 =	simm.s32 @!p2 $0x0  }
0x1d: {  	s5 =	simm.s32 @p1 $0x1;
	p0 =	seq.s32 s7, s2  }
0x1e: {  	s7 =	smul.u32 @!p0 $0xF7A, s2;
	p2 =	seq.s32 @!p0 s5, $0x0  }
0x1f: {  	s9 =	smul.u32 $0xF7A, s1;
	s8 =	simm.s32 @!p0 $0x1BF5;
	p2 =	por !p2, p0  }
0x20: {  	[sflag:s8] =	ssyncset.s32 @!p0 $0xFFFFF086;
	s6 =	sadd.s32 @!p0 s3, s7;
	s7 =	simm.s32 @!p0 $0x108  }
0x21: {  	s3 =	sadd.s32 s3, s9;
	s6 =	sadd.s32 @!p0 $0x88, s6;
	s7 =	simm.s32 @p2 $0x1082  }
0x22: {  	[simem:s7], [sflag:s8] =	dma.local @!p0 [hbm:s6], $0xF7A  }
0x23: {  	s9 =	sor.u32 $0xD0000000, s2;
	s6 =	simm.s32 $0x108;
	_ =	swait.ge @!p0 [sflag:s8], $0x0  }
0x24: {  	s3 =	sadd.s32 $0x88, s3;
	s6 =	simm.s32 @!p1 $0x1082;
	[sflag:s4] =	ssyncset.s32 $0xFFFFF086  }
0x25: {  	[simem:s6], [sflag:s4] =	dma.local [hbm:s3], $0xF7A  }
0x26: {  	[smem:$0x3F9B] =	sst s1;
	(tag) =	ssettag s2;
	_ =	strace s9  }
0x27: {  	s1 =	sld [smem:$0x3FAB]  }
0x28: {  	s2 =	sld [smem:$0x3FAC]  }
0x29: {  	s4 =	sld [smem:$0x3FAE]  }
0x2a: {  	p0 =	seq.s32 s5, $0x0;
	s5 =	sld [smem:$0x3FAF]  }
0x2b: {  	s6 =	sld [smem:$0x3FB0]  }
0x2c: {  	s7 =	sld [smem:$0x3FB1]  }
0x2d: {  	s3 =	simm.s32 $0x108;
	s8 =	sld [smem:$0x3FB2]  }
0x2e: {  	s3 =	simm.s32 @!p0 $0x1082;
	s9 =	sld [smem:$0x3FB3]  }
0x2f: {  	lr =	sadd.s32 s0, s3;
	s0 =	sld [smem:$0x3FAA]  }
0x30: {  	s3 =	sld [smem:$0x3FAD]  }
0x31: {  	[smem:$0x3FB6] =	sst s10  }
0x32: {  	s10 =	sld [smem:$0x3FB4];
	_ =	sdelay $0x3  }
0x33: {  	p0 =	seq.s32 s10, $0x1;
	s10 =	sld [smem:$0x3FB6];
	_ =	sdelay $0x3  }
0x34: {  	[smem:$0x3FB6] =	sst s10  }
0x35: {  	s10 =	sld [smem:$0x3FB5];
	_ =	sdelay $0x3  }
0x36: {  	p1 =	seq.s32 s10, $0x1;
	s10 =	sld [smem:$0x3FB6];
	_ =	sdelay $0x3  }
0x37: {  	[smem:$0x3FB6] =	sst s10  }
0x38: {  	s10 =	sld [smem:$0x3FB7]  }
0x39: {  	_ = 	snop;
	(pc) =	sbr.ind lr, $3  }
0x3a: {  	_ = 	snop  }
0x3b: {  	_ = 	snop  }
0x3c: {  	p2 =	seq.s32 s10, $0x1;
	s10 =	sld [smem:$0x3FB6]  }
0x3d: {  	_ =	shalt  }
0x3e: {  	_ =	shalt  }
0x3f: {  	_ =	shalt  }
0x40: {  	_ =	shalt  }
0x41: {  	_ =	shalt  }
0x42: {  	_ =	shalt  }
0x43: {  	_ =	shalt  }
0x44: {  	_ =	shalt  }
0x45: {  	_ =	shalt  }
0x46: {  	_ =	shalt  }
0x47: {  	_ =	shalt  }
0x48: {  	_ =	shalt  }
0x49: {  	_ =	shalt  }
0x4a: {  	_ =	shalt  }
0x4b: {  	_ =	shalt  }
0x4c: {  	_ =	shalt  }
0x4d: {  	_ =	shalt  }
0x4e: {  	_ =	shalt  }
0x4f: {  	_ =	shalt  }
0x50: {  	_ =	shalt  }
0x51: {  	_ =	shalt  }
0x52: {  	_ =	shalt  }
0x53: {  	_ =	shalt  }
0x54: {  	_ =	shalt  }
0x55: {  	_ =	shalt  }
0x56: {  	_ =	shalt  }
0x57: {  	_ =	shalt  }
0x58: {  	_ =	shalt  }
0x59: {  	_ =	shalt  }
0x5a: {  	_ =	shalt  }
0x5b: {  	_ =	shalt  }
0x5c: {  	_ =	shalt  }
0x5d: {  	_ =	shalt  }
0x5e: {  	_ =	shalt  }
0x5f: {  	_ =	shalt  }
0x60: {  	_ =	shalt  }
0x61: {  	_ =	shalt  }
0x62: {  	_ =	shalt  }
0x63: {  	_ =	shalt  }
0x64: {  	_ =	shalt  }
0x65: {  	_ =	shalt  }
0x66: {  	_ =	shalt  }
0x67: {  	_ =	shalt  }
0x68: {  	_ =	shalt  }
0x69: {  	_ =	shalt  }
0x6a: {  	_ =	shalt  }
0x6b: {  	_ =	shalt  }
0x6c: {  	_ =	shalt  }
0x6d: {  	_ =	shalt  }
0x6e: {  	_ =	shalt  }
0x6f: {  	_ =	shalt  }
0x70: {  	_ =	shalt  }
0x71: {  	_ =	shalt  }
0x72: {  	_ =	shalt  }
0x73: {  	_ =	shalt  }
0x74: {  	_ =	shalt  }
0x75: {  	_ =	shalt  }
0x76: {  	_ =	shalt  }
0x77: {  	_ =	shalt  }
0x78: {  	_ =	shalt  }
0x79: {  	_ =	shalt  }
0x7a: {  	_ =	shalt  }
0x7b: {  	_ =	shalt  }
0x7c: {  	_ =	shalt  }
0x7d: {  	_ =	shalt  }
0x7e: {  	_ =	shalt  }
0x7f: {  	_ =	shalt  }
0x80: {  	_ =	shalt  }
0x81: {  	_ =	shalt  }
0x82: {  	_ =	shalt  }
0x83: {  	_ =	shalt  }
0x84: {  	_ =	shalt  }
0x85: {  	_ =	shalt  }
0x86: {  	_ =	shalt  }
0x87: {  	_ =	shalt  }
.Lfunc_end0:
.L_simem_size_0:
called_computation.1_lowered:
.L_overlay_start_0:
0x88: {  	s2 =	sld [smem:$0x3FD9]  }
0x89: {  	s3 =	sld [smem:$0x3FFE];
	_ =	sdelay $0x1  }
0x8a: {  	s1 =	srdreg.scid  }
0x8b: {  	s0 =	sand.u32 $0x1, s1  }
0x8c: {  	s16 =	sshll.u32 s0, $0xA;
	s2 =	sadd.s32 s3, s2  }
0x8d: {  	s2 =	sadd.s32 s2, s16  }
0x8e: {  	[smem:$0x3FC2] =	sst s2  }
0x8f: {  	_ = 	snop  }
0x90: {  	(tm) =	ssettm $0x1  }
0x91: {  	s17 =	sld [smem:$0x3FFB];
	_ =	sdelay $0x3  }
0x92: {  	_ =	strace s17  }
0x93: {  	s2 =	sld [smem:$0x3FFC];
	_ =	sdelay $0x3  }
0x94: {  	_ =	strace s2  }
0x95: {  	s2 =	sld [smem:$0x3FFD];
	_ =	sdelay $0x3  }
0x96: {  	_ =	strace s2  }
0x97: {  	_ =	strace $0x8FFFFFFF  }
0x98: {  	s18 =	sld [smem:$0x3FDB];
	_ =	sdelay $0x1  }
0x99: {  	s19 =	simm.s32 $_scs_section_size  }
0x9a: {  	s4 =	simm.s32 $_size__tile_overlayer_lowered;
	s5 =	simm.s32 $_tile_overlayer_lowered  }
0x9b: {  	s22 =	simm.s32 $0x1BFF;
	s21 =	sshll.u32 s5, $0x1;
	s2 =	sadd.s32 s19, s18  }
0x9c: {  	s6 =	simm.s32 $0x0;
	s20 =	sshll.u32 s4, $0x1;
	s4 =	sadd.s32 s21, s2  }
0x9d: {  	[timem:s6], [sflag:s22] =	dma.local [hbm:s4], s20  }
0x9e: {  	_ =	swait.ge [sflag:s22], s20  }
0x9f: {  	s3 =	ssub.s32 $0x0, s20;
	[sflag:s22] =	ssyncset.done $0x0  }
0xa0: {  	[sflag:s22] =	ssyncadd.s32 s3;
	_ =	sdelay $0x1  }
0xa1: {  	s23 =	simm.s32 $0x1B8B  }
0xa2: {  	_ =	swait.ge [sflag:s23], $0x1  }
0xa3: {  	[sflag:s23] =	ssyncset.done $0x0  }
0xa4: {  	s25 =	simm.s32 $0x1B8E;
	s24 =	sld [smem:$0x3FFE];
	[sflag:s23] =	ssyncadd.s32 $0xFFFFFFFF  }
0xa5: {  	s26 =	simm.s32 $execute0_lowered;
	[smem:$0x3FD2] =	sst s25  }
0xa6: {  	s4 =	sshll.u32 s26, $0x1;
	_ =	strace $0x80000049;
	[dreg:$0x1] =	wrdreg $0xFFFFFFFF  }
0xa7: {  	s28 =	simm.s32 $_size_execute0_lowered;
	s2 =	sadd.s32 s2, s4;
	[dreg:$0x0] =	wrdreg $0x0  }
0xa8: {  	s4 =	sshll.u32 s28, $0x1;
	[dreg:$0x2] =	wrdreg s2  }
0xa9: {  	[dreg:$0x3] =	wrdreg s4  }
0xaa: {  	[dreg:$0x4] =	wrdreg $0xC0  }
0xab: {  	_ =	task [dreg:s6], $0x5FFFF  }
0xac: {  	[dreg:$0x1] =	wrdreg $0xFFFFFFFF  }
0xad: {  	[dreg:$0x0] =	wrdreg $0x60  }
0xae: {  	[dreg:$0x2] =	wrdreg s24  }
0xaf: {  	[dreg:$0x3] =	wrdreg $0x88000  }
0xb0: {  	[dreg:$0x4] =	wrdreg $0x9  }
0xb1: {  	_ =	task.clear_ibuf [dreg:s6], $0x5FFFF;
	_ =	strace $0x90000049  }
0xb2: {  	s29 =	simm.s32 $0x9;
	_ =	strace $0x8000004B  }
0xb3: {  	_ =	swait.ge [sflag:s29], $0x1  }
0xb4: {  	[sflag:s29] =	ssyncadd.s32 $0xFFFFFFFF  }
0xb5: {  	_ =	strace $0x9000004B  }
0xb6: {  	_ =	sfence  }
0xb7: {  	s30 =	sld [smem:$0x0];
	_ =	sdelay $0x2  }
0xb8: {  	s31 =	sshll.u32 s1, $0xD;
	s1 =	sshrl.u32 s1, $0x2  }
0xb9: {  	s3 =	sand.u32 $0x4000, s31;
	s1 =	sadd.s32 s1, s30  }
0xba: {  	s0 =	sor.u32 s3, s0;
	s1 =	sshll.u32 s1, $0x11  }
0xbb: {  	s0 =	sor.u32 s1, s0  }
0xbc: {  	s0 =	sadd.s32 $0x8F2B, s0  }
0xbd: {  	[sflag:s0] =	ssyncadd.remote.s32 $0x1  }
0xbe: {  	_ =	sfence.sel $0xFFFF  }
0xbf: {  	[dreg:$0x0] =	wrdreg $0xFFFFFFFF;
	(pc) =	sbr.abs _section_cstart, $3  }
0xc0: {  	[dreg:$0x1] =	wrdreg $0xFFFFFFFF  }
0xc1: {  	_ =	task.clear_ibuf [dreg:s6], $0x2FFFF;
	_ =	strace $0x9FFFFFFF  }
0xc2: {  	(tm) =	ssettm $0x7FFFFFFF  }
0xc3: {  	_ =	shalt  }
tec
execute0_lowered:
.L_overlay_start_1:
0x0: {  	(tag) =	ssettag $0x1  }
0x1: {  	s0 =	rddreg [dreg:$0x0]  }
0x2: {  	s1 =	rddreg [dreg:$0x1]  }
0x3: {  	s3 =	srdreg.scid;
	s2 =	simm.s32 $0x0;
	s10 =	stileid.u32  }
0x4: {  	s8 =	simm.s32 $0x5;
	s9 =	simm.s32 $0x5;
	s17 =	simm.s32 $0x6  }
0x5: {  	s19 =	simm.s32 $0x80;
	s20 =	simm.s32 $0x2800;
	s22 =	simm.s32 $0x4800  }
0x6: {  	s23 =	simm.s32 $0x1;
	s24 =	simm.s32 $0x4;
	s25 =	simm.s32 $0x6800  }
0x7: {  	s26 =	simm.s32 $0x3;
	s28 =	simm.s32 $0x0;
	s7 =	smul.u32 $0x5000, s10  }
0x8: {  	s3 =	sand.u32 $0x1, s3;
	[smem:$0x7FF] =	sst s2;
	s13 =	smul.u32 $0x28000, s10  }
0x9: {  	s4 =	sadd.s32 $0x15800, s0;
	s5 =	sadd.s32 $0xB800, s0;
	s16 =	smul.u32 $0xA000, s10  }
0xa: {  	p0 =	seq.s32 s10, $0xF;
	s15 =	smul.u32 $0x9C400, s3;
	s3 =	ssub.s32 $0x2, s3  }
0xb: {  	_ =	strace $0x8000004A;
	s9 =	simm.s32 @!p0 $0x8;
	s29 =	sshrl.u32 s3, $0x1  }
0xc: {  	s30 =	sshrl.u32 s7, $0x3;
	s31 =	sshrl.u32 s13, $0x2;
	s6 =	sshrl.u32 s15, $0x3  }
0xd: {  	s11 =	sadd.s32 s4, s30;
	s14 =	sadd.s32 s31, s1;
	s15 =	sadd.s32 s16, s15  }
0xe: {  	s16 =	simm.s32 $0x800;
	s12 =	sadd.s32 s6, s0;
	s6 =	sadd.s32 $0x1F800, s0  }
0xf: {  	s0 =	ssub.s32 s3, s29;
	[dreg:$0x3] =	wrdreg s11;
	s3 =	sadd.s32 s5, s30  }
0x10: {  	v0 =	vimm.f32 $0.0e+00;
	[dreg:$0x4] =	wrdreg s3;
	s12 =	sadd.s32 $0x6DA00, s12;
	s13 =	smax.u32 s0, $0x1  }
.LBB2_1:
0x11: {  	s29 =	simm.s32 $0x100;
	s0 =	simm.s32 $0x0  }
.LBB2_2:
0x12: {  	p0 =	sne.s32 s29, $0x4F00;
	[tilespmem:s0+$0x830] =	vst v0;
	s3 =	smov.u32 s29;
	s29 =	sadd.s32 $0x100, s29  }
.Ltmp0:
0x13: {  	[tilespmem:s0+$0x820] =	vst v0;
	(pc) =	sbr.rel @p0 .LBB2_2-.Ltmp0, $3  }
0x14: {  	[tilespmem:s0+$0x800] =	vst v0  }
0x15: {  	[tilespmem:s0+$0x810] =	vst v0;
	_ =	sdelay $0x1  }
0x16: {  	s0 =	sshra.s32 s3, $0x2  }
0x17: {  	[tilespmem:s0+$0x830] =	vst v0  }
0x18: {  	[tilespmem:s0+$0x820] =	vst v0  }
0x19: {  	[tilespmem:s0+$0x800] =	vst v0;
	p0 =	sne.s32 s9, $0x1  }
.Ltmp1:
0x1a: {  	[tilespmem:s0+$0x810] =	vst v0;
	(pc) =	sbr.rel @!p0 .LBB2_5-.Ltmp1, $4  }
0x1b: {  	[spmem:s14] =	stream.linear.scatter [tilespmem:s16], [sflag:$0x6], $0x1400, $0x38;
	[tilespmem:$0x12500] =	vst v63  }
0x1c: {  	s3 =	simm.s32 @!p0 $0x0  }
0x1d: {  	s0 =	sadd.s32 $0xFFFFFFFF, s9;
	_ =	swait.ge [sflag:s17], $0x1400;
	s3 =	simm.s32 @p0 $0x1  }
0x1e: {  	s29 =	smov.u32 s14;
	[sflag:s17] =	ssyncset.done $0x0;
	[smem:$0x7FD] =	sst s3  }
.LBB2_4:
0x1f: {  	p1 =	sne.s32 s0, $0x1;
	[sflag:s17] =	ssyncadd.s32 $0xFFFFEC00;
	s29 =	sadd.s32 $0x1400, s29  }
.Ltmp2:
0x20: {  	s0 =	sadd.s32 $0xFFFFFFFF, s0;
	(pc) =	sbr.rel @p1 .LBB2_4-.Ltmp2, $4  }
0x21: {  	_ = 	snop  }
0x22: {  	[spmem:s29] =	stream.linear.scatter [tilespmem:s16], [sflag:$0x6], $0x1400, $0x38;
	[tilespmem:$0x12500] =	vst v63  }
0x23: {  	_ =	swait.ge [sflag:s17], $0x1400  }
0x24: {  	[sflag:s17] =	ssyncset.done $0x0  }
.LBB2_5:
0x25: {  	[sflag:s17] =	ssyncadd.s32 $0xFFFFEC00  }
0x26: {  	[bflag:$0x0] =	sbarrier.arrive $0xFFFF  }
0x27: {  	s29 =	simm.s32 $0x0;
	s30 =	simm.s32 $0x6;
	s0 =	rddreg [dreg:$0x3]  }
0x28: {  	[tilespmem:s29], [sflag:$0x6] =	stream.linear.gather [hbm4b:s0+s29], $0x200, $0x38;
	[tilespmem:$0x12500] =	vst v63  }
0x29: {  	_ =	swait.ge [sflag:s30], $0x200  }
0x2a: {  	[sflag:s30] =	ssyncset.done $0x0  }
0x2b: {  	s3 =	simm.s32 $0x400;
	s18 =	rddreg [dreg:$0x4];
	[sflag:s30] =	ssyncadd.s32 $0xFFFFFE00  }
0x2c: {  	[tilespmem:s3], [sflag:$0x6] =	stream.linear.gather [hbm4b:s18+s29], $0x200, $0x38;
	[tilespmem:$0x12500] =	vst v63  }
0x2d: {  	_ =	swait.ge [sflag:s30], $0x200  }
0x2e: {  	[sflag:s30] =	ssyncset.done $0x0  }
0x2f: {  	[sflag:s30] =	ssyncadd.s32 $0xFFFFFE00  }
0x30: {  	[tilespmem:s16], [sflag:$0x6] =	stream.indirect.gather [hbm4b:s12+s19], $0x40, s29, s19, $0xb8;
	[tilespmem:$0x12500] =	vst v63  }
0x31: {  	_ =	swait.ge [sflag:s30], $0x2000  }
0x32: {  	[sflag:s30] =	ssyncset.done $0x0  }
0x33: {  	[sflag:s30] =	ssyncadd.s32 $0xFFFFE000  }
0x34: {  	[tilespmem:s20], [sflag:$0x2] =	stream.indirect.gather [hbm4b:s12+s19], $0x40, s19, s19, $0xb8;
	[tilespmem:$0x12500] =	vst v63  }
0x35: {  	s21 =	simm.s32 $0x100;
	s31 =	simm.s32 $0x200  }
0x36: {  	[tilespmem:s22], [sflag:$0x3] =	stream.indirect.gather [hbm4b:s12+s19], $0x40, s21, s19, $0xb8;
	[tilespmem:$0x12500] =	vst v63  }
.LBB2_6:
0x37: {  	p1 =	seq.s32 s30, $0xA2;
	s0 =	smov.u32 s31;
	s18 =	sadd.s32 $0xFFFFFFFD, s30  }
0x38: {  	s0 =	simm.s32 @p1 $0x0;
	s10 =	smul.u32 $0xAB, s18  }
0x39: {  	s3 =	sadd.s32 $0xFFFFFE00, s31;
	s0 =	sadd.s32 s7, s0  }
0x3a: {  	s3 =	sxor.u32 $0xFFFFFFFF, s3;
	s0 =	sshrl.u32 s0, $0x3;
	s10 =	sshrl.u32 s10, $0x9  }
0x3b: {  	s3 =	sand.u32 $0x200, s3;
	s21 =	sadd.s32 s4, s0;
	s10 =	sand.u32 $0x7F, s10  }
0x3c: {  	[tilespmem:s3], [sflag:$0x4] =	stream.linear.gather [hbm4b:s21+s2], $0x200, $0x38;
	[tilespmem:$0x12500] =	vst v63  }
0x3d: {  	s0 =	sadd.s32 s5, s0;
	s3 =	sor.u32 $0x400, s3;
	s10 =	smul.u32 $0x3, s10  }
0x3e: {  	[tilespmem:s3], [sflag:$0x4] =	stream.linear.gather [hbm4b:s0+s2], $0x200, $0x38;
	[tilespmem:$0x12500] =	vst v63  }
0x3f: {  	s0 =	ssub.s32 s18, s10  }
0x40: {  	p2 =	seq.s32 s30, $0x6;
	s11 =	sand.u32 $0xFF, s0  }
0x41: {  	s10 =	simm.s32 @!p2 $0x5;
	p1 =	sne.s32 s11, $0x0  }
0x42: {  	_ =	swait.ge @!p2 [sflag:s10], $0x2000;
	s0 =	sand.u32 @p1 $0xFF, s0  }
0x43: {  	[sflag:s10] =	ssyncset.done @!p2 $0x0;
	p4 =	sne.s32 @p1 s0, $0x1;
	s0 =	sand.u32 $0x7, s18  }
0x44: {  	[sflag:s10] =	ssyncadd.s32 @!p2 $0xFFFFE000;
	p3 =	por !p4, !p1;
	s3 =	sshll.u32 @p1 s0, $0x7  }
0x45: {  	p4 =	por p4, !p1;
	s10 =	simm.s32 @!p3 $0x80;
	s18 =	simm.s32 @!p3 $0x6800  }
0x46: {  	[tilespmem:s18], [sflag:$0x3] =	stream.indirect.gather @!p3 [hbm4b:s12+s10], $0x40, s3, s10, $0xb8;
	[tilespmem:$0x12500] =	vst v63  }
0x47: {  	s10 =	simm.s32 @!p4 $0x80;
	s18 =	simm.s32 @!p4 $0x6800  }
0x48: {  	[tilespmem:s18], [sflag:$0x2] =	stream.indirect.gather @!p4 [hbm4b:s12+s10], $0x40, s3, s10, $0xb8;
	[tilespmem:$0x12500] =	vst v63  }
0x49: {  	s21 =	simm.s32 @!p1 $0x6800;
	s10 =	sadd.s32 $0xFFFFFFFB, s30  }
0x4a: {  	s3 =	sshll.u32 @!p1 s0, $0x7;
	s18 =	simm.s32 @!p1 $0x80;
	s11 =	smul.u32 $0xAB, s10  }
0x4b: {  	[tilespmem:s21], [sflag:$0x1] =	stream.indirect.gather @!p1 [hbm4b:s12+s18], $0x40, s3, s18, $0xb8;
	[tilespmem:$0x12500] =	vst v63  }
0x4c: {  	s21 =	sand.u32 $0x800, s29;
	s11 =	sshrl.u32 s11, $0x9  }
0x4d: {  	s3 =	sshrl.u32 s21, $0x2;
	s11 =	sand.u32 $0x7F, s11  }
0x4e: {  	s3 =	sor.u32 $0x400, s3;
	s11 =	smul.u32 $0x3, s11  }
0x4f: {  	[spmem:s1] =	stream.indirect.scatter.add.f32 [tilespmem:s16], [sflag:$0x5], $0x40, s3, s19, $0xb8;
	[tilespmem:$0x12500] =	vst v63  }
0x50: {  	s18 =	ssub.s32 s10, s11  }
0x51: {  	s3 =	sand.u32 $0xFF, s18  }
0x52: {  	p5 =	por @!p3 $0x1, $0x1;
	p2 =	por @!p4 $0x0, $0x0;
	p6 =	seq.s32 s3, $0x0  }
0x53: {  	p2 =	por @!p3 p5, p5;
	p5 =	seq.s32 @!p6 s3, $0x2  }
0x54: {  	p5 =	por !p5, p6  }
0x55: {  	s10 =	sadd.s32 $0xFFFFFFFE, s30;
	s3 =	simm.s32 @!p5 $0x3  }
0x56: {  	s21 =	sand.u32 $0xFF, s10;
	s3 =	simm.s32 @p5 $0x2  }
0x57: {  	s11 =	smul.u32 $0xAB, s21;
	s3 =	simm.s32 @p6 $0x1  }
0x58: {  	_ =	swait.ge [sflag:s3], $0x2000  }
0x59: {  	s18 =	sshrl.u32 s11, $0x9;
	[sflag:s3] =	ssyncset.done $0x0  }
0x5a: {  	[sflag:s3] =	ssyncadd.s32 $0xFFFFE000;
	s3 =	smul.u32 $0x3, s18  }
0x5b: {  	p0 =	por @!p3 $0x0, $0x0;
	_ =	swait.ge [sflag:s24], $0x200  }
0x5c: {  	p4 =	por @!p4 $0x1, $0x1;
	[sflag:s24] =	ssyncset.done $0x0;
	s3 =	ssub.s32 s10, s3  }
0x5d: {  	p4 =	por @!p3 p0, p0;
	[sflag:s24] =	ssyncadd.s32 $0xFFFFFE00;
	s21 =	sand.u32 $0xFF, s3  }
0x5e: {  	p0 =	por @!p1 $0x0, $0x0;
	_ =	swait.ge [sflag:s24], $0x200;
	p3 =	sne.s32 s21, $0x0  }
0x5f: {  	p2 =	por @!p1 p0, p0;
	[sflag:s24] =	ssyncset.done $0x0;
	s3 =	sand.u32 @p3 $0xFF, s3  }
0x60: {  	p4 =	por @!p1 p0, p0;
	[sflag:s24] =	ssyncadd.s32 $0xFFFFFE00;
	p0 =	sne.s32 @p3 s3, $0x1  }
0x61: {  	s3 =	sand.u32 $0x4, s10;
	_ =	swait.ge [sflag:s8], $0x2000;
	p5 =	por !p0, !p3  }
0x62: {  	s10 =	sshll.u32 @p3 s3, $0x7;
	p0 =	por p0, !p3;
	[sflag:s8] =	ssyncset.done $0x0  }
0x63: {  	s11 =	simm.s32 @!p5 $0x80;
	s18 =	simm.s32 @!p5 $0x800;
	[sflag:s8] =	ssyncadd.s32 $0xFFFFE000  }
0x64: {  	[tilespmem:s18], [sflag:$0x3] =	stream.indirect.gather @!p5 [hbm4b:s12+s11], $0x40, s10, s11, $0xb8;
	[tilespmem:$0x12500] =	vst v63  }
0x65: {  	s11 =	simm.s32 @!p0 $0x0  }
0x66: {  	s3 =	sshll.u32 @!p3 s3, $0x7;
	s11 =	simm.s32 @p0 $0x1  }
0x67: {  	s18 =	simm.s32 @!p0 $0x800;
	[smem:$0x7FC] =	sst s11;
	s11 =	simm.s32 @!p0 $0x80  }
0x68: {  	[tilespmem:s18], [sflag:$0x2] =	stream.indirect.gather @!p0 [hbm4b:s12+s11], $0x40, s10, s11, $0xb8;
	[tilespmem:$0x12500] =	vst v63  }
0x69: {  	s10 =	simm.s32 @!p3 $0x80;
	s11 =	simm.s32 @!p3 $0x800;
	s18 =	sadd.s32 $0x200, s29  }
0x6a: {  	[tilespmem:s11], [sflag:$0x1] =	stream.indirect.gather @!p3 [hbm4b:s12+s10], $0x40, s3, s10, $0xb8;
	[tilespmem:$0x12500] =	vst v63  }
0x6b: {  	s3 =	sand.u32 $0xA00, s18  }
0x6c: {  	s10 =	sadd.s32 $0xFFFFFFFC, s30;
	s3 =	sshrl.u32 s3, $0x2  }
0x6d: {  	s21 =	smul.u32 $0xAB, s10;
	s3 =	sor.u32 $0x400, s3  }
0x6e: {  	[spmem:s1] =	stream.indirect.scatter.add.f32 [tilespmem:s20], [sflag:$0x5], $0x40, s3, s19, $0xb8;
	[tilespmem:$0x12500] =	vst v63  }
0x6f: {  	s18 =	sshrl.u32 s21, $0x9  }
0x70: {  	s3 =	sand.u32 $0x7F, s18  }
0x71: {  	s3 =	smul.u32 $0x3, s3  }
0x72: {  	s11 =	sadd.s32 $0xFFFFFFFF, s30  }
0x73: {  	s21 =	sand.u32 $0xFF, s11;
	s3 =	ssub.s32 s10, s3  }
0x74: {  	s10 =	smul.u32 $0xAB, s21;
	s3 =	sand.u32 $0xFF, s3  }
0x75: {  	p0 =	seq.s32 s3, $0x0  }
0x76: {  	s10 =	sshrl.u32 s10, $0x9;
	p6 =	seq.s32 @!p0 s3, $0x2  }
0x77: {  	s18 =	smul.u32 $0x3, s10;
	p6 =	por !p6, p0  }
0x78: {  	s10 =	simm.s32 @!p6 $0x3  }
0x79: {  	s3 =	ssub.s32 s11, s18;
	s10 =	simm.s32 @p6 $0x2  }
0x7a: {  	s3 =	sand.u32 $0xFF, s3;
	s10 =	simm.s32 @p0 $0x1  }
0x7b: {  	p0 =	seq.s32 s3, $0x0;
	_ =	swait.ge [sflag:s10], $0x2000  }
0x7c: {  	p6 =	seq.s32 @!p0 s3, $0x2;
	[sflag:s10] =	ssyncset.done $0x0  }
0x7d: {  	p6 =	por !p6, p0;
	[sflag:s10] =	ssyncadd.s32 $0xFFFFE000  }
0x7e: {  	s21 =	sadd.s32 $0xA00, s29;
	s3 =	simm.s32 @!p6 $0x3;
	_ =	swait.ge [sflag:s8], $0x2000  }
0x7f: {  	s10 =	sand.u32 $0xA00, s21;
	s3 =	simm.s32 @p6 $0x2;
	[sflag:s8] =	ssyncset.done $0x0  }
0x80: {  	s10 =	sshrl.u32 s10, $0x2;
	s3 =	simm.s32 @p0 $0x1;
	[sflag:s8] =	ssyncadd.s32 $0xFFFFE000  }
0x81: {  	[tilespmem:s20], [sflag:s3] =	stream.indirect.gather [hbm4b:s12+s19], $0x40, s10, s19, $0xb8;
	[tilespmem:$0x12500] =	vst v63  }
0x82: {  	s10 =	sadd.s32 $0x400, s29  }
0x83: {  	s3 =	sand.u32 $0xC00, s10  }
0x84: {  	s3 =	sshrl.u32 s3, $0x2  }
0x85: {  	s11 =	sand.u32 $0xFF, s30;
	s3 =	sor.u32 $0x400, s3  }
0x86: {  	[spmem:s1] =	stream.indirect.scatter.add.f32 [tilespmem:s22], [sflag:$0x5], $0x40, s3, s19, $0xb8;
	[tilespmem:$0x12500] =	vst v63  }
0x87: {  	s10 =	simm.s32 @!p1 $0x1;
	s3 =	smul.u32 $0xAB, s11  }
0x88: {  	_ =	swait.ge @!p1 [sflag:s10], $0x2000  }
0x89: {  	[sflag:s10] =	ssyncset.done @!p1 $0x0;
	s3 =	sshrl.u32 s3, $0x9  }
0x8a: {  	[sflag:s10] =	ssyncadd.s32 @!p1 $0xFFFFE000;
	s10 =	simm.s32 @p4 $0x2;
	s3 =	smul.u32 $0x3, s3  }
0x8b: {  	_ =	swait.ge @p4 [sflag:s10], $0x2000  }
0x8c: {  	[sflag:s10] =	ssyncset.done @p4 $0x0;
	s3 =	ssub.s32 s30, s3  }
0x8d: {  	[sflag:s10] =	ssyncadd.s32 @p4 $0xFFFFE000;
	s10 =	simm.s32 @p2 $0x3;
	s3 =	sand.u32 $0xFF, s3  }
0x8e: {  	s0 =	sshll.u32 s0, $0x7;
	_ =	swait.ge @p2 [sflag:s10], $0x2000;
	p0 =	seq.s32 s3, $0x0  }
0x8f: {  	s0 =	sor.u32 $0x400, s0;
	[sflag:s10] =	ssyncset.done @p2 $0x0;
	p1 =	seq.s32 @!p0 s3, $0x2  }
0x90: {  	s18 =	sadd.s32 $0xC00, s29;
	[sflag:s10] =	ssyncadd.s32 @p2 $0xFFFFE000;
	p1 =	por !p1, p0  }
0x91: {  	s3 =	sand.u32 $0xC00, s18;
	_ =	swait.ge [sflag:s8], $0x2000;
	s10 =	simm.s32 @!p1 $0x3  }
0x92: {  	[sflag:s8] =	ssyncset.done $0x0;
	s10 =	simm.s32 @p1 $0x2;
	s21 =	sld [smem:$0x7FC]  }
0x93: {  	s3 =	sshrl.u32 s3, $0x2;
	[sflag:s8] =	ssyncadd.s32 $0xFFFFE000;
	s10 =	simm.s32 @p0 $0x1  }
0x94: {  	[tilespmem:s22], [sflag:s10] =	stream.indirect.gather [hbm4b:s12+s19], $0x40, s3, s19, $0xb8;
	[tilespmem:$0x12500] =	vst v63  }
0x95: {  	s30 =	sadd.s32 $0x4, s30;
	p2 =	por @!p5 $0x1, $0x1;
	p4 =	seq.s32 s21, $0x1  }
0x96: {  	[spmem:s1] =	stream.indirect.scatter.add.f32 [tilespmem:s25], [sflag:$0x5], $0x40, s0, s19, $0xb8;
	[tilespmem:$0x12500] =	vst v63  }
0x97: {  	p0 =	por @!p5 $0x0, $0x0;
	p1 =	por @!p4 $0x1, $0x1;
	s0 =	simm.s32 @!p3 $0x1  }
0x98: {  	p1 =	por @!p5 p0, p0;
	p0 =	por @!p3 $0x0, $0x0;
	_ =	swait.ge @!p3 [sflag:s0], $0x2000  }
0x99: {  	p4 =	por @!p4 $0x0, $0x0;
	p1 =	por @!p3 p0, p0;
	[sflag:s0] =	ssyncset.done @!p3 $0x0  }
0x9a: {  	p4 =	por @!p5 p2, p2;
	[sflag:s0] =	ssyncadd.s32 @!p3 $0xFFFFE000;
	s0 =	simm.s32 @p1 $0x2  }
0x9b: {  	p4 =	por @!p3 p0, p0;
	p0 =	sne.s32 s30, $0xA6;
	_ =	swait.ge @p1 [sflag:s0], $0x2000  }
.Ltmp3:
0x9c: {  	[sflag:s0] =	ssyncset.done @p1 $0x0;
	(pc) =	sbr.rel @p0 .LBB2_6-.Ltmp3, $4  }
0x9d: {  	[sflag:s0] =	ssyncadd.s32 @p1 $0xFFFFE000;
	s0 =	simm.s32 @p4 $0x3  }
0x9e: {  	_ =	swait.ge @p4 [sflag:s0], $0x2000  }
0x9f: {  	[sflag:s0] =	ssyncset.done @p4 $0x0  }
0xa0: {  	s31 =	sadd.s32 $0x200, s31;
	s29 =	sadd.s32 $0x800, s29;
	[sflag:s0] =	ssyncadd.s32 @p4 $0xFFFFE000  }
0xa1: {  	_ =	swait.ge [sflag:s8], $0x2000  }
0xa2: {  	[sflag:s8] =	ssyncset.done $0x0  }
0xa3: {  	[sflag:s8] =	ssyncadd.s32 $0xFFFFE000  }
0xa4: {  	_ =	swait.ge [sflag:s26], $0x2000  }
0xa5: {  	[sflag:s26] =	ssyncset.done $0x0  }
0xa6: {  	[sflag:s26] =	ssyncadd.s32 $0xFFFFE000  }
0xa7: {  	_ =	swait.ge [sflag:s23], $0x2000  }
0xa8: {  	[sflag:s23] =	ssyncset.done $0x0  }
0xa9: {  	[sflag:s23] =	ssyncadd.s32 $0xFFFFE000  }
0xaa: {  	[bflag:$0x0] =	sbarrier.arrive $0xFFFF  }
0xab: {  	[tilespmem:s16], [sflag:$0x6] =	stream.linear.gather [spmem:s14], $0x1400, $0x38;
	[tilespmem:$0x12500] =	vst v63  }
0xac: {  	_ =	swait.ge [sflag:s17], $0x1400  }
0xad: {  	s0 =	sshrl.u32 s15, $0x3;
	[sflag:s17] =	ssyncset.done $0x0  }
0xae: {  	s0 =	sadd.s32 s6, s0;
	[sflag:s17] =	ssyncadd.s32 $0xFFFFEC00  }
0xaf: {  	[hbm4b:s0+s2] =	stream.linear.scatter [tilespmem:s16], [sflag:$0x6], $0x1400, $0x38;
	[tilespmem:$0x12500] =	vst v63  }
0xb0: {  	_ =	swait.ge [sflag:s17], $0x1400  }
0xb1: {  	s3 =	sld [smem:$0x7FD];
	_ =	sdelay $0x2  }
0xb2: {  	p0 =	seq.s32 s3, $0x1  }
.Ltmp4:
0xb3: {  	_ = 	snop;
	(pc) =	sbr.rel @!p0 .LBB2_9-.Ltmp4, $3  }
0xb4: {  	_ =	sdelay $0x1  }
0xb5: {  	s29 =	smov.u32 s14  }
0xb6: {  	s30 =	smov.u32 s15;
	s0 =	sadd.s32 $0xFFFFFFFF, s9;
	[sflag:s17] =	ssyncset.done $0x0  }
.LBB2_8:
0xb7: {  	[sflag:s17] =	ssyncadd.s32 $0xFFFFEC00;
	s29 =	sadd.s32 $0x1400, s29;
	s30 =	sadd.s32 $0x1400, s30  }
0xb8: {  	[tilespmem:s16], [sflag:$0x6] =	stream.linear.gather [spmem:s29], $0x1400, $0x38;
	[tilespmem:$0x12500] =	vst v63  }
0xb9: {  	p0 =	sne.s32 s0, $0x1;
	s0 =	sadd.s32 $0xFFFFFFFF, s0;
	_ =	swait.ge [sflag:s17], $0x1400  }
.Ltmp5:
0xba: {  	s3 =	sshrl.u32 s30, $0x3;
	[sflag:s17] =	ssyncset.done $0x0;
	(pc) =	sbr.rel @p0 .LBB2_8-.Ltmp5, $4  }
0xbb: {  	s3 =	sadd.s32 s6, s3;
	[sflag:s17] =	ssyncadd.s32 $0xFFFFEC00  }
0xbc: {  	[hbm4b:s3+s2] =	stream.linear.scatter [tilespmem:s16], [sflag:$0x6], $0x1400, $0x38;
	[tilespmem:$0x12500] =	vst v63  }
0xbd: {  	_ =	swait.ge [sflag:s17], $0x1400  }
0xbe: {  	[sflag:s17] =	ssyncset.done $0x0  }
.LBB2_9:
0xbf: {  	s28 =	sadd.s32 $0x1, s28  }
0xc0: {  	p0 =	sne.s32 s28, s13  }
.Ltmp6:
0xc1: {  	_ = 	snop;
	(pc) =	sbr.rel @p0 .LBB2_1-.Ltmp6, $2  }
0xc2: {  	_ =	sdelay $0x2  }
0xc3: {  	[sflag:s17] =	ssyncadd.s32 $0xFFFFEC00  }
0xc4: {  	_ =	sfence.sel $0x180000  }
0xc5: {  	[bflag:$0x0] =	sbarrier.arrive $0xFFFF  }
0xc6: {  	_ =	strace $0x9000004A  }
0xc7: {  	s0 =	stileid.u32;
	[bflag:$0x2] =	sbarrier.arrive $0xFFFF  }
0xc8: {  	p0 =	sne.s32 s0, $0x0;
	s0 =	rddreg [dreg:$0x2]  }
0xc9: {  	s0 =	sadd.s32 @!p0 $0x100000, s0  }
0xca: {  	[sflag:s0] =	ssyncadd.tile.s32 @!p0 $0x1;
	_ =	shalt  }
.Lfunc_end2:
_tile_overlayer_lowered:
.L_overlay_start_2:
0xcb: {  	(tag) =	ssettag $0x2  }
0xcc: {  	s0 =	rddreg [dreg:$0x0];
	s2 =	stileid.u32  }
0xcd: {  	s1 =	rddreg [dreg:$0x1];
	p0 =	sne.s32 s2, $0x0  }
0xce: {  	s3 =	rddreg [dreg:$0x2];
	[bflag:$0x3] =	sbarrier.arrive $0xFFFF;
	s2 =	simm.s32 @!p0 $0x1C06  }
0xcf: {  	[timem:s3], [sflag:s2] =	dma.local @!p0 [hbm:s0], s1  }
0xd0: {  	s0 =	simm.s32 @!p0 $0x6  }
0xd1: {  	_ =	swait.ge @!p0 [sflag:s0], s1  }
0xd2: {  	s1 =	ssub.s32 @!p0 $0x0, s1;
	[sflag:s0] =	ssyncset.done @!p0 $0x0  }
0xd3: {  	[sflag:s0] =	ssyncadd.s32 @!p0 s1  }
0xd4: {  	[bflag:$0x3] =	sbarrier.arrive $0xFFFF  }
0xd5: {  	_ =	shalt  }

// kernel: kernel.14.cloned.1.call-start
scs
__scs_entry_jumppad:
0x0: {  	(pc) =	sbr.rel $0x88, $3  }
0x1: {  	(tag) =	ssettag $0x0;
	lr =	simm.s32 $0x1  }
0x2: {  	[smem:$0x3F9B] =	sst lr;
	_ =	strace $0xD0000000  }
0x3: {  	_ = 	snop  }
0x4: {  	_ = 	snop  }
0x5: {  	_ = 	snop  }
0x6: {  	_ = 	snop  }
0x7: {  	_ = 	snop  }
__scs_overlays_trampoline_lowered:
0x8: {  	[smem:$0x3FAA] =	sst s0  }
0x9: {  	[smem:$0x3FAB] =	sst s1  }
0xa: {  	[smem:$0x3FAC] =	sst s2  }
0xb: {  	[smem:$0x3FAD] =	sst s3  }
0xc: {  	[smem:$0x3FAE] =	sst s4  }
0xd: {  	[smem:$0x3FAF] =	sst s5  }
0xe: {  	[smem:$0x3FB0] =	sst s6  }
0xf: {  	[smem:$0x3FB1] =	sst s7  }
0x10: {  	[smem:$0x3FB2] =	sst s8  }
0x11: {  	[smem:$0x3FB3] =	sst s9;
	s0 =	simm.s32 @!p0 $0x0  }
0x12: {  	s1 =	sld [smem:$0x3F99];
	s0 =	simm.s32 @p0 $0x1  }
0x13: {  	[smem:$0x3FB4] =	sst s0;
	s0 =	simm.s32 @!p1 $0x0  }
0x14: {  	s2 =	sld [smem:$0x3F98];
	s0 =	simm.s32 @p1 $0x1  }
0x15: {  	[smem:$0x3FB5] =	sst s0;
	s0 =	simm.s32 @!p2 $0x0  }
0x16: {  	s3 =	sld [smem:$0x3FDB];
	s0 =	simm.s32 @p2 $0x1  }
0x17: {  	s4 =	simm.s32 $0x1BF5;
	[smem:$0x3FB7] =	sst s0  }
0x18: {  	s0 =	sld [smem:$0x3F9A];
	_ =	swait.ge [sflag:s4], $0x0  }
0x19: {  	s7 =	sld [smem:$0x3F9B]  }
0x1a: {  	s8 =	sadd.s32 $0xFFFFE003, lr  }
0x1b: {  	s9 =	sadd.s32 $0xFFFFFEF7, lr;
	s5 =	simm.s32 $0xFFFFFFFF;
	p2 =	slt.u32 s8, $0xFFFFF086  }
0x1c: {  	p1 =	slt.u32 s9, $0xF7A;
	s5 =	simm.s32 @!p2 $0x0  }
0x1d: {  	s5 =	simm.s32 @p1 $0x1;
	p0 =	seq.s32 s7, s2  }
0x1e: {  	s7 =	smul.u32 @!p0 $0xF7A, s2;
	p2 =	seq.s32 @!p0 s5, $0x0  }
0x1f: {  	s9 =	smul.u32 $0xF7A, s1;
	s8 =	simm.s32 @!p0 $0x1BF5;
	p2 =	por !p2, p0  }
0x20: {  	[sflag:s8] =	ssyncset.s32 @!p0 $0xFFFFF086;
	s6 =	sadd.s32 @!p0 s3, s7;
	s7 =	simm.s32 @!p0 $0x108  }
0x21: {  	s3 =	sadd.s32 s3, s9;
	s6 =	sadd.s32 @!p0 $0x88, s6;
	s7 =	simm.s32 @p2 $0x1082  }
0x22: {  	[simem:s7], [sflag:s8] =	dma.local @!p0 [hbm:s6], $0xF7A  }
0x23: {  	s9 =	sor.u32 $0xD0000000, s2;
	s6 =	simm.s32 $0x108;
	_ =	swait.ge @!p0 [sflag:s8], $0x0  }
0x24: {  	s3 =	sadd.s32 $0x88, s3;
	s6 =	simm.s32 @!p1 $0x1082;
	[sflag:s4] =	ssyncset.s32 $0xFFFFF086  }
0x25: {  	[simem:s6], [sflag:s4] =	dma.local [hbm:s3], $0xF7A  }
0x26: {  	[smem:$0x3F9B] =	sst s1;
	(tag) =	ssettag s2;
	_ =	strace s9  }
0x27: {  	s1 =	sld [smem:$0x3FAB]  }
0x28: {  	s2 =	sld [smem:$0x3FAC]  }
0x29: {  	s4 =	sld [smem:$0x3FAE]  }
0x2a: {  	p0 =	seq.s32 s5, $0x0;
	s5 =	sld [smem:$0x3FAF]  }
0x2b: {  	s6 =	sld [smem:$0x3FB0]  }
0x2c: {  	s7 =	sld [smem:$0x3FB1]  }
0x2d: {  	s3 =	simm.s32 $0x108;
	s8 =	sld [smem:$0x3FB2]  }
0x2e: {  	s3 =	simm.s32 @!p0 $0x1082;
	s9 =	sld [smem:$0x3FB3]  }
0x2f: {  	lr =	sadd.s32 s0, s3;
	s0 =	sld [smem:$0x3FAA]  }
0x30: {  	s3 =	sld [smem:$0x3FAD]  }
0x31: {  	[smem:$0x3FB6] =	sst s10  }
0x32: {  	s10 =	sld [smem:$0x3FB4];
	_ =	sdelay $0x3  }
0x33: {  	p0 =	seq.s32 s10, $0x1;
	s10 =	sld [smem:$0x3FB6];
	_ =	sdelay $0x3  }
0x34: {  	[smem:$0x3FB6] =	sst s10  }
0x35: {  	s10 =	sld [smem:$0x3FB5];
	_ =	sdelay $0x3  }
0x36: {  	p1 =	seq.s32 s10, $0x1;
	s10 =	sld [smem:$0x3FB6];
	_ =	sdelay $0x3  }
0x37: {  	[smem:$0x3FB6] =	sst s10  }
0x38: {  	s10 =	sld [smem:$0x3FB7]  }
0x39: {  	_ = 	snop;
	(pc) =	sbr.ind lr, $3  }
0x3a: {  	_ = 	snop  }
0x3b: {  	_ = 	snop  }
0x3c: {  	p2 =	seq.s32 s10, $0x1;
	s10 =	sld [smem:$0x3FB6]  }
0x3d: {  	_ =	shalt  }
0x3e: {  	_ =	shalt  }
0x3f: {  	_ =	shalt  }
0x40: {  	_ =	shalt  }
0x41: {  	_ =	shalt  }
0x42: {  	_ =	shalt  }
0x43: {  	_ =	shalt  }
0x44: {  	_ =	shalt  }
0x45: {  	_ =	shalt  }
0x46: {  	_ =	shalt  }
0x47: {  	_ =	shalt  }
0x48: {  	_ =	shalt  }
0x49: {  	_ =	shalt  }
0x4a: {  	_ =	shalt  }
0x4b: {  	_ =	shalt  }
0x4c: {  	_ =	shalt  }
0x4d: {  	_ =	shalt  }
0x4e: {  	_ =	shalt  }
0x4f: {  	_ =	shalt  }
0x50: {  	_ =	shalt  }
0x51: {  	_ =	shalt  }
0x52: {  	_ =	shalt  }
0x53: {  	_ =	shalt  }
0x54: {  	_ =	shalt  }
0x55: {  	_ =	shalt  }
0x56: {  	_ =	shalt  }
0x57: {  	_ =	shalt  }
0x58: {  	_ =	shalt  }
0x59: {  	_ =	shalt  }
0x5a: {  	_ =	shalt  }
0x5b: {  	_ =	shalt  }
0x5c: {  	_ =	shalt  }
0x5d: {  	_ =	shalt  }
0x5e: {  	_ =	shalt  }
0x5f: {  	_ =	shalt  }
0x60: {  	_ =	shalt  }
0x61: {  	_ =	shalt  }
0x62: {  	_ =	shalt  }
0x63: {  	_ =	shalt  }
0x64: {  	_ =	shalt  }
0x65: {  	_ =	shalt  }
0x66: {  	_ =	shalt  }
0x67: {  	_ =	shalt  }
0x68: {  	_ =	shalt  }
0x69: {  	_ =	shalt  }
0x6a: {  	_ =	shalt  }
0x6b: {  	_ =	shalt  }
0x6c: {  	_ =	shalt  }
0x6d: {  	_ =	shalt  }
0x6e: {  	_ =	shalt  }
0x6f: {  	_ =	shalt  }
0x70: {  	_ =	shalt  }
0x71: {  	_ =	shalt  }
0x72: {  	_ =	shalt  }
0x73: {  	_ =	shalt  }
0x74: {  	_ =	shalt  }
0x75: {  	_ =	shalt  }
0x76: {  	_ =	shalt  }
0x77: {  	_ =	shalt  }
0x78: {  	_ =	shalt  }
0x79: {  	_ =	shalt  }
0x7a: {  	_ =	shalt  }
0x7b: {  	_ =	shalt  }
0x7c: {  	_ =	shalt  }
0x7d: {  	_ =	shalt  }
0x7e: {  	_ =	shalt  }
0x7f: {  	_ =	shalt  }
0x80: {  	_ =	shalt  }
0x81: {  	_ =	shalt  }
0x82: {  	_ =	shalt  }
0x83: {  	_ =	shalt  }
0x84: {  	_ =	shalt  }
0x85: {  	_ =	shalt  }
0x86: {  	_ =	shalt  }
0x87: {  	_ =	shalt  }
.Lfunc_end0:
.L_simem_size_0:
called_computation.2_lowered:
.L_overlay_start_0:
0x88: {  	s2 =	sld [smem:$0x3FD9]  }
0x89: {  	s3 =	sld [smem:$0x3FFE];
	_ =	sdelay $0x1  }
0x8a: {  	s1 =	srdreg.scid  }
0x8b: {  	s0 =	sand.u32 $0x1, s1  }
0x8c: {  	s17 =	sshll.u32 s0, $0xA;
	s2 =	sadd.s32 s3, s2  }
0x8d: {  	s2 =	sadd.s32 s2, s17  }
0x8e: {  	[smem:$0x3FC2] =	sst s2  }
0x8f: {  	_ = 	snop  }
0x90: {  	s2 =	sld [smem:$0x3FD0];
	(tm) =	ssettm $0x1  }
0x91: {  	s18 =	sld [smem:$0x3FFB];
	_ =	sdelay $0x3  }
0x92: {  	_ =	strace s18  }
0x93: {  	s3 =	sld [smem:$0x3FFC];
	_ =	sdelay $0x3  }
0x94: {  	_ =	strace s3  }
0x95: {  	s3 =	sld [smem:$0x3FFD];
	_ =	sdelay $0x3  }
0x96: {  	_ =	strace s3  }
0x97: {  	_ =	strace $0x8FFFFFFF  }
0x98: {  	s19 =	sld [smem:$0x3FDB];
	_ =	sdelay $0x1  }
0x99: {  	s4 =	simm.s32 $_scs_section_size  }
0x9a: {  	s5 =	simm.s32 $_size__tile_overlayer_lowered;
	s6 =	simm.s32 $_tile_overlayer_lowered  }
0x9b: {  	s22 =	simm.s32 $0x1BFF;
	s21 =	sshll.u32 s6, $0x1;
	s3 =	sadd.s32 s4, s19  }
0x9c: {  	s7 =	simm.s32 $0x0;
	s20 =	sshll.u32 s5, $0x1;
	s5 =	sadd.s32 s21, s3  }
0x9d: {  	[timem:s7], [sflag:s22] =	dma.local [hbm:s5], s20  }
0x9e: {  	_ =	swait.ge [sflag:s22], s20  }
0x9f: {  	s4 =	ssub.s32 $0x0, s20;
	[sflag:s22] =	ssyncset.done $0x0  }
0xa0: {  	[sflag:s22] =	ssyncadd.s32 s4;
	_ =	sdelay $0x1  }
0xa1: {  	s23 =	simm.s32 $0x1B8B  }
0xa2: {  	_ =	swait.ge [sflag:s23], $0x1  }
0xa3: {  	[sflag:s23] =	ssyncset.done $0x0  }
0xa4: {  	s25 =	simm.s32 $0x1B8E;
	s24 =	sld [smem:$0x3FFE];
	[sflag:s23] =	ssyncadd.s32 $0xFFFFFFFF  }
0xa5: {  	s26 =	simm.s32 $execute0_lowered;
	[smem:$0x3FD2] =	sst s25  }
0xa6: {  	s5 =	sshll.u32 s26, $0x1;
	_ =	strace $0x8000004C;
	[dreg:$0x1] =	wrdreg $0xFFFFFFFF  }
0xa7: {  	s28 =	simm.s32 $_size_execute0_lowered;
	s3 =	sadd.s32 s3, s5;
	[dreg:$0x0] =	wrdreg $0x0  }
0xa8: {  	s5 =	sshll.u32 s28, $0x1;
	[dreg:$0x2] =	wrdreg s3  }
0xa9: {  	[dreg:$0x3] =	wrdreg s5  }
0xaa: {  	[dreg:$0x4] =	wrdreg $0xC0  }
0xab: {  	_ =	task [dreg:s7], $0x5FFFF  }
0xac: {  	[dreg:$0x1] =	wrdreg $0xFFFFFFFF  }
0xad: {  	[dreg:$0x0] =	wrdreg $0x60  }
0xae: {  	[dreg:$0x2] =	wrdreg s2  }
0xaf: {  	[dreg:$0x3] =	wrdreg s24  }
0xb0: {  	[dreg:$0x4] =	wrdreg $0x50000  }
0xb1: {  	[dreg:$0x5] =	wrdreg $0x9  }
0xb2: {  	_ =	task.clear_ibuf [dreg:s7], $0x6FFFF;
	_ =	strace $0x9000004C  }
0xb3: {  	s29 =	simm.s32 $0x9;
	_ =	strace $0x8000004E  }
0xb4: {  	_ =	swait.ge [sflag:s29], $0x1  }
0xb5: {  	[sflag:s29] =	ssyncadd.s32 $0xFFFFFFFF  }
0xb6: {  	_ =	strace $0x9000004E  }
0xb7: {  	_ =	sfence  }
0xb8: {  	s30 =	sld [smem:$0x0];
	_ =	sdelay $0x2  }
0xb9: {  	s31 =	sshll.u32 s1, $0xD;
	s1 =	sshrl.u32 s1, $0x2  }
0xba: {  	s3 =	sand.u32 $0x4000, s31;
	s1 =	sadd.s32 s1, s30  }
0xbb: {  	s0 =	sor.u32 s3, s0;
	s1 =	sshll.u32 s1, $0x11  }
0xbc: {  	s0 =	sor.u32 s1, s0  }
0xbd: {  	s0 =	sadd.s32 $0x8F2B, s0  }
0xbe: {  	[sflag:s0] =	ssyncadd.remote.s32 $0x1  }
0xbf: {  	_ =	sfence.sel $0xFFFF  }
0xc0: {  	[dreg:$0x0] =	wrdreg $0xFFFFFFFF;
	(pc) =	sbr.abs _section_cstart, $3  }
0xc1: {  	[dreg:$0x1] =	wrdreg $0xFFFFFFFF  }
0xc2: {  	_ =	task.clear_ibuf [dreg:s7], $0x2FFFF;
	_ =	strace $0x9FFFFFFF  }
0xc3: {  	(tm) =	ssettm $0x7FFFFFFF  }
tec
execute0_lowered:
.L_overlay_start_1:
0x0: {  	(tag) =	ssettag $0x1  }
0x1: {  	s1 =	rddreg [dreg:$0x0]  }
0x2: {  	s0 =	rddreg [dreg:$0x1]  }
0x3: {  	s2 =	rddreg [dreg:$0x2]  }
0x4: {  	s3 =	simm.s32 $0x0;
	s4 =	srdreg.scid;
	s11 =	stileid.u32  }
0x5: {  	s10 =	simm.s32 $0x5;
	s16 =	simm.s32 $0x800;
	s18 =	simm.s32 $0x80  }
0x6: {  	s20 =	simm.s32 $0x1;
	s21 =	simm.s32 $0x3;
	s22 =	simm.s32 $0x4  }
0x7: {  	s23 =	simm.s32 $0x2;
	s24 =	simm.s32 $0x0;
	[smem:$0x7FF] =	sst s3  }
0x8: {  	s4 =	sand.u32 $0x1, s4;
	s5 =	sadd.s32 $0x1800, s0;
	s13 =	smul.u32 $0x1E000, s11  }
0x9: {  	s6 =	sadd.s32 $0xB800, s0;
	p0 =	seq.s32 s11, $0xF;
	s15 =	smul.u32 $0x7800, s11  }
0xa: {  	_ =	strace $0x8000004D;
	s7 =	sshll.u32 s4, $0x4;
	s9 =	ssub.s32 $0x2, s4  }
0xb: {  	s4 =	smul.u32 $0x75300, s4;
	s10 =	simm.s32 @!p0 $0x8;
	s8 =	sor.u32 s11, s7  }
0xc: {  	s7 =	sadd.s32 $0x1A400, s0;
	s31 =	sshrl.u32 s9, $0x1;
	s8 =	smul.u32 $0x2800, s8  }
0xd: {  	s14 =	sshrl.u32 s13, $0x2;
	s0 =	ssub.s32 s9, s31;
	s9 =	simm.s32 $0x5  }
0xe: {  	s14 =	sadd.s32 s14, s2;
	s15 =	sadd.s32 s15, s4;
	s12 =	sshrl.u32 s8, $0x3  }
0xf: {  	v0 =	vimm.f32 $0.0e+00;
	s13 =	smax.u32 s0, $0x1;
	s11 =	sadd.s32 s1, s12;
	s12 =	sadd.s32 s5, s12  }
.LBB2_1:
0x10: {  	s25 =	simm.s32 $0xC0;
	s26 =	simm.s32 $0x0  }
.LBB2_2:
0x11: {  	p0 =	sne.s32 s25, $0x3B40;
	[tilespmem:s26+$0x820] =	vst v0;
	s0 =	smov.u32 s25;
	s25 =	sadd.s32 $0xC0, s25  }
.Ltmp0:
0x12: {  	[tilespmem:s26+$0x800] =	vst v0;
	(pc) =	sbr.rel @p0 .LBB2_2-.Ltmp0, $2  }
0x13: {  	[tilespmem:s26+$0x810] =	vst v0;
	_ =	sdelay $0x2  }
0x14: {  	s26 =	sshra.s32 s0, $0x2  }
0x15: {  	[tilespmem:s26+$0x820] =	vst v0;
	p0 =	sne.s32 s10, $0x1  }
.Ltmp1:
0x16: {  	[tilespmem:s26+$0x800] =	vst v0;
	(pc) =	sbr.rel @!p0 .LBB2_5-.Ltmp1, $4  }
0x17: {  	[tilespmem:s26+$0x810] =	vst v0  }
0x18: {  	[spmem:s14] =	stream.linear.scatter [tilespmem:s16], [sflag:$0x5], $0xF00, $0x38;
	[tilespmem:$0xC5C0] =	vst v63  }
0x19: {  	_ =	swait.ge [sflag:s9], $0xF00  }
0x1a: {  	s25 =	sadd.s32 $0xFFFFFFFF, s10;
	s26 =	smov.u32 s14;
	[sflag:s9] =	ssyncset.done $0x0  }
.LBB2_4:
0x1b: {  	p1 =	sne.s32 s25, $0x1;
	[sflag:s9] =	ssyncadd.s32 $0xFFFFF100;
	s26 =	sadd.s32 $0xF00, s26  }
.Ltmp2:
0x1c: {  	s25 =	sadd.s32 $0xFFFFFFFF, s25;
	(pc) =	sbr.rel @p1 .LBB2_4-.Ltmp2, $4  }
0x1d: {  	_ = 	snop  }
0x1e: {  	[spmem:s26] =	stream.linear.scatter [tilespmem:s16], [sflag:$0x5], $0xF00, $0x38;
	[tilespmem:$0xC5C0] =	vst v63  }
0x1f: {  	_ =	swait.ge [sflag:s9], $0xF00  }
0x20: {  	[sflag:s9] =	ssyncset.done $0x0  }
.LBB2_5:
0x21: {  	[sflag:s9] =	ssyncadd.s32 $0xFFFFF100  }
0x22: {  	s25 =	simm.s32 $0x0;
	[bflag:$0x0] =	sbarrier.arrive $0xFFFF  }
0x23: {  	[tilespmem:s25], [sflag:$0x5] =	stream.linear.gather [hbm4b:s11+s25], $0x200, $0x38;
	[tilespmem:$0xC5C0] =	vst v63  }
0x24: {  	_ =	swait.ge [sflag:s9], $0x200  }
0x25: {  	[sflag:s9] =	ssyncset.done $0x0  }
0x26: {  	s0 =	simm.s32 $0x400;
	[sflag:s9] =	ssyncadd.s32 $0xFFFFFE00  }
0x27: {  	[tilespmem:s0], [sflag:$0x5] =	stream.linear.gather [hbm4b:s12+s25], $0x200, $0x38;
	[tilespmem:$0xC5C0] =	vst v63  }
0x28: {  	_ =	swait.ge [sflag:s9], $0x200  }
0x29: {  	[sflag:s9] =	ssyncset.done $0x0  }
0x2a: {  	[sflag:s9] =	ssyncadd.s32 $0xFFFFFE00  }
0x2b: {  	[tilespmem:s16], [sflag:$0x5] =	stream.indirect.gather [hbm4b:s6+s18], $0x30, s25, s18, $0xb8;
	[tilespmem:$0xC5C0] =	vst v63  }
.Ltmp3:
0x2c: {  	_ = 	snop;
	(pc) =	sbr.rel .LBB2_6-.Ltmp3, $4  }
0x2d: {  	_ =	swait.ge [sflag:s9], $0x1800  }
0x2e: {  	[sflag:s9] =	ssyncset.done $0x0  }
0x2f: {  	s31 =	simm.s32 $0x2000;
	s26 =	simm.s32 $0x0;
	[sflag:s9] =	ssyncadd.s32 $0xFFFFE800  }
0x30: {  	[tilespmem:s31], [sflag:$0x2] =	stream.indirect.gather [hbm4b:s6+s18], $0x30, s18, s18, $0xb8;
	[tilespmem:$0xC5C0] =	vst v63  }
.LBB2_9:
0x31: {  	[tilespmem:s0], [sflag:$0x2] =	stream.indirect.gather [hbm4b:s6+s18], $0x30, s4, s18, $0xb8;
	[tilespmem:$0xC5C0] =	vst v63  }
0x32: {  	s19 =	sshll.u32 s30, $0x7  }
0x33: {  	s0 =	sand.u32 $0x280, s19  }
0x34: {  	s0 =	sor.u32 $0x400, s0  }
0x35: {  	[spmem:s2] =	stream.indirect.scatter.add.f32 [tilespmem:s31], [sflag:$0x4], $0x30, s0, s18, $0xb8;
	[tilespmem:$0xC5C0] =	vst v63  }
0x36: {  	_ =	swait.ge [sflag:s20], $0x1800  }
0x37: {  	[sflag:s20] =	ssyncset.done $0x0  }
0x38: {  	s29 =	sadd.s32 $0x4, s28;
	[sflag:s20] =	ssyncadd.s32 $0xFFFFE800  }
0x39: {  	s30 =	sor.u32 $0x2, s28;
	s17 =	smulhi.u32 $0x55555556, s29;
	_ =	swait.ge [sflag:s21], $0x200  }
0x3a: {  	s19 =	smulhi.u32 $0x55555556, s30;
	[sflag:s21] =	ssyncset.done $0x0  }
0x3b: {  	s17 =	smul.u32 $0x3, s17;
	[sflag:s21] =	ssyncadd.s32 $0xFFFFFE00  }
0x3c: {  	_ =	swait.ge [sflag:s21], $0x200  }
0x3d: {  	s19 =	smul.u32 $0x3, s19;
	s17 =	ssub.s32 s29, s17;
	[sflag:s21] =	ssyncset.done $0x0  }
0x3e: {  	s0 =	sshll.u32 s29, $0x7;
	s17 =	smul.u32 $0x6000, s17;
	[sflag:s21] =	ssyncadd.s32 $0xFFFFFE00  }
0x3f: {  	s4 =	sshll.u32 s30, $0x7;
	s0 =	sand.u32 $0x200, s0;
	_ =	swait.ge [sflag:s22], $0x1800  }
0x40: {  	s19 =	ssub.s32 s30, s19;
	s17 =	sshrl.u32 s17, $0x2;
	[sflag:s22] =	ssyncset.done $0x0  }
0x41: {  	s31 =	smul.u32 $0x6000, s19;
	s17 =	sadd.s32 $0x800, s17;
	[sflag:s22] =	ssyncadd.s32 $0xFFFFE800  }
0x42: {  	[tilespmem:s17], [sflag:$0x1] =	stream.indirect.gather [hbm4b:s6+s18], $0x30, s0, s18, $0xb8;
	[tilespmem:$0xC5C0] =	vst v63  }
0x43: {  	s4 =	sand.u32 $0x300, s4;
	s0 =	sshrl.u32 s31, $0x2  }
0x44: {  	s4 =	sor.u32 $0x400, s4;
	s0 =	sadd.s32 $0x800, s0  }
0x45: {  	[spmem:s2] =	stream.indirect.scatter.add.f32 [tilespmem:s0], [sflag:$0x4], $0x30, s4, s18, $0xb8;
	[tilespmem:$0xC5C0] =	vst v63  }
0x46: {  	s4 =	sadd.s32 $0x5, s28  }
0x47: {  	s28 =	sor.u32 $0x3, s28;
	s29 =	smulhi.u32 $0x55555556, s4  }
0x48: {  	s30 =	smulhi.u32 $0x55555556, s28  }
0x49: {  	s17 =	smul.u32 $0x3, s29  }
0x4a: {  	_ =	swait.ge [sflag:s23], $0x1800  }
0x4b: {  	[sflag:s23] =	ssyncset.done $0x0;
	s19 =	smul.u32 $0x3, s30;
	s17 =	ssub.s32 s4, s17  }
0x4c: {  	s0 =	sshll.u32 s4, $0x7;
	[sflag:s23] =	ssyncadd.s32 $0xFFFFE800;
	s17 =	smul.u32 $0x6000, s17  }
0x4d: {  	s0 =	sand.u32 $0x280, s0;
	_ =	swait.ge [sflag:s22], $0x1800;
	s19 =	ssub.s32 s28, s19  }
0x4e: {  	[sflag:s22] =	ssyncset.done $0x0;
	s4 =	sshll.u32 s28, $0x7;
	s17 =	sshrl.u32 s17, $0x2  }
0x4f: {  	[sflag:s22] =	ssyncadd.s32 $0xFFFFE800;
	s31 =	smul.u32 $0x6000, s19;
	s17 =	sadd.s32 $0x800, s17  }
0x50: {  	[tilespmem:s17], [sflag:$0x2] =	stream.indirect.gather [hbm4b:s6+s18], $0x30, s0, s18, $0xb8;
	[tilespmem:$0xC5C0] =	vst v63  }
0x51: {  	p1 =	sne.s32 s26, $0x14;
	s4 =	sand.u32 $0x380, s4;
	s0 =	sshrl.u32 s31, $0x2  }
.Ltmp4:
0x52: {  	s4 =	sor.u32 $0x400, s4;
	s0 =	sadd.s32 $0x800, s0;
	(pc) =	sbr.rel @!p1 .LBB2_10-.Ltmp4, $4  }
0x53: {  	[spmem:s2] =	stream.indirect.scatter.add.f32 [tilespmem:s0], [sflag:$0x4], $0x30, s4, s18, $0xb8;
	[tilespmem:$0xC5C0] =	vst v63  }
0x54: {  	_ =	swait.ge [sflag:s20], $0x1800  }
0x55: {  	[sflag:s20] =	ssyncset.done $0x0  }
0x56: {  	[sflag:s20] =	ssyncadd.s32 $0xFFFFE800  }
.LBB2_6:
0x57: {  	s0 =	smov.u32 s26;
	s26 =	sadd.s32 $0x1, s26  }
0x58: {  	p1 =	seq.s32 s0, $0x13;
	s4 =	sshll.u32 s26, $0x9  }
0x59: {  	s4 =	simm.s32 @p1 $0x0  }
0x5a: {  	s28 =	sshll.u32 s0, $0x9;
	s4 =	sadd.s32 s8, s4  }
0x5b: {  	s29 =	sand.u32 $0x200, s28;
	s4 =	sshrl.u32 s4, $0x3  }
0x5c: {  	s28 =	sxor.u32 $0x200, s29;
	s30 =	sadd.s32 s1, s4  }
0x5d: {  	[tilespmem:s28], [sflag:$0x3] =	stream.linear.gather [hbm4b:s30+s25], $0x200, $0x38;
	[tilespmem:$0xC5C0] =	vst v63  }
0x5e: {  	s4 =	sadd.s32 s5, s4;
	s28 =	sor.u32 $0x400, s28  }
0x5f: {  	[tilespmem:s28], [sflag:$0x3] =	stream.linear.gather [hbm4b:s4+s25], $0x200, $0x38;
	[tilespmem:$0xC5C0] =	vst v63  }
0x60: {  	s31 =	simm.s32 $0x0;
	s29 =	sor.u32 $0x400, s29;
	s28 =	sshll.u32 s0, $0x2  }
.LBB2_7:
0x61: {  	s30 =	sor.u32 s28, s31  }
0x62: {  	s17 =	smulhi.u32 $0xAAAAAAAB, s30  }
0x63: {  	s0 =	sor.u32 $0x2, s30  }
0x64: {  	p1 =	seq.s32 s30, $0x0;
	s4 =	smulhi.u32 $0xAAAAAAAB, s0;
	s17 =	sshrl.u32 s17, $0x1  }
0x65: {  	s19 =	simm.s32 @!p1 $0x4;
	s17 =	smul.u32 $0x3, s17  }
0x66: {  	s31 =	sand.u32 $0x1, s31;
	_ =	swait.ge @!p1 [sflag:s19], $0x1800;
	s4 =	sshrl.u32 s4, $0x1  }
0x67: {  	[sflag:s19] =	ssyncset.done @!p1 $0x0;
	s4 =	smul.u32 $0x3, s4;
	s17 =	ssub.s32 s30, s17  }
0x68: {  	[sflag:s19] =	ssyncadd.s32 @!p1 $0xFFFFE800;
	p1 =	seq.s32 s31, $0x1;
	s17 =	smul.u32 $0x6000, s17  }
.Ltmp5:
0x69: {  	s4 =	ssub.s32 s0, s4;
	(pc) =	sbr.rel @p1 .LBB2_9-.Ltmp5, $3  }
0x6a: {  	s4 =	smul.u32 $0x6000, s4;
	_ =	sdelay $0x1  }
0x6b: {  	s19 =	sshll.u32 s0, $0x7;
	s17 =	sshra.s32 s17, $0x2;
	s4 =	sshra.s32 s4, $0x2  }
0x6c: {  	s31 =	sadd.s32 $0x800, s17;
	s0 =	sadd.s32 $0x800, s4;
	s4 =	sand.u32 $0x380, s19  }
0x6d: {  	[tilespmem:s0], [sflag:$0x1] =	stream.indirect.gather [hbm4b:s6+s18], $0x30, s4, s18, $0xb8;
	[tilespmem:$0xC5C0] =	vst v63  }
.Ltmp6:
0x6e: {  	_ = 	snop;
	(pc) =	sbr.rel .LBB2_7-.Ltmp6, $4  }
0x6f: {  	[spmem:s2] =	stream.indirect.scatter.add.f32 [tilespmem:s31], [sflag:$0x4], $0x30, s29, s18, $0xb8;
	[tilespmem:$0xC5C0] =	vst v63  }
0x70: {  	_ =	swait.ge [sflag:s23], $0x1800  }
0x71: {  	[sflag:s23] =	ssyncset.done $0x0  }
0x72: {  	s31 =	simm.s32 $0x1;
	[sflag:s23] =	ssyncadd.s32 $0xFFFFE800  }
.LBB2_10:
0x73: {  	_ =	swait.ge [sflag:s22], $0x1800  }
0x74: {  	[sflag:s22] =	ssyncset.done $0x0  }
0x75: {  	[sflag:s22] =	ssyncadd.s32 $0xFFFFE800  }
0x76: {  	_ =	swait.ge [sflag:s23], $0x1800  }
0x77: {  	[sflag:s23] =	ssyncset.done $0x0  }
0x78: {  	[sflag:s23] =	ssyncadd.s32 $0xFFFFE800  }
0x79: {  	[bflag:$0x0] =	sbarrier.arrive $0xFFFF  }
0x7a: {  	[tilespmem:s16], [sflag:$0x5] =	stream.linear.gather [spmem:s14], $0xF00, $0x38;
	[tilespmem:$0xC5C0] =	vst v63  }
0x7b: {  	_ =	swait.ge [sflag:s9], $0xF00  }
.Ltmp7:
0x7c: {  	s0 =	sshrl.u32 s15, $0x3;
	[sflag:s9] =	ssyncset.done $0x0;
	(pc) =	sbr.rel @!p0 .LBB2_12-.Ltmp7, $4  }
0x7d: {  	s0 =	sadd.s32 s7, s0;
	[sflag:s9] =	ssyncadd.s32 $0xFFFFF100  }
0x7e: {  	[hbm4b:s0+s3] =	stream.linear.scatter [tilespmem:s16], [sflag:$0x5], $0xF00, $0x38;
	[tilespmem:$0xC5C0] =	vst v63  }
0x7f: {  	s25 =	sadd.s32 $0xFFFFFFFF, s10;
	_ =	swait.ge [sflag:s9], $0xF00  }
0x80: {  	s26 =	smov.u32 s15;
	s28 =	smov.u32 s14;
	[sflag:s9] =	ssyncset.done $0x0  }
.LBB2_11:
0x81: {  	[sflag:s9] =	ssyncadd.s32 $0xFFFFF100;
	s26 =	sadd.s32 $0xF00, s26;
	s28 =	sadd.s32 $0xF00, s28  }
0x82: {  	[tilespmem:s16], [sflag:$0x5] =	stream.linear.gather [spmem:s28], $0xF00, $0x38;
	[tilespmem:$0xC5C0] =	vst v63  }
0x83: {  	p0 =	sne.s32 s25, $0x1;
	s25 =	sadd.s32 $0xFFFFFFFF, s25;
	_ =	swait.ge [sflag:s9], $0xF00  }
.Ltmp8:
0x84: {  	s0 =	sshrl.u32 s26, $0x3;
	[sflag:s9] =	ssyncset.done $0x0;
	(pc) =	sbr.rel @p0 .LBB2_11-.Ltmp8, $4  }
0x85: {  	s0 =	sadd.s32 s7, s0;
	[sflag:s9] =	ssyncadd.s32 $0xFFFFF100  }
0x86: {  	[hbm4b:s0+s3] =	stream.linear.scatter [tilespmem:s16], [sflag:$0x5], $0xF00, $0x38;
	[tilespmem:$0xC5C0] =	vst v63  }
0x87: {  	_ =	swait.ge [sflag:s9], $0xF00  }
0x88: {  	[sflag:s9] =	ssyncset.done $0x0  }
.LBB2_12:
0x89: {  	s24 =	sadd.s32 $0x1, s24  }
0x8a: {  	p0 =	sne.s32 s24, s13  }
.Ltmp9:
0x8b: {  	_ = 	snop;
	(pc) =	sbr.rel @p0 .LBB2_1-.Ltmp9, $2  }
0x8c: {  	_ =	sdelay $0x2  }
0x8d: {  	[sflag:s9] =	ssyncadd.s32 $0xFFFFF100  }
0x8e: {  	_ =	sfence.sel $0x180000  }
0x8f: {  	[bflag:$0x0] =	sbarrier.arrive $0xFFFF  }
0x90: {  	_ =	strace $0x9000004D  }
0x91: {  	s0 =	stileid.u32;
	[bflag:$0x2] =	sbarrier.arrive $0xFFFF  }
0x92: {  	p0 =	sne.s32 s0, $0x0;
	s0 =	rddreg [dreg:$0x3]  }
0x93: {  	s0 =	sadd.s32 @!p0 $0x100000, s0  }
0x94: {  	[sflag:s0] =	ssyncadd.tile.s32 @!p0 $0x1;
	_ =	shalt  }
.Lfunc_end2:
_tile_overlayer_lowered:
.L_overlay_start_2:
0x95: {  	(tag) =	ssettag $0x2  }
0x96: {  	s0 =	rddreg [dreg:$0x0];
	s2 =	stileid.u32  }
0x97: {  	s1 =	rddreg [dreg:$0x1];
	p0 =	sne.s32 s2, $0x0  }
0x98: {  	s3 =	rddreg [dreg:$0x2];
	[bflag:$0x3] =	sbarrier.arrive $0xFFFF;
	s2 =	simm.s32 @!p0 $0x1C05  }
0x99: {  	[timem:s3], [sflag:s2] =	dma.local @!p0 [hbm:s0], s1  }
0x9a: {  	s0 =	simm.s32 @!p0 $0x5  }
0x9b: {  	_ =	swait.ge @!p0 [sflag:s0], s1  }
0x9c: {  	s1 =	ssub.s32 @!p0 $0x0, s1;
	[sflag:s0] =	ssyncset.done @!p0 $0x0  }
0x9d: {  	[sflag:s0] =	ssyncadd.s32 @!p0 s1  }
0x9e: {  	[bflag:$0x3] =	sbarrier.arrive $0xFFFF  }
0x9f: {  	_ =	shalt  }

// kernel: kernel.8.cloned.1.call-start
scs
__scs_entry_jumppad:
0x0: {  	(pc) =	sbr.rel $0x88, $3  }
0x1: {  	(tag) =	ssettag $0x0;
	lr =	simm.s32 $0x1  }
0x2: {  	[smem:$0x3F9B] =	sst lr;
	_ =	strace $0xD0000000  }
0x3: {  	_ = 	snop  }
0x4: {  	_ = 	snop  }
0x5: {  	_ = 	snop  }
0x6: {  	_ = 	snop  }
0x7: {  	_ = 	snop  }
__scs_overlays_trampoline_lowered:
0x8: {  	[smem:$0x3FAA] =	sst s0  }
0x9: {  	[smem:$0x3FAB] =	sst s1  }
0xa: {  	[smem:$0x3FAC] =	sst s2  }
0xb: {  	[smem:$0x3FAD] =	sst s3  }
0xc: {  	[smem:$0x3FAE] =	sst s4  }
0xd: {  	[smem:$0x3FAF] =	sst s5  }
0xe: {  	[smem:$0x3FB0] =	sst s6  }
0xf: {  	[smem:$0x3FB1] =	sst s7  }
0x10: {  	[smem:$0x3FB2] =	sst s8  }
0x11: {  	[smem:$0x3FB3] =	sst s9;
	s0 =	simm.s32 @!p0 $0x0  }
0x12: {  	s1 =	sld [smem:$0x3F99];
	s0 =	simm.s32 @p0 $0x1  }
0x13: {  	[smem:$0x3FB4] =	sst s0;
	s0 =	simm.s32 @!p1 $0x0  }
0x14: {  	s2 =	sld [smem:$0x3F98];
	s0 =	simm.s32 @p1 $0x1  }
0x15: {  	[smem:$0x3FB5] =	sst s0;
	s0 =	simm.s32 @!p2 $0x0  }
0x16: {  	s3 =	sld [smem:$0x3FDB];
	s0 =	simm.s32 @p2 $0x1  }
0x17: {  	s4 =	simm.s32 $0x1BF5;
	[smem:$0x3FB7] =	sst s0  }
0x18: {  	s0 =	sld [smem:$0x3F9A];
	_ =	swait.ge [sflag:s4], $0x0  }
0x19: {  	s7 =	sld [smem:$0x3F9B]  }
0x1a: {  	s8 =	sadd.s32 $0xFFFFE003, lr  }
0x1b: {  	s9 =	sadd.s32 $0xFFFFFEF7, lr;
	s5 =	simm.s32 $0xFFFFFFFF;
	p2 =	slt.u32 s8, $0xFFFFF086  }
0x1c: {  	p1 =	slt.u32 s9, $0xF7A;
	s5 =	simm.s32 @!p2 $0x0  }
0x1d: {  	s5 =	simm.s32 @p1 $0x1;
	p0 =	seq.s32 s7, s2  }
0x1e: {  	s7 =	smul.u32 @!p0 $0xF7A, s2;
	p2 =	seq.s32 @!p0 s5, $0x0  }
0x1f: {  	s9 =	smul.u32 $0xF7A, s1;
	s8 =	simm.s32 @!p0 $0x1BF5;
	p2 =	por !p2, p0  }
0x20: {  	[sflag:s8] =	ssyncset.s32 @!p0 $0xFFFFF086;
	s6 =	sadd.s32 @!p0 s3, s7;
	s7 =	simm.s32 @!p0 $0x108  }
0x21: {  	s3 =	sadd.s32 s3, s9;
	s6 =	sadd.s32 @!p0 $0x88, s6;
	s7 =	simm.s32 @p2 $0x1082  }
0x22: {  	[simem:s7], [sflag:s8] =	dma.local @!p0 [hbm:s6], $0xF7A  }
0x23: {  	s9 =	sor.u32 $0xD0000000, s2;
	s6 =	simm.s32 $0x108;
	_ =	swait.ge @!p0 [sflag:s8], $0x0  }
0x24: {  	s3 =	sadd.s32 $0x88, s3;
	s6 =	simm.s32 @!p1 $0x1082;
	[sflag:s4] =	ssyncset.s32 $0xFFFFF086  }
0x25: {  	[simem:s6], [sflag:s4] =	dma.local [hbm:s3], $0xF7A  }
0x26: {  	[smem:$0x3F9B] =	sst s1;
	(tag) =	ssettag s2;
	_ =	strace s9  }
0x27: {  	s1 =	sld [smem:$0x3FAB]  }
0x28: {  	s2 =	sld [smem:$0x3FAC]  }
0x29: {  	s4 =	sld [smem:$0x3FAE]  }
0x2a: {  	p0 =	seq.s32 s5, $0x0;
	s5 =	sld [smem:$0x3FAF]  }
0x2b: {  	s6 =	sld [smem:$0x3FB0]  }
0x2c: {  	s7 =	sld [smem:$0x3FB1]  }
0x2d: {  	s3 =	simm.s32 $0x108;
	s8 =	sld [smem:$0x3FB2]  }
0x2e: {  	s3 =	simm.s32 @!p0 $0x1082;
	s9 =	sld [smem:$0x3FB3]  }
0x2f: {  	lr =	sadd.s32 s0, s3;
	s0 =	sld [smem:$0x3FAA]  }
0x30: {  	s3 =	sld [smem:$0x3FAD]  }
0x31: {  	[smem:$0x3FB6] =	sst s10  }
0x32: {  	s10 =	sld [smem:$0x3FB4];
	_ =	sdelay $0x3  }
0x33: {  	p0 =	seq.s32 s10, $0x1;
	s10 =	sld [smem:$0x3FB6];
	_ =	sdelay $0x3  }
0x34: {  	[smem:$0x3FB6] =	sst s10  }
0x35: {  	s10 =	sld [smem:$0x3FB5];
	_ =	sdelay $0x3  }
0x36: {  	p1 =	seq.s32 s10, $0x1;
	s10 =	sld [smem:$0x3FB6];
	_ =	sdelay $0x3  }
0x37: {  	[smem:$0x3FB6] =	sst s10  }
0x38: {  	s10 =	sld [smem:$0x3FB7]  }
0x39: {  	_ = 	snop;
	(pc) =	sbr.ind lr, $3  }
0x3a: {  	_ = 	snop  }
0x3b: {  	_ = 	snop  }
0x3c: {  	p2 =	seq.s32 s10, $0x1;
	s10 =	sld [smem:$0x3FB6]  }
0x3d: {  	_ =	shalt  }
0x3e: {  	_ =	shalt  }
0x3f: {  	_ =	shalt  }
0x40: {  	_ =	shalt  }
0x41: {  	_ =	shalt  }
0x42: {  	_ =	shalt  }
0x43: {  	_ =	shalt  }
0x44: {  	_ =	shalt  }
0x45: {  	_ =	shalt  }
0x46: {  	_ =	shalt  }
0x47: {  	_ =	shalt  }
0x48: {  	_ =	shalt  }
0x49: {  	_ =	shalt  }
0x4a: {  	_ =	shalt  }
0x4b: {  	_ =	shalt  }
0x4c: {  	_ =	shalt  }
0x4d: {  	_ =	shalt  }
0x4e: {  	_ =	shalt  }
0x4f: {  	_ =	shalt  }
0x50: {  	_ =	shalt  }
0x51: {  	_ =	shalt  }
0x52: {  	_ =	shalt  }
0x53: {  	_ =	shalt  }
0x54: {  	_ =	shalt  }
0x55: {  	_ =	shalt  }
0x56: {  	_ =	shalt  }
0x57: {  	_ =	shalt  }
0x58: {  	_ =	shalt  }
0x59: {  	_ =	shalt  }
0x5a: {  	_ =	shalt  }
0x5b: {  	_ =	shalt  }
0x5c: {  	_ =	shalt  }
0x5d: {  	_ =	shalt  }
0x5e: {  	_ =	shalt  }
0x5f: {  	_ =	shalt  }
0x60: {  	_ =	shalt  }
0x61: {  	_ =	shalt  }
0x62: {  	_ =	shalt  }
0x63: {  	_ =	shalt  }
0x64: {  	_ =	shalt  }
0x65: {  	_ =	shalt  }
0x66: {  	_ =	shalt  }
0x67: {  	_ =	shalt  }
0x68: {  	_ =	shalt  }
0x69: {  	_ =	shalt  }
0x6a: {  	_ =	shalt  }
0x6b: {  	_ =	shalt  }
0x6c: {  	_ =	shalt  }
0x6d: {  	_ =	shalt  }
0x6e: {  	_ =	shalt  }
0x6f: {  	_ =	shalt  }
0x70: {  	_ =	shalt  }
0x71: {  	_ =	shalt  }
0x72: {  	_ =	shalt  }
0x73: {  	_ =	shalt  }
0x74: {  	_ =	shalt  }
0x75: {  	_ =	shalt  }
0x76: {  	_ =	shalt  }
0x77: {  	_ =	shalt  }
0x78: {  	_ =	shalt  }
0x79: {  	_ =	shalt  }
0x7a: {  	_ =	shalt  }
0x7b: {  	_ =	shalt  }
0x7c: {  	_ =	shalt  }
0x7d: {  	_ =	shalt  }
0x7e: {  	_ =	shalt  }
0x7f: {  	_ =	shalt  }
0x80: {  	_ =	shalt  }
0x81: {  	_ =	shalt  }
0x82: {  	_ =	shalt  }
0x83: {  	_ =	shalt  }
0x84: {  	_ =	shalt  }
0x85: {  	_ =	shalt  }
0x86: {  	_ =	shalt  }
0x87: {  	_ =	shalt  }
.Lfunc_end0:
.L_simem_size_0:
called_computation_lowered:
.L_overlay_start_0:
0x88: {  	s2 =	sld [smem:$0x3FD9]  }
0x89: {  	s3 =	sld [smem:$0x3FFE];
	_ =	sdelay $0x1  }
0x8a: {  	s1 =	srdreg.scid  }
0x8b: {  	s0 =	sand.u32 $0x1, s1  }
0x8c: {  	s17 =	sshll.u32 s0, $0xA;
	s2 =	sadd.s32 s3, s2  }
0x8d: {  	s2 =	sadd.s32 s2, s17  }
0x8e: {  	[smem:$0x3FC2] =	sst s2  }
0x8f: {  	_ = 	snop  }
0x90: {  	s2 =	sld [smem:$0x3FD0];
	(tm) =	ssettm $0x1  }
0x91: {  	s18 =	sld [smem:$0x3FFB];
	_ =	sdelay $0x3  }
0x92: {  	_ =	strace s18  }
0x93: {  	s3 =	sld [smem:$0x3FFC];
	_ =	sdelay $0x3  }
0x94: {  	_ =	strace s3  }
0x95: {  	s3 =	sld [smem:$0x3FFD];
	_ =	sdelay $0x3  }
0x96: {  	_ =	strace s3  }
0x97: {  	_ =	strace $0x8FFFFFFF  }
0x98: {  	s19 =	sld [smem:$0x3FDB];
	_ =	sdelay $0x1  }
0x99: {  	s4 =	simm.s32 $_scs_section_size  }
0x9a: {  	s5 =	simm.s32 $_size__tile_overlayer_lowered;
	s6 =	simm.s32 $_tile_overlayer_lowered  }
0x9b: {  	s22 =	simm.s32 $0x1BFF;
	s21 =	sshll.u32 s6, $0x1;
	s3 =	sadd.s32 s4, s19  }
0x9c: {  	s7 =	simm.s32 $0x0;
	s20 =	sshll.u32 s5, $0x1;
	s5 =	sadd.s32 s21, s3  }
0x9d: {  	[timem:s7], [sflag:s22] =	dma.local [hbm:s5], s20  }
0x9e: {  	_ =	swait.ge [sflag:s22], s20  }
0x9f: {  	s4 =	ssub.s32 $0x0, s20;
	[sflag:s22] =	ssyncset.done $0x0  }
0xa0: {  	[sflag:s22] =	ssyncadd.s32 s4;
	_ =	sdelay $0x1  }
0xa1: {  	s23 =	simm.s32 $0x1B8B  }
0xa2: {  	_ =	swait.ge [sflag:s23], $0x1  }
0xa3: {  	[sflag:s23] =	ssyncset.done $0x0  }
0xa4: {  	s25 =	simm.s32 $0x1B8E;
	s24 =	sld [smem:$0x3FFE];
	[sflag:s23] =	ssyncadd.s32 $0xFFFFFFFF  }
0xa5: {  	s26 =	simm.s32 $execute0_lowered;
	[smem:$0x3FD2] =	sst s25  }
0xa6: {  	s5 =	sshll.u32 s26, $0x1;
	_ =	strace $0x80000046;
	[dreg:$0x1] =	wrdreg $0xFFFFFFFF  }
0xa7: {  	s28 =	simm.s32 $_size_execute0_lowered;
	s3 =	sadd.s32 s3, s5;
	[dreg:$0x0] =	wrdreg $0x0  }
0xa8: {  	s5 =	sshll.u32 s28, $0x1;
	[dreg:$0x2] =	wrdreg s3  }
0xa9: {  	[dreg:$0x3] =	wrdreg s5  }
0xaa: {  	[dreg:$0x4] =	wrdreg $0xC0  }
0xab: {  	_ =	task [dreg:s7], $0x5FFFF  }
0xac: {  	[dreg:$0x1] =	wrdreg $0xFFFFFFFF  }
0xad: {  	[dreg:$0x0] =	wrdreg $0x60  }
0xae: {  	[dreg:$0x2] =	wrdreg s24  }
0xaf: {  	[dreg:$0x3] =	wrdreg s2  }
0xb0: {  	[dreg:$0x4] =	wrdreg $0x2D00  }
0xb1: {  	[dreg:$0x5] =	wrdreg $0x9  }
0xb2: {  	_ =	task.clear_ibuf [dreg:s7], $0x6FFFF;
	_ =	strace $0x90000046  }
0xb3: {  	s29 =	simm.s32 $0x9;
	_ =	strace $0x80000048  }
0xb4: {  	_ =	swait.ge [sflag:s29], $0x1  }
0xb5: {  	[sflag:s29] =	ssyncadd.s32 $0xFFFFFFFF  }
0xb6: {  	_ =	strace $0x90000048  }
0xb7: {  	_ =	sfence  }
0xb8: {  	s30 =	sld [smem:$0x0];
	_ =	sdelay $0x2  }
0xb9: {  	s31 =	sshll.u32 s1, $0xD;
	s1 =	sshrl.u32 s1, $0x2  }
0xba: {  	s3 =	sand.u32 $0x4000, s31;
	s1 =	sadd.s32 s1, s30  }
0xbb: {  	s0 =	sor.u32 s3, s0;
	s1 =	sshll.u32 s1, $0x11  }
0xbc: {  	s0 =	sor.u32 s1, s0  }
0xbd: {  	s0 =	sadd.s32 $0x8F2B, s0  }
0xbe: {  	[sflag:s0] =	ssyncadd.remote.s32 $0x1  }
0xbf: {  	_ =	sfence.sel $0xFFFF  }
0xc0: {  	[dreg:$0x0] =	wrdreg $0xFFFFFFFF;
	(pc) =	sbr.abs _section_cstart, $3  }
0xc1: {  	[dreg:$0x1] =	wrdreg $0xFFFFFFFF  }
0xc2: {  	_ =	task.clear_ibuf [dreg:s7], $0x2FFFF;
	_ =	strace $0x9FFFFFFF  }
0xc3: {  	(tm) =	ssettm $0x7FFFFFFF  }
tec
execute0_lowered:
.L_overlay_start_1:
0x0: {  	(tag) =	ssettag $0x1  }
0x1: {  	s5 =	rddreg [dreg:$0x0]  }
0x2: {  	s2 =	rddreg [dreg:$0x1]  }
0x3: {  	s0 =	srdreg.scid;
	s3 =	rddreg [dreg:$0x2]  }
0x4: {  	s1 =	rddreg [dreg:$0x3];
	s4 =	simm.s32 $0x0;
	s12 =	simm.s32 $0x80  }
0x5: {  	s13 =	simm.s32 $0x200;
	s14 =	simm.s32 $0x100;
	s6 =	sand.u32 $0x1, s0  }
0x6: {  	s15 =	simm.s32 $0x180;
	s0 =	stileid.u32;
	s7 =	smul.u32 $0x28000, s6  }
0x7: {  	s16 =	simm.s32 $0x0;
	[smem:$0x7FF] =	sst s4;
	s8 =	smul.u32 $0x2800, s0  }
0x8: {  	s29 =	ssub.s32 $0x2, s6;
	_ =	strace $0x80000047;
	s31 =	smul.u32 $0x280, s0  }
0x9: {  	p0 =	seq.s32 s0, $0xF;
	s11 =	smul.u32 $0x2710, s6;
	s9 =	sshrl.u32 s29, $0x1  }
0xa: {  	s7 =	sadd.s32 s8, s7;
	s30 =	ssub.s32 s29, s9;
	s6 =	sadd.s32 s31, s3  }
0xb: {  	s9 =	sadd.s32 s31, s11;
	s11 =	simm.s32 $0x1;
	s7 =	sshrl.u32 s7, $0x3  }
0xc: {  	s10 =	sadd.s32 s7, s5;
	s5 =	simm.s32 $0x5;
	s7 =	smax.u32 s30, $0x1  }
0xd: {  	v0 =	vimm.f32 $1.000000000e+00;
	v1 =	vimm.f32 $0.0e+00;
	s5 =	simm.s32 @!p0 $0x8;
	s8 =	sadd.s32 $0x1800, s10;
	s10 =	simm.s32 $0x280  }
.LBB2_1:
0xe: {  	[tilespmem:$0x200] =	vst v0  }
0xf: {  	[tilespmem:$0x210] =	vst v0  }
0x10: {  	[tilespmem:$0x220] =	vst v0  }
0x11: {  	[tilespmem:$0x230] =	vst v0  }
0x12: {  	[tilespmem:$0x240] =	vst v0  }
0x13: {  	[tilespmem:$0x250] =	vst v0  }
0x14: {  	[tilespmem:$0x260] =	vst v0  }
0x15: {  	[tilespmem:$0x270] =	vst v0  }
0x16: {  	[tilespmem:$0x280] =	vst v1  }
0x17: {  	[tilespmem:$0x290] =	vst v1  }
0x18: {  	[tilespmem:$0x2A0] =	vst v1;
	p0 =	sne.s32 s5, $0x1  }
.Ltmp0:
0x19: {  	[tilespmem:$0x2B0] =	vst v1;
	(pc) =	sbr.rel @!p0 .LBB2_3-.Ltmp0, $4  }
0x1a: {  	[tilespmem:$0x2C0] =	vst v1  }
0x1b: {  	[spmem:s6] =	stream.linear.scatter [tilespmem:s10], [sflag:$0x1], $0x50, $0x38;
	[tilespmem:$0x548] =	vst v63  }
0x1c: {  	_ =	swait.ge [sflag:s11], $0x50  }
0x1d: {  	s17 =	sadd.s32 $0xFFFFFFFF, s5;
	s18 =	smov.u32 s6;
	[sflag:s11] =	ssyncset.done $0x0  }
.LBB2_2:
0x1e: {  	p1 =	sne.s32 s17, $0x1;
	[sflag:s11] =	ssyncadd.s32 $0xFFFFFFB0;
	s18 =	sadd.s32 $0x50, s18  }
.Ltmp1:
0x1f: {  	s17 =	sadd.s32 $0xFFFFFFFF, s17;
	(pc) =	sbr.rel @p1 .LBB2_2-.Ltmp1, $4  }
0x20: {  	_ = 	snop  }
0x21: {  	[spmem:s18] =	stream.linear.scatter [tilespmem:s10], [sflag:$0x1], $0x50, $0x38;
	[tilespmem:$0x548] =	vst v63  }
0x22: {  	_ =	swait.ge [sflag:s11], $0x50  }
0x23: {  	[sflag:s11] =	ssyncset.done $0x0  }
.LBB2_3:
0x24: {  	[sflag:s11] =	ssyncadd.s32 $0xFFFFFFB0  }
0x25: {  	s17 =	sadd.s32 $0x0, s8;
	[bflag:$0x0] =	sbarrier.arrive $0xFFFF  }
0x26: {  	[tilespmem:s4], [sflag:$0x1] =	stream.linear.gather [hbm4b:s17+s4], $0x200, $0x38;
	[tilespmem:$0x548] =	vst v63  }
0x27: {  	_ =	swait.ge [sflag:s11], $0x200  }
0x28: {  	[sflag:s11] =	ssyncset.done $0x0  }
0x29: {  	[sflag:s11] =	ssyncadd.s32 $0xFFFFFE00  }
0x2a: {  	[spmem:s3] =	stream.indirect.scatter.add.f32 [tilespmem:s13], [sflag:$0x1], $0x1, s4, s12, $0xb8;
	[tilespmem:$0x548] =	vst v63  }
0x2b: {  	_ =	swait.ge [sflag:s11], $0x80  }
0x2c: {  	[sflag:s11] =	ssyncset.done $0x0  }
0x2d: {  	[sflag:s11] =	ssyncadd.s32 $0xFFFFFF80  }
0x2e: {  	[spmem:s3] =	stream.indirect.scatter.add.f32 [tilespmem:s13], [sflag:$0x1], $0x1, s12, s12, $0xb8;
	[tilespmem:$0x548] =	vst v63  }
0x2f: {  	_ =	swait.ge [sflag:s11], $0x80  }
0x30: {  	[sflag:s11] =	ssyncset.done $0x0  }
0x31: {  	[sflag:s11] =	ssyncadd.s32 $0xFFFFFF80  }
0x32: {  	[spmem:s3] =	stream.indirect.scatter.add.f32 [tilespmem:s13], [sflag:$0x1], $0x1, s14, s12, $0xb8;
	[tilespmem:$0x548] =	vst v63  }
0x33: {  	_ =	swait.ge [sflag:s11], $0x80  }
0x34: {  	[sflag:s11] =	ssyncset.done $0x0  }
0x35: {  	[sflag:s11] =	ssyncadd.s32 $0xFFFFFF80  }
0x36: {  	[spmem:s3] =	stream.indirect.scatter.add.f32 [tilespmem:s13], [sflag:$0x1], $0x1, s15, s12, $0xb8;
	[tilespmem:$0x548] =	vst v63  }
0x37: {  	_ =	swait.ge [sflag:s11], $0x80  }
0x38: {  	s18 =	simm.s32 $0x80;
	s17 =	simm.s32 $0x40;
	[sflag:s11] =	ssyncset.done $0x0  }
.LBB2_4:
0x39: {  	s19 =	sadd.s32 s17, s8  }
0x3a: {  	[sflag:s11] =	ssyncadd.s32 $0xFFFFFF80;
	s17 =	smov.u32 s18;
	s20 =	sadd.s32 $0x40, s18  }
0x3b: {  	[tilespmem:s4], [sflag:$0x1] =	stream.linear.gather [hbm4b:s19+s4], $0x200, $0x38;
	[tilespmem:$0x548] =	vst v63  }
0x3c: {  	p1 =	sne.s32 s18, $0x4C0;
	_ =	swait.ge [sflag:s11], $0x200  }
0x3d: {  	[sflag:s11] =	ssyncset.done $0x0  }
0x3e: {  	[sflag:s11] =	ssyncadd.s32 $0xFFFFFE00  }
0x3f: {  	[spmem:s3] =	stream.indirect.scatter.add.f32 [tilespmem:s13], [sflag:$0x1], $0x1, s4, s12, $0xb8;
	[tilespmem:$0x548] =	vst v63  }
0x40: {  	_ =	swait.ge [sflag:s11], $0x80  }
0x41: {  	[sflag:s11] =	ssyncset.done $0x0  }
0x42: {  	[sflag:s11] =	ssyncadd.s32 $0xFFFFFF80  }
0x43: {  	[spmem:s3] =	stream.indirect.scatter.add.f32 [tilespmem:s13], [sflag:$0x1], $0x1, s12, s12, $0xb8;
	[tilespmem:$0x548] =	vst v63  }
0x44: {  	_ =	swait.ge [sflag:s11], $0x80  }
0x45: {  	[sflag:s11] =	ssyncset.done $0x0  }
0x46: {  	[sflag:s11] =	ssyncadd.s32 $0xFFFFFF80  }
0x47: {  	[spmem:s3] =	stream.indirect.scatter.add.f32 [tilespmem:s13], [sflag:$0x1], $0x1, s14, s12, $0xb8;
	[tilespmem:$0x548] =	vst v63  }
0x48: {  	_ =	swait.ge [sflag:s11], $0x80  }
.Ltmp2:
0x49: {  	[sflag:s11] =	ssyncset.done $0x0;
	(pc) =	sbr.rel @p1 .LBB2_4-.Ltmp2, $4  }
0x4a: {  	[sflag:s11] =	ssyncadd.s32 $0xFFFFFF80  }
0x4b: {  	[spmem:s3] =	stream.indirect.scatter.add.f32 [tilespmem:s13], [sflag:$0x1], $0x1, s15, s12, $0xb8;
	[tilespmem:$0x548] =	vst v63  }
0x4c: {  	_ =	swait.ge [sflag:s11], $0x80  }
0x4d: {  	s18 =	smov.u32 s20;
	[sflag:s11] =	ssyncset.done $0x0  }
0x4e: {  	s17 =	sadd.s32 s17, s8;
	[sflag:s11] =	ssyncadd.s32 $0xFFFFFF80  }
0x4f: {  	[tilespmem:s4], [sflag:$0x1] =	stream.linear.gather [hbm4b:s17+s4], $0x200, $0x38;
	[tilespmem:$0x548] =	vst v63  }
0x50: {  	_ =	swait.ge [sflag:s11], $0x200  }
0x51: {  	[sflag:s11] =	ssyncset.done $0x0  }
0x52: {  	[sflag:s11] =	ssyncadd.s32 $0xFFFFFE00  }
0x53: {  	[spmem:s3] =	stream.indirect.scatter.add.f32 [tilespmem:s13], [sflag:$0x1], $0x1, s4, s12, $0xb8;
	[tilespmem:$0x548] =	vst v63  }
0x54: {  	_ =	swait.ge [sflag:s11], $0x80  }
0x55: {  	[sflag:s11] =	ssyncset.done $0x0  }
0x56: {  	[sflag:s11] =	ssyncadd.s32 $0xFFFFFF80  }
0x57: {  	[spmem:s3] =	stream.indirect.scatter.add.f32 [tilespmem:s13], [sflag:$0x1], $0x1, s12, s12, $0xb8;
	[tilespmem:$0x548] =	vst v63  }
0x58: {  	_ =	swait.ge [sflag:s11], $0x80  }
0x59: {  	[sflag:s11] =	ssyncset.done $0x0  }
0x5a: {  	[sflag:s11] =	ssyncadd.s32 $0xFFFFFF80  }
0x5b: {  	[spmem:s3] =	stream.indirect.scatter.add.f32 [tilespmem:s13], [sflag:$0x1], $0x1, s14, s12, $0xb8;
	[tilespmem:$0x548] =	vst v63  }
0x5c: {  	_ =	swait.ge [sflag:s11], $0x80  }
0x5d: {  	[sflag:s11] =	ssyncset.done $0x0  }
0x5e: {  	[sflag:s11] =	ssyncadd.s32 $0xFFFFFF80  }
0x5f: {  	[spmem:s3] =	stream.indirect.scatter.add.f32 [tilespmem:s13], [sflag:$0x1], $0x1, s15, s12, $0xb8;
	[tilespmem:$0x548] =	vst v63  }
0x60: {  	_ =	swait.ge [sflag:s11], $0x80  }
0x61: {  	[sflag:s11] =	ssyncset.done $0x0  }
0x62: {  	[sflag:s11] =	ssyncadd.s32 $0xFFFFFF80  }
0x63: {  	[bflag:$0x0] =	sbarrier.arrive $0xFFFF  }
0x64: {  	[tilespmem:s10], [sflag:$0x1] =	stream.linear.gather [spmem:s6], $0x50, $0x38;
	[tilespmem:$0x548] =	vst v63  }
0x65: {  	_ =	swait.ge [sflag:s11], $0x50  }
.Ltmp3:
0x66: {  	s31 =	sshrl.u32 s9, $0x3;
	[sflag:s11] =	ssyncset.done $0x0;
	(pc) =	sbr.rel @!p0 .LBB2_7-.Ltmp3, $4  }
0x67: {  	s17 =	sadd.s32 s2, s31;
	[sflag:s11] =	ssyncadd.s32 $0xFFFFFFB0  }
0x68: {  	[hbm4b:s17+s4] =	stream.linear.scatter [tilespmem:s10], [sflag:$0x1], $0x50, $0x38;
	[tilespmem:$0x548] =	vst v63  }
0x69: {  	s18 =	smov.u32 s6;
	_ =	swait.ge [sflag:s11], $0x50  }
0x6a: {  	s19 =	smov.u32 s9;
	s17 =	sadd.s32 $0xFFFFFFFF, s5;
	[sflag:s11] =	ssyncset.done $0x0  }
.LBB2_6:
0x6b: {  	[sflag:s11] =	ssyncadd.s32 $0xFFFFFFB0;
	s18 =	sadd.s32 $0x50, s18;
	s19 =	sadd.s32 $0x50, s19  }
0x6c: {  	[tilespmem:s10], [sflag:$0x1] =	stream.linear.gather [spmem:s18], $0x50, $0x38;
	[tilespmem:$0x548] =	vst v63  }
0x6d: {  	p0 =	sne.s32 s17, $0x1;
	s17 =	sadd.s32 $0xFFFFFFFF, s17;
	_ =	swait.ge [sflag:s11], $0x50  }
.Ltmp4:
0x6e: {  	s20 =	sshrl.u32 s19, $0x3;
	[sflag:s11] =	ssyncset.done $0x0;
	(pc) =	sbr.rel @p0 .LBB2_6-.Ltmp4, $4  }
0x6f: {  	s20 =	sadd.s32 s2, s20;
	[sflag:s11] =	ssyncadd.s32 $0xFFFFFFB0  }
0x70: {  	[hbm4b:s20+s4] =	stream.linear.scatter [tilespmem:s10], [sflag:$0x1], $0x50, $0x38;
	[tilespmem:$0x548] =	vst v63  }
0x71: {  	_ =	swait.ge [sflag:s11], $0x50  }
0x72: {  	[sflag:s11] =	ssyncset.done $0x0  }
.LBB2_7:
0x73: {  	s16 =	sadd.s32 $0x1, s16  }
0x74: {  	p0 =	sne.s32 s16, s7  }
.Ltmp5:
0x75: {  	_ = 	snop;
	(pc) =	sbr.rel @p0 .LBB2_1-.Ltmp5, $2  }
0x76: {  	_ =	sdelay $0x2  }
0x77: {  	[sflag:s11] =	ssyncadd.s32 $0xFFFFFFB0  }
0x78: {  	_ =	sfence.sel $0x180000  }
0x79: {  	[bflag:$0x0] =	sbarrier.arrive $0xFFFF  }
0x7a: {  	p0 =	sne.s32 s0, $0x0;
	_ =	strace $0x90000047  }
0x7b: {  	s0 =	sadd.s32 @!p0 $0x100000, s1;
	[bflag:$0x2] =	sbarrier.arrive $0xFFFF  }
0x7c: {  	[sflag:s0] =	ssyncadd.tile.s32 @!p0 $0x1;
	_ =	shalt  }
.Lfunc_end2:
_tile_overlayer_lowered:
.L_overlay_start_2:
0x7d: {  	(tag) =	ssettag $0x2  }
0x7e: {  	s0 =	rddreg [dreg:$0x0];
	s2 =	stileid.u32  }
0x7f: {  	s1 =	rddreg [dreg:$0x1];
	p0 =	sne.s32 s2, $0x0  }
0x80: {  	s3 =	rddreg [dreg:$0x2];
	[bflag:$0x3] =	sbarrier.arrive $0xFFFF;
	s2 =	simm.s32 @!p0 $0x1C01  }
0x81: {  	[timem:s3], [sflag:s2] =	dma.local @!p0 [hbm:s0], s1  }
0x82: {  	s0 =	simm.s32 @!p0 $0x1  }
0x83: {  	_ =	swait.ge @!p0 [sflag:s0], s1  }
0x84: {  	s1 =	ssub.s32 @!p0 $0x0, s1;
	[sflag:s0] =	ssyncset.done @!p0 $0x0  }
0x85: {  	[sflag:s0] =	ssyncadd.s32 @!p0 s1  }
0x86: {  	[bflag:$0x3] =	sbarrier.arrive $0xFFFF  }
0x87: {  	_ =	shalt  }

</sc_bundles>
